<compile_context>
chip_gen: v7x
topology: tpu7x:2x2x1
jax: 0.10.2.dev20260603
libtpu: 0.0.44.dev20260713+nightly
codegen_flags: <defaults>
</compile_context>

<pallas_src>
import jax
import jax.numpy as jnp
from jax import lax
from jax.experimental import pallas as pl
from jax.experimental.pallas import tpu as pltpu
from jax.experimental.pallas import tpu_sc as plsc

N_ROWS = 32768
N_MOTIFS = 64
K = 8

NUM_CORES = 2
NUM_SUBCORES = 16
LANES = 16
NW = NUM_CORES * NUM_SUBCORES
ROWS_PER_W = N_ROWS // NW
CHUNK = 128
N_CHUNKS = ROWS_PER_W // CHUNK
ROWS_PER_TRIP = 4

_MESH = plsc.VectorSubcoreMesh(
    core_axis_name="c", subcore_axis_name="s",
    num_cores=NUM_CORES, num_subcores=NUM_SUBCORES,
)

_DNUMS = lax.GatherDimensionNumbers(
    offset_dims=(), collapsed_slice_dims=(0,), start_index_map=(0,))


def _lane_bcast(t, idx_vec):
    return lax.gather(t, idx_vec[:, None], _DNUMS, (1,),
                      mode=lax.GatherScatterMode.PROMISE_IN_BOUNDS)


def _bitonic_max(a, ai, b, bi):
    ge = a >= b
    return jnp.maximum(a, b), jnp.where(ge, ai, bi)


def _half_clean_top8(m, mi, perm8):
    pv = _lane_bcast(m, perm8)
    pi = _lane_bcast(mi, perm8)
    ge = m >= pv
    return jnp.maximum(m, pv), jnp.where(ge, mi, pi)


def _row(in_v, out_v, r, lo8, hi8, idx15, perm8, ids, zeros):
    x = [in_v[r, pl.ds(LANES * i, LANES)] for i in range(4)]
    s0 = plsc.sort_key_val(x[0], ids[0])
    s1 = plsc.sort_key_val(x[1], ids[1], descending=True)
    s2 = plsc.sort_key_val(x[2], ids[2])
    s3 = plsc.sort_key_val(x[3], ids[3], descending=True)
    m01, i01 = _bitonic_max(s0[0], s0[1], s1[0], s1[1])
    m23, i23 = _bitonic_max(s2[0], s2[1], s3[0], s3[1])
    ta, tai = _half_clean_top8(m01, i01, perm8)
    tb, tbi = _half_clean_top8(m23, i23, perm8)
    c = jnp.where(lo8, ta, tb)
    ci = jnp.where(lo8, tai, tbi)
    t, ti = plsc.sort_key_val(c, ci)
    e = jnp.exp(t)
    em = jnp.where(hi8, e, 0.0)
    denom = _lane_bcast(plsc.cumsum(em), idx15)
    vals = e * (64.0 / denom)
    for i in range(4):
        out_v[r, pl.ds(LANES * i, LANES)] = zeros
    plsc.store_scatter(out_v, [jnp.full((LANES,), r, jnp.int32), ti],
                       vals, mask=hi8)


def _body(logits_hbm, out_hbm, in0, in1, out0, out1, si0, si1, so0, so1):
    wid = lax.axis_index("s") * NUM_CORES + lax.axis_index("c")
    row0 = wid * ROWS_PER_W
    lane = lax.iota(jnp.int32, LANES)
    hi8 = lane >= 8
    lo8 = lane < 8
    idx15 = jnp.full((LANES,), 15, jnp.int32)
    perm8 = (lane + 8) & 15
    ids = [lane + LANES * i for i in range(4)]
    zeros = jnp.zeros((LANES,), jnp.float32)
    ins, outs = [in0, in1], [out0, out1]
    sis, sos = [si0, si1], [so0, so1]

    def in_copy(c):
        return pltpu.make_async_copy(
            logits_hbm.at[pl.ds(row0 + c * CHUNK, CHUNK)], ins[c % 2],
            sis[c % 2])

    def out_copy(c):
        return pltpu.make_async_copy(
            outs[c % 2], out_hbm.at[pl.ds(row0 + c * CHUNK, CHUNK)],
            sos[c % 2])

    in_copy(0).start()
    in_copy(1).start()
    for c in range(N_CHUNKS):
        in_copy(c).wait()
        if c >= 2:
            out_copy(c - 2).wait()
        in_v, out_v = ins[c % 2], outs[c % 2]

        def trip_body(tr, iv=in_v, ov=out_v):
            r0 = tr * ROWS_PER_TRIP
            for r in range(ROWS_PER_TRIP):
                _row(iv, ov, r0 + r, lo8, hi8, idx15, perm8, ids, zeros)

        lax.fori_loop(0, CHUNK // ROWS_PER_TRIP,
                      lambda tr, _: (trip_body(tr), 0)[1], 0)
        out_copy(c).start()
        if c + 2 < N_CHUNKS:
            in_copy(c + 2).start()
    out_copy(N_CHUNKS - 2).wait()
    out_copy(N_CHUNKS - 1).wait()


@jax.jit
def _router(logits):
    return pl.kernel(
        _body,
        out_type=jax.ShapeDtypeStruct((N_ROWS, N_MOTIFS), jnp.float32),
        mesh=_MESH,
        compiler_params=pltpu.CompilerParams(
            needs_layout_passes=False,
            disable_bounds_checks=True,
            skip_device_barrier=True,
        ),
        scratch_types=[
            pltpu.VMEM((CHUNK, N_MOTIFS), jnp.float32),
            pltpu.VMEM((CHUNK, N_MOTIFS), jnp.float32),
            pltpu.VMEM((CHUNK, N_MOTIFS), jnp.float32),
            pltpu.VMEM((CHUNK, N_MOTIFS), jnp.float32),
            pltpu.SemaphoreType.DMA,
            pltpu.SemaphoreType.DMA,
            pltpu.SemaphoreType.DMA,
            pltpu.SemaphoreType.DMA,
        ],
    )(logits)


def kernel(logits):
    return _router(logits)

# --- scband reference (transcript-rebuilt; emitter-appended) ---
"""Pipeline reference for scband-base-motif-router-1451698946163 (READ-ONLY COPY).

The authoritative reference and input builder live on the scoring server;
editing this copy changes nothing except your own understanding.
"""

import jax, jax.numpy as jnp
import numpy as np

NUM_MOTIFS = 64
TEMPERATURE = 1.0
TOP_K = 8


def setup_inputs(seed: int = 0) -> dict:
    key = jax.random.key(seed)
    logits = jax.random.normal(key, (32768, NUM_MOTIFS), dtype=jnp.float32)
    return {"logits": logits}


def reference(logits):
    # softmax with temperature
    probs = jax.nn.softmax(logits / TEMPERATURE, axis=-1)
    if TOP_K is not None and TOP_K < NUM_MOTIFS:
        top_values, top_indices = jax.lax.top_k(probs, TOP_K)
        n_tokens = probs.shape[0]
        row_idx = jnp.arange(n_tokens)[:, None]
        sparse_probs = jnp.zeros_like(probs).at[row_idx, top_indices].set(top_values)
        denom = jnp.clip(jnp.sum(sparse_probs, axis=-1, keepdims=True), 1e-08, None)
        probs = sparse_probs / denom
    return float(NUM_MOTIFS) * probs

if __name__ == "__main__":
    import jax
    _d = setup_inputs()
    print(jax.jit(kernel)(*tuple(_d.values())))

</pallas_src>

<mosaic_0001>
#map = affine_map<(d0, d1) -> (0, 0)>
module attributes {stable_mosaic.version = 14 : i64} {
  func.func @_body(%arg0: i32, %arg1: i32, %arg2: memref<32768x64xf32, #tpu.memory_space<hbm>>, %arg3: memref<32768x64xf32, #tpu.memory_space<hbm>>, %arg4: memref<128x64xf32, #tpu.memory_space<vmem>>, %arg5: memref<128x64xf32, #tpu.memory_space<vmem>>, %arg6: memref<128x64xf32, #tpu.memory_space<vmem>>, %arg7: memref<128x64xf32, #tpu.memory_space<vmem>>, %arg8: memref<!tpu.dma_semaphore, #tpu.memory_space<semaphore_mem>>, %arg9: memref<!tpu.dma_semaphore, #tpu.memory_space<semaphore_mem>>, %arg10: memref<!tpu.dma_semaphore, #tpu.memory_space<semaphore_mem>>, %arg11: memref<!tpu.dma_semaphore, #tpu.memory_space<semaphore_mem>>) attributes {dimension_semantics = [#tpu.dimension_semantics<core_parallel>, #tpu.dimension_semantics<subcore_parallel>], iteration_bounds = array<i64: 2, 16>, scalar_prefetch = 0 : i64, scratch_operands = 8 : i64, tpu.core_type = #tpu.core_type<sc_vector_subcore>, window_params = [{transform_indices = #map}, {transform_indices = #map}]} {
    %mul3A = arith.constant 2 : i32
    %mul3A_0 = arith.muli %arg1, %mul3A : i32
    %add3A = arith.addi %mul3A_0, %arg0 : i32
    %mul3A_1 = arith.constant 1024 : i32
    %mul3A_2 = arith.muli %add3A, %mul3A_1 : i32
    %iota3A = tpu.iota {dimensions = array<i32: 0>} : vector<16xi32>
    %ge3A = arith.constant 8 : i32
    %ge3A_3 = vector.broadcast %ge3A : i32 to vector<16xi32>
    %ge3A_4 = arith.cmpi sge, %iota3A, %ge3A_3 : vector<16xi32>
    %lt3A = arith.constant 8 : i32
    %lt3A_5 = vector.broadcast %lt3A : i32 to vector<16xi32>
    %lt3A_6 = arith.cmpi slt, %iota3A, %lt3A_5 : vector<16xi32>
    %broadcast_in_dim3A = arith.constant 15 : i32
    %broadcast_in_dim3A_7 = vector.broadcast %broadcast_in_dim3A : i32 to vector<16xi32>
    %add3A_8 = arith.constant 8 : i32
    %add3A_9 = vector.broadcast %add3A_8 : i32 to vector<16xi32>
    %add3A_10 = arith.addi %iota3A, %add3A_9 : vector<16xi32>
    %and3A = arith.constant 15 : i32
    %and3A_11 = vector.broadcast %and3A : i32 to vector<16xi32>
    %and3A_12 = arith.andi %add3A_10, %and3A_11 : vector<16xi32>
    %add3A_13 = arith.constant 0 : i32
    %add3A_14 = vector.broadcast %add3A_13 : i32 to vector<16xi32>
    %add3A_15 = arith.addi %iota3A, %add3A_14 : vector<16xi32>
    %add3A_16 = arith.constant 16 : i32
    %add3A_17 = vector.broadcast %add3A_16 : i32 to vector<16xi32>
    %add3A_18 = arith.addi %iota3A, %add3A_17 : vector<16xi32>
    %add3A_19 = arith.constant 32 : i32
    %add3A_20 = vector.broadcast %add3A_19 : i32 to vector<16xi32>
    %add3A_21 = arith.addi %iota3A, %add3A_20 : vector<16xi32>
    %add3A_22 = arith.constant 48 : i32
    %add3A_23 = vector.broadcast %add3A_22 : i32 to vector<16xi32>
    %add3A_24 = arith.addi %iota3A, %add3A_23 : vector<16xi32>
    %broadcast_in_dim3A_25 = arith.constant 0.000000e+00 : f32
    %broadcast_in_dim3A_26 = vector.broadcast %broadcast_in_dim3A_25 : f32 to vector<16xf32>
    %add3A_27 = arith.constant 0 : i32
    %add3A_28 = arith.addi %mul3A_2, %add3A_27 : i32
    %dma_start3A = arith.constant 0 : i32
    %dma_start3A_29 = tpu.memref_slice %arg2[%add3A_28, %dma_start3A] : memref<32768x64xf32, #tpu.memory_space<hbm>> -> memref<128x64xf32, #tpu.memory_space<hbm>>
    %dma_start3A_30 = arith.constant 0 : i32
    %dma_start3A_31 = tpu.memref_slice %arg2[%add3A_28, %dma_start3A_30] : memref<32768x64xf32, #tpu.memory_space<hbm>> -> memref<128x64xf32, #tpu.memory_space<hbm>>
    tpu.enqueue_dma source(%dma_start3A_31 : memref<128x64xf32, #tpu.memory_space<hbm>>) target(%arg4 : memref<128x64xf32, #tpu.memory_space<vmem>>) target_semaphore(%arg8 : memref<!tpu.dma_semaphore, #tpu.memory_space<semaphore_mem>>)
    %add3A_32 = arith.constant 128 : i32
    %add3A_33 = arith.addi %mul3A_2, %add3A_32 : i32
    %dma_start3A_34 = arith.constant 0 : i32
    %dma_start3A_35 = tpu.memref_slice %arg2[%add3A_33, %dma_start3A_34] : memref<32768x64xf32, #tpu.memory_space<hbm>> -> memref<128x64xf32, #tpu.memory_space<hbm>>
    %dma_start3A_36 = arith.constant 0 : i32
    %dma_start3A_37 = tpu.memref_slice %arg2[%add3A_33, %dma_start3A_36] : memref<32768x64xf32, #tpu.memory_space<hbm>> -> memref<128x64xf32, #tpu.memory_space<hbm>>
    tpu.enqueue_dma source(%dma_start3A_37 : memref<128x64xf32, #tpu.memory_space<hbm>>) target(%arg5 : memref<128x64xf32, #tpu.memory_space<vmem>>) target_semaphore(%arg9 : memref<!tpu.dma_semaphore, #tpu.memory_space<semaphore_mem>>)
    %add3A_38 = arith.constant 0 : i32
    %add3A_39 = arith.addi %mul3A_2, %add3A_38 : i32
    %dma_wait3A = arith.constant 0 : i32
    %dma_wait3A_40 = tpu.memref_slice %arg2[%add3A_39, %dma_wait3A] : memref<32768x64xf32, #tpu.memory_space<hbm>> -> memref<128x64xf32, #tpu.memory_space<hbm>>
    %dma_wait3A_41 = arith.constant 0 : i32
    %dma_wait3A_42 = tpu.memref_slice %arg2[%add3A_39, %dma_wait3A_41] : memref<32768x64xf32, #tpu.memory_space<hbm>> -> memref<128x64xf32, #tpu.memory_space<hbm>>
    tpu.wait_dma2 semaphore(%arg8 : memref<!tpu.dma_semaphore, #tpu.memory_space<semaphore_mem>>) src(%dma_wait3A_42 : memref<128x64xf32, #tpu.memory_space<hbm>>) dst(%arg4 : memref<128x64xf32, #tpu.memory_space<vmem>>)
    %scan3A = arith.constant 0 : i32
    %scan3A_43 = arith.constant 0 : i32
    %scan3A_44 = arith.constant 32 : i32
    %scan3A_45 = arith.addi %scan3A_43, %scan3A_44 : i32
    %scan3A_46 = arith.constant 1 : i32
    %scan3A_47 = scf.for %scan3A_272 = %scan3A_43 to %scan3A_45 step %scan3A_46 iter_args(%scan3A_273 = %scan3A) -> (i32)  : i32 {
      %mul3A_274 = arith.constant 4 : i32
      %mul3A_275 = arith.muli %scan3A_272, %mul3A_274 : i32
      %add3A_276 = arith.constant 0 : i32
      %add3A_277 = arith.addi %mul3A_275, %add3A_276 : i32
      %get3A = arith.index_cast %add3A_277 : i32 to index
      %get3A_278 = arith.constant 0 : index
      %get3A_279 = tpu.vector_load %arg4[%get3A, %get3A_278] {strides = array<i32>} : memref<128x64xf32, #tpu.memory_space<vmem>>, vector<16xf32>,
      %get3A_280 = arith.index_cast %add3A_277 : i32 to index
      %get3A_281 = arith.constant 16 : index
      %get3A_282 = tpu.vector_load %arg4[%get3A_280, %get3A_281] {strides = array<i32>} : memref<128x64xf32, #tpu.memory_space<vmem>>, vector<16xf32>,
      %get3A_283 = arith.index_cast %add3A_277 : i32 to index
      %get3A_284 = arith.constant 32 : index
      %get3A_285 = tpu.vector_load %arg4[%get3A_283, %get3A_284] {strides = array<i32>} : memref<128x64xf32, #tpu.memory_space<vmem>>, vector<16xf32>,
      %get3A_286 = arith.index_cast %add3A_277 : i32 to index
      %get3A_287 = arith.constant 48 : index
      %get3A_288 = tpu.vector_load %arg4[%get3A_286, %get3A_287] {strides = array<i32>} : memref<128x64xf32, #tpu.memory_space<vmem>>, vector<16xf32>,
      %masked_sort3A = arith.constant dense<true> : vector<16xi1>
      %masked_sort3A_289, %masked_sort3A_290, %masked_sort3A_291 = tpu.sort %get3A_279, %add3A_15 masked %masked_sort3A : (vector<16xf32>, vector<16xi32>, vector<16xi1>) -> (vector<16xi1>, vector<16xf32>, vector<16xi32>)
      %masked_sort3A_292 = arith.constant dense<true> : vector<16xi1>
      %masked_sort3A_293, %masked_sort3A_294, %masked_sort3A_295 = tpu.sort %get3A_282, %add3A_18 masked %masked_sort3A_292 {descending = true} : (vector<16xf32>, vector<16xi32>, vector<16xi1>) -> (vector<16xi1>, vector<16xf32>, vector<16xi32>)
      %masked_sort3A_296 = arith.constant dense<true> : vector<16xi1>
      %masked_sort3A_297, %masked_sort3A_298, %masked_sort3A_299 = tpu.sort %get3A_285, %add3A_21 masked %masked_sort3A_296 : (vector<16xf32>, vector<16xi32>, vector<16xi1>) -> (vector<16xi1>, vector<16xf32>, vector<16xi32>)
      %masked_sort3A_300 = arith.constant dense<true> : vector<16xi1>
      %masked_sort3A_301, %masked_sort3A_302, %masked_sort3A_303 = tpu.sort %get3A_288, %add3A_24 masked %masked_sort3A_300 {descending = true} : (vector<16xf32>, vector<16xi32>, vector<16xi1>) -> (vector<16xi1>, vector<16xf32>, vector<16xi32>)
      %ge3A_304 = arith.cmpf oge, %masked_sort3A_290, %masked_sort3A_294 : vector<16xf32>
      %max3A = arith.maximumf %masked_sort3A_290, %masked_sort3A_294 : vector<16xf32>
      %select_n3A = arith.select %ge3A_304, %masked_sort3A_291, %masked_sort3A_295 : vector<16xi1>, vector<16xi32>
      %ge3A_305 = arith.cmpf oge, %masked_sort3A_298, %masked_sort3A_302 : vector<16xf32>
      %max3A_306 = arith.maximumf %masked_sort3A_298, %masked_sort3A_302 : vector<16xf32>
      %select_n3A_307 = arith.select %ge3A_305, %masked_sort3A_299, %masked_sort3A_303 : vector<16xi1>, vector<16xi32>
      %broadcast_in_dim3A_308 = vector.shape_cast %and3A_12 : vector<16xi32> to vector<16x1xi32>
      %gather3A = vector.shape_cast %broadcast_in_dim3A_308 : vector<16x1xi32> to vector<16xi32>
      %gather3A_309 = tpu.dynamic_gather %max3A[%gather3A] in [0] : vector<16xf32>, vector<16xi32> -> vector<16xf32>
      %broadcast_in_dim3A_310 = vector.shape_cast %and3A_12 : vector<16xi32> to vector<16x1xi32>
      %gather3A_311 = vector.shape_cast %broadcast_in_dim3A_310 : vector<16x1xi32> to vector<16xi32>
      %gather3A_312 = tpu.dynamic_gather %select_n3A[%gather3A_311] in [0] : vector<16xi32>, vector<16xi32> -> vector<16xi32>
      %ge3A_313 = arith.cmpf oge, %max3A, %gather3A_309 : vector<16xf32>
      %max3A_314 = arith.maximumf %max3A, %gather3A_309 : vector<16xf32>
      %select_n3A_315 = arith.select %ge3A_313, %select_n3A, %gather3A_312 : vector<16xi1>, vector<16xi32>
      %broadcast_in_dim3A_316 = vector.shape_cast %and3A_12 : vector<16xi32> to vector<16x1xi32>
      %gather3A_317 = vector.shape_cast %broadcast_in_dim3A_316 : vector<16x1xi32> to vector<16xi32>
      %gather3A_318 = tpu.dynamic_gather %max3A_306[%gather3A_317] in [0] : vector<16xf32>, vector<16xi32> -> vector<16xf32>
      %broadcast_in_dim3A_319 = vector.shape_cast %and3A_12 : vector<16xi32> to vector<16x1xi32>
      %gather3A_320 = vector.shape_cast %broadcast_in_dim3A_319 : vector<16x1xi32> to vector<16xi32>
      %gather3A_321 = tpu.dynamic_gather %select_n3A_307[%gather3A_320] in [0] : vector<16xi32>, vector<16xi32> -> vector<16xi32>
      %ge3A_322 = arith.cmpf oge, %max3A_306, %gather3A_318 : vector<16xf32>
      %max3A_323 = arith.maximumf %max3A_306, %gather3A_318 : vector<16xf32>
      %select_n3A_324 = arith.select %ge3A_322, %select_n3A_307, %gather3A_321 : vector<16xi1>, vector<16xi32>
      %select_n3A_325 = arith.select %lt3A_6, %max3A_314, %max3A_323 : vector<16xi1>, vector<16xf32>
      %select_n3A_326 = arith.select %lt3A_6, %select_n3A_315, %select_n3A_324 : vector<16xi1>, vector<16xi32>
      %masked_sort3A_327 = arith.constant dense<true> : vector<16xi1>
      %masked_sort3A_328, %masked_sort3A_329, %masked_sort3A_330 = tpu.sort %select_n3A_325, %select_n3A_326 masked %masked_sort3A_327 : (vector<16xf32>, vector<16xi32>, vector<16xi1>) -> (vector<16xi1>, vector<16xf32>, vector<16xi32>)
      %exp3A = math.exp %masked_sort3A_329 : vector<16xf32>
      %jit3A = arith.constant 0.000000e+00 : f32
      %broadcast_in_dim3A_331 = vector.broadcast %jit3A : f32 to vector<16xf32>
      %select_n3A_332 = arith.select %ge3A_4, %exp3A, %broadcast_in_dim3A_331 : vector<16xi1>, vector<16xf32>
      %broadcast_in_dim3A_333 = arith.constant true
      %broadcast_in_dim3A_334 = vector.broadcast %broadcast_in_dim3A_333 : i1 to vector<16xi1>
      %masked_cumsum3A = tpu.scan <sum>, %select_n3A_332 masked %broadcast_in_dim3A_334 : vector<16xf32>, vector<16xi1> -> vector<16xf32>
      %broadcast_in_dim3A_335 = vector.shape_cast %broadcast_in_dim3A_7 : vector<16xi32> to vector<16x1xi32>
      %gather3A_336 = vector.shape_cast %broadcast_in_dim3A_335 : vector<16x1xi32> to vector<16xi32>
      %gather3A_337 = tpu.dynamic_gather %masked_cumsum3A[%gather3A_336] in [0] : vector<16xf32>, vector<16xi32> -> vector<16xf32>
      %div3A = arith.constant 6.400000e+01 : f32
      %div3A_338 = vector.broadcast %div3A : f32 to vector<16xf32>
      %div3A_339 = arith.divf %div3A_338, %gather3A_337 : vector<16xf32>
      %mul3A_340 = arith.mulf %exp3A, %div3A_339 : vector<16xf32>
      %swap3A = arith.index_cast %add3A_277 : i32 to index
      %swap3A_341 = arith.constant 0 : index
      %swap3A_342 = tpu.vector_load %arg6[%swap3A, %swap3A_341] {strides = array<i32>} : memref<128x64xf32, #tpu.memory_space<vmem>>, vector<16xf32>,
      tpu.vector_store %arg6[%swap3A, %swap3A_341], %broadcast_in_dim3A_26 {strides = array<i32>} : memref<128x64xf32, #tpu.memory_space<vmem>>, vector<16xf32>,
      %swap3A_343 = arith.index_cast %add3A_277 : i32 to index
      %swap3A_344 = arith.constant 16 : index
      %swap3A_345 = tpu.vector_load %arg6[%swap3A_343, %swap3A_344] {strides = array<i32>} : memref<128x64xf32, #tpu.memory_space<vmem>>, vector<16xf32>,
      tpu.vector_store %arg6[%swap3A_343, %swap3A_344], %broadcast_in_dim3A_26 {strides = array<i32>} : memref<128x64xf32, #tpu.memory_space<vmem>>, vector<16xf32>,
      %swap3A_346 = arith.index_cast %add3A_277 : i32 to index
      %swap3A_347 = arith.constant 32 : index
      %swap3A_348 = tpu.vector_load %arg6[%swap3A_346, %swap3A_347] {strides = array<i32>} : memref<128x64xf32, #tpu.memory_space<vmem>>, vector<16xf32>,
      tpu.vector_store %arg6[%swap3A_346, %swap3A_347], %broadcast_in_dim3A_26 {strides = array<i32>} : memref<128x64xf32, #tpu.memory_space<vmem>>, vector<16xf32>,
      %swap3A_349 = arith.index_cast %add3A_277 : i32 to index
      %swap3A_350 = arith.constant 48 : index
      %swap3A_351 = tpu.vector_load %arg6[%swap3A_349, %swap3A_350] {strides = array<i32>} : memref<128x64xf32, #tpu.memory_space<vmem>>, vector<16xf32>,
      tpu.vector_store %arg6[%swap3A_349, %swap3A_350], %broadcast_in_dim3A_26 {strides = array<i32>} : memref<128x64xf32, #tpu.memory_space<vmem>>, vector<16xf32>,
      %broadcast_in_dim3A_352 = vector.broadcast %add3A_277 : i32 to vector<16xi32>
      tpu.vector_store_idx %arg6[%broadcast_in_dim3A_352, %masked_sort3A_330], %mul3A_340 masked %ge3A_4 : memref<128x64xf32, #tpu.memory_space<vmem>>[vector<16xi32>, vector<16xi32>], vector<16xf32>, vector<16xi1>
      %add3A_353 = arith.constant 1 : i32
      %add3A_354 = arith.addi %mul3A_275, %add3A_353 : i32
      %get3A_355 = arith.index_cast %add3A_354 : i32 to index
      %get3A_356 = arith.constant 0 : index
      %get3A_357 = tpu.vector_load %arg4[%get3A_355, %get3A_356] {strides = array<i32>} : memref<128x64xf32, #tpu.memory_space<vmem>>, vector<16xf32>,
      %get3A_358 = arith.index_cast %add3A_354 : i32 to index
      %get3A_359 = arith.constant 16 : index
      %get3A_360 = tpu.vector_load %arg4[%get3A_358, %get3A_359] {strides = array<i32>} : memref<128x64xf32, #tpu.memory_space<vmem>>, vector<16xf32>,
      %get3A_361 = arith.index_cast %add3A_354 : i32 to index
      %get3A_362 = arith.constant 32 : index
      %get3A_363 = tpu.vector_load %arg4[%get3A_361, %get3A_362] {strides = array<i32>} : memref<128x64xf32, #tpu.memory_space<vmem>>, vector<16xf32>,
      %get3A_364 = arith.index_cast %add3A_354 : i32 to index
      %get3A_365 = arith.constant 48 : index
      %get3A_366 = tpu.vector_load %arg4[%get3A_364, %get3A_365] {strides = array<i32>} : memref<128x64xf32, #tpu.memory_space<vmem>>, vector<16xf32>,
      %masked_sort3A_367 = arith.constant dense<true> : vector<16xi1>
      %masked_sort3A_368, %masked_sort3A_369, %masked_sort3A_370 = tpu.sort %get3A_357, %add3A_15 masked %masked_sort3A_367 : (vector<16xf32>, vector<16xi32>, vector<16xi1>) -> (vector<16xi1>, vector<16xf32>, vector<16xi32>)
      %masked_sort3A_371 = arith.constant dense<true> : vector<16xi1>
      %masked_sort3A_372, %masked_sort3A_373, %masked_sort3A_374 = tpu.sort %get3A_360, %add3A_18 masked %masked_sort3A_371 {descending = true} : (vector<16xf32>, vector<16xi32>, vector<16xi1>) -> (vector<16xi1>, vector<16xf32>, vector<16xi32>)
      %masked_sort3A_375 = arith.constant dense<true> : vector<16xi1>
      %masked_sort3A_376, %masked_sort3A_377, %masked_sort3A_378 = tpu.sort %get3A_363, %add3A_21 masked %masked_sort3A_375 : (vector<16xf32>, vector<16xi32>, vector<16xi1>) -> (vector<16xi1>, vector<16xf32>, vector<16xi32>)
      %masked_sort3A_379 = arith.constant dense<true> : vector<16xi1>
      %masked_sort3A_380, %masked_sort3A_381, %masked_sort3A_382 = tpu.sort %get3A_366, %add3A_24 masked %masked_sort3A_379 {descending = true} : (vector<16xf32>, vector<16xi32>, vector<16xi1>) -> (vector<16xi1>, vector<16xf32>, vector<16xi32>)
      %ge3A_383 = arith.cmpf oge, %masked_sort3A_369, %masked_sort3A_373 : vector<16xf32>
      %max3A_384 = arith.maximumf %masked_sort3A_369, %masked_sort3A_373 : vector<16xf32>
      %select_n3A_385 = arith.select %ge3A_383, %masked_sort3A_370, %masked_sort3A_374 : vector<16xi1>, vector<16xi32>
      %ge3A_386 = arith.cmpf oge, %masked_sort3A_377, %masked_sort3A_381 : vector<16xf32>
      %max3A_387 = arith.maximumf %masked_sort3A_377, %masked_sort3A_381 : vector<16xf32>
      %select_n3A_388 = arith.select %ge3A_386, %masked_sort3A_378, %masked_sort3A_382 : vector<16xi1>, vector<16xi32>
      %broadcast_in_dim3A_389 = vector.shape_cast %and3A_12 : vector<16xi32> to vector<16x1xi32>
      %gather3A_390 = vector.shape_cast %broadcast_in_dim3A_389 : vector<16x1xi32> to vector<16xi32>
      %gather3A_391 = tpu.dynamic_gather %max3A_384[%gather3A_390] in [0] : vector<16xf32>, vector<16xi32> -> vector<16xf32>
      %broadcast_in_dim3A_392 = vector.shape_cast %and3A_12 : vector<16xi32> to vector<16x1xi32>
      %gather3A_393 = vector.shape_cast %broadcast_in_dim3A_392 : vector<16x1xi32> to vector<16xi32>
      %gather3A_394 = tpu.dynamic_gather %select_n3A_385[%gather3A_393] in [0] : vector<16xi32>, vector<16xi32> -> vector<16xi32>
      %ge3A_395 = arith.cmpf oge, %max3A_384, %gather3A_391 : vector<16xf32>
      %max3A_396 = arith.maximumf %max3A_384, %gather3A_391 : vector<16xf32>
      %select_n3A_397 = arith.select %ge3A_395, %select_n3A_385, %gather3A_394 : vector<16xi1>, vector<16xi32>
      %broadcast_in_dim3A_398 = vector.shape_cast %and3A_12 : vector<16xi32> to vector<16x1xi32>
      %gather3A_399 = vector.shape_cast %broadcast_in_dim3A_398 : vector<16x1xi32> to vector<16xi32>
      %gather3A_400 = tpu.dynamic_gather %max3A_387[%gather3A_399] in [0] : vector<16xf32>, vector<16xi32> -> vector<16xf32>
      %broadcast_in_dim3A_401 = vector.shape_cast %and3A_12 : vector<16xi32> to vector<16x1xi32>
      %gather3A_402 = vector.shape_cast %broadcast_in_dim3A_401 : vector<16x1xi32> to vector<16xi32>
      %gather3A_403 = tpu.dynamic_gather %select_n3A_388[%gather3A_402] in [0] : vector<16xi32>, vector<16xi32> -> vector<16xi32>
      %ge3A_404 = arith.cmpf oge, %max3A_387, %gather3A_400 : vector<16xf32>
      %max3A_405 = arith.maximumf %max3A_387, %gather3A_400 : vector<16xf32>
      %select_n3A_406 = arith.select %ge3A_404, %select_n3A_388, %gather3A_403 : vector<16xi1>, vector<16xi32>
      %select_n3A_407 = arith.select %lt3A_6, %max3A_396, %max3A_405 : vector<16xi1>, vector<16xf32>
      %select_n3A_408 = arith.select %lt3A_6, %select_n3A_397, %select_n3A_406 : vector<16xi1>, vector<16xi32>
      %masked_sort3A_409 = arith.constant dense<true> : vector<16xi1>
      %masked_sort3A_410, %masked_sort3A_411, %masked_sort3A_412 = tpu.sort %select_n3A_407, %select_n3A_408 masked %masked_sort3A_409 : (vector<16xf32>, vector<16xi32>, vector<16xi1>) -> (vector<16xi1>, vector<16xf32>, vector<16xi32>)
      %exp3A_413 = math.exp %masked_sort3A_411 : vector<16xf32>
      %jit3A_414 = arith.constant 0.000000e+00 : f32
      %broadcast_in_dim3A_415 = vector.broadcast %jit3A_414 : f32 to vector<16xf32>
      %select_n3A_416 = arith.select %ge3A_4, %exp3A_413, %broadcast_in_dim3A_415 : vector<16xi1>, vector<16xf32>
      %broadcast_in_dim3A_417 = arith.constant true
      %broadcast_in_dim3A_418 = vector.broadcast %broadcast_in_dim3A_417 : i1 to vector<16xi1>
      %masked_cumsum3A_419 = tpu.scan <sum>, %select_n3A_416 masked %broadcast_in_dim3A_418 : vector<16xf32>, vector<16xi1> -> vector<16xf32>
      %broadcast_in_dim3A_420 = vector.shape_cast %broadcast_in_dim3A_7 : vector<16xi32> to vector<16x1xi32>
      %gather3A_421 = vector.shape_cast %broadcast_in_dim3A_420 : vector<16x1xi32> to vector<16xi32>
      %gather3A_422 = tpu.dynamic_gather %masked_cumsum3A_419[%gather3A_421] in [0] : vector<16xf32>, vector<16xi32> -> vector<16xf32>
      %div3A_423 = arith.constant 6.400000e+01 : f32
      %div3A_424 = vector.broadcast %div3A_423 : f32 to vector<16xf32>
      %div3A_425 = arith.divf %div3A_424, %gather3A_422 : vector<16xf32>
      %mul3A_426 = arith.mulf %exp3A_413, %div3A_425 : vector<16xf32>
      %swap3A_427 = arith.index_cast %add3A_354 : i32 to index
      %swap3A_428 = arith.constant 0 : index
      %swap3A_429 = tpu.vector_load %arg6[%swap3A_427, %swap3A_428] {strides = array<i32>} : memref<128x64xf32, #tpu.memory_space<vmem>>, vector<16xf32>,
      tpu.vector_store %arg6[%swap3A_427, %swap3A_428], %broadcast_in_dim3A_26 {strides = array<i32>} : memref<128x64xf32, #tpu.memory_space<vmem>>, vector<16xf32>,
      %swap3A_430 = arith.index_cast %add3A_354 : i32 to index
      %swap3A_431 = arith.constant 16 : index
      %swap3A_432 = tpu.vector_load %arg6[%swap3A_430, %swap3A_431] {strides = array<i32>} : memref<128x64xf32, #tpu.memory_space<vmem>>, vector<16xf32>,
      tpu.vector_store %arg6[%swap3A_430, %swap3A_431], %broadcast_in_dim3A_26 {strides = array<i32>} : memref<128x64xf32, #tpu.memory_space<vmem>>, vector<16xf32>,
      %swap3A_433 = arith.index_cast %add3A_354 : i32 to index
      %swap3A_434 = arith.constant 32 : index
      %swap3A_435 = tpu.vector_load %arg6[%swap3A_433, %swap3A_434] {strides = array<i32>} : memref<128x64xf32, #tpu.memory_space<vmem>>, vector<16xf32>,
      tpu.vector_store %arg6[%swap3A_433, %swap3A_434], %broadcast_in_dim3A_26 {strides = array<i32>} : memref<128x64xf32, #tpu.memory_space<vmem>>, vector<16xf32>,
      %swap3A_436 = arith.index_cast %add3A_354 : i32 to index
      %swap3A_437 = arith.constant 48 : index
      %swap3A_438 = tpu.vector_load %arg6[%swap3A_436, %swap3A_437] {strides = array<i32>} : memref<128x64xf32, #tpu.memory_space<vmem>>, vector<16xf32>,
      tpu.vector_store %arg6[%swap3A_436, %swap3A_437], %broadcast_in_dim3A_26 {strides = array<i32>} : memref<128x64xf32, #tpu.memory_space<vmem>>, vector<16xf32>,
      %broadcast_in_dim3A_439 = vector.broadcast %add3A_354 : i32 to vector<16xi32>
      tpu.vector_store_idx %arg6[%broadcast_in_dim3A_439, %masked_sort3A_412], %mul3A_426 masked %ge3A_4 : memref<128x64xf32, #tpu.memory_space<vmem>>[vector<16xi32>, vector<16xi32>], vector<16xf32>, vector<16xi1>
      %add3A_440 = arith.constant 2 : i32
      %add3A_441 = arith.addi %mul3A_275, %add3A_440 : i32
      %get3A_442 = arith.index_cast %add3A_441 : i32 to index
      %get3A_443 = arith.constant 0 : index
      %get3A_444 = tpu.vector_load %arg4[%get3A_442, %get3A_443] {strides = array<i32>} : memref<128x64xf32, #tpu.memory_space<vmem>>, vector<16xf32>,
      %get3A_445 = arith.index_cast %add3A_441 : i32 to index
      %get3A_446 = arith.constant 16 : index
      %get3A_447 = tpu.vector_load %arg4[%get3A_445, %get3A_446] {strides = array<i32>} : memref<128x64xf32, #tpu.memory_space<vmem>>, vector<16xf32>,
      %get3A_448 = arith.index_cast %add3A_441 : i32 to index
      %get3A_449 = arith.constant 32 : index
      %get3A_450 = tpu.vector_load %arg4[%get3A_448, %get3A_449] {strides = array<i32>} : memref<128x64xf32, #tpu.memory_space<vmem>>, vector<16xf32>,
      %get3A_451 = arith.index_cast %add3A_441 : i32 to index
      %get3A_452 = arith.constant 48 : index
      %get3A_453 = tpu.vector_load %arg4[%get3A_451, %get3A_452] {strides = array<i32>} : memref<128x64xf32, #tpu.memory_space<vmem>>, vector<16xf32>,
      %masked_sort3A_454 = arith.constant dense<true> : vector<16xi1>
      %masked_sort3A_455, %masked_sort3A_456, %masked_sort3A_457 = tpu.sort %get3A_444, %add3A_15 masked %masked_sort3A_454 : (vector<16xf32>, vector<16xi32>, vector<16xi1>) -> (vector<16xi1>, vector<16xf32>, vector<16xi32>)
      %masked_sort3A_458 = arith.constant dense<true> : vector<16xi1>
      %masked_sort3A_459, %masked_sort3A_460, %masked_sort3A_461 = tpu.sort %get3A_447, %add3A_18 masked %masked_sort3A_458 {descending = true} : (vector<16xf32>, vector<16xi32>, vector<16xi1>) -> (vector<16xi1>, vector<16xf32>, vector<16xi32>)
      %masked_sort3A_462 = arith.constant dense<true> : vector<16xi1>
      %masked_sort3A_463, %masked_sort3A_464, %masked_sort3A_465 = tpu.sort %get3A_450, %add3A_21 masked %masked_sort3A_462 : (vector<16xf32>, vector<16xi32>, vector<16xi1>) -> (vector<16xi1>, vector<16xf32>, vector<16xi32>)
      %masked_sort3A_466 = arith.constant dense<true> : vector<16xi1>
      %masked_sort3A_467, %masked_sort3A_468, %masked_sort3A_469 = tpu.sort %get3A_453, %add3A_24 masked %masked_sort3A_466 {descending = true} : (vector<16xf32>, vector<16xi32>, vector<16xi1>) -> (vector<16xi1>, vector<16xf32>, vector<16xi32>)
      %ge3A_470 = arith.cmpf oge, %masked_sort3A_456, %masked_sort3A_460 : vector<16xf32>
      %max3A_471 = arith.maximumf %masked_sort3A_456, %masked_sort3A_460 : vector<16xf32>
      %select_n3A_472 = arith.select %ge3A_470, %masked_sort3A_457, %masked_sort3A_461 : vector<16xi1>, vector<16xi32>
      %ge3A_473 = arith.cmpf oge, %masked_sort3A_464, %masked_sort3A_468 : vector<16xf32>
      %max3A_474 = arith.maximumf %masked_sort3A_464, %masked_sort3A_468 : vector<16xf32>
      %select_n3A_475 = arith.select %ge3A_473, %masked_sort3A_465, %masked_sort3A_469 : vector<16xi1>, vector<16xi32>
      %broadcast_in_dim3A_476 = vector.shape_cast %and3A_12 : vector<16xi32> to vector<16x1xi32>
      %gather3A_477 = vector.shape_cast %broadcast_in_dim3A_476 : vector<16x1xi32> to vector<16xi32>
      %gather3A_478 = tpu.dynamic_gather %max3A_471[%gather3A_477] in [0] : vector<16xf32>, vector<16xi32> -> vector<16xf32>
      %broadcast_in_dim3A_479 = vector.shape_cast %and3A_12 : vector<16xi32> to vector<16x1xi32>
      %gather3A_480 = vector.shape_cast %broadcast_in_dim3A_479 : vector<16x1xi32> to vector<16xi32>
      %gather3A_481 = tpu.dynamic_gather %select_n3A_472[%gather3A_480] in [0] : vector<16xi32>, vector<16xi32> -> vector<16xi32>
      %ge3A_482 = arith.cmpf oge, %max3A_471, %gather3A_478 : vector<16xf32>
      %max3A_483 = arith.maximumf %max3A_471, %gather3A_478 : vector<16xf32>
      %select_n3A_484 = arith.select %ge3A_482, %select_n3A_472, %gather3A_481 : vector<16xi1>, vector<16xi32>
      %broadcast_in_dim3A_485 = vector.shape_cast %and3A_12 : vector<16xi32> to vector<16x1xi32>
      %gather3A_486 = vector.shape_cast %broadcast_in_dim3A_485 : vector<16x1xi32> to vector<16xi32>
      %gather3A_487 = tpu.dynamic_gather %max3A_474[%gather3A_486] in [0] : vector<16xf32>, vector<16xi32> -> vector<16xf32>
      %broadcast_in_dim3A_488 = vector.shape_cast %and3A_12 : vector<16xi32> to vector<16x1xi32>
      %gather3A_489 = vector.shape_cast %broadcast_in_dim3A_488 : vector<16x1xi32> to vector<16xi32>
      %gather3A_490 = tpu.dynamic_gather %select_n3A_475[%gather3A_489] in [0] : vector<16xi32>, vector<16xi32> -> vector<16xi32>
      %ge3A_491 = arith.cmpf oge, %max3A_474, %gather3A_487 : vector<16xf32>
      %max3A_492 = arith.maximumf %max3A_474, %gather3A_487 : vector<16xf32>
      %select_n3A_493 = arith.select %ge3A_491, %select_n3A_475, %gather3A_490 : vector<16xi1>, vector<16xi32>
      %select_n3A_494 = arith.select %lt3A_6, %max3A_483, %max3A_492 : vector<16xi1>, vector<16xf32>
      %select_n3A_495 = arith.select %lt3A_6, %select_n3A_484, %select_n3A_493 : vector<16xi1>, vector<16xi32>
      %masked_sort3A_496 = arith.constant dense<true> : vector<16xi1>
      %masked_sort3A_497, %masked_sort3A_498, %masked_sort3A_499 = tpu.sort %select_n3A_494, %select_n3A_495 masked %masked_sort3A_496 : (vector<16xf32>, vector<16xi32>, vector<16xi1>) -> (vector<16xi1>, vector<16xf32>, vector<16xi32>)
      %exp3A_500 = math.exp %masked_sort3A_498 : vector<16xf32>
      %jit3A_501 = arith.constant 0.000000e+00 : f32
      %broadcast_in_dim3A_502 = vector.broadcast %jit3A_501 : f32 to vector<16xf32>
      %select_n3A_503 = arith.select %ge3A_4, %exp3A_500, %broadcast_in_dim3A_502 : vector<16xi1>, vector<16xf32>
      %broadcast_in_dim3A_504 = arith.constant true
      %broadcast_in_dim3A_505 = vector.broadcast %broadcast_in_dim3A_504 : i1 to vector<16xi1>
      %masked_cumsum3A_506 = tpu.scan <sum>, %select_n3A_503 masked %broadcast_in_dim3A_505 : vector<16xf32>, vector<16xi1> -> vector<16xf32>
      %broadcast_in_dim3A_507 = vector.shape_cast %broadcast_in_dim3A_7 : vector<16xi32> to vector<16x1xi32>
      %gather3A_508 = vector.shape_cast %broadcast_in_dim3A_507 : vector<16x1xi32> to vector<16xi32>
      %gather3A_509 = tpu.dynamic_gather %masked_cumsum3A_506[%gather3A_508] in [0] : vector<16xf32>, vector<16xi32> -> vector<16xf32>
      %div3A_510 = arith.constant 6.400000e+01 : f32
      %div3A_511 = vector.broadcast %div3A_510 : f32 to vector<16xf32>
      %div3A_512 = arith.divf %div3A_511, %gather3A_509 : vector<16xf32>
      %mul3A_513 = arith.mulf %exp3A_500, %div3A_512 : vector<16xf32>
      %swap3A_514 = arith.index_cast %add3A_441 : i32 to index
      %swap3A_515 = arith.constant 0 : index
      %swap3A_516 = tpu.vector_load %arg6[%swap3A_514, %swap3A_515] {strides = array<i32>} : memref<128x64xf32, #tpu.memory_space<vmem>>, vector<16xf32>,
      tpu.vector_store %arg6[%swap3A_514, %swap3A_515], %broadcast_in_dim3A_26 {strides = array<i32>} : memref<128x64xf32, #tpu.memory_space<vmem>>, vector<16xf32>,
      %swap3A_517 = arith.index_cast %add3A_441 : i32 to index
      %swap3A_518 = arith.constant 16 : index
      %swap3A_519 = tpu.vector_load %arg6[%swap3A_517, %swap3A_518] {strides = array<i32>} : memref<128x64xf32, #tpu.memory_space<vmem>>, vector<16xf32>,
      tpu.vector_store %arg6[%swap3A_517, %swap3A_518], %broadcast_in_dim3A_26 {strides = array<i32>} : memref<128x64xf32, #tpu.memory_space<vmem>>, vector<16xf32>,
      %swap3A_520 = arith.index_cast %add3A_441 : i32 to index
      %swap3A_521 = arith.constant 32 : index
      %swap3A_522 = tpu.vector_load %arg6[%swap3A_520, %swap3A_521] {strides = array<i32>} : memref<128x64xf32, #tpu.memory_space<vmem>>, vector<16xf32>,
      tpu.vector_store %arg6[%swap3A_520, %swap3A_521], %broadcast_in_dim3A_26 {strides = array<i32>} : memref<128x64xf32, #tpu.memory_space<vmem>>, vector<16xf32>,
      %swap3A_523 = arith.index_cast %add3A_441 : i32 to index
      %swap3A_524 = arith.constant 48 : index
      %swap3A_525 = tpu.vector_load %arg6[%swap3A_523, %swap3A_524] {strides = array<i32>} : memref<128x64xf32, #tpu.memory_space<vmem>>, vector<16xf32>,
      tpu.vector_store %arg6[%swap3A_523, %swap3A_524], %broadcast_in_dim3A_26 {strides = array<i32>} : memref<128x64xf32, #tpu.memory_space<vmem>>, vector<16xf32>,
      %broadcast_in_dim3A_526 = vector.broadcast %add3A_441 : i32 to vector<16xi32>
      tpu.vector_store_idx %arg6[%broadcast_in_dim3A_526, %masked_sort3A_499], %mul3A_513 masked %ge3A_4 : memref<128x64xf32, #tpu.memory_space<vmem>>[vector<16xi32>, vector<16xi32>], vector<16xf32>, vector<16xi1>
      %add3A_527 = arith.constant 3 : i32
      %add3A_528 = arith.addi %mul3A_275, %add3A_527 : i32
      %get3A_529 = arith.index_cast %add3A_528 : i32 to index
      %get3A_530 = arith.constant 0 : index
      %get3A_531 = tpu.vector_load %arg4[%get3A_529, %get3A_530] {strides = array<i32>} : memref<128x64xf32, #tpu.memory_space<vmem>>, vector<16xf32>,
      %get3A_532 = arith.index_cast %add3A_528 : i32 to index
      %get3A_533 = arith.constant 16 : index
      %get3A_534 = tpu.vector_load %arg4[%get3A_532, %get3A_533] {strides = array<i32>} : memref<128x64xf32, #tpu.memory_space<vmem>>, vector<16xf32>,
      %get3A_535 = arith.index_cast %add3A_528 : i32 to index
      %get3A_536 = arith.constant 32 : index
      %get3A_537 = tpu.vector_load %arg4[%get3A_535, %get3A_536] {strides = array<i32>} : memref<128x64xf32, #tpu.memory_space<vmem>>, vector<16xf32>,
      %get3A_538 = arith.index_cast %add3A_528 : i32 to index
      %get3A_539 = arith.constant 48 : index
      %get3A_540 = tpu.vector_load %arg4[%get3A_538, %get3A_539] {strides = array<i32>} : memref<128x64xf32, #tpu.memory_space<vmem>>, vector<16xf32>,
      %masked_sort3A_541 = arith.constant dense<true> : vector<16xi1>
      %masked_sort3A_542, %masked_sort3A_543, %masked_sort3A_544 = tpu.sort %get3A_531, %add3A_15 masked %masked_sort3A_541 : (vector<16xf32>, vector<16xi32>, vector<16xi1>) -> (vector<16xi1>, vector<16xf32>, vector<16xi32>)
      %masked_sort3A_545 = arith.constant dense<true> : vector<16xi1>
      %masked_sort3A_546, %masked_sort3A_547, %masked_sort3A_548 = tpu.sort %get3A_534, %add3A_18 masked %masked_sort3A_545 {descending = true} : (vector<16xf32>, vector<16xi32>, vector<16xi1>) -> (vector<16xi1>, vector<16xf32>, vector<16xi32>)
      %masked_sort3A_549 = arith.constant dense<true> : vector<16xi1>
      %masked_sort3A_550, %masked_sort3A_551, %masked_sort3A_552 = tpu.sort %get3A_537, %add3A_21 masked %masked_sort3A_549 : (vector<16xf32>, vector<16xi32>, vector<16xi1>) -> (vector<16xi1>, vector<16xf32>, vector<16xi32>)
      %masked_sort3A_553 = arith.constant dense<true> : vector<16xi1>
      %masked_sort3A_554, %masked_sort3A_555, %masked_sort3A_556 = tpu.sort %get3A_540, %add3A_24 masked %masked_sort3A_553 {descending = true} : (vector<16xf32>, vector<16xi32>, vector<16xi1>) -> (vector<16xi1>, vector<16xf32>, vector<16xi32>)
      %ge3A_557 = arith.cmpf oge, %masked_sort3A_543, %masked_sort3A_547 : vector<16xf32>
      %max3A_558 = arith.maximumf %masked_sort3A_543, %masked_sort3A_547 : vector<16xf32>
      %select_n3A_559 = arith.select %ge3A_557, %masked_sort3A_544, %masked_sort3A_548 : vector<16xi1>, vector<16xi32>
      %ge3A_560 = arith.cmpf oge, %masked_sort3A_551, %masked_sort3A_555 : vector<16xf32>
      %max3A_561 = arith.maximumf %masked_sort3A_551, %masked_sort3A_555 : vector<16xf32>
      %select_n3A_562 = arith.select %ge3A_560, %masked_sort3A_552, %masked_sort3A_556 : vector<16xi1>, vector<16xi32>
      %broadcast_in_dim3A_563 = vector.shape_cast %and3A_12 : vector<16xi32> to vector<16x1xi32>
      %gather3A_564 = vector.shape_cast %broadcast_in_dim3A_563 : vector<16x1xi32> to vector<16xi32>
      %gather3A_565 = tpu.dynamic_gather %max3A_558[%gather3A_564] in [0] : vector<16xf32>, vector<16xi32> -> vector<16xf32>
      %broadcast_in_dim3A_566 = vector.shape_cast %and3A_12 : vector<16xi32> to vector<16x1xi32>
      %gather3A_567 = vector.shape_cast %broadcast_in_dim3A_566 : vector<16x1xi32> to vector<16xi32>
      %gather3A_568 = tpu.dynamic_gather %select_n3A_559[%gather3A_567] in [0] : vector<16xi32>, vector<16xi32> -> vector<16xi32>
      %ge3A_569 = arith.cmpf oge, %max3A_558, %gather3A_565 : vector<16xf32>
      %max3A_570 = arith.maximumf %max3A_558, %gather3A_565 : vector<16xf32>
      %select_n3A_571 = arith.select %ge3A_569, %select_n3A_559, %gather3A_568 : vector<16xi1>, vector<16xi32>
      %broadcast_in_dim3A_572 = vector.shape_cast %and3A_12 : vector<16xi32> to vector<16x1xi32>
      %gather3A_573 = vector.shape_cast %broadcast_in_dim3A_572 : vector<16x1xi32> to vector<16xi32>
      %gather3A_574 = tpu.dynamic_gather %max3A_561[%gather3A_573] in [0] : vector<16xf32>, vector<16xi32> -> vector<16xf32>
      %broadcast_in_dim3A_575 = vector.shape_cast %and3A_12 : vector<16xi32> to vector<16x1xi32>
      %gather3A_576 = vector.shape_cast %broadcast_in_dim3A_575 : vector<16x1xi32> to vector<16xi32>
      %gather3A_577 = tpu.dynamic_gather %select_n3A_562[%gather3A_576] in [0] : vector<16xi32>, vector<16xi32> -> vector<16xi32>
      %ge3A_578 = arith.cmpf oge, %max3A_561, %gather3A_574 : vector<16xf32>
      %max3A_579 = arith.maximumf %max3A_561, %gather3A_574 : vector<16xf32>
      %select_n3A_580 = arith.select %ge3A_578, %select_n3A_562, %gather3A_577 : vector<16xi1>, vector<16xi32>
      %select_n3A_581 = arith.select %lt3A_6, %max3A_570, %max3A_579 : vector<16xi1>, vector<16xf32>
      %select_n3A_582 = arith.select %lt3A_6, %select_n3A_571, %select_n3A_580 : vector<16xi1>, vector<16xi32>
      %masked_sort3A_583 = arith.constant dense<true> : vector<16xi1>
      %masked_sort3A_584, %masked_sort3A_585, %masked_sort3A_586 = tpu.sort %select_n3A_581, %select_n3A_582 masked %masked_sort3A_583 : (vector<16xf32>, vector<16xi32>, vector<16xi1>) -> (vector<16xi1>, vector<16xf32>, vector<16xi32>)
      %exp3A_587 = math.exp %masked_sort3A_585 : vector<16xf32>
      %jit3A_588 = arith.constant 0.000000e+00 : f32
      %broadcast_in_dim3A_589 = vector.broadcast %jit3A_588 : f32 to vector<16xf32>
      %select_n3A_590 = arith.select %ge3A_4, %exp3A_587, %broadcast_in_dim3A_589 : vector<16xi1>, vector<16xf32>
      %broadcast_in_dim3A_591 = arith.constant true
      %broadcast_in_dim3A_592 = vector.broadcast %broadcast_in_dim3A_591 : i1 to vector<16xi1>
      %masked_cumsum3A_593 = tpu.scan <sum>, %select_n3A_590 masked %broadcast_in_dim3A_592 : vector<16xf32>, vector<16xi1> -> vector<16xf32>
      %broadcast_in_dim3A_594 = vector.shape_cast %broadcast_in_dim3A_7 : vector<16xi32> to vector<16x1xi32>
      %gather3A_595 = vector.shape_cast %broadcast_in_dim3A_594 : vector<16x1xi32> to vector<16xi32>
      %gather3A_596 = tpu.dynamic_gather %masked_cumsum3A_593[%gather3A_595] in [0] : vector<16xf32>, vector<16xi32> -> vector<16xf32>
      %div3A_597 = arith.constant 6.400000e+01 : f32
      %div3A_598 = vector.broadcast %div3A_597 : f32 to vector<16xf32>
      %div3A_599 = arith.divf %div3A_598, %gather3A_596 : vector<16xf32>
      %mul3A_600 = arith.mulf %exp3A_587, %div3A_599 : vector<16xf32>
      %swap3A_601 = arith.index_cast %add3A_528 : i32 to index
      %swap3A_602 = arith.constant 0 : index
      %swap3A_603 = tpu.vector_load %arg6[%swap3A_601, %swap3A_602] {strides = array<i32>} : memref<128x64xf32, #tpu.memory_space<vmem>>, vector<16xf32>,
      tpu.vector_store %arg6[%swap3A_601, %swap3A_602], %broadcast_in_dim3A_26 {strides = array<i32>} : memref<128x64xf32, #tpu.memory_space<vmem>>, vector<16xf32>,
      %swap3A_604 = arith.index_cast %add3A_528 : i32 to index
      %swap3A_605 = arith.constant 16 : index
      %swap3A_606 = tpu.vector_load %arg6[%swap3A_604, %swap3A_605] {strides = array<i32>} : memref<128x64xf32, #tpu.memory_space<vmem>>, vector<16xf32>,
      tpu.vector_store %arg6[%swap3A_604, %swap3A_605], %broadcast_in_dim3A_26 {strides = array<i32>} : memref<128x64xf32, #tpu.memory_space<vmem>>, vector<16xf32>,
      %swap3A_607 = arith.index_cast %add3A_528 : i32 to index
      %swap3A_608 = arith.constant 32 : index
      %swap3A_609 = tpu.vector_load %arg6[%swap3A_607, %swap3A_608] {strides = array<i32>} : memref<128x64xf32, #tpu.memory_space<vmem>>, vector<16xf32>,
      tpu.vector_store %arg6[%swap3A_607, %swap3A_608], %broadcast_in_dim3A_26 {strides = array<i32>} : memref<128x64xf32, #tpu.memory_space<vmem>>, vector<16xf32>,
      %swap3A_610 = arith.index_cast %add3A_528 : i32 to index
      %swap3A_611 = arith.constant 48 : index
      %swap3A_612 = tpu.vector_load %arg6[%swap3A_610, %swap3A_611] {strides = array<i32>} : memref<128x64xf32, #tpu.memory_space<vmem>>, vector<16xf32>,
      tpu.vector_store %arg6[%swap3A_610, %swap3A_611], %broadcast_in_dim3A_26 {strides = array<i32>} : memref<128x64xf32, #tpu.memory_space<vmem>>, vector<16xf32>,
      %broadcast_in_dim3A_613 = vector.broadcast %add3A_528 : i32 to vector<16xi32>
      tpu.vector_store_idx %arg6[%broadcast_in_dim3A_613, %masked_sort3A_586], %mul3A_600 masked %ge3A_4 : memref<128x64xf32, #tpu.memory_space<vmem>>[vector<16xi32>, vector<16xi32>], vector<16xf32>, vector<16xi1>
      %scan3A_614 = arith.constant 0 : i32
      scf.yield %scan3A_614 : i32
    }
    %scan3A_48 = arith.constant 32 : i32
    %add3A_49 = arith.constant 0 : i32
    %add3A_50 = arith.addi %mul3A_2, %add3A_49 : i32
    %dma_start3A_51 = arith.constant 0 : i32
    %dma_start3A_52 = tpu.memref_slice %arg3[%add3A_50, %dma_start3A_51] : memref<32768x64xf32, #tpu.memory_space<hbm>> -> memref<128x64xf32, #tpu.memory_space<hbm>>
    %dma_start3A_53 = arith.constant 0 : i32
    %dma_start3A_54 = tpu.memref_slice %arg3[%add3A_50, %dma_start3A_53] : memref<32768x64xf32, #tpu.memory_space<hbm>> -> memref<128x64xf32, #tpu.memory_space<hbm>>
    tpu.enqueue_dma source(%arg6 : memref<128x64xf32, #tpu.memory_space<vmem>>) target(%dma_start3A_54 : memref<128x64xf32, #tpu.memory_space<hbm>>) target_semaphore(%arg10 : memref<!tpu.dma_semaphore, #tpu.memory_space<semaphore_mem>>)
    %add3A_55 = arith.constant 256 : i32
    %add3A_56 = arith.addi %mul3A_2, %add3A_55 : i32
    %dma_start3A_57 = arith.constant 0 : i32
    %dma_start3A_58 = tpu.memref_slice %arg2[%add3A_56, %dma_start3A_57] : memref<32768x64xf32, #tpu.memory_space<hbm>> -> memref<128x64xf32, #tpu.memory_space<hbm>>
    %dma_start3A_59 = arith.constant 0 : i32
    %dma_start3A_60 = tpu.memref_slice %arg2[%add3A_56, %dma_start3A_59] : memref<32768x64xf32, #tpu.memory_space<hbm>> -> memref<128x64xf32, #tpu.memory_space<hbm>>
    tpu.enqueue_dma source(%dma_start3A_60 : memref<128x64xf32, #tpu.memory_space<hbm>>) target(%arg4 : memref<128x64xf32, #tpu.memory_space<vmem>>) target_semaphore(%arg8 : memref<!tpu.dma_semaphore, #tpu.memory_space<semaphore_mem>>)
    %add3A_61 = arith.constant 128 : i32
    %add3A_62 = arith.addi %mul3A_2, %add3A_61 : i32
    %dma_wait3A_63 = arith.constant 0 : i32
    %dma_wait3A_64 = tpu.memref_slice %arg2[%add3A_62, %dma_wait3A_63] : memref<32768x64xf32, #tpu.memory_space<hbm>> -> memref<128x64xf32, #tpu.memory_space<hbm>>
    %dma_wait3A_65 = arith.constant 0 : i32
    %dma_wait3A_66 = tpu.memref_slice %arg2[%add3A_62, %dma_wait3A_65] : memref<32768x64xf32, #tpu.memory_space<hbm>> -> memref<128x64xf32, #tpu.memory_space<hbm>>
    tpu.wait_dma2 semaphore(%arg9 : memref<!tpu.dma_semaphore, #tpu.memory_space<semaphore_mem>>) src(%dma_wait3A_66 : memref<128x64xf32, #tpu.memory_space<hbm>>) dst(%arg5 : memref<128x64xf32, #tpu.memory_space<vmem>>)
    %scan3A_67 = arith.constant 0 : i32
    %scan3A_68 = arith.constant 0 : i32
    %scan3A_69 = arith.constant 32 : i32
    %scan3A_70 = arith.addi %scan3A_68, %scan3A_69 : i32
    %scan3A_71 = arith.constant 1 : i32
    %scan3A_72 = scf.for %scan3A_272 = %scan3A_68 to %scan3A_70 step %scan3A_71 iter_args(%scan3A_273 = %scan3A_67) -> (i32)  : i32 {
      %mul3A_274 = arith.constant 4 : i32
      %mul3A_275 = arith.muli %scan3A_272, %mul3A_274 : i32
      %add3A_276 = arith.constant 0 : i32
      %add3A_277 = arith.addi %mul3A_275, %add3A_276 : i32
      %get3A = arith.index_cast %add3A_277 : i32 to index
      %get3A_278 = arith.constant 0 : index
      %get3A_279 = tpu.vector_load %arg5[%get3A, %get3A_278] {strides = array<i32>} : memref<128x64xf32, #tpu.memory_space<vmem>>, vector<16xf32>,
      %get3A_280 = arith.index_cast %add3A_277 : i32 to index
      %get3A_281 = arith.constant 16 : index
      %get3A_282 = tpu.vector_load %arg5[%get3A_280, %get3A_281] {strides = array<i32>} : memref<128x64xf32, #tpu.memory_space<vmem>>, vector<16xf32>,
      %get3A_283 = arith.index_cast %add3A_277 : i32 to index
      %get3A_284 = arith.constant 32 : index
      %get3A_285 = tpu.vector_load %arg5[%get3A_283, %get3A_284] {strides = array<i32>} : memref<128x64xf32, #tpu.memory_space<vmem>>, vector<16xf32>,
      %get3A_286 = arith.index_cast %add3A_277 : i32 to index
      %get3A_287 = arith.constant 48 : index
      %get3A_288 = tpu.vector_load %arg5[%get3A_286, %get3A_287] {strides = array<i32>} : memref<128x64xf32, #tpu.memory_space<vmem>>, vector<16xf32>,
      %masked_sort3A = arith.constant dense<true> : vector<16xi1>
      %masked_sort3A_289, %masked_sort3A_290, %masked_sort3A_291 = tpu.sort %get3A_279, %add3A_15 masked %masked_sort3A : (vector<16xf32>, vector<16xi32>, vector<16xi1>) -> (vector<16xi1>, vector<16xf32>, vector<16xi32>)
      %masked_sort3A_292 = arith.constant dense<true> : vector<16xi1>
      %masked_sort3A_293, %masked_sort3A_294, %masked_sort3A_295 = tpu.sort %get3A_282, %add3A_18 masked %masked_sort3A_292 {descending = true} : (vector<16xf32>, vector<16xi32>, vector<16xi1>) -> (vector<16xi1>, vector<16xf32>, vector<16xi32>)
      %masked_sort3A_296 = arith.constant dense<true> : vector<16xi1>
      %masked_sort3A_297, %masked_sort3A_298, %masked_sort3A_299 = tpu.sort %get3A_285, %add3A_21 masked %masked_sort3A_296 : (vector<16xf32>, vector<16xi32>, vector<16xi1>) -> (vector<16xi1>, vector<16xf32>, vector<16xi32>)
      %masked_sort3A_300 = arith.constant dense<true> : vector<16xi1>
      %masked_sort3A_301, %masked_sort3A_302, %masked_sort3A_303 = tpu.sort %get3A_288, %add3A_24 masked %masked_sort3A_300 {descending = true} : (vector<16xf32>, vector<16xi32>, vector<16xi1>) -> (vector<16xi1>, vector<16xf32>, vector<16xi32>)
      %ge3A_304 = arith.cmpf oge, %masked_sort3A_290, %masked_sort3A_294 : vector<16xf32>
      %max3A = arith.maximumf %masked_sort3A_290, %masked_sort3A_294 : vector<16xf32>
      %select_n3A = arith.select %ge3A_304, %masked_sort3A_291, %masked_sort3A_295 : vector<16xi1>, vector<16xi32>
      %ge3A_305 = arith.cmpf oge, %masked_sort3A_298, %masked_sort3A_302 : vector<16xf32>
      %max3A_306 = arith.maximumf %masked_sort3A_298, %masked_sort3A_302 : vector<16xf32>
      %select_n3A_307 = arith.select %ge3A_305, %masked_sort3A_299, %masked_sort3A_303 : vector<16xi1>, vector<16xi32>
      %broadcast_in_dim3A_308 = vector.shape_cast %and3A_12 : vector<16xi32> to vector<16x1xi32>
      %gather3A = vector.shape_cast %broadcast_in_dim3A_308 : vector<16x1xi32> to vector<16xi32>
      %gather3A_309 = tpu.dynamic_gather %max3A[%gather3A] in [0] : vector<16xf32>, vector<16xi32> -> vector<16xf32>
      %broadcast_in_dim3A_310 = vector.shape_cast %and3A_12 : vector<16xi32> to vector<16x1xi32>
      %gather3A_311 = vector.shape_cast %broadcast_in_dim3A_310 : vector<16x1xi32> to vector<16xi32>
      %gather3A_312 = tpu.dynamic_gather %select_n3A[%gather3A_311] in [0] : vector<16xi32>, vector<16xi32> -> vector<16xi32>
      %ge3A_313 = arith.cmpf oge, %max3A, %gather3A_309 : vector<16xf32>
      %max3A_314 = arith.maximumf %max3A, %gather3A_309 : vector<16xf32>
      %select_n3A_315 = arith.select %ge3A_313, %select_n3A, %gather3A_312 : vector<16xi1>, vector<16xi32>
      %broadcast_in_dim3A_316 = vector.shape_cast %and3A_12 : vector<16xi32> to vector<16x1xi32>
      %gather3A_317 = vector.shape_cast %broadcast_in_dim3A_316 : vector<16x1xi32> to vector<16xi32>
      %gather3A_318 = tpu.dynamic_gather %max3A_306[%gather3A_317] in [0] : vector<16xf32>, vector<16xi32> -> vector<16xf32>
      %broadcast_in_dim3A_319 = vector.shape_cast %and3A_12 : vector<16xi32> to vector<16x1xi32>
      %gather3A_320 = vector.shape_cast %broadcast_in_dim3A_319 : vector<16x1xi32> to vector<16xi32>
      %gather3A_321 = tpu.dynamic_gather %select_n3A_307[%gather3A_320] in [0] : vector<16xi32>, vector<16xi32> -> vector<16xi32>
      %ge3A_322 = arith.cmpf oge, %max3A_306, %gather3A_318 : vector<16xf32>
      %max3A_323 = arith.maximumf %max3A_306, %gather3A_318 : vector<16xf32>
      %select_n3A_324 = arith.select %ge3A_322, %select_n3A_307, %gather3A_321 : vector<16xi1>, vector<16xi32>
      %select_n3A_325 = arith.select %lt3A_6, %max3A_314, %max3A_323 : vector<16xi1>, vector<16xf32>
      %select_n3A_326 = arith.select %lt3A_6, %select_n3A_315, %select_n3A_324 : vector<16xi1>, vector<16xi32>
      %masked_sort3A_327 = arith.constant dense<true> : vector<16xi1>
      %masked_sort3A_328, %masked_sort3A_329, %masked_sort3A_330 = tpu.sort %select_n3A_325, %select_n3A_326 masked %masked_sort3A_327 : (vector<16xf32>, vector<16xi32>, vector<16xi1>) -> (vector<16xi1>, vector<16xf32>, vector<16xi32>)
      %exp3A = math.exp %masked_sort3A_329 : vector<16xf32>
      %jit3A = arith.constant 0.000000e+00 : f32
      %broadcast_in_dim3A_331 = vector.broadcast %jit3A : f32 to vector<16xf32>
      %select_n3A_332 = arith.select %ge3A_4, %exp3A, %broadcast_in_dim3A_331 : vector<16xi1>, vector<16xf32>
      %broadcast_in_dim3A_333 = arith.constant true
      %broadcast_in_dim3A_334 = vector.broadcast %broadcast_in_dim3A_333 : i1 to vector<16xi1>
      %masked_cumsum3A = tpu.scan <sum>, %select_n3A_332 masked %broadcast_in_dim3A_334 : vector<16xf32>, vector<16xi1> -> vector<16xf32>
      %broadcast_in_dim3A_335 = vector.shape_cast %broadcast_in_dim3A_7 : vector<16xi32> to vector<16x1xi32>
      %gather3A_336 = vector.shape_cast %broadcast_in_dim3A_335 : vector<16x1xi32> to vector<16xi32>
      %gather3A_337 = tpu.dynamic_gather %masked_cumsum3A[%gather3A_336] in [0] : vector<16xf32>, vector<16xi32> -> vector<16xf32>
      %div3A = arith.constant 6.400000e+01 : f32
      %div3A_338 = vector.broadcast %div3A : f32 to vector<16xf32>
      %div3A_339 = arith.divf %div3A_338, %gather3A_337 : vector<16xf32>
      %mul3A_340 = arith.mulf %exp3A, %div3A_339 : vector<16xf32>
      %swap3A = arith.index_cast %add3A_277 : i32 to index
      %swap3A_341 = arith.constant 0 : index
      %swap3A_342 = tpu.vector_load %arg7[%swap3A, %swap3A_341] {strides = array<i32>} : memref<128x64xf32, #tpu.memory_space<vmem>>, vector<16xf32>,
      tpu.vector_store %arg7[%swap3A, %swap3A_341], %broadcast_in_dim3A_26 {strides = array<i32>} : memref<128x64xf32, #tpu.memory_space<vmem>>, vector<16xf32>,
      %swap3A_343 = arith.index_cast %add3A_277 : i32 to index
      %swap3A_344 = arith.constant 16 : index
      %swap3A_345 = tpu.vector_load %arg7[%swap3A_343, %swap3A_344] {strides = array<i32>} : memref<128x64xf32, #tpu.memory_space<vmem>>, vector<16xf32>,
      tpu.vector_store %arg7[%swap3A_343, %swap3A_344], %broadcast_in_dim3A_26 {strides = array<i32>} : memref<128x64xf32, #tpu.memory_space<vmem>>, vector<16xf32>,
      %swap3A_346 = arith.index_cast %add3A_277 : i32 to index
      %swap3A_347 = arith.constant 32 : index
      %swap3A_348 = tpu.vector_load %arg7[%swap3A_346, %swap3A_347] {strides = array<i32>} : memref<128x64xf32, #tpu.memory_space<vmem>>, vector<16xf32>,
      tpu.vector_store %arg7[%swap3A_346, %swap3A_347], %broadcast_in_dim3A_26 {strides = array<i32>} : memref<128x64xf32, #tpu.memory_space<vmem>>, vector<16xf32>,
      %swap3A_349 = arith.index_cast %add3A_277 : i32 to index
      %swap3A_350 = arith.constant 48 : index
      %swap3A_351 = tpu.vector_load %arg7[%swap3A_349, %swap3A_350] {strides = array<i32>} : memref<128x64xf32, #tpu.memory_space<vmem>>, vector<16xf32>,
      tpu.vector_store %arg7[%swap3A_349, %swap3A_350], %broadcast_in_dim3A_26 {strides = array<i32>} : memref<128x64xf32, #tpu.memory_space<vmem>>, vector<16xf32>,
      %broadcast_in_dim3A_352 = vector.broadcast %add3A_277 : i32 to vector<16xi32>
      tpu.vector_store_idx %arg7[%broadcast_in_dim3A_352, %masked_sort3A_330], %mul3A_340 masked %ge3A_4 : memref<128x64xf32, #tpu.memory_space<vmem>>[vector<16xi32>, vector<16xi32>], vector<16xf32>, vector<16xi1>
      %add3A_353 = arith.constant 1 : i32
      %add3A_354 = arith.addi %mul3A_275, %add3A_353 : i32
      %get3A_355 = arith.index_cast %add3A_354 : i32 to index
      %get3A_356 = arith.constant 0 : index
      %get3A_357 = tpu.vector_load %arg5[%get3A_355, %get3A_356] {strides = array<i32>} : memref<128x64xf32, #tpu.memory_space<vmem>>, vector<16xf32>,
      %get3A_358 = arith.index_cast %add3A_354 : i32 to index
      %get3A_359 = arith.constant 16 : index
      %get3A_360 = tpu.vector_load %arg5[%get3A_358, %get3A_359] {strides = array<i32>} : memref<128x64xf32, #tpu.memory_space<vmem>>, vector<16xf32>,
      %get3A_361 = arith.index_cast %add3A_354 : i32 to index
      %get3A_362 = arith.constant 32 : index
      %get3A_363 = tpu.vector_load %arg5[%get3A_361, %get3A_362] {strides = array<i32>} : memref<128x64xf32, #tpu.memory_space<vmem>>, vector<16xf32>,
      %get3A_364 = arith.index_cast %add3A_354 : i32 to index
      %get3A_365 = arith.constant 48 : index
      %get3A_366 = tpu.vector_load %arg5[%get3A_364, %get3A_365] {strides = array<i32>} : memref<128x64xf32, #tpu.memory_space<vmem>>, vector<16xf32>,
      %masked_sort3A_367 = arith.constant dense<true> : vector<16xi1>
      %masked_sort3A_368, %masked_sort3A_369, %masked_sort3A_370 = tpu.sort %get3A_357, %add3A_15 masked %masked_sort3A_367 : (vector<16xf32>, vector<16xi32>, vector<16xi1>) -> (vector<16xi1>, vector<16xf32>, vector<16xi32>)
      %masked_sort3A_371 = arith.constant dense<true> : vector<16xi1>
      %masked_sort3A_372, %masked_sort3A_373, %masked_sort3A_374 = tpu.sort %get3A_360, %add3A_18 masked %masked_sort3A_371 {descending = true} : (vector<16xf32>, vector<16xi32>, vector<16xi1>) -> (vector<16xi1>, vector<16xf32>, vector<16xi32>)
      %masked_sort3A_375 = arith.constant dense<true> : vector<16xi1>
      %masked_sort3A_376, %masked_sort3A_377, %masked_sort3A_378 = tpu.sort %get3A_363, %add3A_21 masked %masked_sort3A_375 : (vector<16xf32>, vector<16xi32>, vector<16xi1>) -> (vector<16xi1>, vector<16xf32>, vector<16xi32>)
      %masked_sort3A_379 = arith.constant dense<true> : vector<16xi1>
      %masked_sort3A_380, %masked_sort3A_381, %masked_sort3A_382 = tpu.sort %get3A_366, %add3A_24 masked %masked_sort3A_379 {descending = true} : (vector<16xf32>, vector<16xi32>, vector<16xi1>) -> (vector<16xi1>, vector<16xf32>, vector<16xi32>)
      %ge3A_383 = arith.cmpf oge, %masked_sort3A_369, %masked_sort3A_373 : vector<16xf32>
      %max3A_384 = arith.maximumf %masked_sort3A_369, %masked_sort3A_373 : vector<16xf32>
      %select_n3A_385 = arith.select %ge3A_383, %masked_sort3A_370, %masked_sort3A_374 : vector<16xi1>, vector<16xi32>
      %ge3A_386 = arith.cmpf oge, %masked_sort3A_377, %masked_sort3A_381 : vector<16xf32>
      %max3A_387 = arith.maximumf %masked_sort3A_377, %masked_sort3A_381 : vector<16xf32>
      %select_n3A_388 = arith.select %ge3A_386, %masked_sort3A_378, %masked_sort3A_382 : vector<16xi1>, vector<16xi32>
      %broadcast_in_dim3A_389 = vector.shape_cast %and3A_12 : vector<16xi32> to vector<16x1xi32>
      %gather3A_390 = vector.shape_cast %broadcast_in_dim3A_389 : vector<16x1xi32> to vector<16xi32>
      %gather3A_391 = tpu.dynamic_gather %max3A_384[%gather3A_390] in [0] : vector<16xf32>, vector<16xi32> -> vector<16xf32>
      %broadcast_in_dim3A_392 = vector.shape_cast %and3A_12 : vector<16xi32> to vector<16x1xi32>
      %gather3A_393 = vector.shape_cast %broadcast_in_dim3A_392 : vector<16x1xi32> to vector<16xi32>
      %gather3A_394 = tpu.dynamic_gather %select_n3A_385[%gather3A_393] in [0] : vector<16xi32>, vector<16xi32> -> vector<16xi32>
      %ge3A_395 = arith.cmpf oge, %max3A_384, %gather3A_391 : vector<16xf32>
      %max3A_396 = arith.maximumf %max3A_384, %gather3A_391 : vector<16xf32>
      %select_n3A_397 = arith.select %ge3A_395, %select_n3A_385, %gather3A_394 : vector<16xi1>, vector<16xi32>
      %broadcast_in_dim3A_398 = vector.shape_cast %and3A_12 : vector<16xi32> to vector<16x1xi32>
      %gather3A_399 = vector.shape_cast %broadcast_in_dim3A_398 : vector<16x1xi32> to vector<16xi32>
      %gather3A_400 = tpu.dynamic_gather %max3A_387[%gather3A_399] in [0] : vector<16xf32>, vector<16xi32> -> vector<16xf32>
      %broadcast_in_dim3A_401 = vector.shape_cast %and3A_12 : vector<16xi32> to vector<16x1xi32>
      %gather3A_402 = vector.shape_cast %broadcast_in_dim3A_401 : vector<16x1xi32> to vector<16xi32>
      %gather3A_403 = tpu.dynamic_gather %select_n3A_388[%gather3A_402] in [0] : vector<16xi32>, vector<16xi32> -> vector<16xi32>
      %ge3A_404 = arith.cmpf oge, %max3A_387, %gather3A_400 : vector<16xf32>
      %max3A_405 = arith.maximumf %max3A_387, %gather3A_400 : vector<16xf32>
      %select_n3A_406 = arith.select %ge3A_404, %select_n3A_388, %gather3A_403 : vector<16xi1>, vector<16xi32>
      %select_n3A_407 = arith.select %lt3A_6, %max3A_396, %max3A_405 : vector<16xi1>, vector<16xf32>
      %select_n3A_408 = arith.select %lt3A_6, %select_n3A_397, %select_n3A_406 : vector<16xi1>, vector<16xi32>
      %masked_sort3A_409 = arith.constant dense<true> : vector<16xi1>
      %masked_sort3A_410, %masked_sort3A_411, %masked_sort3A_412 = tpu.sort %select_n3A_407, %select_n3A_408 masked %masked_sort3A_409 : (vector<16xf32>, vector<16xi32>, vector<16xi1>) -> (vector<16xi1>, vector<16xf32>, vector<16xi32>)
      %exp3A_413 = math.exp %masked_sort3A_411 : vector<16xf32>
      %jit3A_414 = arith.constant 0.000000e+00 : f32
      %broadcast_in_dim3A_415 = vector.broadcast %jit3A_414 : f32 to vector<16xf32>
      %select_n3A_416 = arith.select %ge3A_4, %exp3A_413, %broadcast_in_dim3A_415 : vector<16xi1>, vector<16xf32>
      %broadcast_in_dim3A_417 = arith.constant true
      %broadcast_in_dim3A_418 = vector.broadcast %broadcast_in_dim3A_417 : i1 to vector<16xi1>
      %masked_cumsum3A_419 = tpu.scan <sum>, %select_n3A_416 masked %broadcast_in_dim3A_418 : vector<16xf32>, vector<16xi1> -> vector<16xf32>
      %broadcast_in_dim3A_420 = vector.shape_cast %broadcast_in_dim3A_7 : vector<16xi32> to vector<16x1xi32>
      %gather3A_421 = vector.shape_cast %broadcast_in_dim3A_420 : vector<16x1xi32> to vector<16xi32>
      %gather3A_422 = tpu.dynamic_gather %masked_cumsum3A_419[%gather3A_421] in [0] : vector<16xf32>, vector<16xi32> -> vector<16xf32>
      %div3A_423 = arith.constant 6.400000e+01 : f32
      %div3A_424 = vector.broadcast %div3A_423 : f32 to vector<16xf32>
      %div3A_425 = arith.divf %div3A_424, %gather3A_422 : vector<16xf32>
      %mul3A_426 = arith.mulf %exp3A_413, %div3A_425 : vector<16xf32>
      %swap3A_427 = arith.index_cast %add3A_354 : i32 to index
      %swap3A_428 = arith.constant 0 : index
      %swap3A_429 = tpu.vector_load %arg7[%swap3A_427, %swap3A_428] {strides = array<i32>} : memref<128x64xf32, #tpu.memory_space<vmem>>, vector<16xf32>,
      tpu.vector_store %arg7[%swap3A_427, %swap3A_428], %broadcast_in_dim3A_26 {strides = array<i32>} : memref<128x64xf32, #tpu.memory_space<vmem>>, vector<16xf32>,
      %swap3A_430 = arith.index_cast %add3A_354 : i32 to index
      %swap3A_431 = arith.constant 16 : index
      %swap3A_432 = tpu.vector_load %arg7[%swap3A_430, %swap3A_431] {strides = array<i32>} : memref<128x64xf32, #tpu.memory_space<vmem>>, vector<16xf32>,
      tpu.vector_store %arg7[%swap3A_430, %swap3A_431], %broadcast_in_dim3A_26 {strides = array<i32>} : memref<128x64xf32, #tpu.memory_space<vmem>>, vector<16xf32>,
      %swap3A_433 = arith.index_cast %add3A_354 : i32 to index
      %swap3A_434 = arith.constant 32 : index
      %swap3A_435 = tpu.vector_load %arg7[%swap3A_433, %swap3A_434] {strides = array<i32>} : memref<128x64xf32, #tpu.memory_space<vmem>>, vector<16xf32>,
      tpu.vector_store %arg7[%swap3A_433, %swap3A_434], %broadcast_in_dim3A_26 {strides = array<i32>} : memref<128x64xf32, #tpu.memory_space<vmem>>, vector<16xf32>,
      %swap3A_436 = arith.index_cast %add3A_354 : i32 to index
      %swap3A_437 = arith.constant 48 : index
      %swap3A_438 = tpu.vector_load %arg7[%swap3A_436, %swap3A_437] {strides = array<i32>} : memref<128x64xf32, #tpu.memory_space<vmem>>, vector<16xf32>,
      tpu.vector_store %arg7[%swap3A_436, %swap3A_437], %broadcast_in_dim3A_26 {strides = array<i32>} : memref<128x64xf32, #tpu.memory_space<vmem>>, vector<16xf32>,
      %broadcast_in_dim3A_439 = vector.broadcast %add3A_354 : i32 to vector<16xi32>
      tpu.vector_store_idx %arg7[%broadcast_in_dim3A_439, %masked_sort3A_412], %mul3A_426 masked %ge3A_4 : memref<128x64xf32, #tpu.memory_space<vmem>>[vector<16xi32>, vector<16xi32>], vector<16xf32>, vector<16xi1>
      %add3A_440 = arith.constant 2 : i32
      %add3A_441 = arith.addi %mul3A_275, %add3A_440 : i32
      %get3A_442 = arith.index_cast %add3A_441 : i32 to index
      %get3A_443 = arith.constant 0 : index
      %get3A_444 = tpu.vector_load %arg5[%get3A_442, %get3A_443] {strides = array<i32>} : memref<128x64xf32, #tpu.memory_space<vmem>>, vector<16xf32>,
      %get3A_445 = arith.index_cast %add3A_441 : i32 to index
      %get3A_446 = arith.constant 16 : index
      %get3A_447 = tpu.vector_load %arg5[%get3A_445, %get3A_446] {strides = array<i32>} : memref<128x64xf32, #tpu.memory_space<vmem>>, vector<16xf32>,
      %get3A_448 = arith.index_cast %add3A_441 : i32 to index
      %get3A_449 = arith.constant 32 : index
      %get3A_450 = tpu.vector_load %arg5[%get3A_448, %get3A_449] {strides = array<i32>} : memref<128x64xf32, #tpu.memory_space<vmem>>, vector<16xf32>,
      %get3A_451 = arith.index_cast %add3A_441 : i32 to index
      %get3A_452 = arith.constant 48 : index
      %get3A_453 = tpu.vector_load %arg5[%get3A_451, %get3A_452] {strides = array<i32>} : memref<128x64xf32, #tpu.memory_space<vmem>>, vector<16xf32>,
      %masked_sort3A_454 = arith.constant dense<true> : vector<16xi1>
      %masked_sort3A_455, %masked_sort3A_456, %masked_sort3A_457 = tpu.sort %get3A_444, %add3A_15 masked %masked_sort3A_454 : (vector<16xf32>, vector<16xi32>, vector<16xi1>) -> (vector<16xi1>, vector<16xf32>, vector<16xi32>)
      %masked_sort3A_458 = arith.constant dense<true> : vector<16xi1>
      %masked_sort3A_459, %masked_sort3A_460, %masked_sort3A_461 = tpu.sort %get3A_447, %add3A_18 masked %masked_sort3A_458 {descending = true} : (vector<16xf32>, vector<16xi32>, vector<16xi1>) -> (vector<16xi1>, vector<16xf32>, vector<16xi32>)
      %masked_sort3A_462 = arith.constant dense<true> : vector<16xi1>
      %masked_sort3A_463, %masked_sort3A_464, %masked_sort3A_465 = tpu.sort %get3A_450, %add3A_21 masked %masked_sort3A_462 : (vector<16xf32>, vector<16xi32>, vector<16xi1>) -> (vector<16xi1>, vector<16xf32>, vector<16xi32>)
      %masked_sort3A_466 = arith.constant dense<true> : vector<16xi1>
      %masked_sort3A_467, %masked_sort3A_468, %masked_sort3A_469 = tpu.sort %get3A_453, %add3A_24 masked %masked_sort3A_466 {descending = true} : (vector<16xf32>, vector<16xi32>, vector<16xi1>) -> (vector<16xi1>, vector<16xf32>, vector<16xi32>)
      %ge3A_470 = arith.cmpf oge, %masked_sort3A_456, %masked_sort3A_460 : vector<16xf32>
      %max3A_471 = arith.maximumf %masked_sort3A_456, %masked_sort3A_460 : vector<16xf32>
      %select_n3A_472 = arith.select %ge3A_470, %masked_sort3A_457, %masked_sort3A_461 : vector<16xi1>, vector<16xi32>
      %ge3A_473 = arith.cmpf oge, %masked_sort3A_464, %masked_sort3A_468 : vector<16xf32>
      %max3A_474 = arith.maximumf %masked_sort3A_464, %masked_sort3A_468 : vector<16xf32>
      %select_n3A_475 = arith.select %ge3A_473, %masked_sort3A_465, %masked_sort3A_469 : vector<16xi1>, vector<16xi32>
      %broadcast_in_dim3A_476 = vector.shape_cast %and3A_12 : vector<16xi32> to vector<16x1xi32>
      %gather3A_477 = vector.shape_cast %broadcast_in_dim3A_476 : vector<16x1xi32> to vector<16xi32>
      %gather3A_478 = tpu.dynamic_gather %max3A_471[%gather3A_477] in [0] : vector<16xf32>, vector<16xi32> -> vector<16xf32>
      %broadcast_in_dim3A_479 = vector.shape_cast %and3A_12 : vector<16xi32> to vector<16x1xi32>
      %gather3A_480 = vector.shape_cast %broadcast_in_dim3A_479 : vector<16x1xi32> to vector<16xi32>
      %gather3A_481 = tpu.dynamic_gather %select_n3A_472[%gather3A_480] in [0] : vector<16xi32>, vector<16xi32> -> vector<16xi32>
      %ge3A_482 = arith.cmpf oge, %max3A_471, %gather3A_478 : vector<16xf32>
      %max3A_483 = arith.maximumf %max3A_471, %gather3A_478 : vector<16xf32>
      %select_n3A_484 = arith.select %ge3A_482, %select_n3A_472, %gather3A_481 : vector<16xi1>, vector<16xi32>
      %broadcast_in_dim3A_485 = vector.shape_cast %and3A_12 : vector<16xi32> to vector<16x1xi32>
      %gather3A_486 = vector.shape_cast %broadcast_in_dim3A_485 : vector<16x1xi32> to vector<16xi32>
      %gather3A_487 = tpu.dynamic_gather %max3A_474[%gather3A_486] in [0] : vector<16xf32>, vector<16xi32> -> vector<16xf32>
      %broadcast_in_dim3A_488 = vector.shape_cast %and3A_12 : vector<16xi32> to vector<16x1xi32>
      %gather3A_489 = vector.shape_cast %broadcast_in_dim3A_488 : vector<16x1xi32> to vector<16xi32>
      %gather3A_490 = tpu.dynamic_gather %select_n3A_475[%gather3A_489] in [0] : vector<16xi32>, vector<16xi32> -> vector<16xi32>
      %ge3A_491 = arith.cmpf oge, %max3A_474, %gather3A_487 : vector<16xf32>
      %max3A_492 = arith.maximumf %max3A_474, %gather3A_487 : vector<16xf32>
      %select_n3A_493 = arith.select %ge3A_491, %select_n3A_475, %gather3A_490 : vector<16xi1>, vector<16xi32>
      %select_n3A_494 = arith.select %lt3A_6, %max3A_483, %max3A_492 : vector<16xi1>, vector<16xf32>
      %select_n3A_495 = arith.select %lt3A_6, %select_n3A_484, %select_n3A_493 : vector<16xi1>, vector<16xi32>
      %masked_sort3A_496 = arith.constant dense<true> : vector<16xi1>
      %masked_sort3A_497, %masked_sort3A_498, %masked_sort3A_499 = tpu.sort %select_n3A_494, %select_n3A_495 masked %masked_sort3A_496 : (vector<16xf32>, vector<16xi32>, vector<16xi1>) -> (vector<16xi1>, vector<16xf32>, vector<16xi32>)
      %exp3A_500 = math.exp %masked_sort3A_498 : vector<16xf32>
      %jit3A_501 = arith.constant 0.000000e+00 : f32
      %broadcast_in_dim3A_502 = vector.broadcast %jit3A_501 : f32 to vector<16xf32>
      %select_n3A_503 = arith.select %ge3A_4, %exp3A_500, %broadcast_in_dim3A_502 : vector<16xi1>, vector<16xf32>
      %broadcast_in_dim3A_504 = arith.constant true
      %broadcast_in_dim3A_505 = vector.broadcast %broadcast_in_dim3A_504 : i1 to vector<16xi1>
      %masked_cumsum3A_506 = tpu.scan <sum>, %select_n3A_503 masked %broadcast_in_dim3A_505 : vector<16xf32>, vector<16xi1> -> vector<16xf32>
      %broadcast_in_dim3A_507 = vector.shape_cast %broadcast_in_dim3A_7 : vector<16xi32> to vector<16x1xi32>
      %gather3A_508 = vector.shape_cast %broadcast_in_dim3A_507 : vector<16x1xi32> to vector<16xi32>
      %gather3A_509 = tpu.dynamic_gather %masked_cumsum3A_506[%gather3A_508] in [0] : vector<16xf32>, vector<16xi32> -> vector<16xf32>
      %div3A_510 = arith.constant 6.400000e+01 : f32
      %div3A_511 = vector.broadcast %div3A_510 : f32 to vector<16xf32>
      %div3A_512 = arith.divf %div3A_511, %gather3A_509 : vector<16xf32>
      %mul3A_513 = arith.mulf %exp3A_500, %div3A_512 : vector<16xf32>
      %swap3A_514 = arith.index_cast %add3A_441 : i32 to index
      %swap3A_515 = arith.constant 0 : index
      %swap3A_516 = tpu.vector_load %arg7[%swap3A_514, %swap3A_515] {strides = array<i32>} : memref<128x64xf32, #tpu.memory_space<vmem>>, vector<16xf32>,
      tpu.vector_store %arg7[%swap3A_514, %swap3A_515], %broadcast_in_dim3A_26 {strides = array<i32>} : memref<128x64xf32, #tpu.memory_space<vmem>>, vector<16xf32>,
      %swap3A_517 = arith.index_cast %add3A_441 : i32 to index
      %swap3A_518 = arith.constant 16 : index
      %swap3A_519 = tpu.vector_load %arg7[%swap3A_517, %swap3A_518] {strides = array<i32>} : memref<128x64xf32, #tpu.memory_space<vmem>>, vector<16xf32>,
      tpu.vector_store %arg7[%swap3A_517, %swap3A_518], %broadcast_in_dim3A_26 {strides = array<i32>} : memref<128x64xf32, #tpu.memory_space<vmem>>, vector<16xf32>,
      %swap3A_520 = arith.index_cast %add3A_441 : i32 to index
      %swap3A_521 = arith.constant 32 : index
      %swap3A_522 = tpu.vector_load %arg7[%swap3A_520, %swap3A_521] {strides = array<i32>} : memref<128x64xf32, #tpu.memory_space<vmem>>, vector<16xf32>,
      tpu.vector_store %arg7[%swap3A_520, %swap3A_521], %broadcast_in_dim3A_26 {strides = array<i32>} : memref<128x64xf32, #tpu.memory_space<vmem>>, vector<16xf32>,
      %swap3A_523 = arith.index_cast %add3A_441 : i32 to index
      %swap3A_524 = arith.constant 48 : index
      %swap3A_525 = tpu.vector_load %arg7[%swap3A_523, %swap3A_524] {strides = array<i32>} : memref<128x64xf32, #tpu.memory_space<vmem>>, vector<16xf32>,
      tpu.vector_store %arg7[%swap3A_523, %swap3A_524], %broadcast_in_dim3A_26 {strides = array<i32>} : memref<128x64xf32, #tpu.memory_space<vmem>>, vector<16xf32>,
      %broadcast_in_dim3A_526 = vector.broadcast %add3A_441 : i32 to vector<16xi32>
      tpu.vector_store_idx %arg7[%broadcast_in_dim3A_526, %masked_sort3A_499], %mul3A_513 masked %ge3A_4 : memref<128x64xf32, #tpu.memory_space<vmem>>[vector<16xi32>, vector<16xi32>], vector<16xf32>, vector<16xi1>
      %add3A_527 = arith.constant 3 : i32
      %add3A_528 = arith.addi %mul3A_275, %add3A_527 : i32
      %get3A_529 = arith.index_cast %add3A_528 : i32 to index
      %get3A_530 = arith.constant 0 : index
      %get3A_531 = tpu.vector_load %arg5[%get3A_529, %get3A_530] {strides = array<i32>} : memref<128x64xf32, #tpu.memory_space<vmem>>, vector<16xf32>,
      %get3A_532 = arith.index_cast %add3A_528 : i32 to index
      %get3A_533 = arith.constant 16 : index
      %get3A_534 = tpu.vector_load %arg5[%get3A_532, %get3A_533] {strides = array<i32>} : memref<128x64xf32, #tpu.memory_space<vmem>>, vector<16xf32>,
      %get3A_535 = arith.index_cast %add3A_528 : i32 to index
      %get3A_536 = arith.constant 32 : index
      %get3A_537 = tpu.vector_load %arg5[%get3A_535, %get3A_536] {strides = array<i32>} : memref<128x64xf32, #tpu.memory_space<vmem>>, vector<16xf32>,
      %get3A_538 = arith.index_cast %add3A_528 : i32 to index
      %get3A_539 = arith.constant 48 : index
      %get3A_540 = tpu.vector_load %arg5[%get3A_538, %get3A_539] {strides = array<i32>} : memref<128x64xf32, #tpu.memory_space<vmem>>, vector<16xf32>,
      %masked_sort3A_541 = arith.constant dense<true> : vector<16xi1>
      %masked_sort3A_542, %masked_sort3A_543, %masked_sort3A_544 = tpu.sort %get3A_531, %add3A_15 masked %masked_sort3A_541 : (vector<16xf32>, vector<16xi32>, vector<16xi1>) -> (vector<16xi1>, vector<16xf32>, vector<16xi32>)
      %masked_sort3A_545 = arith.constant dense<true> : vector<16xi1>
      %masked_sort3A_546, %masked_sort3A_547, %masked_sort3A_548 = tpu.sort %get3A_534, %add3A_18 masked %masked_sort3A_545 {descending = true} : (vector<16xf32>, vector<16xi32>, vector<16xi1>) -> (vector<16xi1>, vector<16xf32>, vector<16xi32>)
      %masked_sort3A_549 = arith.constant dense<true> : vector<16xi1>
      %masked_sort3A_550, %masked_sort3A_551, %masked_sort3A_552 = tpu.sort %get3A_537, %add3A_21 masked %masked_sort3A_549 : (vector<16xf32>, vector<16xi32>, vector<16xi1>) -> (vector<16xi1>, vector<16xf32>, vector<16xi32>)
      %masked_sort3A_553 = arith.constant dense<true> : vector<16xi1>
      %masked_sort3A_554, %masked_sort3A_555, %masked_sort3A_556 = tpu.sort %get3A_540, %add3A_24 masked %masked_sort3A_553 {descending = true} : (vector<16xf32>, vector<16xi32>, vector<16xi1>) -> (vector<16xi1>, vector<16xf32>, vector<16xi32>)
      %ge3A_557 = arith.cmpf oge, %masked_sort3A_543, %masked_sort3A_547 : vector<16xf32>
      %max3A_558 = arith.maximumf %masked_sort3A_543, %masked_sort3A_547 : vector<16xf32>
      %select_n3A_559 = arith.select %ge3A_557, %masked_sort3A_544, %masked_sort3A_548 : vector<16xi1>, vector<16xi32>
      %ge3A_560 = arith.cmpf oge, %masked_sort3A_551, %masked_sort3A_555 : vector<16xf32>
      %max3A_561 = arith.maximumf %masked_sort3A_551, %masked_sort3A_555 : vector<16xf32>
      %select_n3A_562 = arith.select %ge3A_560, %masked_sort3A_552, %masked_sort3A_556 : vector<16xi1>, vector<16xi32>
      %broadcast_in_dim3A_563 = vector.shape_cast %and3A_12 : vector<16xi32> to vector<16x1xi32>
      %gather3A_564 = vector.shape_cast %broadcast_in_dim3A_563 : vector<16x1xi32> to vector<16xi32>
      %gather3A_565 = tpu.dynamic_gather %max3A_558[%gather3A_564] in [0] : vector<16xf32>, vector<16xi32> -> vector<16xf32>
      %broadcast_in_dim3A_566 = vector.shape_cast %and3A_12 : vector<16xi32> to vector<16x1xi32>
      %gather3A_567 = vector.shape_cast %broadcast_in_dim3A_566 : vector<16x1xi32> to vector<16xi32>
      %gather3A_568 = tpu.dynamic_gather %select_n3A_559[%gather3A_567] in [0] : vector<16xi32>, vector<16xi32> -> vector<16xi32>
      %ge3A_569 = arith.cmpf oge, %max3A_558, %gather3A_565 : vector<16xf32>
      %max3A_570 = arith.maximumf %max3A_558, %gather3A_565 : vector<16xf32>
      %select_n3A_571 = arith.select %ge3A_569, %select_n3A_559, %gather3A_568 : vector<16xi1>, vector<16xi32>
      %broadcast_in_dim3A_572 = vector.shape_cast %and3A_12 : vector<16xi32> to vector<16x1xi32>
      %gather3A_573 = vector.shape_cast %broadcast_in_dim3A_572 : vector<16x1xi32> to vector<16xi32>
      %gather3A_574 = tpu.dynamic_gather %max3A_561[%gather3A_573] in [0] : vector<16xf32>, vector<16xi32> -> vector<16xf32>
      %broadcast_in_dim3A_575 = vector.shape_cast %and3A_12 : vector<16xi32> to vector<16x1xi32>
      %gather3A_576 = vector.shape_cast %broadcast_in_dim3A_575 : vector<16x1xi32> to vector<16xi32>
      %gather3A_577 = tpu.dynamic_gather %select_n3A_562[%gather3A_576] in [0] : vector<16xi32>, vector<16xi32> -> vector<16xi32>
      %ge3A_578 = arith.cmpf oge, %max3A_561, %gather3A_574 : vector<16xf32>
      %max3A_579 = arith.maximumf %max3A_561, %gather3A_574 : vector<16xf32>
      %select_n3A_580 = arith.select %ge3A_578, %select_n3A_562, %gather3A_577 : vector<16xi1>, vector<16xi32>
      %select_n3A_581 = arith.select %lt3A_6, %max3A_570, %max3A_579 : vector<16xi1>, vector<16xf32>
      %select_n3A_582 = arith.select %lt3A_6, %select_n3A_571, %select_n3A_580 : vector<16xi1>, vector<16xi32>
      %masked_sort3A_583 = arith.constant dense<true> : vector<16xi1>
      %masked_sort3A_584, %masked_sort3A_585, %masked_sort3A_586 = tpu.sort %select_n3A_581, %select_n3A_582 masked %masked_sort3A_583 : (vector<16xf32>, vector<16xi32>, vector<16xi1>) -> (vector<16xi1>, vector<16xf32>, vector<16xi32>)
      %exp3A_587 = math.exp %masked_sort3A_585 : vector<16xf32>
      %jit3A_588 = arith.constant 0.000000e+00 : f32
      %broadcast_in_dim3A_589 = vector.broadcast %jit3A_588 : f32 to vector<16xf32>
      %select_n3A_590 = arith.select %ge3A_4, %exp3A_587, %broadcast_in_dim3A_589 : vector<16xi1>, vector<16xf32>
      %broadcast_in_dim3A_591 = arith.constant true
      %broadcast_in_dim3A_592 = vector.broadcast %broadcast_in_dim3A_591 : i1 to vector<16xi1>
      %masked_cumsum3A_593 = tpu.scan <sum>, %select_n3A_590 masked %broadcast_in_dim3A_592 : vector<16xf32>, vector<16xi1> -> vector<16xf32>
      %broadcast_in_dim3A_594 = vector.shape_cast %broadcast_in_dim3A_7 : vector<16xi32> to vector<16x1xi32>
      %gather3A_595 = vector.shape_cast %broadcast_in_dim3A_594 : vector<16x1xi32> to vector<16xi32>
      %gather3A_596 = tpu.dynamic_gather %masked_cumsum3A_593[%gather3A_595] in [0] : vector<16xf32>, vector<16xi32> -> vector<16xf32>
      %div3A_597 = arith.constant 6.400000e+01 : f32
      %div3A_598 = vector.broadcast %div3A_597 : f32 to vector<16xf32>
      %div3A_599 = arith.divf %div3A_598, %gather3A_596 : vector<16xf32>
      %mul3A_600 = arith.mulf %exp3A_587, %div3A_599 : vector<16xf32>
      %swap3A_601 = arith.index_cast %add3A_528 : i32 to index
      %swap3A_602 = arith.constant 0 : index
      %swap3A_603 = tpu.vector_load %arg7[%swap3A_601, %swap3A_602] {strides = array<i32>} : memref<128x64xf32, #tpu.memory_space<vmem>>, vector<16xf32>,
      tpu.vector_store %arg7[%swap3A_601, %swap3A_602], %broadcast_in_dim3A_26 {strides = array<i32>} : memref<128x64xf32, #tpu.memory_space<vmem>>, vector<16xf32>,
      %swap3A_604 = arith.index_cast %add3A_528 : i32 to index
      %swap3A_605 = arith.constant 16 : index
      %swap3A_606 = tpu.vector_load %arg7[%swap3A_604, %swap3A_605] {strides = array<i32>} : memref<128x64xf32, #tpu.memory_space<vmem>>, vector<16xf32>,
      tpu.vector_store %arg7[%swap3A_604, %swap3A_605], %broadcast_in_dim3A_26 {strides = array<i32>} : memref<128x64xf32, #tpu.memory_space<vmem>>, vector<16xf32>,
      %swap3A_607 = arith.index_cast %add3A_528 : i32 to index
      %swap3A_608 = arith.constant 32 : index
      %swap3A_609 = tpu.vector_load %arg7[%swap3A_607, %swap3A_608] {strides = array<i32>} : memref<128x64xf32, #tpu.memory_space<vmem>>, vector<16xf32>,
      tpu.vector_store %arg7[%swap3A_607, %swap3A_608], %broadcast_in_dim3A_26 {strides = array<i32>} : memref<128x64xf32, #tpu.memory_space<vmem>>, vector<16xf32>,
      %swap3A_610 = arith.index_cast %add3A_528 : i32 to index
      %swap3A_611 = arith.constant 48 : index
      %swap3A_612 = tpu.vector_load %arg7[%swap3A_610, %swap3A_611] {strides = array<i32>} : memref<128x64xf32, #tpu.memory_space<vmem>>, vector<16xf32>,
      tpu.vector_store %arg7[%swap3A_610, %swap3A_611], %broadcast_in_dim3A_26 {strides = array<i32>} : memref<128x64xf32, #tpu.memory_space<vmem>>, vector<16xf32>,
      %broadcast_in_dim3A_613 = vector.broadcast %add3A_528 : i32 to vector<16xi32>
      tpu.vector_store_idx %arg7[%broadcast_in_dim3A_613, %masked_sort3A_586], %mul3A_600 masked %ge3A_4 : memref<128x64xf32, #tpu.memory_space<vmem>>[vector<16xi32>, vector<16xi32>], vector<16xf32>, vector<16xi1>
      %scan3A_614 = arith.constant 0 : i32
      scf.yield %scan3A_614 : i32
    }
    %scan3A_73 = arith.constant 32 : i32
    %add3A_74 = arith.constant 128 : i32
    %add3A_75 = arith.addi %mul3A_2, %add3A_74 : i32
    %dma_start3A_76 = arith.constant 0 : i32
    %dma_start3A_77 = tpu.memref_slice %arg3[%add3A_75, %dma_start3A_76] : memref<32768x64xf32, #tpu.memory_space<hbm>> -> memref<128x64xf32, #tpu.memory_space<hbm>>
    %dma_start3A_78 = arith.constant 0 : i32
    %dma_start3A_79 = tpu.memref_slice %arg3[%add3A_75, %dma_start3A_78] : memref<32768x64xf32, #tpu.memory_space<hbm>> -> memref<128x64xf32, #tpu.memory_space<hbm>>
    tpu.enqueue_dma source(%arg7 : memref<128x64xf32, #tpu.memory_space<vmem>>) target(%dma_start3A_79 : memref<128x64xf32, #tpu.memory_space<hbm>>) target_semaphore(%arg11 : memref<!tpu.dma_semaphore, #tpu.memory_space<semaphore_mem>>)
    %add3A_80 = arith.constant 384 : i32
    %add3A_81 = arith.addi %mul3A_2, %add3A_80 : i32
    %dma_start3A_82 = arith.constant 0 : i32
    %dma_start3A_83 = tpu.memref_slice %arg2[%add3A_81, %dma_start3A_82] : memref<32768x64xf32, #tpu.memory_space<hbm>> -> memref<128x64xf32, #tpu.memory_space<hbm>>
    %dma_start3A_84 = arith.constant 0 : i32
    %dma_start3A_85 = tpu.memref_slice %arg2[%add3A_81, %dma_start3A_84] : memref<32768x64xf32, #tpu.memory_space<hbm>> -> memref<128x64xf32, #tpu.memory_space<hbm>>
    tpu.enqueue_dma source(%dma_start3A_85 : memref<128x64xf32, #tpu.memory_space<hbm>>) target(%arg5 : memref<128x64xf32, #tpu.memory_space<vmem>>) target_semaphore(%arg9 : memref<!tpu.dma_semaphore, #tpu.memory_space<semaphore_mem>>)
    %add3A_86 = arith.constant 256 : i32
    %add3A_87 = arith.addi %mul3A_2, %add3A_86 : i32
    %dma_wait3A_88 = arith.constant 0 : i32
    %dma_wait3A_89 = tpu.memref_slice %arg2[%add3A_87, %dma_wait3A_88] : memref<32768x64xf32, #tpu.memory_space<hbm>> -> memref<128x64xf32, #tpu.memory_space<hbm>>
    %dma_wait3A_90 = arith.constant 0 : i32
    %dma_wait3A_91 = tpu.memref_slice %arg2[%add3A_87, %dma_wait3A_90] : memref<32768x64xf32, #tpu.memory_space<hbm>> -> memref<128x64xf32, #tpu.memory_space<hbm>>
    tpu.wait_dma2 semaphore(%arg8 : memref<!tpu.dma_semaphore, #tpu.memory_space<semaphore_mem>>) src(%dma_wait3A_91 : memref<128x64xf32, #tpu.memory_space<hbm>>) dst(%arg4 : memref<128x64xf32, #tpu.memory_space<vmem>>)
    %add3A_92 = arith.constant 0 : i32
    %add3A_93 = arith.addi %mul3A_2, %add3A_92 : i32
    %dma_wait3A_94 = arith.constant 0 : i32
    %dma_wait3A_95 = tpu.memref_slice %arg3[%add3A_93, %dma_wait3A_94] : memref<32768x64xf32, #tpu.memory_space<hbm>> -> memref<128x64xf32, #tpu.memory_space<hbm>>
    %dma_wait3A_96 = arith.constant 0 : i32
    %dma_wait3A_97 = tpu.memref_slice %arg3[%add3A_93, %dma_wait3A_96] : memref<32768x64xf32, #tpu.memory_space<hbm>> -> memref<128x64xf32, #tpu.memory_space<hbm>>
    tpu.wait_dma2 semaphore(%arg10 : memref<!tpu.dma_semaphore, #tpu.memory_space<semaphore_mem>>) src(%arg6 : memref<128x64xf32, #tpu.memory_space<vmem>>) dst(%dma_wait3A_97 : memref<128x64xf32, #tpu.memory_space<hbm>>)
    %scan3A_98 = arith.constant 0 : i32
    %scan3A_99 = arith.constant 0 : i32
    %scan3A_100 = arith.constant 32 : i32
    %scan3A_101 = arith.addi %scan3A_99, %scan3A_100 : i32
    %scan3A_102 = arith.constant 1 : i32
    %scan3A_103 = scf.for %scan3A_272 = %scan3A_99 to %scan3A_101 step %scan3A_102 iter_args(%scan3A_273 = %scan3A_98) -> (i32)  : i32 {
      %mul3A_274 = arith.constant 4 : i32
      %mul3A_275 = arith.muli %scan3A_272, %mul3A_274 : i32
      %add3A_276 = arith.constant 0 : i32
      %add3A_277 = arith.addi %mul3A_275, %add3A_276 : i32
      %get3A = arith.index_cast %add3A_277 : i32 to index
      %get3A_278 = arith.constant 0 : index
      %get3A_279 = tpu.vector_load %arg4[%get3A, %get3A_278] {strides = array<i32>} : memref<128x64xf32, #tpu.memory_space<vmem>>, vector<16xf32>,
      %get3A_280 = arith.index_cast %add3A_277 : i32 to index
      %get3A_281 = arith.constant 16 : index
      %get3A_282 = tpu.vector_load %arg4[%get3A_280, %get3A_281] {strides = array<i32>} : memref<128x64xf32, #tpu.memory_space<vmem>>, vector<16xf32>,
      %get3A_283 = arith.index_cast %add3A_277 : i32 to index
      %get3A_284 = arith.constant 32 : index
      %get3A_285 = tpu.vector_load %arg4[%get3A_283, %get3A_284] {strides = array<i32>} : memref<128x64xf32, #tpu.memory_space<vmem>>, vector<16xf32>,
      %get3A_286 = arith.index_cast %add3A_277 : i32 to index
      %get3A_287 = arith.constant 48 : index
      %get3A_288 = tpu.vector_load %arg4[%get3A_286, %get3A_287] {strides = array<i32>} : memref<128x64xf32, #tpu.memory_space<vmem>>, vector<16xf32>,
      %masked_sort3A = arith.constant dense<true> : vector<16xi1>
      %masked_sort3A_289, %masked_sort3A_290, %masked_sort3A_291 = tpu.sort %get3A_279, %add3A_15 masked %masked_sort3A : (vector<16xf32>, vector<16xi32>, vector<16xi1>) -> (vector<16xi1>, vector<16xf32>, vector<16xi32>)
      %masked_sort3A_292 = arith.constant dense<true> : vector<16xi1>
      %masked_sort3A_293, %masked_sort3A_294, %masked_sort3A_295 = tpu.sort %get3A_282, %add3A_18 masked %masked_sort3A_292 {descending = true} : (vector<16xf32>, vector<16xi32>, vector<16xi1>) -> (vector<16xi1>, vector<16xf32>, vector<16xi32>)
      %masked_sort3A_296 = arith.constant dense<true> : vector<16xi1>
      %masked_sort3A_297, %masked_sort3A_298, %masked_sort3A_299 = tpu.sort %get3A_285, %add3A_21 masked %masked_sort3A_296 : (vector<16xf32>, vector<16xi32>, vector<16xi1>) -> (vector<16xi1>, vector<16xf32>, vector<16xi32>)
      %masked_sort3A_300 = arith.constant dense<true> : vector<16xi1>
      %masked_sort3A_301, %masked_sort3A_302, %masked_sort3A_303 = tpu.sort %get3A_288, %add3A_24 masked %masked_sort3A_300 {descending = true} : (vector<16xf32>, vector<16xi32>, vector<16xi1>) -> (vector<16xi1>, vector<16xf32>, vector<16xi32>)
      %ge3A_304 = arith.cmpf oge, %masked_sort3A_290, %masked_sort3A_294 : vector<16xf32>
      %max3A = arith.maximumf %masked_sort3A_290, %masked_sort3A_294 : vector<16xf32>
      %select_n3A = arith.select %ge3A_304, %masked_sort3A_291, %masked_sort3A_295 : vector<16xi1>, vector<16xi32>
      %ge3A_305 = arith.cmpf oge, %masked_sort3A_298, %masked_sort3A_302 : vector<16xf32>
      %max3A_306 = arith.maximumf %masked_sort3A_298, %masked_sort3A_302 : vector<16xf32>
      %select_n3A_307 = arith.select %ge3A_305, %masked_sort3A_299, %masked_sort3A_303 : vector<16xi1>, vector<16xi32>
      %broadcast_in_dim3A_308 = vector.shape_cast %and3A_12 : vector<16xi32> to vector<16x1xi32>
      %gather3A = vector.shape_cast %broadcast_in_dim3A_308 : vector<16x1xi32> to vector<16xi32>
      %gather3A_309 = tpu.dynamic_gather %max3A[%gather3A] in [0] : vector<16xf32>, vector<16xi32> -> vector<16xf32>
      %broadcast_in_dim3A_310 = vector.shape_cast %and3A_12 : vector<16xi32> to vector<16x1xi32>
      %gather3A_311 = vector.shape_cast %broadcast_in_dim3A_310 : vector<16x1xi32> to vector<16xi32>
      %gather3A_312 = tpu.dynamic_gather %select_n3A[%gather3A_311] in [0] : vector<16xi32>, vector<16xi32> -> vector<16xi32>
      %ge3A_313 = arith.cmpf oge, %max3A, %gather3A_309 : vector<16xf32>
      %max3A_314 = arith.maximumf %max3A, %gather3A_309 : vector<16xf32>
      %select_n3A_315 = arith.select %ge3A_313, %select_n3A, %gather3A_312 : vector<16xi1>, vector<16xi32>
      %broadcast_in_dim3A_316 = vector.shape_cast %and3A_12 : vector<16xi32> to vector<16x1xi32>
      %gather3A_317 = vector.shape_cast %broadcast_in_dim3A_316 : vector<16x1xi32> to vector<16xi32>
      %gather3A_318 = tpu.dynamic_gather %max3A_306[%gather3A_317] in [0] : vector<16xf32>, vector<16xi32> -> vector<16xf32>
      %broadcast_in_dim3A_319 = vector.shape_cast %and3A_12 : vector<16xi32> to vector<16x1xi32>
      %gather3A_320 = vector.shape_cast %broadcast_in_dim3A_319 : vector<16x1xi32> to vector<16xi32>
      %gather3A_321 = tpu.dynamic_gather %select_n3A_307[%gather3A_320] in [0] : vector<16xi32>, vector<16xi32> -> vector<16xi32>
      %ge3A_322 = arith.cmpf oge, %max3A_306, %gather3A_318 : vector<16xf32>
      %max3A_323 = arith.maximumf %max3A_306, %gather3A_318 : vector<16xf32>
      %select_n3A_324 = arith.select %ge3A_322, %select_n3A_307, %gather3A_321 : vector<16xi1>, vector<16xi32>
      %select_n3A_325 = arith.select %lt3A_6, %max3A_314, %max3A_323 : vector<16xi1>, vector<16xf32>
      %select_n3A_326 = arith.select %lt3A_6, %select_n3A_315, %select_n3A_324 : vector<16xi1>, vector<16xi32>
      %masked_sort3A_327 = arith.constant dense<true> : vector<16xi1>
      %masked_sort3A_328, %masked_sort3A_329, %masked_sort3A_330 = tpu.sort %select_n3A_325, %select_n3A_326 masked %masked_sort3A_327 : (vector<16xf32>, vector<16xi32>, vector<16xi1>) -> (vector<16xi1>, vector<16xf32>, vector<16xi32>)
      %exp3A = math.exp %masked_sort3A_329 : vector<16xf32>
      %jit3A = arith.constant 0.000000e+00 : f32
      %broadcast_in_dim3A_331 = vector.broadcast %jit3A : f32 to vector<16xf32>
      %select_n3A_332 = arith.select %ge3A_4, %exp3A, %broadcast_in_dim3A_331 : vector<16xi1>, vector<16xf32>
      %broadcast_in_dim3A_333 = arith.constant true
      %broadcast_in_dim3A_334 = vector.broadcast %broadcast_in_dim3A_333 : i1 to vector<16xi1>
      %masked_cumsum3A = tpu.scan <sum>, %select_n3A_332 masked %broadcast_in_dim3A_334 : vector<16xf32>, vector<16xi1> -> vector<16xf32>
      %broadcast_in_dim3A_335 = vector.shape_cast %broadcast_in_dim3A_7 : vector<16xi32> to vector<16x1xi32>
      %gather3A_336 = vector.shape_cast %broadcast_in_dim3A_335 : vector<16x1xi32> to vector<16xi32>
      %gather3A_337 = tpu.dynamic_gather %masked_cumsum3A[%gather3A_336] in [0] : vector<16xf32>, vector<16xi32> -> vector<16xf32>
      %div3A = arith.constant 6.400000e+01 : f32
      %div3A_338 = vector.broadcast %div3A : f32 to vector<16xf32>
      %div3A_339 = arith.divf %div3A_338, %gather3A_337 : vector<16xf32>
      %mul3A_340 = arith.mulf %exp3A, %div3A_339 : vector<16xf32>
      %swap3A = arith.index_cast %add3A_277 : i32 to index
      %swap3A_341 = arith.constant 0 : index
      %swap3A_342 = tpu.vector_load %arg6[%swap3A, %swap3A_341] {strides = array<i32>} : memref<128x64xf32, #tpu.memory_space<vmem>>, vector<16xf32>,
      tpu.vector_store %arg6[%swap3A, %swap3A_341], %broadcast_in_dim3A_26 {strides = array<i32>} : memref<128x64xf32, #tpu.memory_space<vmem>>, vector<16xf32>,
      %swap3A_343 = arith.index_cast %add3A_277 : i32 to index
      %swap3A_344 = arith.constant 16 : index
      %swap3A_345 = tpu.vector_load %arg6[%swap3A_343, %swap3A_344] {strides = array<i32>} : memref<128x64xf32, #tpu.memory_space<vmem>>, vector<16xf32>,
      tpu.vector_store %arg6[%swap3A_343, %swap3A_344], %broadcast_in_dim3A_26 {strides = array<i32>} : memref<128x64xf32, #tpu.memory_space<vmem>>, vector<16xf32>,
      %swap3A_346 = arith.index_cast %add3A_277 : i32 to index
      %swap3A_347 = arith.constant 32 : index
      %swap3A_348 = tpu.vector_load %arg6[%swap3A_346, %swap3A_347] {strides = array<i32>} : memref<128x64xf32, #tpu.memory_space<vmem>>, vector<16xf32>,
      tpu.vector_store %arg6[%swap3A_346, %swap3A_347], %broadcast_in_dim3A_26 {strides = array<i32>} : memref<128x64xf32, #tpu.memory_space<vmem>>, vector<16xf32>,
      %swap3A_349 = arith.index_cast %add3A_277 : i32 to index
      %swap3A_350 = arith.constant 48 : index
      %swap3A_351 = tpu.vector_load %arg6[%swap3A_349, %swap3A_350] {strides = array<i32>} : memref<128x64xf32, #tpu.memory_space<vmem>>, vector<16xf32>,
      tpu.vector_store %arg6[%swap3A_349, %swap3A_350], %broadcast_in_dim3A_26 {strides = array<i32>} : memref<128x64xf32, #tpu.memory_space<vmem>>, vector<16xf32>,
      %broadcast_in_dim3A_352 = vector.broadcast %add3A_277 : i32 to vector<16xi32>
      tpu.vector_store_idx %arg6[%broadcast_in_dim3A_352, %masked_sort3A_330], %mul3A_340 masked %ge3A_4 : memref<128x64xf32, #tpu.memory_space<vmem>>[vector<16xi32>, vector<16xi32>], vector<16xf32>, vector<16xi1>
      %add3A_353 = arith.constant 1 : i32
      %add3A_354 = arith.addi %mul3A_275, %add3A_353 : i32
      %get3A_355 = arith.index_cast %add3A_354 : i32 to index
      %get3A_356 = arith.constant 0 : index
      %get3A_357 = tpu.vector_load %arg4[%get3A_355, %get3A_356] {strides = array<i32>} : memref<128x64xf32, #tpu.memory_space<vmem>>, vector<16xf32>,
      %get3A_358 = arith.index_cast %add3A_354 : i32 to index
      %get3A_359 = arith.constant 16 : index
      %get3A_360 = tpu.vector_load %arg4[%get3A_358, %get3A_359] {strides = array<i32>} : memref<128x64xf32, #tpu.memory_space<vmem>>, vector<16xf32>,
      %get3A_361 = arith.index_cast %add3A_354 : i32 to index
      %get3A_362 = arith.constant 32 : index
      %get3A_363 = tpu.vector_load %arg4[%get3A_361, %get3A_362] {strides = array<i32>} : memref<128x64xf32, #tpu.memory_space<vmem>>, vector<16xf32>,
      %get3A_364 = arith.index_cast %add3A_354 : i32 to index
      %get3A_365 = arith.constant 48 : index
      %get3A_366 = tpu.vector_load %arg4[%get3A_364, %get3A_365] {strides = array<i32>} : memref<128x64xf32, #tpu.memory_space<vmem>>, vector<16xf32>,
      %masked_sort3A_367 = arith.constant dense<true> : vector<16xi1>
      %masked_sort3A_368, %masked_sort3A_369, %masked_sort3A_370 = tpu.sort %get3A_357, %add3A_15 masked %masked_sort3A_367 : (vector<16xf32>, vector<16xi32>, vector<16xi1>) -> (vector<16xi1>, vector<16xf32>, vector<16xi32>)
      %masked_sort3A_371 = arith.constant dense<true> : vector<16xi1>
      %masked_sort3A_372, %masked_sort3A_373, %masked_sort3A_374 = tpu.sort %get3A_360, %add3A_18 masked %masked_sort3A_371 {descending = true} : (vector<16xf32>, vector<16xi32>, vector<16xi1>) -> (vector<16xi1>, vector<16xf32>, vector<16xi32>)
      %masked_sort3A_375 = arith.constant dense<true> : vector<16xi1>
      %masked_sort3A_376, %masked_sort3A_377, %masked_sort3A_378 = tpu.sort %get3A_363, %add3A_21 masked %masked_sort3A_375 : (vector<16xf32>, vector<16xi32>, vector<16xi1>) -> (vector<16xi1>, vector<16xf32>, vector<16xi32>)
      %masked_sort3A_379 = arith.constant dense<true> : vector<16xi1>
      %masked_sort3A_380, %masked_sort3A_381, %masked_sort3A_382 = tpu.sort %get3A_366, %add3A_24 masked %masked_sort3A_379 {descending = true} : (vector<16xf32>, vector<16xi32>, vector<16xi1>) -> (vector<16xi1>, vector<16xf32>, vector<16xi32>)
      %ge3A_383 = arith.cmpf oge, %masked_sort3A_369, %masked_sort3A_373 : vector<16xf32>
      %max3A_384 = arith.maximumf %masked_sort3A_369, %masked_sort3A_373 : vector<16xf32>
      %select_n3A_385 = arith.select %ge3A_383, %masked_sort3A_370, %masked_sort3A_374 : vector<16xi1>, vector<16xi32>
      %ge3A_386 = arith.cmpf oge, %masked_sort3A_377, %masked_sort3A_381 : vector<16xf32>
      %max3A_387 = arith.maximumf %masked_sort3A_377, %masked_sort3A_381 : vector<16xf32>
      %select_n3A_388 = arith.select %ge3A_386, %masked_sort3A_378, %masked_sort3A_382 : vector<16xi1>, vector<16xi32>
      %broadcast_in_dim3A_389 = vector.shape_cast %and3A_12 : vector<16xi32> to vector<16x1xi32>
      %gather3A_390 = vector.shape_cast %broadcast_in_dim3A_389 : vector<16x1xi32> to vector<16xi32>
      %gather3A_391 = tpu.dynamic_gather %max3A_384[%gather3A_390] in [0] : vector<16xf32>, vector<16xi32> -> vector<16xf32>
      %broadcast_in_dim3A_392 = vector.shape_cast %and3A_12 : vector<16xi32> to vector<16x1xi32>
      %gather3A_393 = vector.shape_cast %broadcast_in_dim3A_392 : vector<16x1xi32> to vector<16xi32>
      %gather3A_394 = tpu.dynamic_gather %select_n3A_385[%gather3A_393] in [0] : vector<16xi32>, vector<16xi32> -> vector<16xi32>
      %ge3A_395 = arith.cmpf oge, %max3A_384, %gather3A_391 : vector<16xf32>
      %max3A_396 = arith.maximumf %max3A_384, %gather3A_391 : vector<16xf32>
      %select_n3A_397 = arith.select %ge3A_395, %select_n3A_385, %gather3A_394 : vector<16xi1>, vector<16xi32>
      %broadcast_in_dim3A_398 = vector.shape_cast %and3A_12 : vector<16xi32> to vector<16x1xi32>
      %gather3A_399 = vector.shape_cast %broadcast_in_dim3A_398 : vector<16x1xi32> to vector<16xi32>
      %gather3A_400 = tpu.dynamic_gather %max3A_387[%gather3A_399] in [0] : vector<16xf32>, vector<16xi32> -> vector<16xf32>
      %broadcast_in_dim3A_401 = vector.shape_cast %and3A_12 : vector<16xi32> to vector<16x1xi32>
      %gather3A_402 = vector.shape_cast %broadcast_in_dim3A_401 : vector<16x1xi32> to vector<16xi32>
      %gather3A_403 = tpu.dynamic_gather %select_n3A_388[%gather3A_402] in [0] : vector<16xi32>, vector<16xi32> -> vector<16xi32>
      %ge3A_404 = arith.cmpf oge, %max3A_387, %gather3A_400 : vector<16xf32>
      %max3A_405 = arith.maximumf %max3A_387, %gather3A_400 : vector<16xf32>
      %select_n3A_406 = arith.select %ge3A_404, %select_n3A_388, %gather3A_403 : vector<16xi1>, vector<16xi32>
      %select_n3A_407 = arith.select %lt3A_6, %max3A_396, %max3A_405 : vector<16xi1>, vector<16xf32>
      %select_n3A_408 = arith.select %lt3A_6, %select_n3A_397, %select_n3A_406 : vector<16xi1>, vector<16xi32>
      %masked_sort3A_409 = arith.constant dense<true> : vector<16xi1>
      %masked_sort3A_410, %masked_sort3A_411, %masked_sort3A_412 = tpu.sort %select_n3A_407, %select_n3A_408 masked %masked_sort3A_409 : (vector<16xf32>, vector<16xi32>, vector<16xi1>) -> (vector<16xi1>, vector<16xf32>, vector<16xi32>)
      %exp3A_413 = math.exp %masked_sort3A_411 : vector<16xf32>
      %jit3A_414 = arith.constant 0.000000e+00 : f32
      %broadcast_in_dim3A_415 = vector.broadcast %jit3A_414 : f32 to vector<16xf32>
      %select_n3A_416 = arith.select %ge3A_4, %exp3A_413, %broadcast_in_dim3A_415 : vector<16xi1>, vector<16xf32>
      %broadcast_in_dim3A_417 = arith.constant true
      %broadcast_in_dim3A_418 = vector.broadcast %broadcast_in_dim3A_417 : i1 to vector<16xi1>
      %masked_cumsum3A_419 = tpu.scan <sum>, %select_n3A_416 masked %broadcast_in_dim3A_418 : vector<16xf32>, vector<16xi1> -> vector<16xf32>
      %broadcast_in_dim3A_420 = vector.shape_cast %broadcast_in_dim3A_7 : vector<16xi32> to vector<16x1xi32>
      %gather3A_421 = vector.shape_cast %broadcast_in_dim3A_420 : vector<16x1xi32> to vector<16xi32>
      %gather3A_422 = tpu.dynamic_gather %masked_cumsum3A_419[%gather3A_421] in [0] : vector<16xf32>, vector<16xi32> -> vector<16xf32>
      %div3A_423 = arith.constant 6.400000e+01 : f32
      %div3A_424 = vector.broadcast %div3A_423 : f32 to vector<16xf32>
      %div3A_425 = arith.divf %div3A_424, %gather3A_422 : vector<16xf32>
      %mul3A_426 = arith.mulf %exp3A_413, %div3A_425 : vector<16xf32>
      %swap3A_427 = arith.index_cast %add3A_354 : i32 to index
      %swap3A_428 = arith.constant 0 : index
      %swap3A_429 = tpu.vector_load %arg6[%swap3A_427, %swap3A_428] {strides = array<i32>} : memref<128x64xf32, #tpu.memory_space<vmem>>, vector<16xf32>,
      tpu.vector_store %arg6[%swap3A_427, %swap3A_428], %broadcast_in_dim3A_26 {strides = array<i32>} : memref<128x64xf32, #tpu.memory_space<vmem>>, vector<16xf32>,
      %swap3A_430 = arith.index_cast %add3A_354 : i32 to index
      %swap3A_431 = arith.constant 16 : index
      %swap3A_432 = tpu.vector_load %arg6[%swap3A_430, %swap3A_431] {strides = array<i32>} : memref<128x64xf32, #tpu.memory_space<vmem>>, vector<16xf32>,
      tpu.vector_store %arg6[%swap3A_430, %swap3A_431], %broadcast_in_dim3A_26 {strides = array<i32>} : memref<128x64xf32, #tpu.memory_space<vmem>>, vector<16xf32>,
      %swap3A_433 = arith.index_cast %add3A_354 : i32 to index
      %swap3A_434 = arith.constant 32 : index
      %swap3A_435 = tpu.vector_load %arg6[%swap3A_433, %swap3A_434] {strides = array<i32>} : memref<128x64xf32, #tpu.memory_space<vmem>>, vector<16xf32>,
      tpu.vector_store %arg6[%swap3A_433, %swap3A_434], %broadcast_in_dim3A_26 {strides = array<i32>} : memref<128x64xf32, #tpu.memory_space<vmem>>, vector<16xf32>,
      %swap3A_436 = arith.index_cast %add3A_354 : i32 to index
      %swap3A_437 = arith.constant 48 : index
      %swap3A_438 = tpu.vector_load %arg6[%swap3A_436, %swap3A_437] {strides = array<i32>} : memref<128x64xf32, #tpu.memory_space<vmem>>, vector<16xf32>,
      tpu.vector_store %arg6[%swap3A_436, %swap3A_437], %broadcast_in_dim3A_26 {strides = array<i32>} : memref<128x64xf32, #tpu.memory_space<vmem>>, vector<16xf32>,
      %broadcast_in_dim3A_439 = vector.broadcast %add3A_354 : i32 to vector<16xi32>
      tpu.vector_store_idx %arg6[%broadcast_in_dim3A_439, %masked_sort3A_412], %mul3A_426 masked %ge3A_4 : memref<128x64xf32, #tpu.memory_space<vmem>>[vector<16xi32>, vector<16xi32>], vector<16xf32>, vector<16xi1>
      %add3A_440 = arith.constant 2 : i32
      %add3A_441 = arith.addi %mul3A_275, %add3A_440 : i32
      %get3A_442 = arith.index_cast %add3A_441 : i32 to index
      %get3A_443 = arith.constant 0 : index
      %get3A_444 = tpu.vector_load %arg4[%get3A_442, %get3A_443] {strides = array<i32>} : memref<128x64xf32, #tpu.memory_space<vmem>>, vector<16xf32>,
      %get3A_445 = arith.index_cast %add3A_441 : i32 to index
      %get3A_446 = arith.constant 16 : index
      %get3A_447 = tpu.vector_load %arg4[%get3A_445, %get3A_446] {strides = array<i32>} : memref<128x64xf32, #tpu.memory_space<vmem>>, vector<16xf32>,
      %get3A_448 = arith.index_cast %add3A_441 : i32 to index
      %get3A_449 = arith.constant 32 : index
      %get3A_450 = tpu.vector_load %arg4[%get3A_448, %get3A_449] {strides = array<i32>} : memref<128x64xf32, #tpu.memory_space<vmem>>, vector<16xf32>,
      %get3A_451 = arith.index_cast %add3A_441 : i32 to index
      %get3A_452 = arith.constant 48 : index
      %get3A_453 = tpu.vector_load %arg4[%get3A_451, %get3A_452] {strides = array<i32>} : memref<128x64xf32, #tpu.memory_space<vmem>>, vector<16xf32>,
      %masked_sort3A_454 = arith.constant dense<true> : vector<16xi1>
      %masked_sort3A_455, %masked_sort3A_456, %masked_sort3A_457 = tpu.sort %get3A_444, %add3A_15 masked %masked_sort3A_454 : (vector<16xf32>, vector<16xi32>, vector<16xi1>) -> (vector<16xi1>, vector<16xf32>, vector<16xi32>)
      %masked_sort3A_458 = arith.constant dense<true> : vector<16xi1>
      %masked_sort3A_459, %masked_sort3A_460, %masked_sort3A_461 = tpu.sort %get3A_447, %add3A_18 masked %masked_sort3A_458 {descending = true} : (vector<16xf32>, vector<16xi32>, vector<16xi1>) -> (vector<16xi1>, vector<16xf32>, vector<16xi32>)
      %masked_sort3A_462 = arith.constant dense<true> : vector<16xi1>
      %masked_sort3A_463, %masked_sort3A_464, %masked_sort3A_465 = tpu.sort %get3A_450, %add3A_21 masked %masked_sort3A_462 : (vector<16xf32>, vector<16xi32>, vector<16xi1>) -> (vector<16xi1>, vector<16xf32>, vector<16xi32>)
      %masked_sort3A_466 = arith.constant dense<true> : vector<16xi1>
      %masked_sort3A_467, %masked_sort3A_468, %masked_sort3A_469 = tpu.sort %get3A_453, %add3A_24 masked %masked_sort3A_466 {descending = true} : (vector<16xf32>, vector<16xi32>, vector<16xi1>) -> (vector<16xi1>, vector<16xf32>, vector<16xi32>)
      %ge3A_470 = arith.cmpf oge, %masked_sort3A_456, %masked_sort3A_460 : vector<16xf32>
      %max3A_471 = arith.maximumf %masked_sort3A_456, %masked_sort3A_460 : vector<16xf32>
      %select_n3A_472 = arith.select %ge3A_470, %masked_sort3A_457, %masked_sort3A_461 : vector<16xi1>, vector<16xi32>
      %ge3A_473 = arith.cmpf oge, %masked_sort3A_464, %masked_sort3A_468 : vector<16xf32>
      %max3A_474 = arith.maximumf %masked_sort3A_464, %masked_sort3A_468 : vector<16xf32>
      %select_n3A_475 = arith.select %ge3A_473, %masked_sort3A_465, %masked_sort3A_469 : vector<16xi1>, vector<16xi32>
      %broadcast_in_dim3A_476 = vector.shape_cast %and3A_12 : vector<16xi32> to vector<16x1xi32>
      %gather3A_477 = vector.shape_cast %broadcast_in_dim3A_476 : vector<16x1xi32> to vector<16xi32>
      %gather3A_478 = tpu.dynamic_gather %max3A_471[%gather3A_477] in [0] : vector<16xf32>, vector<16xi32> -> vector<16xf32>
      %broadcast_in_dim3A_479 = vector.shape_cast %and3A_12 : vector<16xi32> to vector<16x1xi32>
      %gather3A_480 = vector.shape_cast %broadcast_in_dim3A_479 : vector<16x1xi32> to vector<16xi32>
      %gather3A_481 = tpu.dynamic_gather %select_n3A_472[%gather3A_480] in [0] : vector<16xi32>, vector<16xi32> -> vector<16xi32>
      %ge3A_482 = arith.cmpf oge, %max3A_471, %gather3A_478 : vector<16xf32>
      %max3A_483 = arith.maximumf %max3A_471, %gather3A_478 : vector<16xf32>
      %select_n3A_484 = arith.select %ge3A_482, %select_n3A_472, %gather3A_481 : vector<16xi1>, vector<16xi32>
      %broadcast_in_dim3A_485 = vector.shape_cast %and3A_12 : vector<16xi32> to vector<16x1xi32>
      %gather3A_486 = vector.shape_cast %broadcast_in_dim3A_485 : vector<16x1xi32> to vector<16xi32>
      %gather3A_487 = tpu.dynamic_gather %max3A_474[%gather3A_486] in [0] : vector<16xf32>, vector<16xi32> -> vector<16xf32>
      %broadcast_in_dim3A_488 = vector.shape_cast %and3A_12 : vector<16xi32> to vector<16x1xi32>
      %gather3A_489 = vector.shape_cast %broadcast_in_dim3A_488 : vector<16x1xi32> to vector<16xi32>
      %gather3A_490 = tpu.dynamic_gather %select_n3A_475[%gather3A_489] in [0] : vector<16xi32>, vector<16xi32> -> vector<16xi32>
      %ge3A_491 = arith.cmpf oge, %max3A_474, %gather3A_487 : vector<16xf32>
      %max3A_492 = arith.maximumf %max3A_474, %gather3A_487 : vector<16xf32>
      %select_n3A_493 = arith.select %ge3A_491, %select_n3A_475, %gather3A_490 : vector<16xi1>, vector<16xi32>
      %select_n3A_494 = arith.select %lt3A_6, %max3A_483, %max3A_492 : vector<16xi1>, vector<16xf32>
      %select_n3A_495 = arith.select %lt3A_6, %select_n3A_484, %select_n3A_493 : vector<16xi1>, vector<16xi32>
      %masked_sort3A_496 = arith.constant dense<true> : vector<16xi1>
      %masked_sort3A_497, %masked_sort3A_498, %masked_sort3A_499 = tpu.sort %select_n3A_494, %select_n3A_495 masked %masked_sort3A_496 : (vector<16xf32>, vector<16xi32>, vector<16xi1>) -> (vector<16xi1>, vector<16xf32>, vector<16xi32>)
      %exp3A_500 = math.exp %masked_sort3A_498 : vector<16xf32>
      %jit3A_501 = arith.constant 0.000000e+00 : f32
      %broadcast_in_dim3A_502 = vector.broadcast %jit3A_501 : f32 to vector<16xf32>
      %select_n3A_503 = arith.select %ge3A_4, %exp3A_500, %broadcast_in_dim3A_502 : vector<16xi1>, vector<16xf32>
      %broadcast_in_dim3A_504 = arith.constant true
      %broadcast_in_dim3A_505 = vector.broadcast %broadcast_in_dim3A_504 : i1 to vector<16xi1>
      %masked_cumsum3A_506 = tpu.scan <sum>, %select_n3A_503 masked %broadcast_in_dim3A_505 : vector<16xf32>, vector<16xi1> -> vector<16xf32>
      %broadcast_in_dim3A_507 = vector.shape_cast %broadcast_in_dim3A_7 : vector<16xi32> to vector<16x1xi32>
      %gather3A_508 = vector.shape_cast %broadcast_in_dim3A_507 : vector<16x1xi32> to vector<16xi32>
      %gather3A_509 = tpu.dynamic_gather %masked_cumsum3A_506[%gather3A_508] in [0] : vector<16xf32>, vector<16xi32> -> vector<16xf32>
      %div3A_510 = arith.constant 6.400000e+01 : f32
      %div3A_511 = vector.broadcast %div3A_510 : f32 to vector<16xf32>
      %div3A_512 = arith.divf %div3A_511, %gather3A_509 : vector<16xf32>
      %mul3A_513 = arith.mulf %exp3A_500, %div3A_512 : vector<16xf32>
      %swap3A_514 = arith.index_cast %add3A_441 : i32 to index
      %swap3A_515 = arith.constant 0 : index
      %swap3A_516 = tpu.vector_load %arg6[%swap3A_514, %swap3A_515] {strides = array<i32>} : memref<128x64xf32, #tpu.memory_space<vmem>>, vector<16xf32>,
      tpu.vector_store %arg6[%swap3A_514, %swap3A_515], %broadcast_in_dim3A_26 {strides = array<i32>} : memref<128x64xf32, #tpu.memory_space<vmem>>, vector<16xf32>,
      %swap3A_517 = arith.index_cast %add3A_441 : i32 to index
      %swap3A_518 = arith.constant 16 : index
      %swap3A_519 = tpu.vector_load %arg6[%swap3A_517, %swap3A_518] {strides = array<i32>} : memref<128x64xf32, #tpu.memory_space<vmem>>, vector<16xf32>,
      tpu.vector_store %arg6[%swap3A_517, %swap3A_518], %broadcast_in_dim3A_26 {strides = array<i32>} : memref<128x64xf32, #tpu.memory_space<vmem>>, vector<16xf32>,
      %swap3A_520 = arith.index_cast %add3A_441 : i32 to index
      %swap3A_521 = arith.constant 32 : index
      %swap3A_522 = tpu.vector_load %arg6[%swap3A_520, %swap3A_521] {strides = array<i32>} : memref<128x64xf32, #tpu.memory_space<vmem>>, vector<16xf32>,
      tpu.vector_store %arg6[%swap3A_520, %swap3A_521], %broadcast_in_dim3A_26 {strides = array<i32>} : memref<128x64xf32, #tpu.memory_space<vmem>>, vector<16xf32>,
      %swap3A_523 = arith.index_cast %add3A_441 : i32 to index
      %swap3A_524 = arith.constant 48 : index
      %swap3A_525 = tpu.vector_load %arg6[%swap3A_523, %swap3A_524] {strides = array<i32>} : memref<128x64xf32, #tpu.memory_space<vmem>>, vector<16xf32>,
      tpu.vector_store %arg6[%swap3A_523, %swap3A_524], %broadcast_in_dim3A_26 {strides = array<i32>} : memref<128x64xf32, #tpu.memory_space<vmem>>, vector<16xf32>,
      %broadcast_in_dim3A_526 = vector.broadcast %add3A_441 : i32 to vector<16xi32>
      tpu.vector_store_idx %arg6[%broadcast_in_dim3A_526, %masked_sort3A_499], %mul3A_513 masked %ge3A_4 : memref<128x64xf32, #tpu.memory_space<vmem>>[vector<16xi32>, vector<16xi32>], vector<16xf32>, vector<16xi1>
      %add3A_527 = arith.constant 3 : i32
      %add3A_528 = arith.addi %mul3A_275, %add3A_527 : i32
      %get3A_529 = arith.index_cast %add3A_528 : i32 to index
      %get3A_530 = arith.constant 0 : index
      %get3A_531 = tpu.vector_load %arg4[%get3A_529, %get3A_530] {strides = array<i32>} : memref<128x64xf32, #tpu.memory_space<vmem>>, vector<16xf32>,
      %get3A_532 = arith.index_cast %add3A_528 : i32 to index
      %get3A_533 = arith.constant 16 : index
      %get3A_534 = tpu.vector_load %arg4[%get3A_532, %get3A_533] {strides = array<i32>} : memref<128x64xf32, #tpu.memory_space<vmem>>, vector<16xf32>,
      %get3A_535 = arith.index_cast %add3A_528 : i32 to index
      %get3A_536 = arith.constant 32 : index
      %get3A_537 = tpu.vector_load %arg4[%get3A_535, %get3A_536] {strides = array<i32>} : memref<128x64xf32, #tpu.memory_space<vmem>>, vector<16xf32>,
      %get3A_538 = arith.index_cast %add3A_528 : i32 to index
      %get3A_539 = arith.constant 48 : index
      %get3A_540 = tpu.vector_load %arg4[%get3A_538, %get3A_539] {strides = array<i32>} : memref<128x64xf32, #tpu.memory_space<vmem>>, vector<16xf32>,
      %masked_sort3A_541 = arith.constant dense<true> : vector<16xi1>
      %masked_sort3A_542, %masked_sort3A_543, %masked_sort3A_544 = tpu.sort %get3A_531, %add3A_15 masked %masked_sort3A_541 : (vector<16xf32>, vector<16xi32>, vector<16xi1>) -> (vector<16xi1>, vector<16xf32>, vector<16xi32>)
      %masked_sort3A_545 = arith.constant dense<true> : vector<16xi1>
      %masked_sort3A_546, %masked_sort3A_547, %masked_sort3A_548 = tpu.sort %get3A_534, %add3A_18 masked %masked_sort3A_545 {descending = true} : (vector<16xf32>, vector<16xi32>, vector<16xi1>) -> (vector<16xi1>, vector<16xf32>, vector<16xi32>)
      %masked_sort3A_549 = arith.constant dense<true> : vector<16xi1>
      %masked_sort3A_550, %masked_sort3A_551, %masked_sort3A_552 = tpu.sort %get3A_537, %add3A_21 masked %masked_sort3A_549 : (vector<16xf32>, vector<16xi32>, vector<16xi1>) -> (vector<16xi1>, vector<16xf32>, vector<16xi32>)
      %masked_sort3A_553 = arith.constant dense<true> : vector<16xi1>
      %masked_sort3A_554, %masked_sort3A_555, %masked_sort3A_556 = tpu.sort %get3A_540, %add3A_24 masked %masked_sort3A_553 {descending = true} : (vector<16xf32>, vector<16xi32>, vector<16xi1>) -> (vector<16xi1>, vector<16xf32>, vector<16xi32>)
      %ge3A_557 = arith.cmpf oge, %masked_sort3A_543, %masked_sort3A_547 : vector<16xf32>
      %max3A_558 = arith.maximumf %masked_sort3A_543, %masked_sort3A_547 : vector<16xf32>
      %select_n3A_559 = arith.select %ge3A_557, %masked_sort3A_544, %masked_sort3A_548 : vector<16xi1>, vector<16xi32>
      %ge3A_560 = arith.cmpf oge, %masked_sort3A_551, %masked_sort3A_555 : vector<16xf32>
      %max3A_561 = arith.maximumf %masked_sort3A_551, %masked_sort3A_555 : vector<16xf32>
      %select_n3A_562 = arith.select %ge3A_560, %masked_sort3A_552, %masked_sort3A_556 : vector<16xi1>, vector<16xi32>
      %broadcast_in_dim3A_563 = vector.shape_cast %and3A_12 : vector<16xi32> to vector<16x1xi32>
      %gather3A_564 = vector.shape_cast %broadcast_in_dim3A_563 : vector<16x1xi32> to vector<16xi32>
      %gather3A_565 = tpu.dynamic_gather %max3A_558[%gather3A_564] in [0] : vector<16xf32>, vector<16xi32> -> vector<16xf32>
      %broadcast_in_dim3A_566 = vector.shape_cast %and3A_12 : vector<16xi32> to vector<16x1xi32>
      %gather3A_567 = vector.shape_cast %broadcast_in_dim3A_566 : vector<16x1xi32> to vector<16xi32>
      %gather3A_568 = tpu.dynamic_gather %select_n3A_559[%gather3A_567] in [0] : vector<16xi32>, vector<16xi32> -> vector<16xi32>
      %ge3A_569 = arith.cmpf oge, %max3A_558, %gather3A_565 : vector<16xf32>
      %max3A_570 = arith.maximumf %max3A_558, %gather3A_565 : vector<16xf32>
      %select_n3A_571 = arith.select %ge3A_569, %select_n3A_559, %gather3A_568 : vector<16xi1>, vector<16xi32>
      %broadcast_in_dim3A_572 = vector.shape_cast %and3A_12 : vector<16xi32> to vector<16x1xi32>
      %gather3A_573 = vector.shape_cast %broadcast_in_dim3A_572 : vector<16x1xi32> to vector<16xi32>
      %gather3A_574 = tpu.dynamic_gather %max3A_561[%gather3A_573] in [0] : vector<16xf32>, vector<16xi32> -> vector<16xf32>
      %broadcast_in_dim3A_575 = vector.shape_cast %and3A_12 : vector<16xi32> to vector<16x1xi32>
      %gather3A_576 = vector.shape_cast %broadcast_in_dim3A_575 : vector<16x1xi32> to vector<16xi32>
      %gather3A_577 = tpu.dynamic_gather %select_n3A_562[%gather3A_576] in [0] : vector<16xi32>, vector<16xi32> -> vector<16xi32>
      %ge3A_578 = arith.cmpf oge, %max3A_561, %gather3A_574 : vector<16xf32>
      %max3A_579 = arith.maximumf %max3A_561, %gather3A_574 : vector<16xf32>
      %select_n3A_580 = arith.select %ge3A_578, %select_n3A_562, %gather3A_577 : vector<16xi1>, vector<16xi32>
      %select_n3A_581 = arith.select %lt3A_6, %max3A_570, %max3A_579 : vector<16xi1>, vector<16xf32>
      %select_n3A_582 = arith.select %lt3A_6, %select_n3A_571, %select_n3A_580 : vector<16xi1>, vector<16xi32>
      %masked_sort3A_583 = arith.constant dense<true> : vector<16xi1>
      %masked_sort3A_584, %masked_sort3A_585, %masked_sort3A_586 = tpu.sort %select_n3A_581, %select_n3A_582 masked %masked_sort3A_583 : (vector<16xf32>, vector<16xi32>, vector<16xi1>) -> (vector<16xi1>, vector<16xf32>, vector<16xi32>)
      %exp3A_587 = math.exp %masked_sort3A_585 : vector<16xf32>
      %jit3A_588 = arith.constant 0.000000e+00 : f32
      %broadcast_in_dim3A_589 = vector.broadcast %jit3A_588 : f32 to vector<16xf32>
      %select_n3A_590 = arith.select %ge3A_4, %exp3A_587, %broadcast_in_dim3A_589 : vector<16xi1>, vector<16xf32>
      %broadcast_in_dim3A_591 = arith.constant true
      %broadcast_in_dim3A_592 = vector.broadcast %broadcast_in_dim3A_591 : i1 to vector<16xi1>
      %masked_cumsum3A_593 = tpu.scan <sum>, %select_n3A_590 masked %broadcast_in_dim3A_592 : vector<16xf32>, vector<16xi1> -> vector<16xf32>
      %broadcast_in_dim3A_594 = vector.shape_cast %broadcast_in_dim3A_7 : vector<16xi32> to vector<16x1xi32>
      %gather3A_595 = vector.shape_cast %broadcast_in_dim3A_594 : vector<16x1xi32> to vector<16xi32>
      %gather3A_596 = tpu.dynamic_gather %masked_cumsum3A_593[%gather3A_595] in [0] : vector<16xf32>, vector<16xi32> -> vector<16xf32>
      %div3A_597 = arith.constant 6.400000e+01 : f32
      %div3A_598 = vector.broadcast %div3A_597 : f32 to vector<16xf32>
      %div3A_599 = arith.divf %div3A_598, %gather3A_596 : vector<16xf32>
      %mul3A_600 = arith.mulf %exp3A_587, %div3A_599 : vector<16xf32>
      %swap3A_601 = arith.index_cast %add3A_528 : i32 to index
      %swap3A_602 = arith.constant 0 : index
      %swap3A_603 = tpu.vector_load %arg6[%swap3A_601, %swap3A_602] {strides = array<i32>} : memref<128x64xf32, #tpu.memory_space<vmem>>, vector<16xf32>,
      tpu.vector_store %arg6[%swap3A_601, %swap3A_602], %broadcast_in_dim3A_26 {strides = array<i32>} : memref<128x64xf32, #tpu.memory_space<vmem>>, vector<16xf32>,
      %swap3A_604 = arith.index_cast %add3A_528 : i32 to index
      %swap3A_605 = arith.constant 16 : index
      %swap3A_606 = tpu.vector_load %arg6[%swap3A_604, %swap3A_605] {strides = array<i32>} : memref<128x64xf32, #tpu.memory_space<vmem>>, vector<16xf32>,
      tpu.vector_store %arg6[%swap3A_604, %swap3A_605], %broadcast_in_dim3A_26 {strides = array<i32>} : memref<128x64xf32, #tpu.memory_space<vmem>>, vector<16xf32>,
      %swap3A_607 = arith.index_cast %add3A_528 : i32 to index
      %swap3A_608 = arith.constant 32 : index
      %swap3A_609 = tpu.vector_load %arg6[%swap3A_607, %swap3A_608] {strides = array<i32>} : memref<128x64xf32, #tpu.memory_space<vmem>>, vector<16xf32>,
      tpu.vector_store %arg6[%swap3A_607, %swap3A_608], %broadcast_in_dim3A_26 {strides = array<i32>} : memref<128x64xf32, #tpu.memory_space<vmem>>, vector<16xf32>,
      %swap3A_610 = arith.index_cast %add3A_528 : i32 to index
      %swap3A_611 = arith.constant 48 : index
      %swap3A_612 = tpu.vector_load %arg6[%swap3A_610, %swap3A_611] {strides = array<i32>} : memref<128x64xf32, #tpu.memory_space<vmem>>, vector<16xf32>,
      tpu.vector_store %arg6[%swap3A_610, %swap3A_611], %broadcast_in_dim3A_26 {strides = array<i32>} : memref<128x64xf32, #tpu.memory_space<vmem>>, vector<16xf32>,
      %broadcast_in_dim3A_613 = vector.broadcast %add3A_528 : i32 to vector<16xi32>
      tpu.vector_store_idx %arg6[%broadcast_in_dim3A_613, %masked_sort3A_586], %mul3A_600 masked %ge3A_4 : memref<128x64xf32, #tpu.memory_space<vmem>>[vector<16xi32>, vector<16xi32>], vector<16xf32>, vector<16xi1>
      %scan3A_614 = arith.constant 0 : i32
      scf.yield %scan3A_614 : i32
    }
    %scan3A_104 = arith.constant 32 : i32
    %add3A_105 = arith.constant 256 : i32
    %add3A_106 = arith.addi %mul3A_2, %add3A_105 : i32
    %dma_start3A_107 = arith.constant 0 : i32
    %dma_start3A_108 = tpu.memref_slice %arg3[%add3A_106, %dma_start3A_107] : memref<32768x64xf32, #tpu.memory_space<hbm>> -> memref<128x64xf32, #tpu.memory_space<hbm>>
    %dma_start3A_109 = arith.constant 0 : i32
    %dma_start3A_110 = tpu.memref_slice %arg3[%add3A_106, %dma_start3A_109] : memref<32768x64xf32, #tpu.memory_space<hbm>> -> memref<128x64xf32, #tpu.memory_space<hbm>>
    tpu.enqueue_dma source(%arg6 : memref<128x64xf32, #tpu.memory_space<vmem>>) target(%dma_start3A_110 : memref<128x64xf32, #tpu.memory_space<hbm>>) target_semaphore(%arg10 : memref<!tpu.dma_semaphore, #tpu.memory_space<semaphore_mem>>)
    %add3A_111 = arith.constant 512 : i32
    %add3A_112 = arith.addi %mul3A_2, %add3A_111 : i32
    %dma_start3A_113 = arith.constant 0 : i32
    %dma_start3A_114 = tpu.memref_slice %arg2[%add3A_112, %dma_start3A_113] : memref<32768x64xf32, #tpu.memory_space<hbm>> -> memref<128x64xf32, #tpu.memory_space<hbm>>
    %dma_start3A_115 = arith.constant 0 : i32
    %dma_start3A_116 = tpu.memref_slice %arg2[%add3A_112, %dma_start3A_115] : memref<32768x64xf32, #tpu.memory_space<hbm>> -> memref<128x64xf32, #tpu.memory_space<hbm>>
    tpu.enqueue_dma source(%dma_start3A_116 : memref<128x64xf32, #tpu.memory_space<hbm>>) target(%arg4 : memref<128x64xf32, #tpu.memory_space<vmem>>) target_semaphore(%arg8 : memref<!tpu.dma_semaphore, #tpu.memory_space<semaphore_mem>>)
    %add3A_117 = arith.constant 384 : i32
    %add3A_118 = arith.addi %mul3A_2, %add3A_117 : i32
    %dma_wait3A_119 = arith.constant 0 : i32
    %dma_wait3A_120 = tpu.memref_slice %arg2[%add3A_118, %dma_wait3A_119] : memref<32768x64xf32, #tpu.memory_space<hbm>> -> memref<128x64xf32, #tpu.memory_space<hbm>>
    %dma_wait3A_121 = arith.constant 0 : i32
    %dma_wait3A_122 = tpu.memref_slice %arg2[%add3A_118, %dma_wait3A_121] : memref<32768x64xf32, #tpu.memory_space<hbm>> -> memref<128x64xf32, #tpu.memory_space<hbm>>
    tpu.wait_dma2 semaphore(%arg9 : memref<!tpu.dma_semaphore, #tpu.memory_space<semaphore_mem>>) src(%dma_wait3A_122 : memref<128x64xf32, #tpu.memory_space<hbm>>) dst(%arg5 : memref<128x64xf32, #tpu.memory_space<vmem>>)
    %add3A_123 = arith.constant 128 : i32
    %add3A_124 = arith.addi %mul3A_2, %add3A_123 : i32
    %dma_wait3A_125 = arith.constant 0 : i32
    %dma_wait3A_126 = tpu.memref_slice %arg3[%add3A_124, %dma_wait3A_125] : memref<32768x64xf32, #tpu.memory_space<hbm>> -> memref<128x64xf32, #tpu.memory_space<hbm>>
    %dma_wait3A_127 = arith.constant 0 : i32
    %dma_wait3A_128 = tpu.memref_slice %arg3[%add3A_124, %dma_wait3A_127] : memref<32768x64xf32, #tpu.memory_space<hbm>> -> memref<128x64xf32, #tpu.memory_space<hbm>>
    tpu.wait_dma2 semaphore(%arg11 : memref<!tpu.dma_semaphore, #tpu.memory_space<semaphore_mem>>) src(%arg7 : memref<128x64xf32, #tpu.memory_space<vmem>>) dst(%dma_wait3A_128 : memref<128x64xf32, #tpu.memory_space<hbm>>)
    %scan3A_129 = arith.constant 0 : i32
    %scan3A_130 = arith.constant 0 : i32
    %scan3A_131 = arith.constant 32 : i32
    %scan3A_132 = arith.addi %scan3A_130, %scan3A_131 : i32
    %scan3A_133 = arith.constant 1 : i32
    %scan3A_134 = scf.for %scan3A_272 = %scan3A_130 to %scan3A_132 step %scan3A_133 iter_args(%scan3A_273 = %scan3A_129) -> (i32)  : i32 {
      %mul3A_274 = arith.constant 4 : i32
      %mul3A_275 = arith.muli %scan3A_272, %mul3A_274 : i32
      %add3A_276 = arith.constant 0 : i32
      %add3A_277 = arith.addi %mul3A_275, %add3A_276 : i32
      %get3A = arith.index_cast %add3A_277 : i32 to index
      %get3A_278 = arith.constant 0 : index
      %get3A_279 = tpu.vector_load %arg5[%get3A, %get3A_278] {strides = array<i32>} : memref<128x64xf32, #tpu.memory_space<vmem>>, vector<16xf32>,
      %get3A_280 = arith.index_cast %add3A_277 : i32 to index
      %get3A_281 = arith.constant 16 : index
      %get3A_282 = tpu.vector_load %arg5[%get3A_280, %get3A_281] {strides = array<i32>} : memref<128x64xf32, #tpu.memory_space<vmem>>, vector<16xf32>,
      %get3A_283 = arith.index_cast %add3A_277 : i32 to index
      %get3A_284 = arith.constant 32 : index
      %get3A_285 = tpu.vector_load %arg5[%get3A_283, %get3A_284] {strides = array<i32>} : memref<128x64xf32, #tpu.memory_space<vmem>>, vector<16xf32>,
      %get3A_286 = arith.index_cast %add3A_277 : i32 to index
      %get3A_287 = arith.constant 48 : index
      %get3A_288 = tpu.vector_load %arg5[%get3A_286, %get3A_287] {strides = array<i32>} : memref<128x64xf32, #tpu.memory_space<vmem>>, vector<16xf32>,
      %masked_sort3A = arith.constant dense<true> : vector<16xi1>
      %masked_sort3A_289, %masked_sort3A_290, %masked_sort3A_291 = tpu.sort %get3A_279, %add3A_15 masked %masked_sort3A : (vector<16xf32>, vector<16xi32>, vector<16xi1>) -> (vector<16xi1>, vector<16xf32>, vector<16xi32>)
      %masked_sort3A_292 = arith.constant dense<true> : vector<16xi1>
      %masked_sort3A_293, %masked_sort3A_294, %masked_sort3A_295 = tpu.sort %get3A_282, %add3A_18 masked %masked_sort3A_292 {descending = true} : (vector<16xf32>, vector<16xi32>, vector<16xi1>) -> (vector<16xi1>, vector<16xf32>, vector<16xi32>)
      %masked_sort3A_296 = arith.constant dense<true> : vector<16xi1>
      %masked_sort3A_297, %masked_sort3A_298, %masked_sort3A_299 = tpu.sort %get3A_285, %add3A_21 masked %masked_sort3A_296 : (vector<16xf32>, vector<16xi32>, vector<16xi1>) -> (vector<16xi1>, vector<16xf32>, vector<16xi32>)
      %masked_sort3A_300 = arith.constant dense<true> : vector<16xi1>
      %masked_sort3A_301, %masked_sort3A_302, %masked_sort3A_303 = tpu.sort %get3A_288, %add3A_24 masked %masked_sort3A_300 {descending = true} : (vector<16xf32>, vector<16xi32>, vector<16xi1>) -> (vector<16xi1>, vector<16xf32>, vector<16xi32>)
      %ge3A_304 = arith.cmpf oge, %masked_sort3A_290, %masked_sort3A_294 : vector<16xf32>
      %max3A = arith.maximumf %masked_sort3A_290, %masked_sort3A_294 : vector<16xf32>
      %select_n3A = arith.select %ge3A_304, %masked_sort3A_291, %masked_sort3A_295 : vector<16xi1>, vector<16xi32>
      %ge3A_305 = arith.cmpf oge, %masked_sort3A_298, %masked_sort3A_302 : vector<16xf32>
      %max3A_306 = arith.maximumf %masked_sort3A_298, %masked_sort3A_302 : vector<16xf32>
      %select_n3A_307 = arith.select %ge3A_305, %masked_sort3A_299, %masked_sort3A_303 : vector<16xi1>, vector<16xi32>
      %broadcast_in_dim3A_308 = vector.shape_cast %and3A_12 : vector<16xi32> to vector<16x1xi32>
      %gather3A = vector.shape_cast %broadcast_in_dim3A_308 : vector<16x1xi32> to vector<16xi32>
      %gather3A_309 = tpu.dynamic_gather %max3A[%gather3A] in [0] : vector<16xf32>, vector<16xi32> -> vector<16xf32>
      %broadcast_in_dim3A_310 = vector.shape_cast %and3A_12 : vector<16xi32> to vector<16x1xi32>
      %gather3A_311 = vector.shape_cast %broadcast_in_dim3A_310 : vector<16x1xi32> to vector<16xi32>
      %gather3A_312 = tpu.dynamic_gather %select_n3A[%gather3A_311] in [0] : vector<16xi32>, vector<16xi32> -> vector<16xi32>
      %ge3A_313 = arith.cmpf oge, %max3A, %gather3A_309 : vector<16xf32>
      %max3A_314 = arith.maximumf %max3A, %gather3A_309 : vector<16xf32>
      %select_n3A_315 = arith.select %ge3A_313, %select_n3A, %gather3A_312 : vector<16xi1>, vector<16xi32>
      %broadcast_in_dim3A_316 = vector.shape_cast %and3A_12 : vector<16xi32> to vector<16x1xi32>
      %gather3A_317 = vector.shape_cast %broadcast_in_dim3A_316 : vector<16x1xi32> to vector<16xi32>
      %gather3A_318 = tpu.dynamic_gather %max3A_306[%gather3A_317] in [0] : vector<16xf32>, vector<16xi32> -> vector<16xf32>
      %broadcast_in_dim3A_319 = vector.shape_cast %and3A_12 : vector<16xi32> to vector<16x1xi32>
      %gather3A_320 = vector.shape_cast %broadcast_in_dim3A_319 : vector<16x1xi32> to vector<16xi32>
      %gather3A_321 = tpu.dynamic_gather %select_n3A_307[%gather3A_320] in [0] : vector<16xi32>, vector<16xi32> -> vector<16xi32>
      %ge3A_322 = arith.cmpf oge, %max3A_306, %gather3A_318 : vector<16xf32>
      %max3A_323 = arith.maximumf %max3A_306, %gather3A_318 : vector<16xf32>
      %select_n3A_324 = arith.select %ge3A_322, %select_n3A_307, %gather3A_321 : vector<16xi1>, vector<16xi32>
      %select_n3A_325 = arith.select %lt3A_6, %max3A_314, %max3A_323 : vector<16xi1>, vector<16xf32>
      %select_n3A_326 = arith.select %lt3A_6, %select_n3A_315, %select_n3A_324 : vector<16xi1>, vector<16xi32>
      %masked_sort3A_327 = arith.constant dense<true> : vector<16xi1>
      %masked_sort3A_328, %masked_sort3A_329, %masked_sort3A_330 = tpu.sort %select_n3A_325, %select_n3A_326 masked %masked_sort3A_327 : (vector<16xf32>, vector<16xi32>, vector<16xi1>) -> (vector<16xi1>, vector<16xf32>, vector<16xi32>)
      %exp3A = math.exp %masked_sort3A_329 : vector<16xf32>
      %jit3A = arith.constant 0.000000e+00 : f32
      %broadcast_in_dim3A_331 = vector.broadcast %jit3A : f32 to vector<16xf32>
      %select_n3A_332 = arith.select %ge3A_4, %exp3A, %broadcast_in_dim3A_331 : vector<16xi1>, vector<16xf32>
      %broadcast_in_dim3A_333 = arith.constant true
      %broadcast_in_dim3A_334 = vector.broadcast %broadcast_in_dim3A_333 : i1 to vector<16xi1>
      %masked_cumsum3A = tpu.scan <sum>, %select_n3A_332 masked %broadcast_in_dim3A_334 : vector<16xf32>, vector<16xi1> -> vector<16xf32>
      %broadcast_in_dim3A_335 = vector.shape_cast %broadcast_in_dim3A_7 : vector<16xi32> to vector<16x1xi32>
      %gather3A_336 = vector.shape_cast %broadcast_in_dim3A_335 : vector<16x1xi32> to vector<16xi32>
      %gather3A_337 = tpu.dynamic_gather %masked_cumsum3A[%gather3A_336] in [0] : vector<16xf32>, vector<16xi32> -> vector<16xf32>
      %div3A = arith.constant 6.400000e+01 : f32
      %div3A_338 = vector.broadcast %div3A : f32 to vector<16xf32>
      %div3A_339 = arith.divf %div3A_338, %gather3A_337 : vector<16xf32>
      %mul3A_340 = arith.mulf %exp3A, %div3A_339 : vector<16xf32>
      %swap3A = arith.index_cast %add3A_277 : i32 to index
      %swap3A_341 = arith.constant 0 : index
      %swap3A_342 = tpu.vector_load %arg7[%swap3A, %swap3A_341] {strides = array<i32>} : memref<128x64xf32, #tpu.memory_space<vmem>>, vector<16xf32>,
      tpu.vector_store %arg7[%swap3A, %swap3A_341], %broadcast_in_dim3A_26 {strides = array<i32>} : memref<128x64xf32, #tpu.memory_space<vmem>>, vector<16xf32>,
      %swap3A_343 = arith.index_cast %add3A_277 : i32 to index
      %swap3A_344 = arith.constant 16 : index
      %swap3A_345 = tpu.vector_load %arg7[%swap3A_343, %swap3A_344] {strides = array<i32>} : memref<128x64xf32, #tpu.memory_space<vmem>>, vector<16xf32>,
      tpu.vector_store %arg7[%swap3A_343, %swap3A_344], %broadcast_in_dim3A_26 {strides = array<i32>} : memref<128x64xf32, #tpu.memory_space<vmem>>, vector<16xf32>,
      %swap3A_346 = arith.index_cast %add3A_277 : i32 to index
      %swap3A_347 = arith.constant 32 : index
      %swap3A_348 = tpu.vector_load %arg7[%swap3A_346, %swap3A_347] {strides = array<i32>} : memref<128x64xf32, #tpu.memory_space<vmem>>, vector<16xf32>,
      tpu.vector_store %arg7[%swap3A_346, %swap3A_347], %broadcast_in_dim3A_26 {strides = array<i32>} : memref<128x64xf32, #tpu.memory_space<vmem>>, vector<16xf32>,
      %swap3A_349 = arith.index_cast %add3A_277 : i32 to index
      %swap3A_350 = arith.constant 48 : index
      %swap3A_351 = tpu.vector_load %arg7[%swap3A_349, %swap3A_350] {strides = array<i32>} : memref<128x64xf32, #tpu.memory_space<vmem>>, vector<16xf32>,
      tpu.vector_store %arg7[%swap3A_349, %swap3A_350], %broadcast_in_dim3A_26 {strides = array<i32>} : memref<128x64xf32, #tpu.memory_space<vmem>>, vector<16xf32>,
      %broadcast_in_dim3A_352 = vector.broadcast %add3A_277 : i32 to vector<16xi32>
      tpu.vector_store_idx %arg7[%broadcast_in_dim3A_352, %masked_sort3A_330], %mul3A_340 masked %ge3A_4 : memref<128x64xf32, #tpu.memory_space<vmem>>[vector<16xi32>, vector<16xi32>], vector<16xf32>, vector<16xi1>
      %add3A_353 = arith.constant 1 : i32
      %add3A_354 = arith.addi %mul3A_275, %add3A_353 : i32
      %get3A_355 = arith.index_cast %add3A_354 : i32 to index
      %get3A_356 = arith.constant 0 : index
      %get3A_357 = tpu.vector_load %arg5[%get3A_355, %get3A_356] {strides = array<i32>} : memref<128x64xf32, #tpu.memory_space<vmem>>, vector<16xf32>,
      %get3A_358 = arith.index_cast %add3A_354 : i32 to index
      %get3A_359 = arith.constant 16 : index
      %get3A_360 = tpu.vector_load %arg5[%get3A_358, %get3A_359] {strides = array<i32>} : memref<128x64xf32, #tpu.memory_space<vmem>>, vector<16xf32>,
      %get3A_361 = arith.index_cast %add3A_354 : i32 to index
      %get3A_362 = arith.constant 32 : index
      %get3A_363 = tpu.vector_load %arg5[%get3A_361, %get3A_362] {strides = array<i32>} : memref<128x64xf32, #tpu.memory_space<vmem>>, vector<16xf32>,
      %get3A_364 = arith.index_cast %add3A_354 : i32 to index
      %get3A_365 = arith.constant 48 : index
      %get3A_366 = tpu.vector_load %arg5[%get3A_364, %get3A_365] {strides = array<i32>} : memref<128x64xf32, #tpu.memory_space<vmem>>, vector<16xf32>,
      %masked_sort3A_367 = arith.constant dense<true> : vector<16xi1>
      %masked_sort3A_368, %masked_sort3A_369, %masked_sort3A_370 = tpu.sort %get3A_357, %add3A_15 masked %masked_sort3A_367 : (vector<16xf32>, vector<16xi32>, vector<16xi1>) -> (vector<16xi1>, vector<16xf32>, vector<16xi32>)
      %masked_sort3A_371 = arith.constant dense<true> : vector<16xi1>
      %masked_sort3A_372, %masked_sort3A_373, %masked_sort3A_374 = tpu.sort %get3A_360, %add3A_18 masked %masked_sort3A_371 {descending = true} : (vector<16xf32>, vector<16xi32>, vector<16xi1>) -> (vector<16xi1>, vector<16xf32>, vector<16xi32>)
      %masked_sort3A_375 = arith.constant dense<true> : vector<16xi1>
      %masked_sort3A_376, %masked_sort3A_377, %masked_sort3A_378 = tpu.sort %get3A_363, %add3A_21 masked %masked_sort3A_375 : (vector<16xf32>, vector<16xi32>, vector<16xi1>) -> (vector<16xi1>, vector<16xf32>, vector<16xi32>)
      %masked_sort3A_379 = arith.constant dense<true> : vector<16xi1>
      %masked_sort3A_380, %masked_sort3A_381, %masked_sort3A_382 = tpu.sort %get3A_366, %add3A_24 masked %masked_sort3A_379 {descending = true} : (vector<16xf32>, vector<16xi32>, vector<16xi1>) -> (vector<16xi1>, vector<16xf32>, vector<16xi32>)
      %ge3A_383 = arith.cmpf oge, %masked_sort3A_369, %masked_sort3A_373 : vector<16xf32>
      %max3A_384 = arith.maximumf %masked_sort3A_369, %masked_sort3A_373 : vector<16xf32>
      %select_n3A_385 = arith.select %ge3A_383, %masked_sort3A_370, %masked_sort3A_374 : vector<16xi1>, vector<16xi32>
      %ge3A_386 = arith.cmpf oge, %masked_sort3A_377, %masked_sort3A_381 : vector<16xf32>
      %max3A_387 = arith.maximumf %masked_sort3A_377, %masked_sort3A_381 : vector<16xf32>
      %select_n3A_388 = arith.select %ge3A_386, %masked_sort3A_378, %masked_sort3A_382 : vector<16xi1>, vector<16xi32>
      %broadcast_in_dim3A_389 = vector.shape_cast %and3A_12 : vector<16xi32> to vector<16x1xi32>
      %gather3A_390 = vector.shape_cast %broadcast_in_dim3A_389 : vector<16x1xi32> to vector<16xi32>
      %gather3A_391 = tpu.dynamic_gather %max3A_384[%gather3A_390] in [0] : vector<16xf32>, vector<16xi32> -> vector<16xf32>
      %broadcast_in_dim3A_392 = vector.shape_cast %and3A_12 : vector<16xi32> to vector<16x1xi32>
      %gather3A_393 = vector.shape_cast %broadcast_in_dim3A_392 : vector<16x1xi32> to vector<16xi32>
      %gather3A_394 = tpu.dynamic_gather %select_n3A_385[%gather3A_393] in [0] : vector<16xi32>, vector<16xi32> -> vector<16xi32>
      %ge3A_395 = arith.cmpf oge, %max3A_384, %gather3A_391 : vector<16xf32>
      %max3A_396 = arith.maximumf %max3A_384, %gather3A_391 : vector<16xf32>
      %select_n3A_397 = arith.select %ge3A_395, %select_n3A_385, %gather3A_394 : vector<16xi1>, vector<16xi32>
      %broadcast_in_dim3A_398 = vector.shape_cast %and3A_12 : vector<16xi32> to vector<16x1xi32>
      %gather3A_399 = vector.shape_cast %broadcast_in_dim3A_398 : vector<16x1xi32> to vector<16xi32>
      %gather3A_400 = tpu.dynamic_gather %max3A_387[%gather3A_399] in [0] : vector<16xf32>, vector<16xi32> -> vector<16xf32>
      %broadcast_in_dim3A_401 = vector.shape_cast %and3A_12 : vector<16xi32> to vector<16x1xi32>
      %gather3A_402 = vector.shape_cast %broadcast_in_dim3A_401 : vector<16x1xi32> to vector<16xi32>
      %gather3A_403 = tpu.dynamic_gather %select_n3A_388[%gather3A_402] in [0] : vector<16xi32>, vector<16xi32> -> vector<16xi32>
      %ge3A_404 = arith.cmpf oge, %max3A_387, %gather3A_400 : vector<16xf32>
      %max3A_405 = arith.maximumf %max3A_387, %gather3A_400 : vector<16xf32>
      %select_n3A_406 = arith.select %ge3A_404, %select_n3A_388, %gather3A_403 : vector<16xi1>, vector<16xi32>
      %select_n3A_407 = arith.select %lt3A_6, %max3A_396, %max3A_405 : vector<16xi1>, vector<16xf32>
      %select_n3A_408 = arith.select %lt3A_6, %select_n3A_397, %select_n3A_406 : vector<16xi1>, vector<16xi32>
      %masked_sort3A_409 = arith.constant dense<true> : vector<16xi1>
      %masked_sort3A_410, %masked_sort3A_411, %masked_sort3A_412 = tpu.sort %select_n3A_407, %select_n3A_408 masked %masked_sort3A_409 : (vector<16xf32>, vector<16xi32>, vector<16xi1>) -> (vector<16xi1>, vector<16xf32>, vector<16xi32>)
      %exp3A_413 = math.exp %masked_sort3A_411 : vector<16xf32>
      %jit3A_414 = arith.constant 0.000000e+00 : f32
      %broadcast_in_dim3A_415 = vector.broadcast %jit3A_414 : f32 to vector<16xf32>
      %select_n3A_416 = arith.select %ge3A_4, %exp3A_413, %broadcast_in_dim3A_415 : vector<16xi1>, vector<16xf32>
      %broadcast_in_dim3A_417 = arith.constant true
      %broadcast_in_dim3A_418 = vector.broadcast %broadcast_in_dim3A_417 : i1 to vector<16xi1>
      %masked_cumsum3A_419 = tpu.scan <sum>, %select_n3A_416 masked %broadcast_in_dim3A_418 : vector<16xf32>, vector<16xi1> -> vector<16xf32>
      %broadcast_in_dim3A_420 = vector.shape_cast %broadcast_in_dim3A_7 : vector<16xi32> to vector<16x1xi32>
      %gather3A_421 = vector.shape_cast %broadcast_in_dim3A_420 : vector<16x1xi32> to vector<16xi32>
      %gather3A_422 = tpu.dynamic_gather %masked_cumsum3A_419[%gather3A_421] in [0] : vector<16xf32>, vector<16xi32> -> vector<16xf32>
      %div3A_423 = arith.constant 6.400000e+01 : f32
      %div3A_424 = vector.broadcast %div3A_423 : f32 to vector<16xf32>
      %div3A_425 = arith.divf %div3A_424, %gather3A_422 : vector<16xf32>
      %mul3A_426 = arith.mulf %exp3A_413, %div3A_425 : vector<16xf32>
      %swap3A_427 = arith.index_cast %add3A_354 : i32 to index
      %swap3A_428 = arith.constant 0 : index
      %swap3A_429 = tpu.vector_load %arg7[%swap3A_427, %swap3A_428] {strides = array<i32>} : memref<128x64xf32, #tpu.memory_space<vmem>>, vector<16xf32>,
      tpu.vector_store %arg7[%swap3A_427, %swap3A_428], %broadcast_in_dim3A_26 {strides = array<i32>} : memref<128x64xf32, #tpu.memory_space<vmem>>, vector<16xf32>,
      %swap3A_430 = arith.index_cast %add3A_354 : i32 to index
      %swap3A_431 = arith.constant 16 : index
      %swap3A_432 = tpu.vector_load %arg7[%swap3A_430, %swap3A_431] {strides = array<i32>} : memref<128x64xf32, #tpu.memory_space<vmem>>, vector<16xf32>,
      tpu.vector_store %arg7[%swap3A_430, %swap3A_431], %broadcast_in_dim3A_26 {strides = array<i32>} : memref<128x64xf32, #tpu.memory_space<vmem>>, vector<16xf32>,
      %swap3A_433 = arith.index_cast %add3A_354 : i32 to index
      %swap3A_434 = arith.constant 32 : index
      %swap3A_435 = tpu.vector_load %arg7[%swap3A_433, %swap3A_434] {strides = array<i32>} : memref<128x64xf32, #tpu.memory_space<vmem>>, vector<16xf32>,
      tpu.vector_store %arg7[%swap3A_433, %swap3A_434], %broadcast_in_dim3A_26 {strides = array<i32>} : memref<128x64xf32, #tpu.memory_space<vmem>>, vector<16xf32>,
      %swap3A_436 = arith.index_cast %add3A_354 : i32 to index
      %swap3A_437 = arith.constant 48 : index
      %swap3A_438 = tpu.vector_load %arg7[%swap3A_436, %swap3A_437] {strides = array<i32>} : memref<128x64xf32, #tpu.memory_space<vmem>>, vector<16xf32>,
      tpu.vector_store %arg7[%swap3A_436, %swap3A_437], %broadcast_in_dim3A_26 {strides = array<i32>} : memref<128x64xf32, #tpu.memory_space<vmem>>, vector<16xf32>,
      %broadcast_in_dim3A_439 = vector.broadcast %add3A_354 : i32 to vector<16xi32>
      tpu.vector_store_idx %arg7[%broadcast_in_dim3A_439, %masked_sort3A_412], %mul3A_426 masked %ge3A_4 : memref<128x64xf32, #tpu.memory_space<vmem>>[vector<16xi32>, vector<16xi32>], vector<16xf32>, vector<16xi1>
      %add3A_440 = arith.constant 2 : i32
      %add3A_441 = arith.addi %mul3A_275, %add3A_440 : i32
      %get3A_442 = arith.index_cast %add3A_441 : i32 to index
      %get3A_443 = arith.constant 0 : index
      %get3A_444 = tpu.vector_load %arg5[%get3A_442, %get3A_443] {strides = array<i32>} : memref<128x64xf32, #tpu.memory_space<vmem>>, vector<16xf32>,
      %get3A_445 = arith.index_cast %add3A_441 : i32 to index
      %get3A_446 = arith.constant 16 : index
      %get3A_447 = tpu.vector_load %arg5[%get3A_445, %get3A_446] {strides = array<i32>} : memref<128x64xf32, #tpu.memory_space<vmem>>, vector<16xf32>,
      %get3A_448 = arith.index_cast %add3A_441 : i32 to index
      %get3A_449 = arith.constant 32 : index
      %get3A_450 = tpu.vector_load %arg5[%get3A_448, %get3A_449] {strides = array<i32>} : memref<128x64xf32, #tpu.memory_space<vmem>>, vector<16xf32>,
      %get3A_451 = arith.index_cast %add3A_441 : i32 to index
      %get3A_452 = arith.constant 48 : index
      %get3A_453 = tpu.vector_load %arg5[%get3A_451, %get3A_452] {strides = array<i32>} : memref<128x64xf32, #tpu.memory_space<vmem>>, vector<16xf32>,
      %masked_sort3A_454 = arith.constant dense<true> : vector<16xi1>
      %masked_sort3A_455, %masked_sort3A_456, %masked_sort3A_457 = tpu.sort %get3A_444, %add3A_15 masked %masked_sort3A_454 : (vector<16xf32>, vector<16xi32>, vector<16xi1>) -> (vector<16xi1>, vector<16xf32>, vector<16xi32>)
      %masked_sort3A_458 = arith.constant dense<true> : vector<16xi1>
      %masked_sort3A_459, %masked_sort3A_460, %masked_sort3A_461 = tpu.sort %get3A_447, %add3A_18 masked %masked_sort3A_458 {descending = true} : (vector<16xf32>, vector<16xi32>, vector<16xi1>) -> (vector<16xi1>, vector<16xf32>, vector<16xi32>)
      %masked_sort3A_462 = arith.constant dense<true> : vector<16xi1>
      %masked_sort3A_463, %masked_sort3A_464, %masked_sort3A_465 = tpu.sort %get3A_450, %add3A_21 masked %masked_sort3A_462 : (vector<16xf32>, vector<16xi32>, vector<16xi1>) -> (vector<16xi1>, vector<16xf32>, vector<16xi32>)
      %masked_sort3A_466 = arith.constant dense<true> : vector<16xi1>
      %masked_sort3A_467, %masked_sort3A_468, %masked_sort3A_469 = tpu.sort %get3A_453, %add3A_24 masked %masked_sort3A_466 {descending = true} : (vector<16xf32>, vector<16xi32>, vector<16xi1>) -> (vector<16xi1>, vector<16xf32>, vector<16xi32>)
      %ge3A_470 = arith.cmpf oge, %masked_sort3A_456, %masked_sort3A_460 : vector<16xf32>
      %max3A_471 = arith.maximumf %masked_sort3A_456, %masked_sort3A_460 : vector<16xf32>
      %select_n3A_472 = arith.select %ge3A_470, %masked_sort3A_457, %masked_sort3A_461 : vector<16xi1>, vector<16xi32>
      %ge3A_473 = arith.cmpf oge, %masked_sort3A_464, %masked_sort3A_468 : vector<16xf32>
      %max3A_474 = arith.maximumf %masked_sort3A_464, %masked_sort3A_468 : vector<16xf32>
      %select_n3A_475 = arith.select %ge3A_473, %masked_sort3A_465, %masked_sort3A_469 : vector<16xi1>, vector<16xi32>
      %broadcast_in_dim3A_476 = vector.shape_cast %and3A_12 : vector<16xi32> to vector<16x1xi32>
      %gather3A_477 = vector.shape_cast %broadcast_in_dim3A_476 : vector<16x1xi32> to vector<16xi32>
      %gather3A_478 = tpu.dynamic_gather %max3A_471[%gather3A_477] in [0] : vector<16xf32>, vector<16xi32> -> vector<16xf32>
      %broadcast_in_dim3A_479 = vector.shape_cast %and3A_12 : vector<16xi32> to vector<16x1xi32>
      %gather3A_480 = vector.shape_cast %broadcast_in_dim3A_479 : vector<16x1xi32> to vector<16xi32>
      %gather3A_481 = tpu.dynamic_gather %select_n3A_472[%gather3A_480] in [0] : vector<16xi32>, vector<16xi32> -> vector<16xi32>
      %ge3A_482 = arith.cmpf oge, %max3A_471, %gather3A_478 : vector<16xf32>
      %max3A_483 = arith.maximumf %max3A_471, %gather3A_478 : vector<16xf32>
      %select_n3A_484 = arith.select %ge3A_482, %select_n3A_472, %gather3A_481 : vector<16xi1>, vector<16xi32>
      %broadcast_in_dim3A_485 = vector.shape_cast %and3A_12 : vector<16xi32> to vector<16x1xi32>
      %gather3A_486 = vector.shape_cast %broadcast_in_dim3A_485 : vector<16x1xi32> to vector<16xi32>
      %gather3A_487 = tpu.dynamic_gather %max3A_474[%gather3A_486] in [0] : vector<16xf32>, vector<16xi32> -> vector<16xf32>
      %broadcast_in_dim3A_488 = vector.shape_cast %and3A_12 : vector<16xi32> to vector<16x1xi32>
      %gather3A_489 = vector.shape_cast %broadcast_in_dim3A_488 : vector<16x1xi32> to vector<16xi32>
      %gather3A_490 = tpu.dynamic_gather %select_n3A_475[%gather3A_489] in [0] : vector<16xi32>, vector<16xi32> -> vector<16xi32>
      %ge3A_491 = arith.cmpf oge, %max3A_474, %gather3A_487 : vector<16xf32>
      %max3A_492 = arith.maximumf %max3A_474, %gather3A_487 : vector<16xf32>
      %select_n3A_493 = arith.select %ge3A_491, %select_n3A_475, %gather3A_490 : vector<16xi1>, vector<16xi32>
      %select_n3A_494 = arith.select %lt3A_6, %max3A_483, %max3A_492 : vector<16xi1>, vector<16xf32>
      %select_n3A_495 = arith.select %lt3A_6, %select_n3A_484, %select_n3A_493 : vector<16xi1>, vector<16xi32>
      %masked_sort3A_496 = arith.constant dense<true> : vector<16xi1>
      %masked_sort3A_497, %masked_sort3A_498, %masked_sort3A_499 = tpu.sort %select_n3A_494, %select_n3A_495 masked %masked_sort3A_496 : (vector<16xf32>, vector<16xi32>, vector<16xi1>) -> (vector<16xi1>, vector<16xf32>, vector<16xi32>)
      %exp3A_500 = math.exp %masked_sort3A_498 : vector<16xf32>
      %jit3A_501 = arith.constant 0.000000e+00 : f32
      %broadcast_in_dim3A_502 = vector.broadcast %jit3A_501 : f32 to vector<16xf32>
      %select_n3A_503 = arith.select %ge3A_4, %exp3A_500, %broadcast_in_dim3A_502 : vector<16xi1>, vector<16xf32>
      %broadcast_in_dim3A_504 = arith.constant true
      %broadcast_in_dim3A_505 = vector.broadcast %broadcast_in_dim3A_504 : i1 to vector<16xi1>
      %masked_cumsum3A_506 = tpu.scan <sum>, %select_n3A_503 masked %broadcast_in_dim3A_505 : vector<16xf32>, vector<16xi1> -> vector<16xf32>
      %broadcast_in_dim3A_507 = vector.shape_cast %broadcast_in_dim3A_7 : vector<16xi32> to vector<16x1xi32>
      %gather3A_508 = vector.shape_cast %broadcast_in_dim3A_507 : vector<16x1xi32> to vector<16xi32>
      %gather3A_509 = tpu.dynamic_gather %masked_cumsum3A_506[%gather3A_508] in [0] : vector<16xf32>, vector<16xi32> -> vector<16xf32>
      %div3A_510 = arith.constant 6.400000e+01 : f32
      %div3A_511 = vector.broadcast %div3A_510 : f32 to vector<16xf32>
      %div3A_512 = arith.divf %div3A_511, %gather3A_509 : vector<16xf32>
      %mul3A_513 = arith.mulf %exp3A_500, %div3A_512 : vector<16xf32>
      %swap3A_514 = arith.index_cast %add3A_441 : i32 to index
      %swap3A_515 = arith.constant 0 : index
      %swap3A_516 = tpu.vector_load %arg7[%swap3A_514, %swap3A_515] {strides = array<i32>} : memref<128x64xf32, #tpu.memory_space<vmem>>, vector<16xf32>,
      tpu.vector_store %arg7[%swap3A_514, %swap3A_515], %broadcast_in_dim3A_26 {strides = array<i32>} : memref<128x64xf32, #tpu.memory_space<vmem>>, vector<16xf32>,
      %swap3A_517 = arith.index_cast %add3A_441 : i32 to index
      %swap3A_518 = arith.constant 16 : index
      %swap3A_519 = tpu.vector_load %arg7[%swap3A_517, %swap3A_518] {strides = array<i32>} : memref<128x64xf32, #tpu.memory_space<vmem>>, vector<16xf32>,
      tpu.vector_store %arg7[%swap3A_517, %swap3A_518], %broadcast_in_dim3A_26 {strides = array<i32>} : memref<128x64xf32, #tpu.memory_space<vmem>>, vector<16xf32>,
      %swap3A_520 = arith.index_cast %add3A_441 : i32 to index
      %swap3A_521 = arith.constant 32 : index
      %swap3A_522 = tpu.vector_load %arg7[%swap3A_520, %swap3A_521] {strides = array<i32>} : memref<128x64xf32, #tpu.memory_space<vmem>>, vector<16xf32>,
      tpu.vector_store %arg7[%swap3A_520, %swap3A_521], %broadcast_in_dim3A_26 {strides = array<i32>} : memref<128x64xf32, #tpu.memory_space<vmem>>, vector<16xf32>,
      %swap3A_523 = arith.index_cast %add3A_441 : i32 to index
      %swap3A_524 = arith.constant 48 : index
      %swap3A_525 = tpu.vector_load %arg7[%swap3A_523, %swap3A_524] {strides = array<i32>} : memref<128x64xf32, #tpu.memory_space<vmem>>, vector<16xf32>,
      tpu.vector_store %arg7[%swap3A_523, %swap3A_524], %broadcast_in_dim3A_26 {strides = array<i32>} : memref<128x64xf32, #tpu.memory_space<vmem>>, vector<16xf32>,
      %broadcast_in_dim3A_526 = vector.broadcast %add3A_441 : i32 to vector<16xi32>
      tpu.vector_store_idx %arg7[%broadcast_in_dim3A_526, %masked_sort3A_499], %mul3A_513 masked %ge3A_4 : memref<128x64xf32, #tpu.memory_space<vmem>>[vector<16xi32>, vector<16xi32>], vector<16xf32>, vector<16xi1>
      %add3A_527 = arith.constant 3 : i32
      %add3A_528 = arith.addi %mul3A_275, %add3A_527 : i32
      %get3A_529 = arith.index_cast %add3A_528 : i32 to index
      %get3A_530 = arith.constant 0 : index
      %get3A_531 = tpu.vector_load %arg5[%get3A_529, %get3A_530] {strides = array<i32>} : memref<128x64xf32, #tpu.memory_space<vmem>>, vector<16xf32>,
      %get3A_532 = arith.index_cast %add3A_528 : i32 to index
      %get3A_533 = arith.constant 16 : index
      %get3A_534 = tpu.vector_load %arg5[%get3A_532, %get3A_533] {strides = array<i32>} : memref<128x64xf32, #tpu.memory_space<vmem>>, vector<16xf32>,
      %get3A_535 = arith.index_cast %add3A_528 : i32 to index
      %get3A_536 = arith.constant 32 : index
      %get3A_537 = tpu.vector_load %arg5[%get3A_535, %get3A_536] {strides = array<i32>} : memref<128x64xf32, #tpu.memory_space<vmem>>, vector<16xf32>,
      %get3A_538 = arith.index_cast %add3A_528 : i32 to index
      %get3A_539 = arith.constant 48 : index
      %get3A_540 = tpu.vector_load %arg5[%get3A_538, %get3A_539] {strides = array<i32>} : memref<128x64xf32, #tpu.memory_space<vmem>>, vector<16xf32>,
      %masked_sort3A_541 = arith.constant dense<true> : vector<16xi1>
      %masked_sort3A_542, %masked_sort3A_543, %masked_sort3A_544 = tpu.sort %get3A_531, %add3A_15 masked %masked_sort3A_541 : (vector<16xf32>, vector<16xi32>, vector<16xi1>) -> (vector<16xi1>, vector<16xf32>, vector<16xi32>)
      %masked_sort3A_545 = arith.constant dense<true> : vector<16xi1>
      %masked_sort3A_546, %masked_sort3A_547, %masked_sort3A_548 = tpu.sort %get3A_534, %add3A_18 masked %masked_sort3A_545 {descending = true} : (vector<16xf32>, vector<16xi32>, vector<16xi1>) -> (vector<16xi1>, vector<16xf32>, vector<16xi32>)
      %masked_sort3A_549 = arith.constant dense<true> : vector<16xi1>
      %masked_sort3A_550, %masked_sort3A_551, %masked_sort3A_552 = tpu.sort %get3A_537, %add3A_21 masked %masked_sort3A_549 : (vector<16xf32>, vector<16xi32>, vector<16xi1>) -> (vector<16xi1>, vector<16xf32>, vector<16xi32>)
      %masked_sort3A_553 = arith.constant dense<true> : vector<16xi1>
      %masked_sort3A_554, %masked_sort3A_555, %masked_sort3A_556 = tpu.sort %get3A_540, %add3A_24 masked %masked_sort3A_553 {descending = true} : (vector<16xf32>, vector<16xi32>, vector<16xi1>) -> (vector<16xi1>, vector<16xf32>, vector<16xi32>)
      %ge3A_557 = arith.cmpf oge, %masked_sort3A_543, %masked_sort3A_547 : vector<16xf32>
      %max3A_558 = arith.maximumf %masked_sort3A_543, %masked_sort3A_547 : vector<16xf32>
      %select_n3A_559 = arith.select %ge3A_557, %masked_sort3A_544, %masked_sort3A_548 : vector<16xi1>, vector<16xi32>
      %ge3A_560 = arith.cmpf oge, %masked_sort3A_551, %masked_sort3A_555 : vector<16xf32>
      %max3A_561 = arith.maximumf %masked_sort3A_551, %masked_sort3A_555 : vector<16xf32>
      %select_n3A_562 = arith.select %ge3A_560, %masked_sort3A_552, %masked_sort3A_556 : vector<16xi1>, vector<16xi32>
      %broadcast_in_dim3A_563 = vector.shape_cast %and3A_12 : vector<16xi32> to vector<16x1xi32>
      %gather3A_564 = vector.shape_cast %broadcast_in_dim3A_563 : vector<16x1xi32> to vector<16xi32>
      %gather3A_565 = tpu.dynamic_gather %max3A_558[%gather3A_564] in [0] : vector<16xf32>, vector<16xi32> -> vector<16xf32>
      %broadcast_in_dim3A_566 = vector.shape_cast %and3A_12 : vector<16xi32> to vector<16x1xi32>
      %gather3A_567 = vector.shape_cast %broadcast_in_dim3A_566 : vector<16x1xi32> to vector<16xi32>
      %gather3A_568 = tpu.dynamic_gather %select_n3A_559[%gather3A_567] in [0] : vector<16xi32>, vector<16xi32> -> vector<16xi32>
      %ge3A_569 = arith.cmpf oge, %max3A_558, %gather3A_565 : vector<16xf32>
      %max3A_570 = arith.maximumf %max3A_558, %gather3A_565 : vector<16xf32>
      %select_n3A_571 = arith.select %ge3A_569, %select_n3A_559, %gather3A_568 : vector<16xi1>, vector<16xi32>
      %broadcast_in_dim3A_572 = vector.shape_cast %and3A_12 : vector<16xi32> to vector<16x1xi32>
      %gather3A_573 = vector.shape_cast %broadcast_in_dim3A_572 : vector<16x1xi32> to vector<16xi32>
      %gather3A_574 = tpu.dynamic_gather %max3A_561[%gather3A_573] in [0] : vector<16xf32>, vector<16xi32> -> vector<16xf32>
      %broadcast_in_dim3A_575 = vector.shape_cast %and3A_12 : vector<16xi32> to vector<16x1xi32>
      %gather3A_576 = vector.shape_cast %broadcast_in_dim3A_575 : vector<16x1xi32> to vector<16xi32>
      %gather3A_577 = tpu.dynamic_gather %select_n3A_562[%gather3A_576] in [0] : vector<16xi32>, vector<16xi32> -> vector<16xi32>
      %ge3A_578 = arith.cmpf oge, %max3A_561, %gather3A_574 : vector<16xf32>
      %max3A_579 = arith.maximumf %max3A_561, %gather3A_574 : vector<16xf32>
      %select_n3A_580 = arith.select %ge3A_578, %select_n3A_562, %gather3A_577 : vector<16xi1>, vector<16xi32>
      %select_n3A_581 = arith.select %lt3A_6, %max3A_570, %max3A_579 : vector<16xi1>, vector<16xf32>
      %select_n3A_582 = arith.select %lt3A_6, %select_n3A_571, %select_n3A_580 : vector<16xi1>, vector<16xi32>
      %masked_sort3A_583 = arith.constant dense<true> : vector<16xi1>
      %masked_sort3A_584, %masked_sort3A_585, %masked_sort3A_586 = tpu.sort %select_n3A_581, %select_n3A_582 masked %masked_sort3A_583 : (vector<16xf32>, vector<16xi32>, vector<16xi1>) -> (vector<16xi1>, vector<16xf32>, vector<16xi32>)
      %exp3A_587 = math.exp %masked_sort3A_585 : vector<16xf32>
      %jit3A_588 = arith.constant 0.000000e+00 : f32
      %broadcast_in_dim3A_589 = vector.broadcast %jit3A_588 : f32 to vector<16xf32>
      %select_n3A_590 = arith.select %ge3A_4, %exp3A_587, %broadcast_in_dim3A_589 : vector<16xi1>, vector<16xf32>
      %broadcast_in_dim3A_591 = arith.constant true
      %broadcast_in_dim3A_592 = vector.broadcast %broadcast_in_dim3A_591 : i1 to vector<16xi1>
      %masked_cumsum3A_593 = tpu.scan <sum>, %select_n3A_590 masked %broadcast_in_dim3A_592 : vector<16xf32>, vector<16xi1> -> vector<16xf32>
      %broadcast_in_dim3A_594 = vector.shape_cast %broadcast_in_dim3A_7 : vector<16xi32> to vector<16x1xi32>
      %gather3A_595 = vector.shape_cast %broadcast_in_dim3A_594 : vector<16x1xi32> to vector<16xi32>
      %gather3A_596 = tpu.dynamic_gather %masked_cumsum3A_593[%gather3A_595] in [0] : vector<16xf32>, vector<16xi32> -> vector<16xf32>
      %div3A_597 = arith.constant 6.400000e+01 : f32
      %div3A_598 = vector.broadcast %div3A_597 : f32 to vector<16xf32>
      %div3A_599 = arith.divf %div3A_598, %gather3A_596 : vector<16xf32>
      %mul3A_600 = arith.mulf %exp3A_587, %div3A_599 : vector<16xf32>
      %swap3A_601 = arith.index_cast %add3A_528 : i32 to index
      %swap3A_602 = arith.constant 0 : index
      %swap3A_603 = tpu.vector_load %arg7[%swap3A_601, %swap3A_602] {strides = array<i32>} : memref<128x64xf32, #tpu.memory_space<vmem>>, vector<16xf32>,
      tpu.vector_store %arg7[%swap3A_601, %swap3A_602], %broadcast_in_dim3A_26 {strides = array<i32>} : memref<128x64xf32, #tpu.memory_space<vmem>>, vector<16xf32>,
      %swap3A_604 = arith.index_cast %add3A_528 : i32 to index
      %swap3A_605 = arith.constant 16 : index
      %swap3A_606 = tpu.vector_load %arg7[%swap3A_604, %swap3A_605] {strides = array<i32>} : memref<128x64xf32, #tpu.memory_space<vmem>>, vector<16xf32>,
      tpu.vector_store %arg7[%swap3A_604, %swap3A_605], %broadcast_in_dim3A_26 {strides = array<i32>} : memref<128x64xf32, #tpu.memory_space<vmem>>, vector<16xf32>,
      %swap3A_607 = arith.index_cast %add3A_528 : i32 to index
      %swap3A_608 = arith.constant 32 : index
      %swap3A_609 = tpu.vector_load %arg7[%swap3A_607, %swap3A_608] {strides = array<i32>} : memref<128x64xf32, #tpu.memory_space<vmem>>, vector<16xf32>,
      tpu.vector_store %arg7[%swap3A_607, %swap3A_608], %broadcast_in_dim3A_26 {strides = array<i32>} : memref<128x64xf32, #tpu.memory_space<vmem>>, vector<16xf32>,
      %swap3A_610 = arith.index_cast %add3A_528 : i32 to index
      %swap3A_611 = arith.constant 48 : index
      %swap3A_612 = tpu.vector_load %arg7[%swap3A_610, %swap3A_611] {strides = array<i32>} : memref<128x64xf32, #tpu.memory_space<vmem>>, vector<16xf32>,
      tpu.vector_store %arg7[%swap3A_610, %swap3A_611], %broadcast_in_dim3A_26 {strides = array<i32>} : memref<128x64xf32, #tpu.memory_space<vmem>>, vector<16xf32>,
      %broadcast_in_dim3A_613 = vector.broadcast %add3A_528 : i32 to vector<16xi32>
      tpu.vector_store_idx %arg7[%broadcast_in_dim3A_613, %masked_sort3A_586], %mul3A_600 masked %ge3A_4 : memref<128x64xf32, #tpu.memory_space<vmem>>[vector<16xi32>, vector<16xi32>], vector<16xf32>, vector<16xi1>
      %scan3A_614 = arith.constant 0 : i32
      scf.yield %scan3A_614 : i32
    }
    %scan3A_135 = arith.constant 32 : i32
    %add3A_136 = arith.constant 384 : i32
    %add3A_137 = arith.addi %mul3A_2, %add3A_136 : i32
    %dma_start3A_138 = arith.constant 0 : i32
    %dma_start3A_139 = tpu.memref_slice %arg3[%add3A_137, %dma_start3A_138] : memref<32768x64xf32, #tpu.memory_space<hbm>> -> memref<128x64xf32, #tpu.memory_space<hbm>>
    %dma_start3A_140 = arith.constant 0 : i32
    %dma_start3A_141 = tpu.memref_slice %arg3[%add3A_137, %dma_start3A_140] : memref<32768x64xf32, #tpu.memory_space<hbm>> -> memref<128x64xf32, #tpu.memory_space<hbm>>
    tpu.enqueue_dma source(%arg7 : memref<128x64xf32, #tpu.memory_space<vmem>>) target(%dma_start3A_141 : memref<128x64xf32, #tpu.memory_space<hbm>>) target_semaphore(%arg11 : memref<!tpu.dma_semaphore, #tpu.memory_space<semaphore_mem>>)
    %add3A_142 = arith.constant 640 : i32
    %add3A_143 = arith.addi %mul3A_2, %add3A_142 : i32
    %dma_start3A_144 = arith.constant 0 : i32
    %dma_start3A_145 = tpu.memref_slice %arg2[%add3A_143, %dma_start3A_144] : memref<32768x64xf32, #tpu.memory_space<hbm>> -> memref<128x64xf32, #tpu.memory_space<hbm>>
    %dma_start3A_146 = arith.constant 0 : i32
    %dma_start3A_147 = tpu.memref_slice %arg2[%add3A_143, %dma_start3A_146] : memref<32768x64xf32, #tpu.memory_space<hbm>> -> memref<128x64xf32, #tpu.memory_space<hbm>>
    tpu.enqueue_dma source(%dma_start3A_147 : memref<128x64xf32, #tpu.memory_space<hbm>>) target(%arg5 : memref<128x64xf32, #tpu.memory_space<vmem>>) target_semaphore(%arg9 : memref<!tpu.dma_semaphore, #tpu.memory_space<semaphore_mem>>)
    %add3A_148 = arith.constant 512 : i32
    %add3A_149 = arith.addi %mul3A_2, %add3A_148 : i32
    %dma_wait3A_150 = arith.constant 0 : i32
    %dma_wait3A_151 = tpu.memref_slice %arg2[%add3A_149, %dma_wait3A_150] : memref<32768x64xf32, #tpu.memory_space<hbm>> -> memref<128x64xf32, #tpu.memory_space<hbm>>
    %dma_wait3A_152 = arith.constant 0 : i32
    %dma_wait3A_153 = tpu.memref_slice %arg2[%add3A_149, %dma_wait3A_152] : memref<32768x64xf32, #tpu.memory_space<hbm>> -> memref<128x64xf32, #tpu.memory_space<hbm>>
    tpu.wait_dma2 semaphore(%arg8 : memref<!tpu.dma_semaphore, #tpu.memory_space<semaphore_mem>>) src(%dma_wait3A_153 : memref<128x64xf32, #tpu.memory_space<hbm>>) dst(%arg4 : memref<128x64xf32, #tpu.memory_space<vmem>>)
    %add3A_154 = arith.constant 256 : i32
    %add3A_155 = arith.addi %mul3A_2, %add3A_154 : i32
    %dma_wait3A_156 = arith.constant 0 : i32
    %dma_wait3A_157 = tpu.memref_slice %arg3[%add3A_155, %dma_wait3A_156] : memref<32768x64xf32, #tpu.memory_space<hbm>> -> memref<128x64xf32, #tpu.memory_space<hbm>>
    %dma_wait3A_158 = arith.constant 0 : i32
    %dma_wait3A_159 = tpu.memref_slice %arg3[%add3A_155, %dma_wait3A_158] : memref<32768x64xf32, #tpu.memory_space<hbm>> -> memref<128x64xf32, #tpu.memory_space<hbm>>
    tpu.wait_dma2 semaphore(%arg10 : memref<!tpu.dma_semaphore, #tpu.memory_space<semaphore_mem>>) src(%arg6 : memref<128x64xf32, #tpu.memory_space<vmem>>) dst(%dma_wait3A_159 : memref<128x64xf32, #tpu.memory_space<hbm>>)
    %scan3A_160 = arith.constant 0 : i32
    %scan3A_161 = arith.constant 0 : i32
    %scan3A_162 = arith.constant 32 : i32
    %scan3A_163 = arith.addi %scan3A_161, %scan3A_162 : i32
    %scan3A_164 = arith.constant 1 : i32
    %scan3A_165 = scf.for %scan3A_272 = %scan3A_161 to %scan3A_163 step %scan3A_164 iter_args(%scan3A_273 = %scan3A_160) -> (i32)  : i32 {
      %mul3A_274 = arith.constant 4 : i32
      %mul3A_275 = arith.muli %scan3A_272, %mul3A_274 : i32
      %add3A_276 = arith.constant 0 : i32
      %add3A_277 = arith.addi %mul3A_275, %add3A_276 : i32
      %get3A = arith.index_cast %add3A_277 : i32 to index
      %get3A_278 = arith.constant 0 : index
      %get3A_279 = tpu.vector_load %arg4[%get3A, %get3A_278] {strides = array<i32>} : memref<128x64xf32, #tpu.memory_space<vmem>>, vector<16xf32>,
      %get3A_280 = arith.index_cast %add3A_277 : i32 to index
      %get3A_281 = arith.constant 16 : index
      %get3A_282 = tpu.vector_load %arg4[%get3A_280, %get3A_281] {strides = array<i32>} : memref<128x64xf32, #tpu.memory_space<vmem>>, vector<16xf32>,
      %get3A_283 = arith.index_cast %add3A_277 : i32 to index
      %get3A_284 = arith.constant 32 : index
      %get3A_285 = tpu.vector_load %arg4[%get3A_283, %get3A_284] {strides = array<i32>} : memref<128x64xf32, #tpu.memory_space<vmem>>, vector<16xf32>,
      %get3A_286 = arith.index_cast %add3A_277 : i32 to index
      %get3A_287 = arith.constant 48 : index
      %get3A_288 = tpu.vector_load %arg4[%get3A_286, %get3A_287] {strides = array<i32>} : memref<128x64xf32, #tpu.memory_space<vmem>>, vector<16xf32>,
      %masked_sort3A = arith.constant dense<true> : vector<16xi1>
      %masked_sort3A_289, %masked_sort3A_290, %masked_sort3A_291 = tpu.sort %get3A_279, %add3A_15 masked %masked_sort3A : (vector<16xf32>, vector<16xi32>, vector<16xi1>) -> (vector<16xi1>, vector<16xf32>, vector<16xi32>)
      %masked_sort3A_292 = arith.constant dense<true> : vector<16xi1>
      %masked_sort3A_293, %masked_sort3A_294, %masked_sort3A_295 = tpu.sort %get3A_282, %add3A_18 masked %masked_sort3A_292 {descending = true} : (vector<16xf32>, vector<16xi32>, vector<16xi1>) -> (vector<16xi1>, vector<16xf32>, vector<16xi32>)
      %masked_sort3A_296 = arith.constant dense<true> : vector<16xi1>
      %masked_sort3A_297, %masked_sort3A_298, %masked_sort3A_299 = tpu.sort %get3A_285, %add3A_21 masked %masked_sort3A_296 : (vector<16xf32>, vector<16xi32>, vector<16xi1>) -> (vector<16xi1>, vector<16xf32>, vector<16xi32>)
      %masked_sort3A_300 = arith.constant dense<true> : vector<16xi1>
      %masked_sort3A_301, %masked_sort3A_302, %masked_sort3A_303 = tpu.sort %get3A_288, %add3A_24 masked %masked_sort3A_300 {descending = true} : (vector<16xf32>, vector<16xi32>, vector<16xi1>) -> (vector<16xi1>, vector<16xf32>, vector<16xi32>)
      %ge3A_304 = arith.cmpf oge, %masked_sort3A_290, %masked_sort3A_294 : vector<16xf32>
      %max3A = arith.maximumf %masked_sort3A_290, %masked_sort3A_294 : vector<16xf32>
      %select_n3A = arith.select %ge3A_304, %masked_sort3A_291, %masked_sort3A_295 : vector<16xi1>, vector<16xi32>
      %ge3A_305 = arith.cmpf oge, %masked_sort3A_298, %masked_sort3A_302 : vector<16xf32>
      %max3A_306 = arith.maximumf %masked_sort3A_298, %masked_sort3A_302 : vector<16xf32>
      %select_n3A_307 = arith.select %ge3A_305, %masked_sort3A_299, %masked_sort3A_303 : vector<16xi1>, vector<16xi32>
      %broadcast_in_dim3A_308 = vector.shape_cast %and3A_12 : vector<16xi32> to vector<16x1xi32>
      %gather3A = vector.shape_cast %broadcast_in_dim3A_308 : vector<16x1xi32> to vector<16xi32>
      %gather3A_309 = tpu.dynamic_gather %max3A[%gather3A] in [0] : vector<16xf32>, vector<16xi32> -> vector<16xf32>
      %broadcast_in_dim3A_310 = vector.shape_cast %and3A_12 : vector<16xi32> to vector<16x1xi32>
      %gather3A_311 = vector.shape_cast %broadcast_in_dim3A_310 : vector<16x1xi32> to vector<16xi32>
      %gather3A_312 = tpu.dynamic_gather %select_n3A[%gather3A_311] in [0] : vector<16xi32>, vector<16xi32> -> vector<16xi32>
      %ge3A_313 = arith.cmpf oge, %max3A, %gather3A_309 : vector<16xf32>
      %max3A_314 = arith.maximumf %max3A, %gather3A_309 : vector<16xf32>
      %select_n3A_315 = arith.select %ge3A_313, %select_n3A, %gather3A_312 : vector<16xi1>, vector<16xi32>
      %broadcast_in_dim3A_316 = vector.shape_cast %and3A_12 : vector<16xi32> to vector<16x1xi32>
      %gather3A_317 = vector.shape_cast %broadcast_in_dim3A_316 : vector<16x1xi32> to vector<16xi32>
      %gather3A_318 = tpu.dynamic_gather %max3A_306[%gather3A_317] in [0] : vector<16xf32>, vector<16xi32> -> vector<16xf32>
      %broadcast_in_dim3A_319 = vector.shape_cast %and3A_12 : vector<16xi32> to vector<16x1xi32>
      %gather3A_320 = vector.shape_cast %broadcast_in_dim3A_319 : vector<16x1xi32> to vector<16xi32>
      %gather3A_321 = tpu.dynamic_gather %select_n3A_307[%gather3A_320] in [0] : vector<16xi32>, vector<16xi32> -> vector<16xi32>
      %ge3A_322 = arith.cmpf oge, %max3A_306, %gather3A_318 : vector<16xf32>
      %max3A_323 = arith.maximumf %max3A_306, %gather3A_318 : vector<16xf32>
      %select_n3A_324 = arith.select %ge3A_322, %select_n3A_307, %gather3A_321 : vector<16xi1>, vector<16xi32>
      %select_n3A_325 = arith.select %lt3A_6, %max3A_314, %max3A_323 : vector<16xi1>, vector<16xf32>
      %select_n3A_326 = arith.select %lt3A_6, %select_n3A_315, %select_n3A_324 : vector<16xi1>, vector<16xi32>
      %masked_sort3A_327 = arith.constant dense<true> : vector<16xi1>
      %masked_sort3A_328, %masked_sort3A_329, %masked_sort3A_330 = tpu.sort %select_n3A_325, %select_n3A_326 masked %masked_sort3A_327 : (vector<16xf32>, vector<16xi32>, vector<16xi1>) -> (vector<16xi1>, vector<16xf32>, vector<16xi32>)
      %exp3A = math.exp %masked_sort3A_329 : vector<16xf32>
      %jit3A = arith.constant 0.000000e+00 : f32
      %broadcast_in_dim3A_331 = vector.broadcast %jit3A : f32 to vector<16xf32>
      %select_n3A_332 = arith.select %ge3A_4, %exp3A, %broadcast_in_dim3A_331 : vector<16xi1>, vector<16xf32>
      %broadcast_in_dim3A_333 = arith.constant true
      %broadcast_in_dim3A_334 = vector.broadcast %broadcast_in_dim3A_333 : i1 to vector<16xi1>
      %masked_cumsum3A = tpu.scan <sum>, %select_n3A_332 masked %broadcast_in_dim3A_334 : vector<16xf32>, vector<16xi1> -> vector<16xf32>
      %broadcast_in_dim3A_335 = vector.shape_cast %broadcast_in_dim3A_7 : vector<16xi32> to vector<16x1xi32>
      %gather3A_336 = vector.shape_cast %broadcast_in_dim3A_335 : vector<16x1xi32> to vector<16xi32>
      %gather3A_337 = tpu.dynamic_gather %masked_cumsum3A[%gather3A_336] in [0] : vector<16xf32>, vector<16xi32> -> vector<16xf32>
      %div3A = arith.constant 6.400000e+01 : f32
      %div3A_338 = vector.broadcast %div3A : f32 to vector<16xf32>
      %div3A_339 = arith.divf %div3A_338, %gather3A_337 : vector<16xf32>
      %mul3A_340 = arith.mulf %exp3A, %div3A_339 : vector<16xf32>
      %swap3A = arith.index_cast %add3A_277 : i32 to index
      %swap3A_341 = arith.constant 0 : index
      %swap3A_342 = tpu.vector_load %arg6[%swap3A, %swap3A_341] {strides = array<i32>} : memref<128x64xf32, #tpu.memory_space<vmem>>, vector<16xf32>,
      tpu.vector_store %arg6[%swap3A, %swap3A_341], %broadcast_in_dim3A_26 {strides = array<i32>} : memref<128x64xf32, #tpu.memory_space<vmem>>, vector<16xf32>,
      %swap3A_343 = arith.index_cast %add3A_277 : i32 to index
      %swap3A_344 = arith.constant 16 : index
      %swap3A_345 = tpu.vector_load %arg6[%swap3A_343, %swap3A_344] {strides = array<i32>} : memref<128x64xf32, #tpu.memory_space<vmem>>, vector<16xf32>,
      tpu.vector_store %arg6[%swap3A_343, %swap3A_344], %broadcast_in_dim3A_26 {strides = array<i32>} : memref<128x64xf32, #tpu.memory_space<vmem>>, vector<16xf32>,
      %swap3A_346 = arith.index_cast %add3A_277 : i32 to index
      %swap3A_347 = arith.constant 32 : index
      %swap3A_348 = tpu.vector_load %arg6[%swap3A_346, %swap3A_347] {strides = array<i32>} : memref<128x64xf32, #tpu.memory_space<vmem>>, vector<16xf32>,
      tpu.vector_store %arg6[%swap3A_346, %swap3A_347], %broadcast_in_dim3A_26 {strides = array<i32>} : memref<128x64xf32, #tpu.memory_space<vmem>>, vector<16xf32>,
      %swap3A_349 = arith.index_cast %add3A_277 : i32 to index
      %swap3A_350 = arith.constant 48 : index
      %swap3A_351 = tpu.vector_load %arg6[%swap3A_349, %swap3A_350] {strides = array<i32>} : memref<128x64xf32, #tpu.memory_space<vmem>>, vector<16xf32>,
      tpu.vector_store %arg6[%swap3A_349, %swap3A_350], %broadcast_in_dim3A_26 {strides = array<i32>} : memref<128x64xf32, #tpu.memory_space<vmem>>, vector<16xf32>,
      %broadcast_in_dim3A_352 = vector.broadcast %add3A_277 : i32 to vector<16xi32>
      tpu.vector_store_idx %arg6[%broadcast_in_dim3A_352, %masked_sort3A_330], %mul3A_340 masked %ge3A_4 : memref<128x64xf32, #tpu.memory_space<vmem>>[vector<16xi32>, vector<16xi32>], vector<16xf32>, vector<16xi1>
      %add3A_353 = arith.constant 1 : i32
      %add3A_354 = arith.addi %mul3A_275, %add3A_353 : i32
      %get3A_355 = arith.index_cast %add3A_354 : i32 to index
      %get3A_356 = arith.constant 0 : index
      %get3A_357 = tpu.vector_load %arg4[%get3A_355, %get3A_356] {strides = array<i32>} : memref<128x64xf32, #tpu.memory_space<vmem>>, vector<16xf32>,
      %get3A_358 = arith.index_cast %add3A_354 : i32 to index
      %get3A_359 = arith.constant 16 : index
      %get3A_360 = tpu.vector_load %arg4[%get3A_358, %get3A_359] {strides = array<i32>} : memref<128x64xf32, #tpu.memory_space<vmem>>, vector<16xf32>,
      %get3A_361 = arith.index_cast %add3A_354 : i32 to index
      %get3A_362 = arith.constant 32 : index
      %get3A_363 = tpu.vector_load %arg4[%get3A_361, %get3A_362] {strides = array<i32>} : memref<128x64xf32, #tpu.memory_space<vmem>>, vector<16xf32>,
      %get3A_364 = arith.index_cast %add3A_354 : i32 to index
      %get3A_365 = arith.constant 48 : index
      %get3A_366 = tpu.vector_load %arg4[%get3A_364, %get3A_365] {strides = array<i32>} : memref<128x64xf32, #tpu.memory_space<vmem>>, vector<16xf32>,
      %masked_sort3A_367 = arith.constant dense<true> : vector<16xi1>
      %masked_sort3A_368, %masked_sort3A_369, %masked_sort3A_370 = tpu.sort %get3A_357, %add3A_15 masked %masked_sort3A_367 : (vector<16xf32>, vector<16xi32>, vector<16xi1>) -> (vector<16xi1>, vector<16xf32>, vector<16xi32>)
      %masked_sort3A_371 = arith.constant dense<true> : vector<16xi1>
      %masked_sort3A_372, %masked_sort3A_373, %masked_sort3A_374 = tpu.sort %get3A_360, %add3A_18 masked %masked_sort3A_371 {descending = true} : (vector<16xf32>, vector<16xi32>, vector<16xi1>) -> (vector<16xi1>, vector<16xf32>, vector<16xi32>)
      %masked_sort3A_375 = arith.constant dense<true> : vector<16xi1>
      %masked_sort3A_376, %masked_sort3A_377, %masked_sort3A_378 = tpu.sort %get3A_363, %add3A_21 masked %masked_sort3A_375 : (vector<16xf32>, vector<16xi32>, vector<16xi1>) -> (vector<16xi1>, vector<16xf32>, vector<16xi32>)
      %masked_sort3A_379 = arith.constant dense<true> : vector<16xi1>
      %masked_sort3A_380, %masked_sort3A_381, %masked_sort3A_382 = tpu.sort %get3A_366, %add3A_24 masked %masked_sort3A_379 {descending = true} : (vector<16xf32>, vector<16xi32>, vector<16xi1>) -> (vector<16xi1>, vector<16xf32>, vector<16xi32>)
      %ge3A_383 = arith.cmpf oge, %masked_sort3A_369, %masked_sort3A_373 : vector<16xf32>
      %max3A_384 = arith.maximumf %masked_sort3A_369, %masked_sort3A_373 : vector<16xf32>
      %select_n3A_385 = arith.select %ge3A_383, %masked_sort3A_370, %masked_sort3A_374 : vector<16xi1>, vector<16xi32>
      %ge3A_386 = arith.cmpf oge, %masked_sort3A_377, %masked_sort3A_381 : vector<16xf32>
      %max3A_387 = arith.maximumf %masked_sort3A_377, %masked_sort3A_381 : vector<16xf32>
      %select_n3A_388 = arith.select %ge3A_386, %masked_sort3A_378, %masked_sort3A_382 : vector<16xi1>, vector<16xi32>
      %broadcast_in_dim3A_389 = vector.shape_cast %and3A_12 : vector<16xi32> to vector<16x1xi32>
      %gather3A_390 = vector.shape_cast %broadcast_in_dim3A_389 : vector<16x1xi32> to vector<16xi32>
      %gather3A_391 = tpu.dynamic_gather %max3A_384[%gather3A_390] in [0] : vector<16xf32>, vector<16xi32> -> vector<16xf32>
      %broadcast_in_dim3A_392 = vector.shape_cast %and3A_12 : vector<16xi32> to vector<16x1xi32>
      %gather3A_393 = vector.shape_cast %broadcast_in_dim3A_392 : vector<16x1xi32> to vector<16xi32>
      %gather3A_394 = tpu.dynamic_gather %select_n3A_385[%gather3A_393] in [0] : vector<16xi32>, vector<16xi32> -> vector<16xi32>
      %ge3A_395 = arith.cmpf oge, %max3A_384, %gather3A_391 : vector<16xf32>
      %max3A_396 = arith.maximumf %max3A_384, %gather3A_391 : vector<16xf32>
      %select_n3A_397 = arith.select %ge3A_395, %select_n3A_385, %gather3A_394 : vector<16xi1>, vector<16xi32>
      %broadcast_in_dim3A_398 = vector.shape_cast %and3A_12 : vector<16xi32> to vector<16x1xi32>
      %gather3A_399 = vector.shape_cast %broadcast_in_dim3A_398 : vector<16x1xi32> to vector<16xi32>
      %gather3A_400 = tpu.dynamic_gather %max3A_387[%gather3A_399] in [0] : vector<16xf32>, vector<16xi32> -> vector<16xf32>
      %broadcast_in_dim3A_401 = vector.shape_cast %and3A_12 : vector<16xi32> to vector<16x1xi32>
      %gather3A_402 = vector.shape_cast %broadcast_in_dim3A_401 : vector<16x1xi32> to vector<16xi32>
      %gather3A_403 = tpu.dynamic_gather %select_n3A_388[%gather3A_402] in [0] : vector<16xi32>, vector<16xi32> -> vector<16xi32>
      %ge3A_404 = arith.cmpf oge, %max3A_387, %gather3A_400 : vector<16xf32>
      %max3A_405 = arith.maximumf %max3A_387, %gather3A_400 : vector<16xf32>
      %select_n3A_406 = arith.select %ge3A_404, %select_n3A_388, %gather3A_403 : vector<16xi1>, vector<16xi32>
      %select_n3A_407 = arith.select %lt3A_6, %max3A_396, %max3A_405 : vector<16xi1>, vector<16xf32>
      %select_n3A_408 = arith.select %lt3A_6, %select_n3A_397, %select_n3A_406 : vector<16xi1>, vector<16xi32>
      %masked_sort3A_409 = arith.constant dense<true> : vector<16xi1>
      %masked_sort3A_410, %masked_sort3A_411, %masked_sort3A_412 = tpu.sort %select_n3A_407, %select_n3A_408 masked %masked_sort3A_409 : (vector<16xf32>, vector<16xi32>, vector<16xi1>) -> (vector<16xi1>, vector<16xf32>, vector<16xi32>)
      %exp3A_413 = math.exp %masked_sort3A_411 : vector<16xf32>
      %jit3A_414 = arith.constant 0.000000e+00 : f32
      %broadcast_in_dim3A_415 = vector.broadcast %jit3A_414 : f32 to vector<16xf32>
      %select_n3A_416 = arith.select %ge3A_4, %exp3A_413, %broadcast_in_dim3A_415 : vector<16xi1>, vector<16xf32>
      %broadcast_in_dim3A_417 = arith.constant true
      %broadcast_in_dim3A_418 = vector.broadcast %broadcast_in_dim3A_417 : i1 to vector<16xi1>
      %masked_cumsum3A_419 = tpu.scan <sum>, %select_n3A_416 masked %broadcast_in_dim3A_418 : vector<16xf32>, vector<16xi1> -> vector<16xf32>
      %broadcast_in_dim3A_420 = vector.shape_cast %broadcast_in_dim3A_7 : vector<16xi32> to vector<16x1xi32>
      %gather3A_421 = vector.shape_cast %broadcast_in_dim3A_420 : vector<16x1xi32> to vector<16xi32>
      %gather3A_422 = tpu.dynamic_gather %masked_cumsum3A_419[%gather3A_421] in [0] : vector<16xf32>, vector<16xi32> -> vector<16xf32>
      %div3A_423 = arith.constant 6.400000e+01 : f32
      %div3A_424 = vector.broadcast %div3A_423 : f32 to vector<16xf32>
      %div3A_425 = arith.divf %div3A_424, %gather3A_422 : vector<16xf32>
      %mul3A_426 = arith.mulf %exp3A_413, %div3A_425 : vector<16xf32>
      %swap3A_427 = arith.index_cast %add3A_354 : i32 to index
      %swap3A_428 = arith.constant 0 : index
      %swap3A_429 = tpu.vector_load %arg6[%swap3A_427, %swap3A_428] {strides = array<i32>} : memref<128x64xf32, #tpu.memory_space<vmem>>, vector<16xf32>,
      tpu.vector_store %arg6[%swap3A_427, %swap3A_428], %broadcast_in_dim3A_26 {strides = array<i32>} : memref<128x64xf32, #tpu.memory_space<vmem>>, vector<16xf32>,
      %swap3A_430 = arith.index_cast %add3A_354 : i32 to index
      %swap3A_431 = arith.constant 16 : index
      %swap3A_432 = tpu.vector_load %arg6[%swap3A_430, %swap3A_431] {strides = array<i32>} : memref<128x64xf32, #tpu.memory_space<vmem>>, vector<16xf32>,
      tpu.vector_store %arg6[%swap3A_430, %swap3A_431], %broadcast_in_dim3A_26 {strides = array<i32>} : memref<128x64xf32, #tpu.memory_space<vmem>>, vector<16xf32>,
      %swap3A_433 = arith.index_cast %add3A_354 : i32 to index
      %swap3A_434 = arith.constant 32 : index
      %swap3A_435 = tpu.vector_load %arg6[%swap3A_433, %swap3A_434] {strides = array<i32>} : memref<128x64xf32, #tpu.memory_space<vmem>>, vector<16xf32>,
      tpu.vector_store %arg6[%swap3A_433, %swap3A_434], %broadcast_in_dim3A_26 {strides = array<i32>} : memref<128x64xf32, #tpu.memory_space<vmem>>, vector<16xf32>,
      %swap3A_436 = arith.index_cast %add3A_354 : i32 to index
      %swap3A_437 = arith.constant 48 : index
      %swap3A_438 = tpu.vector_load %arg6[%swap3A_436, %swap3A_437] {strides = array<i32>} : memref<128x64xf32, #tpu.memory_space<vmem>>, vector<16xf32>,
      tpu.vector_store %arg6[%swap3A_436, %swap3A_437], %broadcast_in_dim3A_26 {strides = array<i32>} : memref<128x64xf32, #tpu.memory_space<vmem>>, vector<16xf32>,
      %broadcast_in_dim3A_439 = vector.broadcast %add3A_354 : i32 to vector<16xi32>
      tpu.vector_store_idx %arg6[%broadcast_in_dim3A_439, %masked_sort3A_412], %mul3A_426 masked %ge3A_4 : memref<128x64xf32, #tpu.memory_space<vmem>>[vector<16xi32>, vector<16xi32>], vector<16xf32>, vector<16xi1>
      %add3A_440 = arith.constant 2 : i32
      %add3A_441 = arith.addi %mul3A_275, %add3A_440 : i32
      %get3A_442 = arith.index_cast %add3A_441 : i32 to index
      %get3A_443 = arith.constant 0 : index
      %get3A_444 = tpu.vector_load %arg4[%get3A_442, %get3A_443] {strides = array<i32>} : memref<128x64xf32, #tpu.memory_space<vmem>>, vector<16xf32>,
      %get3A_445 = arith.index_cast %add3A_441 : i32 to index
      %get3A_446 = arith.constant 16 : index
      %get3A_447 = tpu.vector_load %arg4[%get3A_445, %get3A_446] {strides = array<i32>} : memref<128x64xf32, #tpu.memory_space<vmem>>, vector<16xf32>,
      %get3A_448 = arith.index_cast %add3A_441 : i32 to index
      %get3A_449 = arith.constant 32 : index
      %get3A_450 = tpu.vector_load %arg4[%get3A_448, %get3A_449] {strides = array<i32>} : memref<128x64xf32, #tpu.memory_space<vmem>>, vector<16xf32>,
      %get3A_451 = arith.index_cast %add3A_441 : i32 to index
      %get3A_452 = arith.constant 48 : index
      %get3A_453 = tpu.vector_load %arg4[%get3A_451, %get3A_452] {strides = array<i32>} : memref<128x64xf32, #tpu.memory_space<vmem>>, vector<16xf32>,
      %masked_sort3A_454 = arith.constant dense<true> : vector<16xi1>
      %masked_sort3A_455, %masked_sort3A_456, %masked_sort3A_457 = tpu.sort %get3A_444, %add3A_15 masked %masked_sort3A_454 : (vector<16xf32>, vector<16xi32>, vector<16xi1>) -> (vector<16xi1>, vector<16xf32>, vector<16xi32>)
      %masked_sort3A_458 = arith.constant dense<true> : vector<16xi1>
      %masked_sort3A_459, %masked_sort3A_460, %masked_sort3A_461 = tpu.sort %get3A_447, %add3A_18 masked %masked_sort3A_458 {descending = true} : (vector<16xf32>, vector<16xi32>, vector<16xi1>) -> (vector<16xi1>, vector<16xf32>, vector<16xi32>)
      %masked_sort3A_462 = arith.constant dense<true> : vector<16xi1>
      %masked_sort3A_463, %masked_sort3A_464, %masked_sort3A_465 = tpu.sort %get3A_450, %add3A_21 masked %masked_sort3A_462 : (vector<16xf32>, vector<16xi32>, vector<16xi1>) -> (vector<16xi1>, vector<16xf32>, vector<16xi32>)
      %masked_sort3A_466 = arith.constant dense<true> : vector<16xi1>
      %masked_sort3A_467, %masked_sort3A_468, %masked_sort3A_469 = tpu.sort %get3A_453, %add3A_24 masked %masked_sort3A_466 {descending = true} : (vector<16xf32>, vector<16xi32>, vector<16xi1>) -> (vector<16xi1>, vector<16xf32>, vector<16xi32>)
      %ge3A_470 = arith.cmpf oge, %masked_sort3A_456, %masked_sort3A_460 : vector<16xf32>
      %max3A_471 = arith.maximumf %masked_sort3A_456, %masked_sort3A_460 : vector<16xf32>
      %select_n3A_472 = arith.select %ge3A_470, %masked_sort3A_457, %masked_sort3A_461 : vector<16xi1>, vector<16xi32>
      %ge3A_473 = arith.cmpf oge, %masked_sort3A_464, %masked_sort3A_468 : vector<16xf32>
      %max3A_474 = arith.maximumf %masked_sort3A_464, %masked_sort3A_468 : vector<16xf32>
      %select_n3A_475 = arith.select %ge3A_473, %masked_sort3A_465, %masked_sort3A_469 : vector<16xi1>, vector<16xi32>
      %broadcast_in_dim3A_476 = vector.shape_cast %and3A_12 : vector<16xi32> to vector<16x1xi32>
      %gather3A_477 = vector.shape_cast %broadcast_in_dim3A_476 : vector<16x1xi32> to vector<16xi32>
      %gather3A_478 = tpu.dynamic_gather %max3A_471[%gather3A_477] in [0] : vector<16xf32>, vector<16xi32> -> vector<16xf32>
      %broadcast_in_dim3A_479 = vector.shape_cast %and3A_12 : vector<16xi32> to vector<16x1xi32>
      %gather3A_480 = vector.shape_cast %broadcast_in_dim3A_479 : vector<16x1xi32> to vector<16xi32>
      %gather3A_481 = tpu.dynamic_gather %select_n3A_472[%gather3A_480] in [0] : vector<16xi32>, vector<16xi32> -> vector<16xi32>
      %ge3A_482 = arith.cmpf oge, %max3A_471, %gather3A_478 : vector<16xf32>
      %max3A_483 = arith.maximumf %max3A_471, %gather3A_478 : vector<16xf32>
      %select_n3A_484 = arith.select %ge3A_482, %select_n3A_472, %gather3A_481 : vector<16xi1>, vector<16xi32>
      %broadcast_in_dim3A_485 = vector.shape_cast %and3A_12 : vector<16xi32> to vector<16x1xi32>
      %gather3A_486 = vector.shape_cast %broadcast_in_dim3A_485 : vector<16x1xi32> to vector<16xi32>
      %gather3A_487 = tpu.dynamic_gather %max3A_474[%gather3A_486] in [0] : vector<16xf32>, vector<16xi32> -> vector<16xf32>
      %broadcast_in_dim3A_488 = vector.shape_cast %and3A_12 : vector<16xi32> to vector<16x1xi32>
      %gather3A_489 = vector.shape_cast %broadcast_in_dim3A_488 : vector<16x1xi32> to vector<16xi32>
      %gather3A_490 = tpu.dynamic_gather %select_n3A_475[%gather3A_489] in [0] : vector<16xi32>, vector<16xi32> -> vector<16xi32>
      %ge3A_491 = arith.cmpf oge, %max3A_474, %gather3A_487 : vector<16xf32>
      %max3A_492 = arith.maximumf %max3A_474, %gather3A_487 : vector<16xf32>
      %select_n3A_493 = arith.select %ge3A_491, %select_n3A_475, %gather3A_490 : vector<16xi1>, vector<16xi32>
      %select_n3A_494 = arith.select %lt3A_6, %max3A_483, %max3A_492 : vector<16xi1>, vector<16xf32>
      %select_n3A_495 = arith.select %lt3A_6, %select_n3A_484, %select_n3A_493 : vector<16xi1>, vector<16xi32>
      %masked_sort3A_496 = arith.constant dense<true> : vector<16xi1>
      %masked_sort3A_497, %masked_sort3A_498, %masked_sort3A_499 = tpu.sort %select_n3A_494, %select_n3A_495 masked %masked_sort3A_496 : (vector<16xf32>, vector<16xi32>, vector<16xi1>) -> (vector<16xi1>, vector<16xf32>, vector<16xi32>)
      %exp3A_500 = math.exp %masked_sort3A_498 : vector<16xf32>
      %jit3A_501 = arith.constant 0.000000e+00 : f32
      %broadcast_in_dim3A_502 = vector.broadcast %jit3A_501 : f32 to vector<16xf32>
      %select_n3A_503 = arith.select %ge3A_4, %exp3A_500, %broadcast_in_dim3A_502 : vector<16xi1>, vector<16xf32>
      %broadcast_in_dim3A_504 = arith.constant true
      %broadcast_in_dim3A_505 = vector.broadcast %broadcast_in_dim3A_504 : i1 to vector<16xi1>
      %masked_cumsum3A_506 = tpu.scan <sum>, %select_n3A_503 masked %broadcast_in_dim3A_505 : vector<16xf32>, vector<16xi1> -> vector<16xf32>
      %broadcast_in_dim3A_507 = vector.shape_cast %broadcast_in_dim3A_7 : vector<16xi32> to vector<16x1xi32>
      %gather3A_508 = vector.shape_cast %broadcast_in_dim3A_507 : vector<16x1xi32> to vector<16xi32>
      %gather3A_509 = tpu.dynamic_gather %masked_cumsum3A_506[%gather3A_508] in [0] : vector<16xf32>, vector<16xi32> -> vector<16xf32>
      %div3A_510 = arith.constant 6.400000e+01 : f32
      %div3A_511 = vector.broadcast %div3A_510 : f32 to vector<16xf32>
      %div3A_512 = arith.divf %div3A_511, %gather3A_509 : vector<16xf32>
      %mul3A_513 = arith.mulf %exp3A_500, %div3A_512 : vector<16xf32>
      %swap3A_514 = arith.index_cast %add3A_441 : i32 to index
      %swap3A_515 = arith.constant 0 : index
      %swap3A_516 = tpu.vector_load %arg6[%swap3A_514, %swap3A_515] {strides = array<i32>} : memref<128x64xf32, #tpu.memory_space<vmem>>, vector<16xf32>,
      tpu.vector_store %arg6[%swap3A_514, %swap3A_515], %broadcast_in_dim3A_26 {strides = array<i32>} : memref<128x64xf32, #tpu.memory_space<vmem>>, vector<16xf32>,
      %swap3A_517 = arith.index_cast %add3A_441 : i32 to index
      %swap3A_518 = arith.constant 16 : index
      %swap3A_519 = tpu.vector_load %arg6[%swap3A_517, %swap3A_518] {strides = array<i32>} : memref<128x64xf32, #tpu.memory_space<vmem>>, vector<16xf32>,
      tpu.vector_store %arg6[%swap3A_517, %swap3A_518], %broadcast_in_dim3A_26 {strides = array<i32>} : memref<128x64xf32, #tpu.memory_space<vmem>>, vector<16xf32>,
      %swap3A_520 = arith.index_cast %add3A_441 : i32 to index
      %swap3A_521 = arith.constant 32 : index
      %swap3A_522 = tpu.vector_load %arg6[%swap3A_520, %swap3A_521] {strides = array<i32>} : memref<128x64xf32, #tpu.memory_space<vmem>>, vector<16xf32>,
      tpu.vector_store %arg6[%swap3A_520, %swap3A_521], %broadcast_in_dim3A_26 {strides = array<i32>} : memref<128x64xf32, #tpu.memory_space<vmem>>, vector<16xf32>,
      %swap3A_523 = arith.index_cast %add3A_441 : i32 to index
      %swap3A_524 = arith.constant 48 : index
      %swap3A_525 = tpu.vector_load %arg6[%swap3A_523, %swap3A_524] {strides = array<i32>} : memref<128x64xf32, #tpu.memory_space<vmem>>, vector<16xf32>,
      tpu.vector_store %arg6[%swap3A_523, %swap3A_524], %broadcast_in_dim3A_26 {strides = array<i32>} : memref<128x64xf32, #tpu.memory_space<vmem>>, vector<16xf32>,
      %broadcast_in_dim3A_526 = vector.broadcast %add3A_441 : i32 to vector<16xi32>
      tpu.vector_store_idx %arg6[%broadcast_in_dim3A_526, %masked_sort3A_499], %mul3A_513 masked %ge3A_4 : memref<128x64xf32, #tpu.memory_space<vmem>>[vector<16xi32>, vector<16xi32>], vector<16xf32>, vector<16xi1>
      %add3A_527 = arith.constant 3 : i32
      %add3A_528 = arith.addi %mul3A_275, %add3A_527 : i32
      %get3A_529 = arith.index_cast %add3A_528 : i32 to index
      %get3A_530 = arith.constant 0 : index
      %get3A_531 = tpu.vector_load %arg4[%get3A_529, %get3A_530] {strides = array<i32>} : memref<128x64xf32, #tpu.memory_space<vmem>>, vector<16xf32>,
      %get3A_532 = arith.index_cast %add3A_528 : i32 to index
      %get3A_533 = arith.constant 16 : index
      %get3A_534 = tpu.vector_load %arg4[%get3A_532, %get3A_533] {strides = array<i32>} : memref<128x64xf32, #tpu.memory_space<vmem>>, vector<16xf32>,
      %get3A_535 = arith.index_cast %add3A_528 : i32 to index
      %get3A_536 = arith.constant 32 : index
      %get3A_537 = tpu.vector_load %arg4[%get3A_535, %get3A_536] {strides = array<i32>} : memref<128x64xf32, #tpu.memory_space<vmem>>, vector<16xf32>,
      %get3A_538 = arith.index_cast %add3A_528 : i32 to index
      %get3A_539 = arith.constant 48 : index
      %get3A_540 = tpu.vector_load %arg4[%get3A_538, %get3A_539] {strides = array<i32>} : memref<128x64xf32, #tpu.memory_space<vmem>>, vector<16xf32>,
      %masked_sort3A_541 = arith.constant dense<true> : vector<16xi1>
      %masked_sort3A_542, %masked_sort3A_543, %masked_sort3A_544 = tpu.sort %get3A_531, %add3A_15 masked %masked_sort3A_541 : (vector<16xf32>, vector<16xi32>, vector<16xi1>) -> (vector<16xi1>, vector<16xf32>, vector<16xi32>)
      %masked_sort3A_545 = arith.constant dense<true> : vector<16xi1>
      %masked_sort3A_546, %masked_sort3A_547, %masked_sort3A_548 = tpu.sort %get3A_534, %add3A_18 masked %masked_sort3A_545 {descending = true} : (vector<16xf32>, vector<16xi32>, vector<16xi1>) -> (vector<16xi1>, vector<16xf32>, vector<16xi32>)
      %masked_sort3A_549 = arith.constant dense<true> : vector<16xi1>
      %masked_sort3A_550, %masked_sort3A_551, %masked_sort3A_552 = tpu.sort %get3A_537, %add3A_21 masked %masked_sort3A_549 : (vector<16xf32>, vector<16xi32>, vector<16xi1>) -> (vector<16xi1>, vector<16xf32>, vector<16xi32>)
      %masked_sort3A_553 = arith.constant dense<true> : vector<16xi1>
      %masked_sort3A_554, %masked_sort3A_555, %masked_sort3A_556 = tpu.sort %get3A_540, %add3A_24 masked %masked_sort3A_553 {descending = true} : (vector<16xf32>, vector<16xi32>, vector<16xi1>) -> (vector<16xi1>, vector<16xf32>, vector<16xi32>)
      %ge3A_557 = arith.cmpf oge, %masked_sort3A_543, %masked_sort3A_547 : vector<16xf32>
      %max3A_558 = arith.maximumf %masked_sort3A_543, %masked_sort3A_547 : vector<16xf32>
      %select_n3A_559 = arith.select %ge3A_557, %masked_sort3A_544, %masked_sort3A_548 : vector<16xi1>, vector<16xi32>
      %ge3A_560 = arith.cmpf oge, %masked_sort3A_551, %masked_sort3A_555 : vector<16xf32>
      %max3A_561 = arith.maximumf %masked_sort3A_551, %masked_sort3A_555 : vector<16xf32>
      %select_n3A_562 = arith.select %ge3A_560, %masked_sort3A_552, %masked_sort3A_556 : vector<16xi1>, vector<16xi32>
      %broadcast_in_dim3A_563 = vector.shape_cast %and3A_12 : vector<16xi32> to vector<16x1xi32>
      %gather3A_564 = vector.shape_cast %broadcast_in_dim3A_563 : vector<16x1xi32> to vector<16xi32>
      %gather3A_565 = tpu.dynamic_gather %max3A_558[%gather3A_564] in [0] : vector<16xf32>, vector<16xi32> -> vector<16xf32>
      %broadcast_in_dim3A_566 = vector.shape_cast %and3A_12 : vector<16xi32> to vector<16x1xi32>
      %gather3A_567 = vector.shape_cast %broadcast_in_dim3A_566 : vector<16x1xi32> to vector<16xi32>
      %gather3A_568 = tpu.dynamic_gather %select_n3A_559[%gather3A_567] in [0] : vector<16xi32>, vector<16xi32> -> vector<16xi32>
      %ge3A_569 = arith.cmpf oge, %max3A_558, %gather3A_565 : vector<16xf32>
      %max3A_570 = arith.maximumf %max3A_558, %gather3A_565 : vector<16xf32>
      %select_n3A_571 = arith.select %ge3A_569, %select_n3A_559, %gather3A_568 : vector<16xi1>, vector<16xi32>
      %broadcast_in_dim3A_572 = vector.shape_cast %and3A_12 : vector<16xi32> to vector<16x1xi32>
      %gather3A_573 = vector.shape_cast %broadcast_in_dim3A_572 : vector<16x1xi32> to vector<16xi32>
      %gather3A_574 = tpu.dynamic_gather %max3A_561[%gather3A_573] in [0] : vector<16xf32>, vector<16xi32> -> vector<16xf32>
      %broadcast_in_dim3A_575 = vector.shape_cast %and3A_12 : vector<16xi32> to vector<16x1xi32>
      %gather3A_576 = vector.shape_cast %broadcast_in_dim3A_575 : vector<16x1xi32> to vector<16xi32>
      %gather3A_577 = tpu.dynamic_gather %select_n3A_562[%gather3A_576] in [0] : vector<16xi32>, vector<16xi32> -> vector<16xi32>
      %ge3A_578 = arith.cmpf oge, %max3A_561, %gather3A_574 : vector<16xf32>
      %max3A_579 = arith.maximumf %max3A_561, %gather3A_574 : vector<16xf32>
      %select_n3A_580 = arith.select %ge3A_578, %select_n3A_562, %gather3A_577 : vector<16xi1>, vector<16xi32>
      %select_n3A_581 = arith.select %lt3A_6, %max3A_570, %max3A_579 : vector<16xi1>, vector<16xf32>
      %select_n3A_582 = arith.select %lt3A_6, %select_n3A_571, %select_n3A_580 : vector<16xi1>, vector<16xi32>
      %masked_sort3A_583 = arith.constant dense<true> : vector<16xi1>
      %masked_sort3A_584, %masked_sort3A_585, %masked_sort3A_586 = tpu.sort %select_n3A_581, %select_n3A_582 masked %masked_sort3A_583 : (vector<16xf32>, vector<16xi32>, vector<16xi1>) -> (vector<16xi1>, vector<16xf32>, vector<16xi32>)
      %exp3A_587 = math.exp %masked_sort3A_585 : vector<16xf32>
      %jit3A_588 = arith.constant 0.000000e+00 : f32
      %broadcast_in_dim3A_589 = vector.broadcast %jit3A_588 : f32 to vector<16xf32>
      %select_n3A_590 = arith.select %ge3A_4, %exp3A_587, %broadcast_in_dim3A_589 : vector<16xi1>, vector<16xf32>
      %broadcast_in_dim3A_591 = arith.constant true
      %broadcast_in_dim3A_592 = vector.broadcast %broadcast_in_dim3A_591 : i1 to vector<16xi1>
      %masked_cumsum3A_593 = tpu.scan <sum>, %select_n3A_590 masked %broadcast_in_dim3A_592 : vector<16xf32>, vector<16xi1> -> vector<16xf32>
      %broadcast_in_dim3A_594 = vector.shape_cast %broadcast_in_dim3A_7 : vector<16xi32> to vector<16x1xi32>
      %gather3A_595 = vector.shape_cast %broadcast_in_dim3A_594 : vector<16x1xi32> to vector<16xi32>
      %gather3A_596 = tpu.dynamic_gather %masked_cumsum3A_593[%gather3A_595] in [0] : vector<16xf32>, vector<16xi32> -> vector<16xf32>
      %div3A_597 = arith.constant 6.400000e+01 : f32
      %div3A_598 = vector.broadcast %div3A_597 : f32 to vector<16xf32>
      %div3A_599 = arith.divf %div3A_598, %gather3A_596 : vector<16xf32>
      %mul3A_600 = arith.mulf %exp3A_587, %div3A_599 : vector<16xf32>
      %swap3A_601 = arith.index_cast %add3A_528 : i32 to index
      %swap3A_602 = arith.constant 0 : index
      %swap3A_603 = tpu.vector_load %arg6[%swap3A_601, %swap3A_602] {strides = array<i32>} : memref<128x64xf32, #tpu.memory_space<vmem>>, vector<16xf32>,
      tpu.vector_store %arg6[%swap3A_601, %swap3A_602], %broadcast_in_dim3A_26 {strides = array<i32>} : memref<128x64xf32, #tpu.memory_space<vmem>>, vector<16xf32>,
      %swap3A_604 = arith.index_cast %add3A_528 : i32 to index
      %swap3A_605 = arith.constant 16 : index
      %swap3A_606 = tpu.vector_load %arg6[%swap3A_604, %swap3A_605] {strides = array<i32>} : memref<128x64xf32, #tpu.memory_space<vmem>>, vector<16xf32>,
      tpu.vector_store %arg6[%swap3A_604, %swap3A_605], %broadcast_in_dim3A_26 {strides = array<i32>} : memref<128x64xf32, #tpu.memory_space<vmem>>, vector<16xf32>,
      %swap3A_607 = arith.index_cast %add3A_528 : i32 to index
      %swap3A_608 = arith.constant 32 : index
      %swap3A_609 = tpu.vector_load %arg6[%swap3A_607, %swap3A_608] {strides = array<i32>} : memref<128x64xf32, #tpu.memory_space<vmem>>, vector<16xf32>,
      tpu.vector_store %arg6[%swap3A_607, %swap3A_608], %broadcast_in_dim3A_26 {strides = array<i32>} : memref<128x64xf32, #tpu.memory_space<vmem>>, vector<16xf32>,
      %swap3A_610 = arith.index_cast %add3A_528 : i32 to index
      %swap3A_611 = arith.constant 48 : index
      %swap3A_612 = tpu.vector_load %arg6[%swap3A_610, %swap3A_611] {strides = array<i32>} : memref<128x64xf32, #tpu.memory_space<vmem>>, vector<16xf32>,
      tpu.vector_store %arg6[%swap3A_610, %swap3A_611], %broadcast_in_dim3A_26 {strides = array<i32>} : memref<128x64xf32, #tpu.memory_space<vmem>>, vector<16xf32>,
      %broadcast_in_dim3A_613 = vector.broadcast %add3A_528 : i32 to vector<16xi32>
      tpu.vector_store_idx %arg6[%broadcast_in_dim3A_613, %masked_sort3A_586], %mul3A_600 masked %ge3A_4 : memref<128x64xf32, #tpu.memory_space<vmem>>[vector<16xi32>, vector<16xi32>], vector<16xf32>, vector<16xi1>
      %scan3A_614 = arith.constant 0 : i32
      scf.yield %scan3A_614 : i32
    }
    %scan3A_166 = arith.constant 32 : i32
    %add3A_167 = arith.constant 512 : i32
    %add3A_168 = arith.addi %mul3A_2, %add3A_167 : i32
    %dma_start3A_169 = arith.constant 0 : i32
    %dma_start3A_170 = tpu.memref_slice %arg3[%add3A_168, %dma_start3A_169] : memref<32768x64xf32, #tpu.memory_space<hbm>> -> memref<128x64xf32, #tpu.memory_space<hbm>>
    %dma_start3A_171 = arith.constant 0 : i32
    %dma_start3A_172 = tpu.memref_slice %arg3[%add3A_168, %dma_start3A_171] : memref<32768x64xf32, #tpu.memory_space<hbm>> -> memref<128x64xf32, #tpu.memory_space<hbm>>
    tpu.enqueue_dma source(%arg6 : memref<128x64xf32, #tpu.memory_space<vmem>>) target(%dma_start3A_172 : memref<128x64xf32, #tpu.memory_space<hbm>>) target_semaphore(%arg10 : memref<!tpu.dma_semaphore, #tpu.memory_space<semaphore_mem>>)
    %add3A_173 = arith.constant 768 : i32
    %add3A_174 = arith.addi %mul3A_2, %add3A_173 : i32
    %dma_start3A_175 = arith.constant 0 : i32
    %dma_start3A_176 = tpu.memref_slice %arg2[%add3A_174, %dma_start3A_175] : memref<32768x64xf32, #tpu.memory_space<hbm>> -> memref<128x64xf32, #tpu.memory_space<hbm>>
    %dma_start3A_177 = arith.constant 0 : i32
    %dma_start3A_178 = tpu.memref_slice %arg2[%add3A_174, %dma_start3A_177] : memref<32768x64xf32, #tpu.memory_space<hbm>> -> memref<128x64xf32, #tpu.memory_space<hbm>>
    tpu.enqueue_dma source(%dma_start3A_178 : memref<128x64xf32, #tpu.memory_space<hbm>>) target(%arg4 : memref<128x64xf32, #tpu.memory_space<vmem>>) target_semaphore(%arg8 : memref<!tpu.dma_semaphore, #tpu.memory_space<semaphore_mem>>)
    %add3A_179 = arith.constant 640 : i32
    %add3A_180 = arith.addi %mul3A_2, %add3A_179 : i32
    %dma_wait3A_181 = arith.constant 0 : i32
    %dma_wait3A_182 = tpu.memref_slice %arg2[%add3A_180, %dma_wait3A_181] : memref<32768x64xf32, #tpu.memory_space<hbm>> -> memref<128x64xf32, #tpu.memory_space<hbm>>
    %dma_wait3A_183 = arith.constant 0 : i32
    %dma_wait3A_184 = tpu.memref_slice %arg2[%add3A_180, %dma_wait3A_183] : memref<32768x64xf32, #tpu.memory_space<hbm>> -> memref<128x64xf32, #tpu.memory_space<hbm>>
    tpu.wait_dma2 semaphore(%arg9 : memref<!tpu.dma_semaphore, #tpu.memory_space<semaphore_mem>>) src(%dma_wait3A_184 : memref<128x64xf32, #tpu.memory_space<hbm>>) dst(%arg5 : memref<128x64xf32, #tpu.memory_space<vmem>>)
    %add3A_185 = arith.constant 384 : i32
    %add3A_186 = arith.addi %mul3A_2, %add3A_185 : i32
    %dma_wait3A_187 = arith.constant 0 : i32
    %dma_wait3A_188 = tpu.memref_slice %arg3[%add3A_186, %dma_wait3A_187] : memref<32768x64xf32, #tpu.memory_space<hbm>> -> memref<128x64xf32, #tpu.memory_space<hbm>>
    %dma_wait3A_189 = arith.constant 0 : i32
    %dma_wait3A_190 = tpu.memref_slice %arg3[%add3A_186, %dma_wait3A_189] : memref<32768x64xf32, #tpu.memory_space<hbm>> -> memref<128x64xf32, #tpu.memory_space<hbm>>
    tpu.wait_dma2 semaphore(%arg11 : memref<!tpu.dma_semaphore, #tpu.memory_space<semaphore_mem>>) src(%arg7 : memref<128x64xf32, #tpu.memory_space<vmem>>) dst(%dma_wait3A_190 : memref<128x64xf32, #tpu.memory_space<hbm>>)
    %scan3A_191 = arith.constant 0 : i32
    %scan3A_192 = arith.constant 0 : i32
    %scan3A_193 = arith.constant 32 : i32
    %scan3A_194 = arith.addi %scan3A_192, %scan3A_193 : i32
    %scan3A_195 = arith.constant 1 : i32
    %scan3A_196 = scf.for %scan3A_272 = %scan3A_192 to %scan3A_194 step %scan3A_195 iter_args(%scan3A_273 = %scan3A_191) -> (i32)  : i32 {
      %mul3A_274 = arith.constant 4 : i32
      %mul3A_275 = arith.muli %scan3A_272, %mul3A_274 : i32
      %add3A_276 = arith.constant 0 : i32
      %add3A_277 = arith.addi %mul3A_275, %add3A_276 : i32
      %get3A = arith.index_cast %add3A_277 : i32 to index
      %get3A_278 = arith.constant 0 : index
      %get3A_279 = tpu.vector_load %arg5[%get3A, %get3A_278] {strides = array<i32>} : memref<128x64xf32, #tpu.memory_space<vmem>>, vector<16xf32>,
      %get3A_280 = arith.index_cast %add3A_277 : i32 to index
      %get3A_281 = arith.constant 16 : index
      %get3A_282 = tpu.vector_load %arg5[%get3A_280, %get3A_281] {strides = array<i32>} : memref<128x64xf32, #tpu.memory_space<vmem>>, vector<16xf32>,
      %get3A_283 = arith.index_cast %add3A_277 : i32 to index
      %get3A_284 = arith.constant 32 : index
      %get3A_285 = tpu.vector_load %arg5[%get3A_283, %get3A_284] {strides = array<i32>} : memref<128x64xf32, #tpu.memory_space<vmem>>, vector<16xf32>,
      %get3A_286 = arith.index_cast %add3A_277 : i32 to index
      %get3A_287 = arith.constant 48 : index
      %get3A_288 = tpu.vector_load %arg5[%get3A_286, %get3A_287] {strides = array<i32>} : memref<128x64xf32, #tpu.memory_space<vmem>>, vector<16xf32>,
      %masked_sort3A = arith.constant dense<true> : vector<16xi1>
      %masked_sort3A_289, %masked_sort3A_290, %masked_sort3A_291 = tpu.sort %get3A_279, %add3A_15 masked %masked_sort3A : (vector<16xf32>, vector<16xi32>, vector<16xi1>) -> (vector<16xi1>, vector<16xf32>, vector<16xi32>)
      %masked_sort3A_292 = arith.constant dense<true> : vector<16xi1>
      %masked_sort3A_293, %masked_sort3A_294, %masked_sort3A_295 = tpu.sort %get3A_282, %add3A_18 masked %masked_sort3A_292 {descending = true} : (vector<16xf32>, vector<16xi32>, vector<16xi1>) -> (vector<16xi1>, vector<16xf32>, vector<16xi32>)
      %masked_sort3A_296 = arith.constant dense<true> : vector<16xi1>
      %masked_sort3A_297, %masked_sort3A_298, %masked_sort3A_299 = tpu.sort %get3A_285, %add3A_21 masked %masked_sort3A_296 : (vector<16xf32>, vector<16xi32>, vector<16xi1>) -> (vector<16xi1>, vector<16xf32>, vector<16xi32>)
      %masked_sort3A_300 = arith.constant dense<true> : vector<16xi1>
      %masked_sort3A_301, %masked_sort3A_302, %masked_sort3A_303 = tpu.sort %get3A_288, %add3A_24 masked %masked_sort3A_300 {descending = true} : (vector<16xf32>, vector<16xi32>, vector<16xi1>) -> (vector<16xi1>, vector<16xf32>, vector<16xi32>)
      %ge3A_304 = arith.cmpf oge, %masked_sort3A_290, %masked_sort3A_294 : vector<16xf32>
      %max3A = arith.maximumf %masked_sort3A_290, %masked_sort3A_294 : vector<16xf32>
      %select_n3A = arith.select %ge3A_304, %masked_sort3A_291, %masked_sort3A_295 : vector<16xi1>, vector<16xi32>
      %ge3A_305 = arith.cmpf oge, %masked_sort3A_298, %masked_sort3A_302 : vector<16xf32>
      %max3A_306 = arith.maximumf %masked_sort3A_298, %masked_sort3A_302 : vector<16xf32>
      %select_n3A_307 = arith.select %ge3A_305, %masked_sort3A_299, %masked_sort3A_303 : vector<16xi1>, vector<16xi32>
      %broadcast_in_dim3A_308 = vector.shape_cast %and3A_12 : vector<16xi32> to vector<16x1xi32>
      %gather3A = vector.shape_cast %broadcast_in_dim3A_308 : vector<16x1xi32> to vector<16xi32>
      %gather3A_309 = tpu.dynamic_gather %max3A[%gather3A] in [0] : vector<16xf32>, vector<16xi32> -> vector<16xf32>
      %broadcast_in_dim3A_310 = vector.shape_cast %and3A_12 : vector<16xi32> to vector<16x1xi32>
      %gather3A_311 = vector.shape_cast %broadcast_in_dim3A_310 : vector<16x1xi32> to vector<16xi32>
      %gather3A_312 = tpu.dynamic_gather %select_n3A[%gather3A_311] in [0] : vector<16xi32>, vector<16xi32> -> vector<16xi32>
      %ge3A_313 = arith.cmpf oge, %max3A, %gather3A_309 : vector<16xf32>
      %max3A_314 = arith.maximumf %max3A, %gather3A_309 : vector<16xf32>
      %select_n3A_315 = arith.select %ge3A_313, %select_n3A, %gather3A_312 : vector<16xi1>, vector<16xi32>
      %broadcast_in_dim3A_316 = vector.shape_cast %and3A_12 : vector<16xi32> to vector<16x1xi32>
      %gather3A_317 = vector.shape_cast %broadcast_in_dim3A_316 : vector<16x1xi32> to vector<16xi32>
      %gather3A_318 = tpu.dynamic_gather %max3A_306[%gather3A_317] in [0] : vector<16xf32>, vector<16xi32> -> vector<16xf32>
      %broadcast_in_dim3A_319 = vector.shape_cast %and3A_12 : vector<16xi32> to vector<16x1xi32>
      %gather3A_320 = vector.shape_cast %broadcast_in_dim3A_319 : vector<16x1xi32> to vector<16xi32>
      %gather3A_321 = tpu.dynamic_gather %select_n3A_307[%gather3A_320] in [0] : vector<16xi32>, vector<16xi32> -> vector<16xi32>
      %ge3A_322 = arith.cmpf oge, %max3A_306, %gather3A_318 : vector<16xf32>
      %max3A_323 = arith.maximumf %max3A_306, %gather3A_318 : vector<16xf32>
      %select_n3A_324 = arith.select %ge3A_322, %select_n3A_307, %gather3A_321 : vector<16xi1>, vector<16xi32>
      %select_n3A_325 = arith.select %lt3A_6, %max3A_314, %max3A_323 : vector<16xi1>, vector<16xf32>
      %select_n3A_326 = arith.select %lt3A_6, %select_n3A_315, %select_n3A_324 : vector<16xi1>, vector<16xi32>
      %masked_sort3A_327 = arith.constant dense<true> : vector<16xi1>
      %masked_sort3A_328, %masked_sort3A_329, %masked_sort3A_330 = tpu.sort %select_n3A_325, %select_n3A_326 masked %masked_sort3A_327 : (vector<16xf32>, vector<16xi32>, vector<16xi1>) -> (vector<16xi1>, vector<16xf32>, vector<16xi32>)
      %exp3A = math.exp %masked_sort3A_329 : vector<16xf32>
      %jit3A = arith.constant 0.000000e+00 : f32
      %broadcast_in_dim3A_331 = vector.broadcast %jit3A : f32 to vector<16xf32>
      %select_n3A_332 = arith.select %ge3A_4, %exp3A, %broadcast_in_dim3A_331 : vector<16xi1>, vector<16xf32>
      %broadcast_in_dim3A_333 = arith.constant true
      %broadcast_in_dim3A_334 = vector.broadcast %broadcast_in_dim3A_333 : i1 to vector<16xi1>
      %masked_cumsum3A = tpu.scan <sum>, %select_n3A_332 masked %broadcast_in_dim3A_334 : vector<16xf32>, vector<16xi1> -> vector<16xf32>
      %broadcast_in_dim3A_335 = vector.shape_cast %broadcast_in_dim3A_7 : vector<16xi32> to vector<16x1xi32>
      %gather3A_336 = vector.shape_cast %broadcast_in_dim3A_335 : vector<16x1xi32> to vector<16xi32>
      %gather3A_337 = tpu.dynamic_gather %masked_cumsum3A[%gather3A_336] in [0] : vector<16xf32>, vector<16xi32> -> vector<16xf32>
      %div3A = arith.constant 6.400000e+01 : f32
      %div3A_338 = vector.broadcast %div3A : f32 to vector<16xf32>
      %div3A_339 = arith.divf %div3A_338, %gather3A_337 : vector<16xf32>
      %mul3A_340 = arith.mulf %exp3A, %div3A_339 : vector<16xf32>
      %swap3A = arith.index_cast %add3A_277 : i32 to index
      %swap3A_341 = arith.constant 0 : index
      %swap3A_342 = tpu.vector_load %arg7[%swap3A, %swap3A_341] {strides = array<i32>} : memref<128x64xf32, #tpu.memory_space<vmem>>, vector<16xf32>,
      tpu.vector_store %arg7[%swap3A, %swap3A_341], %broadcast_in_dim3A_26 {strides = array<i32>} : memref<128x64xf32, #tpu.memory_space<vmem>>, vector<16xf32>,
      %swap3A_343 = arith.index_cast %add3A_277 : i32 to index
      %swap3A_344 = arith.constant 16 : index
      %swap3A_345 = tpu.vector_load %arg7[%swap3A_343, %swap3A_344] {strides = array<i32>} : memref<128x64xf32, #tpu.memory_space<vmem>>, vector<16xf32>,
      tpu.vector_store %arg7[%swap3A_343, %swap3A_344], %broadcast_in_dim3A_26 {strides = array<i32>} : memref<128x64xf32, #tpu.memory_space<vmem>>, vector<16xf32>,
      %swap3A_346 = arith.index_cast %add3A_277 : i32 to index
      %swap3A_347 = arith.constant 32 : index
      %swap3A_348 = tpu.vector_load %arg7[%swap3A_346, %swap3A_347] {strides = array<i32>} : memref<128x64xf32, #tpu.memory_space<vmem>>, vector<16xf32>,
      tpu.vector_store %arg7[%swap3A_346, %swap3A_347], %broadcast_in_dim3A_26 {strides = array<i32>} : memref<128x64xf32, #tpu.memory_space<vmem>>, vector<16xf32>,
      %swap3A_349 = arith.index_cast %add3A_277 : i32 to index
      %swap3A_350 = arith.constant 48 : index
      %swap3A_351 = tpu.vector_load %arg7[%swap3A_349, %swap3A_350] {strides = array<i32>} : memref<128x64xf32, #tpu.memory_space<vmem>>, vector<16xf32>,
      tpu.vector_store %arg7[%swap3A_349, %swap3A_350], %broadcast_in_dim3A_26 {strides = array<i32>} : memref<128x64xf32, #tpu.memory_space<vmem>>, vector<16xf32>,
      %broadcast_in_dim3A_352 = vector.broadcast %add3A_277 : i32 to vector<16xi32>
      tpu.vector_store_idx %arg7[%broadcast_in_dim3A_352, %masked_sort3A_330], %mul3A_340 masked %ge3A_4 : memref<128x64xf32, #tpu.memory_space<vmem>>[vector<16xi32>, vector<16xi32>], vector<16xf32>, vector<16xi1>
      %add3A_353 = arith.constant 1 : i32
      %add3A_354 = arith.addi %mul3A_275, %add3A_353 : i32
      %get3A_355 = arith.index_cast %add3A_354 : i32 to index
      %get3A_356 = arith.constant 0 : index
      %get3A_357 = tpu.vector_load %arg5[%get3A_355, %get3A_356] {strides = array<i32>} : memref<128x64xf32, #tpu.memory_space<vmem>>, vector<16xf32>,
      %get3A_358 = arith.index_cast %add3A_354 : i32 to index
      %get3A_359 = arith.constant 16 : index
      %get3A_360 = tpu.vector_load %arg5[%get3A_358, %get3A_359] {strides = array<i32>} : memref<128x64xf32, #tpu.memory_space<vmem>>, vector<16xf32>,
      %get3A_361 = arith.index_cast %add3A_354 : i32 to index
      %get3A_362 = arith.constant 32 : index
      %get3A_363 = tpu.vector_load %arg5[%get3A_361, %get3A_362] {strides = array<i32>} : memref<128x64xf32, #tpu.memory_space<vmem>>, vector<16xf32>,
      %get3A_364 = arith.index_cast %add3A_354 : i32 to index
      %get3A_365 = arith.constant 48 : index
      %get3A_366 = tpu.vector_load %arg5[%get3A_364, %get3A_365] {strides = array<i32>} : memref<128x64xf32, #tpu.memory_space<vmem>>, vector<16xf32>,
      %masked_sort3A_367 = arith.constant dense<true> : vector<16xi1>
      %masked_sort3A_368, %masked_sort3A_369, %masked_sort3A_370 = tpu.sort %get3A_357, %add3A_15 masked %masked_sort3A_367 : (vector<16xf32>, vector<16xi32>, vector<16xi1>) -> (vector<16xi1>, vector<16xf32>, vector<16xi32>)
      %masked_sort3A_371 = arith.constant dense<true> : vector<16xi1>
      %masked_sort3A_372, %masked_sort3A_373, %masked_sort3A_374 = tpu.sort %get3A_360, %add3A_18 masked %masked_sort3A_371 {descending = true} : (vector<16xf32>, vector<16xi32>, vector<16xi1>) -> (vector<16xi1>, vector<16xf32>, vector<16xi32>)
      %masked_sort3A_375 = arith.constant dense<true> : vector<16xi1>
      %masked_sort3A_376, %masked_sort3A_377, %masked_sort3A_378 = tpu.sort %get3A_363, %add3A_21 masked %masked_sort3A_375 : (vector<16xf32>, vector<16xi32>, vector<16xi1>) -> (vector<16xi1>, vector<16xf32>, vector<16xi32>)
      %masked_sort3A_379 = arith.constant dense<true> : vector<16xi1>
      %masked_sort3A_380, %masked_sort3A_381, %masked_sort3A_382 = tpu.sort %get3A_366, %add3A_24 masked %masked_sort3A_379 {descending = true} : (vector<16xf32>, vector<16xi32>, vector<16xi1>) -> (vector<16xi1>, vector<16xf32>, vector<16xi32>)
      %ge3A_383 = arith.cmpf oge, %masked_sort3A_369, %masked_sort3A_373 : vector<16xf32>
      %max3A_384 = arith.maximumf %masked_sort3A_369, %masked_sort3A_373 : vector<16xf32>
      %select_n3A_385 = arith.select %ge3A_383, %masked_sort3A_370, %masked_sort3A_374 : vector<16xi1>, vector<16xi32>
      %ge3A_386 = arith.cmpf oge, %masked_sort3A_377, %masked_sort3A_381 : vector<16xf32>
      %max3A_387 = arith.maximumf %masked_sort3A_377, %masked_sort3A_381 : vector<16xf32>
      %select_n3A_388 = arith.select %ge3A_386, %masked_sort3A_378, %masked_sort3A_382 : vector<16xi1>, vector<16xi32>
      %broadcast_in_dim3A_389 = vector.shape_cast %and3A_12 : vector<16xi32> to vector<16x1xi32>
      %gather3A_390 = vector.shape_cast %broadcast_in_dim3A_389 : vector<16x1xi32> to vector<16xi32>
      %gather3A_391 = tpu.dynamic_gather %max3A_384[%gather3A_390] in [0] : vector<16xf32>, vector<16xi32> -> vector<16xf32>
      %broadcast_in_dim3A_392 = vector.shape_cast %and3A_12 : vector<16xi32> to vector<16x1xi32>
      %gather3A_393 = vector.shape_cast %broadcast_in_dim3A_392 : vector<16x1xi32> to vector<16xi32>
      %gather3A_394 = tpu.dynamic_gather %select_n3A_385[%gather3A_393] in [0] : vector<16xi32>, vector<16xi32> -> vector<16xi32>
      %ge3A_395 = arith.cmpf oge, %max3A_384, %gather3A_391 : vector<16xf32>
      %max3A_396 = arith.maximumf %max3A_384, %gather3A_391 : vector<16xf32>
      %select_n3A_397 = arith.select %ge3A_395, %select_n3A_385, %gather3A_394 : vector<16xi1>, vector<16xi32>
      %broadcast_in_dim3A_398 = vector.shape_cast %and3A_12 : vector<16xi32> to vector<16x1xi32>
      %gather3A_399 = vector.shape_cast %broadcast_in_dim3A_398 : vector<16x1xi32> to vector<16xi32>
      %gather3A_400 = tpu.dynamic_gather %max3A_387[%gather3A_399] in [0] : vector<16xf32>, vector<16xi32> -> vector<16xf32>
      %broadcast_in_dim3A_401 = vector.shape_cast %and3A_12 : vector<16xi32> to vector<16x1xi32>
      %gather3A_402 = vector.shape_cast %broadcast_in_dim3A_401 : vector<16x1xi32> to vector<16xi32>
      %gather3A_403 = tpu.dynamic_gather %select_n3A_388[%gather3A_402] in [0] : vector<16xi32>, vector<16xi32> -> vector<16xi32>
      %ge3A_404 = arith.cmpf oge, %max3A_387, %gather3A_400 : vector<16xf32>
      %max3A_405 = arith.maximumf %max3A_387, %gather3A_400 : vector<16xf32>
      %select_n3A_406 = arith.select %ge3A_404, %select_n3A_388, %gather3A_403 : vector<16xi1>, vector<16xi32>
      %select_n3A_407 = arith.select %lt3A_6, %max3A_396, %max3A_405 : vector<16xi1>, vector<16xf32>
      %select_n3A_408 = arith.select %lt3A_6, %select_n3A_397, %select_n3A_406 : vector<16xi1>, vector<16xi32>
      %masked_sort3A_409 = arith.constant dense<true> : vector<16xi1>
      %masked_sort3A_410, %masked_sort3A_411, %masked_sort3A_412 = tpu.sort %select_n3A_407, %select_n3A_408 masked %masked_sort3A_409 : (vector<16xf32>, vector<16xi32>, vector<16xi1>) -> (vector<16xi1>, vector<16xf32>, vector<16xi32>)
      %exp3A_413 = math.exp %masked_sort3A_411 : vector<16xf32>
      %jit3A_414 = arith.constant 0.000000e+00 : f32
      %broadcast_in_dim3A_415 = vector.broadcast %jit3A_414 : f32 to vector<16xf32>
      %select_n3A_416 = arith.select %ge3A_4, %exp3A_413, %broadcast_in_dim3A_415 : vector<16xi1>, vector<16xf32>
      %broadcast_in_dim3A_417 = arith.constant true
      %broadcast_in_dim3A_418 = vector.broadcast %broadcast_in_dim3A_417 : i1 to vector<16xi1>
      %masked_cumsum3A_419 = tpu.scan <sum>, %select_n3A_416 masked %broadcast_in_dim3A_418 : vector<16xf32>, vector<16xi1> -> vector<16xf32>
      %broadcast_in_dim3A_420 = vector.shape_cast %broadcast_in_dim3A_7 : vector<16xi32> to vector<16x1xi32>
      %gather3A_421 = vector.shape_cast %broadcast_in_dim3A_420 : vector<16x1xi32> to vector<16xi32>
      %gather3A_422 = tpu.dynamic_gather %masked_cumsum3A_419[%gather3A_421] in [0] : vector<16xf32>, vector<16xi32> -> vector<16xf32>
      %div3A_423 = arith.constant 6.400000e+01 : f32
      %div3A_424 = vector.broadcast %div3A_423 : f32 to vector<16xf32>
      %div3A_425 = arith.divf %div3A_424, %gather3A_422 : vector<16xf32>
      %mul3A_426 = arith.mulf %exp3A_413, %div3A_425 : vector<16xf32>
      %swap3A_427 = arith.index_cast %add3A_354 : i32 to index
      %swap3A_428 = arith.constant 0 : index
      %swap3A_429 = tpu.vector_load %arg7[%swap3A_427, %swap3A_428] {strides = array<i32>} : memref<128x64xf32, #tpu.memory_space<vmem>>, vector<16xf32>,
      tpu.vector_store %arg7[%swap3A_427, %swap3A_428], %broadcast_in_dim3A_26 {strides = array<i32>} : memref<128x64xf32, #tpu.memory_space<vmem>>, vector<16xf32>,
      %swap3A_430 = arith.index_cast %add3A_354 : i32 to index
      %swap3A_431 = arith.constant 16 : index
      %swap3A_432 = tpu.vector_load %arg7[%swap3A_430, %swap3A_431] {strides = array<i32>} : memref<128x64xf32, #tpu.memory_space<vmem>>, vector<16xf32>,
      tpu.vector_store %arg7[%swap3A_430, %swap3A_431], %broadcast_in_dim3A_26 {strides = array<i32>} : memref<128x64xf32, #tpu.memory_space<vmem>>, vector<16xf32>,
      %swap3A_433 = arith.index_cast %add3A_354 : i32 to index
      %swap3A_434 = arith.constant 32 : index
      %swap3A_435 = tpu.vector_load %arg7[%swap3A_433, %swap3A_434] {strides = array<i32>} : memref<128x64xf32, #tpu.memory_space<vmem>>, vector<16xf32>,
      tpu.vector_store %arg7[%swap3A_433, %swap3A_434], %broadcast_in_dim3A_26 {strides = array<i32>} : memref<128x64xf32, #tpu.memory_space<vmem>>, vector<16xf32>,
      %swap3A_436 = arith.index_cast %add3A_354 : i32 to index
      %swap3A_437 = arith.constant 48 : index
      %swap3A_438 = tpu.vector_load %arg7[%swap3A_436, %swap3A_437] {strides = array<i32>} : memref<128x64xf32, #tpu.memory_space<vmem>>, vector<16xf32>,
      tpu.vector_store %arg7[%swap3A_436, %swap3A_437], %broadcast_in_dim3A_26 {strides = array<i32>} : memref<128x64xf32, #tpu.memory_space<vmem>>, vector<16xf32>,
      %broadcast_in_dim3A_439 = vector.broadcast %add3A_354 : i32 to vector<16xi32>
      tpu.vector_store_idx %arg7[%broadcast_in_dim3A_439, %masked_sort3A_412], %mul3A_426 masked %ge3A_4 : memref<128x64xf32, #tpu.memory_space<vmem>>[vector<16xi32>, vector<16xi32>], vector<16xf32>, vector<16xi1>
      %add3A_440 = arith.constant 2 : i32
      %add3A_441 = arith.addi %mul3A_275, %add3A_440 : i32
      %get3A_442 = arith.index_cast %add3A_441 : i32 to index
      %get3A_443 = arith.constant 0 : index
      %get3A_444 = tpu.vector_load %arg5[%get3A_442, %get3A_443] {strides = array<i32>} : memref<128x64xf32, #tpu.memory_space<vmem>>, vector<16xf32>,
      %get3A_445 = arith.index_cast %add3A_441 : i32 to index
      %get3A_446 = arith.constant 16 : index
      %get3A_447 = tpu.vector_load %arg5[%get3A_445, %get3A_446] {strides = array<i32>} : memref<128x64xf32, #tpu.memory_space<vmem>>, vector<16xf32>,
      %get3A_448 = arith.index_cast %add3A_441 : i32 to index
      %get3A_449 = arith.constant 32 : index
      %get3A_450 = tpu.vector_load %arg5[%get3A_448, %get3A_449] {strides = array<i32>} : memref<128x64xf32, #tpu.memory_space<vmem>>, vector<16xf32>,
      %get3A_451 = arith.index_cast %add3A_441 : i32 to index
      %get3A_452 = arith.constant 48 : index
      %get3A_453 = tpu.vector_load %arg5[%get3A_451, %get3A_452] {strides = array<i32>} : memref<128x64xf32, #tpu.memory_space<vmem>>, vector<16xf32>,
      %masked_sort3A_454 = arith.constant dense<true> : vector<16xi1>
      %masked_sort3A_455, %masked_sort3A_456, %masked_sort3A_457 = tpu.sort %get3A_444, %add3A_15 masked %masked_sort3A_454 : (vector<16xf32>, vector<16xi32>, vector<16xi1>) -> (vector<16xi1>, vector<16xf32>, vector<16xi32>)
      %masked_sort3A_458 = arith.constant dense<true> : vector<16xi1>
      %masked_sort3A_459, %masked_sort3A_460, %masked_sort3A_461 = tpu.sort %get3A_447, %add3A_18 masked %masked_sort3A_458 {descending = true} : (vector<16xf32>, vector<16xi32>, vector<16xi1>) -> (vector<16xi1>, vector<16xf32>, vector<16xi32>)
      %masked_sort3A_462 = arith.constant dense<true> : vector<16xi1>
      %masked_sort3A_463, %masked_sort3A_464, %masked_sort3A_465 = tpu.sort %get3A_450, %add3A_21 masked %masked_sort3A_462 : (vector<16xf32>, vector<16xi32>, vector<16xi1>) -> (vector<16xi1>, vector<16xf32>, vector<16xi32>)
      %masked_sort3A_466 = arith.constant dense<true> : vector<16xi1>
      %masked_sort3A_467, %masked_sort3A_468, %masked_sort3A_469 = tpu.sort %get3A_453, %add3A_24 masked %masked_sort3A_466 {descending = true} : (vector<16xf32>, vector<16xi32>, vector<16xi1>) -> (vector<16xi1>, vector<16xf32>, vector<16xi32>)
      %ge3A_470 = arith.cmpf oge, %masked_sort3A_456, %masked_sort3A_460 : vector<16xf32>
      %max3A_471 = arith.maximumf %masked_sort3A_456, %masked_sort3A_460 : vector<16xf32>
      %select_n3A_472 = arith.select %ge3A_470, %masked_sort3A_457, %masked_sort3A_461 : vector<16xi1>, vector<16xi32>
      %ge3A_473 = arith.cmpf oge, %masked_sort3A_464, %masked_sort3A_468 : vector<16xf32>
      %max3A_474 = arith.maximumf %masked_sort3A_464, %masked_sort3A_468 : vector<16xf32>
      %select_n3A_475 = arith.select %ge3A_473, %masked_sort3A_465, %masked_sort3A_469 : vector<16xi1>, vector<16xi32>
      %broadcast_in_dim3A_476 = vector.shape_cast %and3A_12 : vector<16xi32> to vector<16x1xi32>
      %gather3A_477 = vector.shape_cast %broadcast_in_dim3A_476 : vector<16x1xi32> to vector<16xi32>
      %gather3A_478 = tpu.dynamic_gather %max3A_471[%gather3A_477] in [0] : vector<16xf32>, vector<16xi32> -> vector<16xf32>
      %broadcast_in_dim3A_479 = vector.shape_cast %and3A_12 : vector<16xi32> to vector<16x1xi32>
      %gather3A_480 = vector.shape_cast %broadcast_in_dim3A_479 : vector<16x1xi32> to vector<16xi32>
      %gather3A_481 = tpu.dynamic_gather %select_n3A_472[%gather3A_480] in [0] : vector<16xi32>, vector<16xi32> -> vector<16xi32>
      %ge3A_482 = arith.cmpf oge, %max3A_471, %gather3A_478 : vector<16xf32>
      %max3A_483 = arith.maximumf %max3A_471, %gather3A_478 : vector<16xf32>
      %select_n3A_484 = arith.select %ge3A_482, %select_n3A_472, %gather3A_481 : vector<16xi1>, vector<16xi32>
      %broadcast_in_dim3A_485 = vector.shape_cast %and3A_12 : vector<16xi32> to vector<16x1xi32>
      %gather3A_486 = vector.shape_cast %broadcast_in_dim3A_485 : vector<16x1xi32> to vector<16xi32>
      %gather3A_487 = tpu.dynamic_gather %max3A_474[%gather3A_486] in [0] : vector<16xf32>, vector<16xi32> -> vector<16xf32>
      %broadcast_in_dim3A_488 = vector.shape_cast %and3A_12 : vector<16xi32> to vector<16x1xi32>
      %gather3A_489 = vector.shape_cast %broadcast_in_dim3A_488 : vector<16x1xi32> to vector<16xi32>
      %gather3A_490 = tpu.dynamic_gather %select_n3A_475[%gather3A_489] in [0] : vector<16xi32>, vector<16xi32> -> vector<16xi32>
      %ge3A_491 = arith.cmpf oge, %max3A_474, %gather3A_487 : vector<16xf32>
      %max3A_492 = arith.maximumf %max3A_474, %gather3A_487 : vector<16xf32>
      %select_n3A_493 = arith.select %ge3A_491, %select_n3A_475, %gather3A_490 : vector<16xi1>, vector<16xi32>
      %select_n3A_494 = arith.select %lt3A_6, %max3A_483, %max3A_492 : vector<16xi1>, vector<16xf32>
      %select_n3A_495 = arith.select %lt3A_6, %select_n3A_484, %select_n3A_493 : vector<16xi1>, vector<16xi32>
      %masked_sort3A_496 = arith.constant dense<true> : vector<16xi1>
      %masked_sort3A_497, %masked_sort3A_498, %masked_sort3A_499 = tpu.sort %select_n3A_494, %select_n3A_495 masked %masked_sort3A_496 : (vector<16xf32>, vector<16xi32>, vector<16xi1>) -> (vector<16xi1>, vector<16xf32>, vector<16xi32>)
      %exp3A_500 = math.exp %masked_sort3A_498 : vector<16xf32>
      %jit3A_501 = arith.constant 0.000000e+00 : f32
      %broadcast_in_dim3A_502 = vector.broadcast %jit3A_501 : f32 to vector<16xf32>
      %select_n3A_503 = arith.select %ge3A_4, %exp3A_500, %broadcast_in_dim3A_502 : vector<16xi1>, vector<16xf32>
      %broadcast_in_dim3A_504 = arith.constant true
      %broadcast_in_dim3A_505 = vector.broadcast %broadcast_in_dim3A_504 : i1 to vector<16xi1>
      %masked_cumsum3A_506 = tpu.scan <sum>, %select_n3A_503 masked %broadcast_in_dim3A_505 : vector<16xf32>, vector<16xi1> -> vector<16xf32>
      %broadcast_in_dim3A_507 = vector.shape_cast %broadcast_in_dim3A_7 : vector<16xi32> to vector<16x1xi32>
      %gather3A_508 = vector.shape_cast %broadcast_in_dim3A_507 : vector<16x1xi32> to vector<16xi32>
      %gather3A_509 = tpu.dynamic_gather %masked_cumsum3A_506[%gather3A_508] in [0] : vector<16xf32>, vector<16xi32> -> vector<16xf32>
      %div3A_510 = arith.constant 6.400000e+01 : f32
      %div3A_511 = vector.broadcast %div3A_510 : f32 to vector<16xf32>
      %div3A_512 = arith.divf %div3A_511, %gather3A_509 : vector<16xf32>
      %mul3A_513 = arith.mulf %exp3A_500, %div3A_512 : vector<16xf32>
      %swap3A_514 = arith.index_cast %add3A_441 : i32 to index
      %swap3A_515 = arith.constant 0 : index
      %swap3A_516 = tpu.vector_load %arg7[%swap3A_514, %swap3A_515] {strides = array<i32>} : memref<128x64xf32, #tpu.memory_space<vmem>>, vector<16xf32>,
      tpu.vector_store %arg7[%swap3A_514, %swap3A_515], %broadcast_in_dim3A_26 {strides = array<i32>} : memref<128x64xf32, #tpu.memory_space<vmem>>, vector<16xf32>,
      %swap3A_517 = arith.index_cast %add3A_441 : i32 to index
      %swap3A_518 = arith.constant 16 : index
      %swap3A_519 = tpu.vector_load %arg7[%swap3A_517, %swap3A_518] {strides = array<i32>} : memref<128x64xf32, #tpu.memory_space<vmem>>, vector<16xf32>,
      tpu.vector_store %arg7[%swap3A_517, %swap3A_518], %broadcast_in_dim3A_26 {strides = array<i32>} : memref<128x64xf32, #tpu.memory_space<vmem>>, vector<16xf32>,
      %swap3A_520 = arith.index_cast %add3A_441 : i32 to index
      %swap3A_521 = arith.constant 32 : index
      %swap3A_522 = tpu.vector_load %arg7[%swap3A_520, %swap3A_521] {strides = array<i32>} : memref<128x64xf32, #tpu.memory_space<vmem>>, vector<16xf32>,
      tpu.vector_store %arg7[%swap3A_520, %swap3A_521], %broadcast_in_dim3A_26 {strides = array<i32>} : memref<128x64xf32, #tpu.memory_space<vmem>>, vector<16xf32>,
      %swap3A_523 = arith.index_cast %add3A_441 : i32 to index
      %swap3A_524 = arith.constant 48 : index
      %swap3A_525 = tpu.vector_load %arg7[%swap3A_523, %swap3A_524] {strides = array<i32>} : memref<128x64xf32, #tpu.memory_space<vmem>>, vector<16xf32>,
      tpu.vector_store %arg7[%swap3A_523, %swap3A_524], %broadcast_in_dim3A_26 {strides = array<i32>} : memref<128x64xf32, #tpu.memory_space<vmem>>, vector<16xf32>,
      %broadcast_in_dim3A_526 = vector.broadcast %add3A_441 : i32 to vector<16xi32>
      tpu.vector_store_idx %arg7[%broadcast_in_dim3A_526, %masked_sort3A_499], %mul3A_513 masked %ge3A_4 : memref<128x64xf32, #tpu.memory_space<vmem>>[vector<16xi32>, vector<16xi32>], vector<16xf32>, vector<16xi1>
      %add3A_527 = arith.constant 3 : i32
      %add3A_528 = arith.addi %mul3A_275, %add3A_527 : i32
      %get3A_529 = arith.index_cast %add3A_528 : i32 to index
      %get3A_530 = arith.constant 0 : index
      %get3A_531 = tpu.vector_load %arg5[%get3A_529, %get3A_530] {strides = array<i32>} : memref<128x64xf32, #tpu.memory_space<vmem>>, vector<16xf32>,
      %get3A_532 = arith.index_cast %add3A_528 : i32 to index
      %get3A_533 = arith.constant 16 : index
      %get3A_534 = tpu.vector_load %arg5[%get3A_532, %get3A_533] {strides = array<i32>} : memref<128x64xf32, #tpu.memory_space<vmem>>, vector<16xf32>,
      %get3A_535 = arith.index_cast %add3A_528 : i32 to index
      %get3A_536 = arith.constant 32 : index
      %get3A_537 = tpu.vector_load %arg5[%get3A_535, %get3A_536] {strides = array<i32>} : memref<128x64xf32, #tpu.memory_space<vmem>>, vector<16xf32>,
      %get3A_538 = arith.index_cast %add3A_528 : i32 to index
      %get3A_539 = arith.constant 48 : index
      %get3A_540 = tpu.vector_load %arg5[%get3A_538, %get3A_539] {strides = array<i32>} : memref<128x64xf32, #tpu.memory_space<vmem>>, vector<16xf32>,
      %masked_sort3A_541 = arith.constant dense<true> : vector<16xi1>
      %masked_sort3A_542, %masked_sort3A_543, %masked_sort3A_544 = tpu.sort %get3A_531, %add3A_15 masked %masked_sort3A_541 : (vector<16xf32>, vector<16xi32>, vector<16xi1>) -> (vector<16xi1>, vector<16xf32>, vector<16xi32>)
      %masked_sort3A_545 = arith.constant dense<true> : vector<16xi1>
      %masked_sort3A_546, %masked_sort3A_547, %masked_sort3A_548 = tpu.sort %get3A_534, %add3A_18 masked %masked_sort3A_545 {descending = true} : (vector<16xf32>, vector<16xi32>, vector<16xi1>) -> (vector<16xi1>, vector<16xf32>, vector<16xi32>)
      %masked_sort3A_549 = arith.constant dense<true> : vector<16xi1>
      %masked_sort3A_550, %masked_sort3A_551, %masked_sort3A_552 = tpu.sort %get3A_537, %add3A_21 masked %masked_sort3A_549 : (vector<16xf32>, vector<16xi32>, vector<16xi1>) -> (vector<16xi1>, vector<16xf32>, vector<16xi32>)
      %masked_sort3A_553 = arith.constant dense<true> : vector<16xi1>
      %masked_sort3A_554, %masked_sort3A_555, %masked_sort3A_556 = tpu.sort %get3A_540, %add3A_24 masked %masked_sort3A_553 {descending = true} : (vector<16xf32>, vector<16xi32>, vector<16xi1>) -> (vector<16xi1>, vector<16xf32>, vector<16xi32>)
      %ge3A_557 = arith.cmpf oge, %masked_sort3A_543, %masked_sort3A_547 : vector<16xf32>
      %max3A_558 = arith.maximumf %masked_sort3A_543, %masked_sort3A_547 : vector<16xf32>
      %select_n3A_559 = arith.select %ge3A_557, %masked_sort3A_544, %masked_sort3A_548 : vector<16xi1>, vector<16xi32>
      %ge3A_560 = arith.cmpf oge, %masked_sort3A_551, %masked_sort3A_555 : vector<16xf32>
      %max3A_561 = arith.maximumf %masked_sort3A_551, %masked_sort3A_555 : vector<16xf32>
      %select_n3A_562 = arith.select %ge3A_560, %masked_sort3A_552, %masked_sort3A_556 : vector<16xi1>, vector<16xi32>
      %broadcast_in_dim3A_563 = vector.shape_cast %and3A_12 : vector<16xi32> to vector<16x1xi32>
      %gather3A_564 = vector.shape_cast %broadcast_in_dim3A_563 : vector<16x1xi32> to vector<16xi32>
      %gather3A_565 = tpu.dynamic_gather %max3A_558[%gather3A_564] in [0] : vector<16xf32>, vector<16xi32> -> vector<16xf32>
      %broadcast_in_dim3A_566 = vector.shape_cast %and3A_12 : vector<16xi32> to vector<16x1xi32>
      %gather3A_567 = vector.shape_cast %broadcast_in_dim3A_566 : vector<16x1xi32> to vector<16xi32>
      %gather3A_568 = tpu.dynamic_gather %select_n3A_559[%gather3A_567] in [0] : vector<16xi32>, vector<16xi32> -> vector<16xi32>
      %ge3A_569 = arith.cmpf oge, %max3A_558, %gather3A_565 : vector<16xf32>
      %max3A_570 = arith.maximumf %max3A_558, %gather3A_565 : vector<16xf32>
      %select_n3A_571 = arith.select %ge3A_569, %select_n3A_559, %gather3A_568 : vector<16xi1>, vector<16xi32>
      %broadcast_in_dim3A_572 = vector.shape_cast %and3A_12 : vector<16xi32> to vector<16x1xi32>
      %gather3A_573 = vector.shape_cast %broadcast_in_dim3A_572 : vector<16x1xi32> to vector<16xi32>
      %gather3A_574 = tpu.dynamic_gather %max3A_561[%gather3A_573] in [0] : vector<16xf32>, vector<16xi32> -> vector<16xf32>
      %broadcast_in_dim3A_575 = vector.shape_cast %and3A_12 : vector<16xi32> to vector<16x1xi32>
      %gather3A_576 = vector.shape_cast %broadcast_in_dim3A_575 : vector<16x1xi32> to vector<16xi32>
      %gather3A_577 = tpu.dynamic_gather %select_n3A_562[%gather3A_576] in [0] : vector<16xi32>, vector<16xi32> -> vector<16xi32>
      %ge3A_578 = arith.cmpf oge, %max3A_561, %gather3A_574 : vector<16xf32>
      %max3A_579 = arith.maximumf %max3A_561, %gather3A_574 : vector<16xf32>
      %select_n3A_580 = arith.select %ge3A_578, %select_n3A_562, %gather3A_577 : vector<16xi1>, vector<16xi32>
      %select_n3A_581 = arith.select %lt3A_6, %max3A_570, %max3A_579 : vector<16xi1>, vector<16xf32>
      %select_n3A_582 = arith.select %lt3A_6, %select_n3A_571, %select_n3A_580 : vector<16xi1>, vector<16xi32>
      %masked_sort3A_583 = arith.constant dense<true> : vector<16xi1>
      %masked_sort3A_584, %masked_sort3A_585, %masked_sort3A_586 = tpu.sort %select_n3A_581, %select_n3A_582 masked %masked_sort3A_583 : (vector<16xf32>, vector<16xi32>, vector<16xi1>) -> (vector<16xi1>, vector<16xf32>, vector<16xi32>)
      %exp3A_587 = math.exp %masked_sort3A_585 : vector<16xf32>
      %jit3A_588 = arith.constant 0.000000e+00 : f32
      %broadcast_in_dim3A_589 = vector.broadcast %jit3A_588 : f32 to vector<16xf32>
      %select_n3A_590 = arith.select %ge3A_4, %exp3A_587, %broadcast_in_dim3A_589 : vector<16xi1>, vector<16xf32>
      %broadcast_in_dim3A_591 = arith.constant true
      %broadcast_in_dim3A_592 = vector.broadcast %broadcast_in_dim3A_591 : i1 to vector<16xi1>
      %masked_cumsum3A_593 = tpu.scan <sum>, %select_n3A_590 masked %broadcast_in_dim3A_592 : vector<16xf32>, vector<16xi1> -> vector<16xf32>
      %broadcast_in_dim3A_594 = vector.shape_cast %broadcast_in_dim3A_7 : vector<16xi32> to vector<16x1xi32>
      %gather3A_595 = vector.shape_cast %broadcast_in_dim3A_594 : vector<16x1xi32> to vector<16xi32>
      %gather3A_596 = tpu.dynamic_gather %masked_cumsum3A_593[%gather3A_595] in [0] : vector<16xf32>, vector<16xi32> -> vector<16xf32>
      %div3A_597 = arith.constant 6.400000e+01 : f32
      %div3A_598 = vector.broadcast %div3A_597 : f32 to vector<16xf32>
      %div3A_599 = arith.divf %div3A_598, %gather3A_596 : vector<16xf32>
      %mul3A_600 = arith.mulf %exp3A_587, %div3A_599 : vector<16xf32>
      %swap3A_601 = arith.index_cast %add3A_528 : i32 to index
      %swap3A_602 = arith.constant 0 : index
      %swap3A_603 = tpu.vector_load %arg7[%swap3A_601, %swap3A_602] {strides = array<i32>} : memref<128x64xf32, #tpu.memory_space<vmem>>, vector<16xf32>,
      tpu.vector_store %arg7[%swap3A_601, %swap3A_602], %broadcast_in_dim3A_26 {strides = array<i32>} : memref<128x64xf32, #tpu.memory_space<vmem>>, vector<16xf32>,
      %swap3A_604 = arith.index_cast %add3A_528 : i32 to index
      %swap3A_605 = arith.constant 16 : index
      %swap3A_606 = tpu.vector_load %arg7[%swap3A_604, %swap3A_605] {strides = array<i32>} : memref<128x64xf32, #tpu.memory_space<vmem>>, vector<16xf32>,
      tpu.vector_store %arg7[%swap3A_604, %swap3A_605], %broadcast_in_dim3A_26 {strides = array<i32>} : memref<128x64xf32, #tpu.memory_space<vmem>>, vector<16xf32>,
      %swap3A_607 = arith.index_cast %add3A_528 : i32 to index
      %swap3A_608 = arith.constant 32 : index
      %swap3A_609 = tpu.vector_load %arg7[%swap3A_607, %swap3A_608] {strides = array<i32>} : memref<128x64xf32, #tpu.memory_space<vmem>>, vector<16xf32>,
      tpu.vector_store %arg7[%swap3A_607, %swap3A_608], %broadcast_in_dim3A_26 {strides = array<i32>} : memref<128x64xf32, #tpu.memory_space<vmem>>, vector<16xf32>,
      %swap3A_610 = arith.index_cast %add3A_528 : i32 to index
      %swap3A_611 = arith.constant 48 : index
      %swap3A_612 = tpu.vector_load %arg7[%swap3A_610, %swap3A_611] {strides = array<i32>} : memref<128x64xf32, #tpu.memory_space<vmem>>, vector<16xf32>,
      tpu.vector_store %arg7[%swap3A_610, %swap3A_611], %broadcast_in_dim3A_26 {strides = array<i32>} : memref<128x64xf32, #tpu.memory_space<vmem>>, vector<16xf32>,
      %broadcast_in_dim3A_613 = vector.broadcast %add3A_528 : i32 to vector<16xi32>
      tpu.vector_store_idx %arg7[%broadcast_in_dim3A_613, %masked_sort3A_586], %mul3A_600 masked %ge3A_4 : memref<128x64xf32, #tpu.memory_space<vmem>>[vector<16xi32>, vector<16xi32>], vector<16xf32>, vector<16xi1>
      %scan3A_614 = arith.constant 0 : i32
      scf.yield %scan3A_614 : i32
    }
    %scan3A_197 = arith.constant 32 : i32
    %add3A_198 = arith.constant 640 : i32
    %add3A_199 = arith.addi %mul3A_2, %add3A_198 : i32
    %dma_start3A_200 = arith.constant 0 : i32
    %dma_start3A_201 = tpu.memref_slice %arg3[%add3A_199, %dma_start3A_200] : memref<32768x64xf32, #tpu.memory_space<hbm>> -> memref<128x64xf32, #tpu.memory_space<hbm>>
    %dma_start3A_202 = arith.constant 0 : i32
    %dma_start3A_203 = tpu.memref_slice %arg3[%add3A_199, %dma_start3A_202] : memref<32768x64xf32, #tpu.memory_space<hbm>> -> memref<128x64xf32, #tpu.memory_space<hbm>>
    tpu.enqueue_dma source(%arg7 : memref<128x64xf32, #tpu.memory_space<vmem>>) target(%dma_start3A_203 : memref<128x64xf32, #tpu.memory_space<hbm>>) target_semaphore(%arg11 : memref<!tpu.dma_semaphore, #tpu.memory_space<semaphore_mem>>)
    %add3A_204 = arith.constant 896 : i32
    %add3A_205 = arith.addi %mul3A_2, %add3A_204 : i32
    %dma_start3A_206 = arith.constant 0 : i32
    %dma_start3A_207 = tpu.memref_slice %arg2[%add3A_205, %dma_start3A_206] : memref<32768x64xf32, #tpu.memory_space<hbm>> -> memref<128x64xf32, #tpu.memory_space<hbm>>
    %dma_start3A_208 = arith.constant 0 : i32
    %dma_start3A_209 = tpu.memref_slice %arg2[%add3A_205, %dma_start3A_208] : memref<32768x64xf32, #tpu.memory_space<hbm>> -> memref<128x64xf32, #tpu.memory_space<hbm>>
    tpu.enqueue_dma source(%dma_start3A_209 : memref<128x64xf32, #tpu.memory_space<hbm>>) target(%arg5 : memref<128x64xf32, #tpu.memory_space<vmem>>) target_semaphore(%arg9 : memref<!tpu.dma_semaphore, #tpu.memory_space<semaphore_mem>>)
    %add3A_210 = arith.constant 768 : i32
    %add3A_211 = arith.addi %mul3A_2, %add3A_210 : i32
    %dma_wait3A_212 = arith.constant 0 : i32
    %dma_wait3A_213 = tpu.memref_slice %arg2[%add3A_211, %dma_wait3A_212] : memref<32768x64xf32, #tpu.memory_space<hbm>> -> memref<128x64xf32, #tpu.memory_space<hbm>>
    %dma_wait3A_214 = arith.constant 0 : i32
    %dma_wait3A_215 = tpu.memref_slice %arg2[%add3A_211, %dma_wait3A_214] : memref<32768x64xf32, #tpu.memory_space<hbm>> -> memref<128x64xf32, #tpu.memory_space<hbm>>
    tpu.wait_dma2 semaphore(%arg8 : memref<!tpu.dma_semaphore, #tpu.memory_space<semaphore_mem>>) src(%dma_wait3A_215 : memref<128x64xf32, #tpu.memory_space<hbm>>) dst(%arg4 : memref<128x64xf32, #tpu.memory_space<vmem>>)
    %add3A_216 = arith.constant 512 : i32
    %add3A_217 = arith.addi %mul3A_2, %add3A_216 : i32
    %dma_wait3A_218 = arith.constant 0 : i32
    %dma_wait3A_219 = tpu.memref_slice %arg3[%add3A_217, %dma_wait3A_218] : memref<32768x64xf32, #tpu.memory_space<hbm>> -> memref<128x64xf32, #tpu.memory_space<hbm>>
    %dma_wait3A_220 = arith.constant 0 : i32
    %dma_wait3A_221 = tpu.memref_slice %arg3[%add3A_217, %dma_wait3A_220] : memref<32768x64xf32, #tpu.memory_space<hbm>> -> memref<128x64xf32, #tpu.memory_space<hbm>>
    tpu.wait_dma2 semaphore(%arg10 : memref<!tpu.dma_semaphore, #tpu.memory_space<semaphore_mem>>) src(%arg6 : memref<128x64xf32, #tpu.memory_space<vmem>>) dst(%dma_wait3A_221 : memref<128x64xf32, #tpu.memory_space<hbm>>)
    %scan3A_222 = arith.constant 0 : i32
    %scan3A_223 = arith.constant 0 : i32
    %scan3A_224 = arith.constant 32 : i32
    %scan3A_225 = arith.addi %scan3A_223, %scan3A_224 : i32
    %scan3A_226 = arith.constant 1 : i32
    %scan3A_227 = scf.for %scan3A_272 = %scan3A_223 to %scan3A_225 step %scan3A_226 iter_args(%scan3A_273 = %scan3A_222) -> (i32)  : i32 {
      %mul3A_274 = arith.constant 4 : i32
      %mul3A_275 = arith.muli %scan3A_272, %mul3A_274 : i32
      %add3A_276 = arith.constant 0 : i32
      %add3A_277 = arith.addi %mul3A_275, %add3A_276 : i32
      %get3A = arith.index_cast %add3A_277 : i32 to index
      %get3A_278 = arith.constant 0 : index
      %get3A_279 = tpu.vector_load %arg4[%get3A, %get3A_278] {strides = array<i32>} : memref<128x64xf32, #tpu.memory_space<vmem>>, vector<16xf32>,
      %get3A_280 = arith.index_cast %add3A_277 : i32 to index
      %get3A_281 = arith.constant 16 : index
      %get3A_282 = tpu.vector_load %arg4[%get3A_280, %get3A_281] {strides = array<i32>} : memref<128x64xf32, #tpu.memory_space<vmem>>, vector<16xf32>,
      %get3A_283 = arith.index_cast %add3A_277 : i32 to index
      %get3A_284 = arith.constant 32 : index
      %get3A_285 = tpu.vector_load %arg4[%get3A_283, %get3A_284] {strides = array<i32>} : memref<128x64xf32, #tpu.memory_space<vmem>>, vector<16xf32>,
      %get3A_286 = arith.index_cast %add3A_277 : i32 to index
      %get3A_287 = arith.constant 48 : index
      %get3A_288 = tpu.vector_load %arg4[%get3A_286, %get3A_287] {strides = array<i32>} : memref<128x64xf32, #tpu.memory_space<vmem>>, vector<16xf32>,
      %masked_sort3A = arith.constant dense<true> : vector<16xi1>
      %masked_sort3A_289, %masked_sort3A_290, %masked_sort3A_291 = tpu.sort %get3A_279, %add3A_15 masked %masked_sort3A : (vector<16xf32>, vector<16xi32>, vector<16xi1>) -> (vector<16xi1>, vector<16xf32>, vector<16xi32>)
      %masked_sort3A_292 = arith.constant dense<true> : vector<16xi1>
      %masked_sort3A_293, %masked_sort3A_294, %masked_sort3A_295 = tpu.sort %get3A_282, %add3A_18 masked %masked_sort3A_292 {descending = true} : (vector<16xf32>, vector<16xi32>, vector<16xi1>) -> (vector<16xi1>, vector<16xf32>, vector<16xi32>)
      %masked_sort3A_296 = arith.constant dense<true> : vector<16xi1>
      %masked_sort3A_297, %masked_sort3A_298, %masked_sort3A_299 = tpu.sort %get3A_285, %add3A_21 masked %masked_sort3A_296 : (vector<16xf32>, vector<16xi32>, vector<16xi1>) -> (vector<16xi1>, vector<16xf32>, vector<16xi32>)
      %masked_sort3A_300 = arith.constant dense<true> : vector<16xi1>
      %masked_sort3A_301, %masked_sort3A_302, %masked_sort3A_303 = tpu.sort %get3A_288, %add3A_24 masked %masked_sort3A_300 {descending = true} : (vector<16xf32>, vector<16xi32>, vector<16xi1>) -> (vector<16xi1>, vector<16xf32>, vector<16xi32>)
      %ge3A_304 = arith.cmpf oge, %masked_sort3A_290, %masked_sort3A_294 : vector<16xf32>
      %max3A = arith.maximumf %masked_sort3A_290, %masked_sort3A_294 : vector<16xf32>
      %select_n3A = arith.select %ge3A_304, %masked_sort3A_291, %masked_sort3A_295 : vector<16xi1>, vector<16xi32>
      %ge3A_305 = arith.cmpf oge, %masked_sort3A_298, %masked_sort3A_302 : vector<16xf32>
      %max3A_306 = arith.maximumf %masked_sort3A_298, %masked_sort3A_302 : vector<16xf32>
      %select_n3A_307 = arith.select %ge3A_305, %masked_sort3A_299, %masked_sort3A_303 : vector<16xi1>, vector<16xi32>
      %broadcast_in_dim3A_308 = vector.shape_cast %and3A_12 : vector<16xi32> to vector<16x1xi32>
      %gather3A = vector.shape_cast %broadcast_in_dim3A_308 : vector<16x1xi32> to vector<16xi32>
      %gather3A_309 = tpu.dynamic_gather %max3A[%gather3A] in [0] : vector<16xf32>, vector<16xi32> -> vector<16xf32>
      %broadcast_in_dim3A_310 = vector.shape_cast %and3A_12 : vector<16xi32> to vector<16x1xi32>
      %gather3A_311 = vector.shape_cast %broadcast_in_dim3A_310 : vector<16x1xi32> to vector<16xi32>
      %gather3A_312 = tpu.dynamic_gather %select_n3A[%gather3A_311] in [0] : vector<16xi32>, vector<16xi32> -> vector<16xi32>
      %ge3A_313 = arith.cmpf oge, %max3A, %gather3A_309 : vector<16xf32>
      %max3A_314 = arith.maximumf %max3A, %gather3A_309 : vector<16xf32>
      %select_n3A_315 = arith.select %ge3A_313, %select_n3A, %gather3A_312 : vector<16xi1>, vector<16xi32>
      %broadcast_in_dim3A_316 = vector.shape_cast %and3A_12 : vector<16xi32> to vector<16x1xi32>
      %gather3A_317 = vector.shape_cast %broadcast_in_dim3A_316 : vector<16x1xi32> to vector<16xi32>
      %gather3A_318 = tpu.dynamic_gather %max3A_306[%gather3A_317] in [0] : vector<16xf32>, vector<16xi32> -> vector<16xf32>
      %broadcast_in_dim3A_319 = vector.shape_cast %and3A_12 : vector<16xi32> to vector<16x1xi32>
      %gather3A_320 = vector.shape_cast %broadcast_in_dim3A_319 : vector<16x1xi32> to vector<16xi32>
      %gather3A_321 = tpu.dynamic_gather %select_n3A_307[%gather3A_320] in [0] : vector<16xi32>, vector<16xi32> -> vector<16xi32>
      %ge3A_322 = arith.cmpf oge, %max3A_306, %gather3A_318 : vector<16xf32>
      %max3A_323 = arith.maximumf %max3A_306, %gather3A_318 : vector<16xf32>
      %select_n3A_324 = arith.select %ge3A_322, %select_n3A_307, %gather3A_321 : vector<16xi1>, vector<16xi32>
      %select_n3A_325 = arith.select %lt3A_6, %max3A_314, %max3A_323 : vector<16xi1>, vector<16xf32>
      %select_n3A_326 = arith.select %lt3A_6, %select_n3A_315, %select_n3A_324 : vector<16xi1>, vector<16xi32>
      %masked_sort3A_327 = arith.constant dense<true> : vector<16xi1>
      %masked_sort3A_328, %masked_sort3A_329, %masked_sort3A_330 = tpu.sort %select_n3A_325, %select_n3A_326 masked %masked_sort3A_327 : (vector<16xf32>, vector<16xi32>, vector<16xi1>) -> (vector<16xi1>, vector<16xf32>, vector<16xi32>)
      %exp3A = math.exp %masked_sort3A_329 : vector<16xf32>
      %jit3A = arith.constant 0.000000e+00 : f32
      %broadcast_in_dim3A_331 = vector.broadcast %jit3A : f32 to vector<16xf32>
      %select_n3A_332 = arith.select %ge3A_4, %exp3A, %broadcast_in_dim3A_331 : vector<16xi1>, vector<16xf32>
      %broadcast_in_dim3A_333 = arith.constant true
      %broadcast_in_dim3A_334 = vector.broadcast %broadcast_in_dim3A_333 : i1 to vector<16xi1>
      %masked_cumsum3A = tpu.scan <sum>, %select_n3A_332 masked %broadcast_in_dim3A_334 : vector<16xf32>, vector<16xi1> -> vector<16xf32>
      %broadcast_in_dim3A_335 = vector.shape_cast %broadcast_in_dim3A_7 : vector<16xi32> to vector<16x1xi32>
      %gather3A_336 = vector.shape_cast %broadcast_in_dim3A_335 : vector<16x1xi32> to vector<16xi32>
      %gather3A_337 = tpu.dynamic_gather %masked_cumsum3A[%gather3A_336] in [0] : vector<16xf32>, vector<16xi32> -> vector<16xf32>
      %div3A = arith.constant 6.400000e+01 : f32
      %div3A_338 = vector.broadcast %div3A : f32 to vector<16xf32>
      %div3A_339 = arith.divf %div3A_338, %gather3A_337 : vector<16xf32>
      %mul3A_340 = arith.mulf %exp3A, %div3A_339 : vector<16xf32>
      %swap3A = arith.index_cast %add3A_277 : i32 to index
      %swap3A_341 = arith.constant 0 : index
      %swap3A_342 = tpu.vector_load %arg6[%swap3A, %swap3A_341] {strides = array<i32>} : memref<128x64xf32, #tpu.memory_space<vmem>>, vector<16xf32>,
      tpu.vector_store %arg6[%swap3A, %swap3A_341], %broadcast_in_dim3A_26 {strides = array<i32>} : memref<128x64xf32, #tpu.memory_space<vmem>>, vector<16xf32>,
      %swap3A_343 = arith.index_cast %add3A_277 : i32 to index
      %swap3A_344 = arith.constant 16 : index
      %swap3A_345 = tpu.vector_load %arg6[%swap3A_343, %swap3A_344] {strides = array<i32>} : memref<128x64xf32, #tpu.memory_space<vmem>>, vector<16xf32>,
      tpu.vector_store %arg6[%swap3A_343, %swap3A_344], %broadcast_in_dim3A_26 {strides = array<i32>} : memref<128x64xf32, #tpu.memory_space<vmem>>, vector<16xf32>,
      %swap3A_346 = arith.index_cast %add3A_277 : i32 to index
      %swap3A_347 = arith.constant 32 : index
      %swap3A_348 = tpu.vector_load %arg6[%swap3A_346, %swap3A_347] {strides = array<i32>} : memref<128x64xf32, #tpu.memory_space<vmem>>, vector<16xf32>,
      tpu.vector_store %arg6[%swap3A_346, %swap3A_347], %broadcast_in_dim3A_26 {strides = array<i32>} : memref<128x64xf32, #tpu.memory_space<vmem>>, vector<16xf32>,
      %swap3A_349 = arith.index_cast %add3A_277 : i32 to index
      %swap3A_350 = arith.constant 48 : index
      %swap3A_351 = tpu.vector_load %arg6[%swap3A_349, %swap3A_350] {strides = array<i32>} : memref<128x64xf32, #tpu.memory_space<vmem>>, vector<16xf32>,
      tpu.vector_store %arg6[%swap3A_349, %swap3A_350], %broadcast_in_dim3A_26 {strides = array<i32>} : memref<128x64xf32, #tpu.memory_space<vmem>>, vector<16xf32>,
      %broadcast_in_dim3A_352 = vector.broadcast %add3A_277 : i32 to vector<16xi32>
      tpu.vector_store_idx %arg6[%broadcast_in_dim3A_352, %masked_sort3A_330], %mul3A_340 masked %ge3A_4 : memref<128x64xf32, #tpu.memory_space<vmem>>[vector<16xi32>, vector<16xi32>], vector<16xf32>, vector<16xi1>
      %add3A_353 = arith.constant 1 : i32
      %add3A_354 = arith.addi %mul3A_275, %add3A_353 : i32
      %get3A_355 = arith.index_cast %add3A_354 : i32 to index
      %get3A_356 = arith.constant 0 : index
      %get3A_357 = tpu.vector_load %arg4[%get3A_355, %get3A_356] {strides = array<i32>} : memref<128x64xf32, #tpu.memory_space<vmem>>, vector<16xf32>,
      %get3A_358 = arith.index_cast %add3A_354 : i32 to index
      %get3A_359 = arith.constant 16 : index
      %get3A_360 = tpu.vector_load %arg4[%get3A_358, %get3A_359] {strides = array<i32>} : memref<128x64xf32, #tpu.memory_space<vmem>>, vector<16xf32>,
      %get3A_361 = arith.index_cast %add3A_354 : i32 to index
      %get3A_362 = arith.constant 32 : index
      %get3A_363 = tpu.vector_load %arg4[%get3A_361, %get3A_362] {strides = array<i32>} : memref<128x64xf32, #tpu.memory_space<vmem>>, vector<16xf32>,
      %get3A_364 = arith.index_cast %add3A_354 : i32 to index
      %get3A_365 = arith.constant 48 : index
      %get3A_366 = tpu.vector_load %arg4[%get3A_364, %get3A_365] {strides = array<i32>} : memref<128x64xf32, #tpu.memory_space<vmem>>, vector<16xf32>,
      %masked_sort3A_367 = arith.constant dense<true> : vector<16xi1>
      %masked_sort3A_368, %masked_sort3A_369, %masked_sort3A_370 = tpu.sort %get3A_357, %add3A_15 masked %masked_sort3A_367 : (vector<16xf32>, vector<16xi32>, vector<16xi1>) -> (vector<16xi1>, vector<16xf32>, vector<16xi32>)
      %masked_sort3A_371 = arith.constant dense<true> : vector<16xi1>
      %masked_sort3A_372, %masked_sort3A_373, %masked_sort3A_374 = tpu.sort %get3A_360, %add3A_18 masked %masked_sort3A_371 {descending = true} : (vector<16xf32>, vector<16xi32>, vector<16xi1>) -> (vector<16xi1>, vector<16xf32>, vector<16xi32>)
      %masked_sort3A_375 = arith.constant dense<true> : vector<16xi1>
      %masked_sort3A_376, %masked_sort3A_377, %masked_sort3A_378 = tpu.sort %get3A_363, %add3A_21 masked %masked_sort3A_375 : (vector<16xf32>, vector<16xi32>, vector<16xi1>) -> (vector<16xi1>, vector<16xf32>, vector<16xi32>)
      %masked_sort3A_379 = arith.constant dense<true> : vector<16xi1>
      %masked_sort3A_380, %masked_sort3A_381, %masked_sort3A_382 = tpu.sort %get3A_366, %add3A_24 masked %masked_sort3A_379 {descending = true} : (vector<16xf32>, vector<16xi32>, vector<16xi1>) -> (vector<16xi1>, vector<16xf32>, vector<16xi32>)
      %ge3A_383 = arith.cmpf oge, %masked_sort3A_369, %masked_sort3A_373 : vector<16xf32>
      %max3A_384 = arith.maximumf %masked_sort3A_369, %masked_sort3A_373 : vector<16xf32>
      %select_n3A_385 = arith.select %ge3A_383, %masked_sort3A_370, %masked_sort3A_374 : vector<16xi1>, vector<16xi32>
      %ge3A_386 = arith.cmpf oge, %masked_sort3A_377, %masked_sort3A_381 : vector<16xf32>
      %max3A_387 = arith.maximumf %masked_sort3A_377, %masked_sort3A_381 : vector<16xf32>
      %select_n3A_388 = arith.select %ge3A_386, %masked_sort3A_378, %masked_sort3A_382 : vector<16xi1>, vector<16xi32>
      %broadcast_in_dim3A_389 = vector.shape_cast %and3A_12 : vector<16xi32> to vector<16x1xi32>
      %gather3A_390 = vector.shape_cast %broadcast_in_dim3A_389 : vector<16x1xi32> to vector<16xi32>
      %gather3A_391 = tpu.dynamic_gather %max3A_384[%gather3A_390] in [0] : vector<16xf32>, vector<16xi32> -> vector<16xf32>
      %broadcast_in_dim3A_392 = vector.shape_cast %and3A_12 : vector<16xi32> to vector<16x1xi32>
      %gather3A_393 = vector.shape_cast %broadcast_in_dim3A_392 : vector<16x1xi32> to vector<16xi32>
      %gather3A_394 = tpu.dynamic_gather %select_n3A_385[%gather3A_393] in [0] : vector<16xi32>, vector<16xi32> -> vector<16xi32>
      %ge3A_395 = arith.cmpf oge, %max3A_384, %gather3A_391 : vector<16xf32>
      %max3A_396 = arith.maximumf %max3A_384, %gather3A_391 : vector<16xf32>
      %select_n3A_397 = arith.select %ge3A_395, %select_n3A_385, %gather3A_394 : vector<16xi1>, vector<16xi32>
      %broadcast_in_dim3A_398 = vector.shape_cast %and3A_12 : vector<16xi32> to vector<16x1xi32>
      %gather3A_399 = vector.shape_cast %broadcast_in_dim3A_398 : vector<16x1xi32> to vector<16xi32>
      %gather3A_400 = tpu.dynamic_gather %max3A_387[%gather3A_399] in [0] : vector<16xf32>, vector<16xi32> -> vector<16xf32>
      %broadcast_in_dim3A_401 = vector.shape_cast %and3A_12 : vector<16xi32> to vector<16x1xi32>
      %gather3A_402 = vector.shape_cast %broadcast_in_dim3A_401 : vector<16x1xi32> to vector<16xi32>
      %gather3A_403 = tpu.dynamic_gather %select_n3A_388[%gather3A_402] in [0] : vector<16xi32>, vector<16xi32> -> vector<16xi32>
      %ge3A_404 = arith.cmpf oge, %max3A_387, %gather3A_400 : vector<16xf32>
      %max3A_405 = arith.maximumf %max3A_387, %gather3A_400 : vector<16xf32>
      %select_n3A_406 = arith.select %ge3A_404, %select_n3A_388, %gather3A_403 : vector<16xi1>, vector<16xi32>
      %select_n3A_407 = arith.select %lt3A_6, %max3A_396, %max3A_405 : vector<16xi1>, vector<16xf32>
      %select_n3A_408 = arith.select %lt3A_6, %select_n3A_397, %select_n3A_406 : vector<16xi1>, vector<16xi32>
      %masked_sort3A_409 = arith.constant dense<true> : vector<16xi1>
      %masked_sort3A_410, %masked_sort3A_411, %masked_sort3A_412 = tpu.sort %select_n3A_407, %select_n3A_408 masked %masked_sort3A_409 : (vector<16xf32>, vector<16xi32>, vector<16xi1>) -> (vector<16xi1>, vector<16xf32>, vector<16xi32>)
      %exp3A_413 = math.exp %masked_sort3A_411 : vector<16xf32>
      %jit3A_414 = arith.constant 0.000000e+00 : f32
      %broadcast_in_dim3A_415 = vector.broadcast %jit3A_414 : f32 to vector<16xf32>
      %select_n3A_416 = arith.select %ge3A_4, %exp3A_413, %broadcast_in_dim3A_415 : vector<16xi1>, vector<16xf32>
      %broadcast_in_dim3A_417 = arith.constant true
      %broadcast_in_dim3A_418 = vector.broadcast %broadcast_in_dim3A_417 : i1 to vector<16xi1>
      %masked_cumsum3A_419 = tpu.scan <sum>, %select_n3A_416 masked %broadcast_in_dim3A_418 : vector<16xf32>, vector<16xi1> -> vector<16xf32>
      %broadcast_in_dim3A_420 = vector.shape_cast %broadcast_in_dim3A_7 : vector<16xi32> to vector<16x1xi32>
      %gather3A_421 = vector.shape_cast %broadcast_in_dim3A_420 : vector<16x1xi32> to vector<16xi32>
      %gather3A_422 = tpu.dynamic_gather %masked_cumsum3A_419[%gather3A_421] in [0] : vector<16xf32>, vector<16xi32> -> vector<16xf32>
      %div3A_423 = arith.constant 6.400000e+01 : f32
      %div3A_424 = vector.broadcast %div3A_423 : f32 to vector<16xf32>
      %div3A_425 = arith.divf %div3A_424, %gather3A_422 : vector<16xf32>
      %mul3A_426 = arith.mulf %exp3A_413, %div3A_425 : vector<16xf32>
      %swap3A_427 = arith.index_cast %add3A_354 : i32 to index
      %swap3A_428 = arith.constant 0 : index
      %swap3A_429 = tpu.vector_load %arg6[%swap3A_427, %swap3A_428] {strides = array<i32>} : memref<128x64xf32, #tpu.memory_space<vmem>>, vector<16xf32>,
      tpu.vector_store %arg6[%swap3A_427, %swap3A_428], %broadcast_in_dim3A_26 {strides = array<i32>} : memref<128x64xf32, #tpu.memory_space<vmem>>, vector<16xf32>,
      %swap3A_430 = arith.index_cast %add3A_354 : i32 to index
      %swap3A_431 = arith.constant 16 : index
      %swap3A_432 = tpu.vector_load %arg6[%swap3A_430, %swap3A_431] {strides = array<i32>} : memref<128x64xf32, #tpu.memory_space<vmem>>, vector<16xf32>,
      tpu.vector_store %arg6[%swap3A_430, %swap3A_431], %broadcast_in_dim3A_26 {strides = array<i32>} : memref<128x64xf32, #tpu.memory_space<vmem>>, vector<16xf32>,
      %swap3A_433 = arith.index_cast %add3A_354 : i32 to index
      %swap3A_434 = arith.constant 32 : index
      %swap3A_435 = tpu.vector_load %arg6[%swap3A_433, %swap3A_434] {strides = array<i32>} : memref<128x64xf32, #tpu.memory_space<vmem>>, vector<16xf32>,
      tpu.vector_store %arg6[%swap3A_433, %swap3A_434], %broadcast_in_dim3A_26 {strides = array<i32>} : memref<128x64xf32, #tpu.memory_space<vmem>>, vector<16xf32>,
      %swap3A_436 = arith.index_cast %add3A_354 : i32 to index
      %swap3A_437 = arith.constant 48 : index
      %swap3A_438 = tpu.vector_load %arg6[%swap3A_436, %swap3A_437] {strides = array<i32>} : memref<128x64xf32, #tpu.memory_space<vmem>>, vector<16xf32>,
      tpu.vector_store %arg6[%swap3A_436, %swap3A_437], %broadcast_in_dim3A_26 {strides = array<i32>} : memref<128x64xf32, #tpu.memory_space<vmem>>, vector<16xf32>,
      %broadcast_in_dim3A_439 = vector.broadcast %add3A_354 : i32 to vector<16xi32>
      tpu.vector_store_idx %arg6[%broadcast_in_dim3A_439, %masked_sort3A_412], %mul3A_426 masked %ge3A_4 : memref<128x64xf32, #tpu.memory_space<vmem>>[vector<16xi32>, vector<16xi32>], vector<16xf32>, vector<16xi1>
      %add3A_440 = arith.constant 2 : i32
      %add3A_441 = arith.addi %mul3A_275, %add3A_440 : i32
      %get3A_442 = arith.index_cast %add3A_441 : i32 to index
      %get3A_443 = arith.constant 0 : index
      %get3A_444 = tpu.vector_load %arg4[%get3A_442, %get3A_443] {strides = array<i32>} : memref<128x64xf32, #tpu.memory_space<vmem>>, vector<16xf32>,
      %get3A_445 = arith.index_cast %add3A_441 : i32 to index
      %get3A_446 = arith.constant 16 : index
      %get3A_447 = tpu.vector_load %arg4[%get3A_445, %get3A_446] {strides = array<i32>} : memref<128x64xf32, #tpu.memory_space<vmem>>, vector<16xf32>,
      %get3A_448 = arith.index_cast %add3A_441 : i32 to index
      %get3A_449 = arith.constant 32 : index
      %get3A_450 = tpu.vector_load %arg4[%get3A_448, %get3A_449] {strides = array<i32>} : memref<128x64xf32, #tpu.memory_space<vmem>>, vector<16xf32>,
      %get3A_451 = arith.index_cast %add3A_441 : i32 to index
      %get3A_452 = arith.constant 48 : index
      %get3A_453 = tpu.vector_load %arg4[%get3A_451, %get3A_452] {strides = array<i32>} : memref<128x64xf32, #tpu.memory_space<vmem>>, vector<16xf32>,
      %masked_sort3A_454 = arith.constant dense<true> : vector<16xi1>
      %masked_sort3A_455, %masked_sort3A_456, %masked_sort3A_457 = tpu.sort %get3A_444, %add3A_15 masked %masked_sort3A_454 : (vector<16xf32>, vector<16xi32>, vector<16xi1>) -> (vector<16xi1>, vector<16xf32>, vector<16xi32>)
      %masked_sort3A_458 = arith.constant dense<true> : vector<16xi1>
      %masked_sort3A_459, %masked_sort3A_460, %masked_sort3A_461 = tpu.sort %get3A_447, %add3A_18 masked %masked_sort3A_458 {descending = true} : (vector<16xf32>, vector<16xi32>, vector<16xi1>) -> (vector<16xi1>, vector<16xf32>, vector<16xi32>)
      %masked_sort3A_462 = arith.constant dense<true> : vector<16xi1>
      %masked_sort3A_463, %masked_sort3A_464, %masked_sort3A_465 = tpu.sort %get3A_450, %add3A_21 masked %masked_sort3A_462 : (vector<16xf32>, vector<16xi32>, vector<16xi1>) -> (vector<16xi1>, vector<16xf32>, vector<16xi32>)
      %masked_sort3A_466 = arith.constant dense<true> : vector<16xi1>
      %masked_sort3A_467, %masked_sort3A_468, %masked_sort3A_469 = tpu.sort %get3A_453, %add3A_24 masked %masked_sort3A_466 {descending = true} : (vector<16xf32>, vector<16xi32>, vector<16xi1>) -> (vector<16xi1>, vector<16xf32>, vector<16xi32>)
      %ge3A_470 = arith.cmpf oge, %masked_sort3A_456, %masked_sort3A_460 : vector<16xf32>
      %max3A_471 = arith.maximumf %masked_sort3A_456, %masked_sort3A_460 : vector<16xf32>
      %select_n3A_472 = arith.select %ge3A_470, %masked_sort3A_457, %masked_sort3A_461 : vector<16xi1>, vector<16xi32>
      %ge3A_473 = arith.cmpf oge, %masked_sort3A_464, %masked_sort3A_468 : vector<16xf32>
      %max3A_474 = arith.maximumf %masked_sort3A_464, %masked_sort3A_468 : vector<16xf32>
      %select_n3A_475 = arith.select %ge3A_473, %masked_sort3A_465, %masked_sort3A_469 : vector<16xi1>, vector<16xi32>
      %broadcast_in_dim3A_476 = vector.shape_cast %and3A_12 : vector<16xi32> to vector<16x1xi32>
      %gather3A_477 = vector.shape_cast %broadcast_in_dim3A_476 : vector<16x1xi32> to vector<16xi32>
      %gather3A_478 = tpu.dynamic_gather %max3A_471[%gather3A_477] in [0] : vector<16xf32>, vector<16xi32> -> vector<16xf32>
      %broadcast_in_dim3A_479 = vector.shape_cast %and3A_12 : vector<16xi32> to vector<16x1xi32>
      %gather3A_480 = vector.shape_cast %broadcast_in_dim3A_479 : vector<16x1xi32> to vector<16xi32>
      %gather3A_481 = tpu.dynamic_gather %select_n3A_472[%gather3A_480] in [0] : vector<16xi32>, vector<16xi32> -> vector<16xi32>
      %ge3A_482 = arith.cmpf oge, %max3A_471, %gather3A_478 : vector<16xf32>
      %max3A_483 = arith.maximumf %max3A_471, %gather3A_478 : vector<16xf32>
      %select_n3A_484 = arith.select %ge3A_482, %select_n3A_472, %gather3A_481 : vector<16xi1>, vector<16xi32>
      %broadcast_in_dim3A_485 = vector.shape_cast %and3A_12 : vector<16xi32> to vector<16x1xi32>
      %gather3A_486 = vector.shape_cast %broadcast_in_dim3A_485 : vector<16x1xi32> to vector<16xi32>
      %gather3A_487 = tpu.dynamic_gather %max3A_474[%gather3A_486] in [0] : vector<16xf32>, vector<16xi32> -> vector<16xf32>
      %broadcast_in_dim3A_488 = vector.shape_cast %and3A_12 : vector<16xi32> to vector<16x1xi32>
      %gather3A_489 = vector.shape_cast %broadcast_in_dim3A_488 : vector<16x1xi32> to vector<16xi32>
      %gather3A_490 = tpu.dynamic_gather %select_n3A_475[%gather3A_489] in [0] : vector<16xi32>, vector<16xi32> -> vector<16xi32>
      %ge3A_491 = arith.cmpf oge, %max3A_474, %gather3A_487 : vector<16xf32>
      %max3A_492 = arith.maximumf %max3A_474, %gather3A_487 : vector<16xf32>
      %select_n3A_493 = arith.select %ge3A_491, %select_n3A_475, %gather3A_490 : vector<16xi1>, vector<16xi32>
      %select_n3A_494 = arith.select %lt3A_6, %max3A_483, %max3A_492 : vector<16xi1>, vector<16xf32>
      %select_n3A_495 = arith.select %lt3A_6, %select_n3A_484, %select_n3A_493 : vector<16xi1>, vector<16xi32>
      %masked_sort3A_496 = arith.constant dense<true> : vector<16xi1>
      %masked_sort3A_497, %masked_sort3A_498, %masked_sort3A_499 = tpu.sort %select_n3A_494, %select_n3A_495 masked %masked_sort3A_496 : (vector<16xf32>, vector<16xi32>, vector<16xi1>) -> (vector<16xi1>, vector<16xf32>, vector<16xi32>)
      %exp3A_500 = math.exp %masked_sort3A_498 : vector<16xf32>
      %jit3A_501 = arith.constant 0.000000e+00 : f32
      %broadcast_in_dim3A_502 = vector.broadcast %jit3A_501 : f32 to vector<16xf32>
      %select_n3A_503 = arith.select %ge3A_4, %exp3A_500, %broadcast_in_dim3A_502 : vector<16xi1>, vector<16xf32>
      %broadcast_in_dim3A_504 = arith.constant true
      %broadcast_in_dim3A_505 = vector.broadcast %broadcast_in_dim3A_504 : i1 to vector<16xi1>
      %masked_cumsum3A_506 = tpu.scan <sum>, %select_n3A_503 masked %broadcast_in_dim3A_505 : vector<16xf32>, vector<16xi1> -> vector<16xf32>
      %broadcast_in_dim3A_507 = vector.shape_cast %broadcast_in_dim3A_7 : vector<16xi32> to vector<16x1xi32>
      %gather3A_508 = vector.shape_cast %broadcast_in_dim3A_507 : vector<16x1xi32> to vector<16xi32>
      %gather3A_509 = tpu.dynamic_gather %masked_cumsum3A_506[%gather3A_508] in [0] : vector<16xf32>, vector<16xi32> -> vector<16xf32>
      %div3A_510 = arith.constant 6.400000e+01 : f32
      %div3A_511 = vector.broadcast %div3A_510 : f32 to vector<16xf32>
      %div3A_512 = arith.divf %div3A_511, %gather3A_509 : vector<16xf32>
      %mul3A_513 = arith.mulf %exp3A_500, %div3A_512 : vector<16xf32>
      %swap3A_514 = arith.index_cast %add3A_441 : i32 to index
      %swap3A_515 = arith.constant 0 : index
      %swap3A_516 = tpu.vector_load %arg6[%swap3A_514, %swap3A_515] {strides = array<i32>} : memref<128x64xf32, #tpu.memory_space<vmem>>, vector<16xf32>,
      tpu.vector_store %arg6[%swap3A_514, %swap3A_515], %broadcast_in_dim3A_26 {strides = array<i32>} : memref<128x64xf32, #tpu.memory_space<vmem>>, vector<16xf32>,
      %swap3A_517 = arith.index_cast %add3A_441 : i32 to index
      %swap3A_518 = arith.constant 16 : index
      %swap3A_519 = tpu.vector_load %arg6[%swap3A_517, %swap3A_518] {strides = array<i32>} : memref<128x64xf32, #tpu.memory_space<vmem>>, vector<16xf32>,
      tpu.vector_store %arg6[%swap3A_517, %swap3A_518], %broadcast_in_dim3A_26 {strides = array<i32>} : memref<128x64xf32, #tpu.memory_space<vmem>>, vector<16xf32>,
      %swap3A_520 = arith.index_cast %add3A_441 : i32 to index
      %swap3A_521 = arith.constant 32 : index
      %swap3A_522 = tpu.vector_load %arg6[%swap3A_520, %swap3A_521] {strides = array<i32>} : memref<128x64xf32, #tpu.memory_space<vmem>>, vector<16xf32>,
      tpu.vector_store %arg6[%swap3A_520, %swap3A_521], %broadcast_in_dim3A_26 {strides = array<i32>} : memref<128x64xf32, #tpu.memory_space<vmem>>, vector<16xf32>,
      %swap3A_523 = arith.index_cast %add3A_441 : i32 to index
      %swap3A_524 = arith.constant 48 : index
      %swap3A_525 = tpu.vector_load %arg6[%swap3A_523, %swap3A_524] {strides = array<i32>} : memref<128x64xf32, #tpu.memory_space<vmem>>, vector<16xf32>,
      tpu.vector_store %arg6[%swap3A_523, %swap3A_524], %broadcast_in_dim3A_26 {strides = array<i32>} : memref<128x64xf32, #tpu.memory_space<vmem>>, vector<16xf32>,
      %broadcast_in_dim3A_526 = vector.broadcast %add3A_441 : i32 to vector<16xi32>
      tpu.vector_store_idx %arg6[%broadcast_in_dim3A_526, %masked_sort3A_499], %mul3A_513 masked %ge3A_4 : memref<128x64xf32, #tpu.memory_space<vmem>>[vector<16xi32>, vector<16xi32>], vector<16xf32>, vector<16xi1>
      %add3A_527 = arith.constant 3 : i32
      %add3A_528 = arith.addi %mul3A_275, %add3A_527 : i32
      %get3A_529 = arith.index_cast %add3A_528 : i32 to index
      %get3A_530 = arith.constant 0 : index
      %get3A_531 = tpu.vector_load %arg4[%get3A_529, %get3A_530] {strides = array<i32>} : memref<128x64xf32, #tpu.memory_space<vmem>>, vector<16xf32>,
      %get3A_532 = arith.index_cast %add3A_528 : i32 to index
      %get3A_533 = arith.constant 16 : index
      %get3A_534 = tpu.vector_load %arg4[%get3A_532, %get3A_533] {strides = array<i32>} : memref<128x64xf32, #tpu.memory_space<vmem>>, vector<16xf32>,
      %get3A_535 = arith.index_cast %add3A_528 : i32 to index
      %get3A_536 = arith.constant 32 : index
      %get3A_537 = tpu.vector_load %arg4[%get3A_535, %get3A_536] {strides = array<i32>} : memref<128x64xf32, #tpu.memory_space<vmem>>, vector<16xf32>,
      %get3A_538 = arith.index_cast %add3A_528 : i32 to index
      %get3A_539 = arith.constant 48 : index
      %get3A_540 = tpu.vector_load %arg4[%get3A_538, %get3A_539] {strides = array<i32>} : memref<128x64xf32, #tpu.memory_space<vmem>>, vector<16xf32>,
      %masked_sort3A_541 = arith.constant dense<true> : vector<16xi1>
      %masked_sort3A_542, %masked_sort3A_543, %masked_sort3A_544 = tpu.sort %get3A_531, %add3A_15 masked %masked_sort3A_541 : (vector<16xf32>, vector<16xi32>, vector<16xi1>) -> (vector<16xi1>, vector<16xf32>, vector<16xi32>)
      %masked_sort3A_545 = arith.constant dense<true> : vector<16xi1>
      %masked_sort3A_546, %masked_sort3A_547, %masked_sort3A_548 = tpu.sort %get3A_534, %add3A_18 masked %masked_sort3A_545 {descending = true} : (vector<16xf32>, vector<16xi32>, vector<16xi1>) -> (vector<16xi1>, vector<16xf32>, vector<16xi32>)
      %masked_sort3A_549 = arith.constant dense<true> : vector<16xi1>
      %masked_sort3A_550, %masked_sort3A_551, %masked_sort3A_552 = tpu.sort %get3A_537, %add3A_21 masked %masked_sort3A_549 : (vector<16xf32>, vector<16xi32>, vector<16xi1>) -> (vector<16xi1>, vector<16xf32>, vector<16xi32>)
      %masked_sort3A_553 = arith.constant dense<true> : vector<16xi1>
      %masked_sort3A_554, %masked_sort3A_555, %masked_sort3A_556 = tpu.sort %get3A_540, %add3A_24 masked %masked_sort3A_553 {descending = true} : (vector<16xf32>, vector<16xi32>, vector<16xi1>) -> (vector<16xi1>, vector<16xf32>, vector<16xi32>)
      %ge3A_557 = arith.cmpf oge, %masked_sort3A_543, %masked_sort3A_547 : vector<16xf32>
      %max3A_558 = arith.maximumf %masked_sort3A_543, %masked_sort3A_547 : vector<16xf32>
      %select_n3A_559 = arith.select %ge3A_557, %masked_sort3A_544, %masked_sort3A_548 : vector<16xi1>, vector<16xi32>
      %ge3A_560 = arith.cmpf oge, %masked_sort3A_551, %masked_sort3A_555 : vector<16xf32>
      %max3A_561 = arith.maximumf %masked_sort3A_551, %masked_sort3A_555 : vector<16xf32>
      %select_n3A_562 = arith.select %ge3A_560, %masked_sort3A_552, %masked_sort3A_556 : vector<16xi1>, vector<16xi32>
      %broadcast_in_dim3A_563 = vector.shape_cast %and3A_12 : vector<16xi32> to vector<16x1xi32>
      %gather3A_564 = vector.shape_cast %broadcast_in_dim3A_563 : vector<16x1xi32> to vector<16xi32>
      %gather3A_565 = tpu.dynamic_gather %max3A_558[%gather3A_564] in [0] : vector<16xf32>, vector<16xi32> -> vector<16xf32>
      %broadcast_in_dim3A_566 = vector.shape_cast %and3A_12 : vector<16xi32> to vector<16x1xi32>
      %gather3A_567 = vector.shape_cast %broadcast_in_dim3A_566 : vector<16x1xi32> to vector<16xi32>
      %gather3A_568 = tpu.dynamic_gather %select_n3A_559[%gather3A_567] in [0] : vector<16xi32>, vector<16xi32> -> vector<16xi32>
      %ge3A_569 = arith.cmpf oge, %max3A_558, %gather3A_565 : vector<16xf32>
      %max3A_570 = arith.maximumf %max3A_558, %gather3A_565 : vector<16xf32>
      %select_n3A_571 = arith.select %ge3A_569, %select_n3A_559, %gather3A_568 : vector<16xi1>, vector<16xi32>
      %broadcast_in_dim3A_572 = vector.shape_cast %and3A_12 : vector<16xi32> to vector<16x1xi32>
      %gather3A_573 = vector.shape_cast %broadcast_in_dim3A_572 : vector<16x1xi32> to vector<16xi32>
      %gather3A_574 = tpu.dynamic_gather %max3A_561[%gather3A_573] in [0] : vector<16xf32>, vector<16xi32> -> vector<16xf32>
      %broadcast_in_dim3A_575 = vector.shape_cast %and3A_12 : vector<16xi32> to vector<16x1xi32>
      %gather3A_576 = vector.shape_cast %broadcast_in_dim3A_575 : vector<16x1xi32> to vector<16xi32>
      %gather3A_577 = tpu.dynamic_gather %select_n3A_562[%gather3A_576] in [0] : vector<16xi32>, vector<16xi32> -> vector<16xi32>
      %ge3A_578 = arith.cmpf oge, %max3A_561, %gather3A_574 : vector<16xf32>
      %max3A_579 = arith.maximumf %max3A_561, %gather3A_574 : vector<16xf32>
      %select_n3A_580 = arith.select %ge3A_578, %select_n3A_562, %gather3A_577 : vector<16xi1>, vector<16xi32>
      %select_n3A_581 = arith.select %lt3A_6, %max3A_570, %max3A_579 : vector<16xi1>, vector<16xf32>
      %select_n3A_582 = arith.select %lt3A_6, %select_n3A_571, %select_n3A_580 : vector<16xi1>, vector<16xi32>
      %masked_sort3A_583 = arith.constant dense<true> : vector<16xi1>
      %masked_sort3A_584, %masked_sort3A_585, %masked_sort3A_586 = tpu.sort %select_n3A_581, %select_n3A_582 masked %masked_sort3A_583 : (vector<16xf32>, vector<16xi32>, vector<16xi1>) -> (vector<16xi1>, vector<16xf32>, vector<16xi32>)
      %exp3A_587 = math.exp %masked_sort3A_585 : vector<16xf32>
      %jit3A_588 = arith.constant 0.000000e+00 : f32
      %broadcast_in_dim3A_589 = vector.broadcast %jit3A_588 : f32 to vector<16xf32>
      %select_n3A_590 = arith.select %ge3A_4, %exp3A_587, %broadcast_in_dim3A_589 : vector<16xi1>, vector<16xf32>
      %broadcast_in_dim3A_591 = arith.constant true
      %broadcast_in_dim3A_592 = vector.broadcast %broadcast_in_dim3A_591 : i1 to vector<16xi1>
      %masked_cumsum3A_593 = tpu.scan <sum>, %select_n3A_590 masked %broadcast_in_dim3A_592 : vector<16xf32>, vector<16xi1> -> vector<16xf32>
      %broadcast_in_dim3A_594 = vector.shape_cast %broadcast_in_dim3A_7 : vector<16xi32> to vector<16x1xi32>
      %gather3A_595 = vector.shape_cast %broadcast_in_dim3A_594 : vector<16x1xi32> to vector<16xi32>
      %gather3A_596 = tpu.dynamic_gather %masked_cumsum3A_593[%gather3A_595] in [0] : vector<16xf32>, vector<16xi32> -> vector<16xf32>
      %div3A_597 = arith.constant 6.400000e+01 : f32
      %div3A_598 = vector.broadcast %div3A_597 : f32 to vector<16xf32>
      %div3A_599 = arith.divf %div3A_598, %gather3A_596 : vector<16xf32>
      %mul3A_600 = arith.mulf %exp3A_587, %div3A_599 : vector<16xf32>
      %swap3A_601 = arith.index_cast %add3A_528 : i32 to index
      %swap3A_602 = arith.constant 0 : index
      %swap3A_603 = tpu.vector_load %arg6[%swap3A_601, %swap3A_602] {strides = array<i32>} : memref<128x64xf32, #tpu.memory_space<vmem>>, vector<16xf32>,
      tpu.vector_store %arg6[%swap3A_601, %swap3A_602], %broadcast_in_dim3A_26 {strides = array<i32>} : memref<128x64xf32, #tpu.memory_space<vmem>>, vector<16xf32>,
      %swap3A_604 = arith.index_cast %add3A_528 : i32 to index
      %swap3A_605 = arith.constant 16 : index
      %swap3A_606 = tpu.vector_load %arg6[%swap3A_604, %swap3A_605] {strides = array<i32>} : memref<128x64xf32, #tpu.memory_space<vmem>>, vector<16xf32>,
      tpu.vector_store %arg6[%swap3A_604, %swap3A_605], %broadcast_in_dim3A_26 {strides = array<i32>} : memref<128x64xf32, #tpu.memory_space<vmem>>, vector<16xf32>,
      %swap3A_607 = arith.index_cast %add3A_528 : i32 to index
      %swap3A_608 = arith.constant 32 : index
      %swap3A_609 = tpu.vector_load %arg6[%swap3A_607, %swap3A_608] {strides = array<i32>} : memref<128x64xf32, #tpu.memory_space<vmem>>, vector<16xf32>,
      tpu.vector_store %arg6[%swap3A_607, %swap3A_608], %broadcast_in_dim3A_26 {strides = array<i32>} : memref<128x64xf32, #tpu.memory_space<vmem>>, vector<16xf32>,
      %swap3A_610 = arith.index_cast %add3A_528 : i32 to index
      %swap3A_611 = arith.constant 48 : index
      %swap3A_612 = tpu.vector_load %arg6[%swap3A_610, %swap3A_611] {strides = array<i32>} : memref<128x64xf32, #tpu.memory_space<vmem>>, vector<16xf32>,
      tpu.vector_store %arg6[%swap3A_610, %swap3A_611], %broadcast_in_dim3A_26 {strides = array<i32>} : memref<128x64xf32, #tpu.memory_space<vmem>>, vector<16xf32>,
      %broadcast_in_dim3A_613 = vector.broadcast %add3A_528 : i32 to vector<16xi32>
      tpu.vector_store_idx %arg6[%broadcast_in_dim3A_613, %masked_sort3A_586], %mul3A_600 masked %ge3A_4 : memref<128x64xf32, #tpu.memory_space<vmem>>[vector<16xi32>, vector<16xi32>], vector<16xf32>, vector<16xi1>
      %scan3A_614 = arith.constant 0 : i32
      scf.yield %scan3A_614 : i32
    }
    %scan3A_228 = arith.constant 32 : i32
    %add3A_229 = arith.constant 768 : i32
    %add3A_230 = arith.addi %mul3A_2, %add3A_229 : i32
    %dma_start3A_231 = arith.constant 0 : i32
    %dma_start3A_232 = tpu.memref_slice %arg3[%add3A_230, %dma_start3A_231] : memref<32768x64xf32, #tpu.memory_space<hbm>> -> memref<128x64xf32, #tpu.memory_space<hbm>>
    %dma_start3A_233 = arith.constant 0 : i32
    %dma_start3A_234 = tpu.memref_slice %arg3[%add3A_230, %dma_start3A_233] : memref<32768x64xf32, #tpu.memory_space<hbm>> -> memref<128x64xf32, #tpu.memory_space<hbm>>
    tpu.enqueue_dma source(%arg6 : memref<128x64xf32, #tpu.memory_space<vmem>>) target(%dma_start3A_234 : memref<128x64xf32, #tpu.memory_space<hbm>>) target_semaphore(%arg10 : memref<!tpu.dma_semaphore, #tpu.memory_space<semaphore_mem>>)
    %add3A_235 = arith.constant 896 : i32
    %add3A_236 = arith.addi %mul3A_2, %add3A_235 : i32
    %dma_wait3A_237 = arith.constant 0 : i32
    %dma_wait3A_238 = tpu.memref_slice %arg2[%add3A_236, %dma_wait3A_237] : memref<32768x64xf32, #tpu.memory_space<hbm>> -> memref<128x64xf32, #tpu.memory_space<hbm>>
    %dma_wait3A_239 = arith.constant 0 : i32
    %dma_wait3A_240 = tpu.memref_slice %arg2[%add3A_236, %dma_wait3A_239] : memref<32768x64xf32, #tpu.memory_space<hbm>> -> memref<128x64xf32, #tpu.memory_space<hbm>>
    tpu.wait_dma2 semaphore(%arg9 : memref<!tpu.dma_semaphore, #tpu.memory_space<semaphore_mem>>) src(%dma_wait3A_240 : memref<128x64xf32, #tpu.memory_space<hbm>>) dst(%arg5 : memref<128x64xf32, #tpu.memory_space<vmem>>)
    %add3A_241 = arith.constant 640 : i32
    %add3A_242 = arith.addi %mul3A_2, %add3A_241 : i32
    %dma_wait3A_243 = arith.constant 0 : i32
    %dma_wait3A_244 = tpu.memref_slice %arg3[%add3A_242, %dma_wait3A_243] : memref<32768x64xf32, #tpu.memory_space<hbm>> -> memref<128x64xf32, #tpu.memory_space<hbm>>
    %dma_wait3A_245 = arith.constant 0 : i32
    %dma_wait3A_246 = tpu.memref_slice %arg3[%add3A_242, %dma_wait3A_245] : memref<32768x64xf32, #tpu.memory_space<hbm>> -> memref<128x64xf32, #tpu.memory_space<hbm>>
    tpu.wait_dma2 semaphore(%arg11 : memref<!tpu.dma_semaphore, #tpu.memory_space<semaphore_mem>>) src(%arg7 : memref<128x64xf32, #tpu.memory_space<vmem>>) dst(%dma_wait3A_246 : memref<128x64xf32, #tpu.memory_space<hbm>>)
    %scan3A_247 = arith.constant 0 : i32
    %scan3A_248 = arith.constant 0 : i32
    %scan3A_249 = arith.constant 32 : i32
    %scan3A_250 = arith.addi %scan3A_248, %scan3A_249 : i32
    %scan3A_251 = arith.constant 1 : i32
    %scan3A_252 = scf.for %scan3A_272 = %scan3A_248 to %scan3A_250 step %scan3A_251 iter_args(%scan3A_273 = %scan3A_247) -> (i32)  : i32 {
      %mul3A_274 = arith.constant 4 : i32
      %mul3A_275 = arith.muli %scan3A_272, %mul3A_274 : i32
      %add3A_276 = arith.constant 0 : i32
      %add3A_277 = arith.addi %mul3A_275, %add3A_276 : i32
      %get3A = arith.index_cast %add3A_277 : i32 to index
      %get3A_278 = arith.constant 0 : index
      %get3A_279 = tpu.vector_load %arg5[%get3A, %get3A_278] {strides = array<i32>} : memref<128x64xf32, #tpu.memory_space<vmem>>, vector<16xf32>,
      %get3A_280 = arith.index_cast %add3A_277 : i32 to index
      %get3A_281 = arith.constant 16 : index
      %get3A_282 = tpu.vector_load %arg5[%get3A_280, %get3A_281] {strides = array<i32>} : memref<128x64xf32, #tpu.memory_space<vmem>>, vector<16xf32>,
      %get3A_283 = arith.index_cast %add3A_277 : i32 to index
      %get3A_284 = arith.constant 32 : index
      %get3A_285 = tpu.vector_load %arg5[%get3A_283, %get3A_284] {strides = array<i32>} : memref<128x64xf32, #tpu.memory_space<vmem>>, vector<16xf32>,
      %get3A_286 = arith.index_cast %add3A_277 : i32 to index
      %get3A_287 = arith.constant 48 : index
      %get3A_288 = tpu.vector_load %arg5[%get3A_286, %get3A_287] {strides = array<i32>} : memref<128x64xf32, #tpu.memory_space<vmem>>, vector<16xf32>,
      %masked_sort3A = arith.constant dense<true> : vector<16xi1>
      %masked_sort3A_289, %masked_sort3A_290, %masked_sort3A_291 = tpu.sort %get3A_279, %add3A_15 masked %masked_sort3A : (vector<16xf32>, vector<16xi32>, vector<16xi1>) -> (vector<16xi1>, vector<16xf32>, vector<16xi32>)
      %masked_sort3A_292 = arith.constant dense<true> : vector<16xi1>
      %masked_sort3A_293, %masked_sort3A_294, %masked_sort3A_295 = tpu.sort %get3A_282, %add3A_18 masked %masked_sort3A_292 {descending = true} : (vector<16xf32>, vector<16xi32>, vector<16xi1>) -> (vector<16xi1>, vector<16xf32>, vector<16xi32>)
      %masked_sort3A_296 = arith.constant dense<true> : vector<16xi1>
      %masked_sort3A_297, %masked_sort3A_298, %masked_sort3A_299 = tpu.sort %get3A_285, %add3A_21 masked %masked_sort3A_296 : (vector<16xf32>, vector<16xi32>, vector<16xi1>) -> (vector<16xi1>, vector<16xf32>, vector<16xi32>)
      %masked_sort3A_300 = arith.constant dense<true> : vector<16xi1>
      %masked_sort3A_301, %masked_sort3A_302, %masked_sort3A_303 = tpu.sort %get3A_288, %add3A_24 masked %masked_sort3A_300 {descending = true} : (vector<16xf32>, vector<16xi32>, vector<16xi1>) -> (vector<16xi1>, vector<16xf32>, vector<16xi32>)
      %ge3A_304 = arith.cmpf oge, %masked_sort3A_290, %masked_sort3A_294 : vector<16xf32>
      %max3A = arith.maximumf %masked_sort3A_290, %masked_sort3A_294 : vector<16xf32>
      %select_n3A = arith.select %ge3A_304, %masked_sort3A_291, %masked_sort3A_295 : vector<16xi1>, vector<16xi32>
      %ge3A_305 = arith.cmpf oge, %masked_sort3A_298, %masked_sort3A_302 : vector<16xf32>
      %max3A_306 = arith.maximumf %masked_sort3A_298, %masked_sort3A_302 : vector<16xf32>
      %select_n3A_307 = arith.select %ge3A_305, %masked_sort3A_299, %masked_sort3A_303 : vector<16xi1>, vector<16xi32>
      %broadcast_in_dim3A_308 = vector.shape_cast %and3A_12 : vector<16xi32> to vector<16x1xi32>
      %gather3A = vector.shape_cast %broadcast_in_dim3A_308 : vector<16x1xi32> to vector<16xi32>
      %gather3A_309 = tpu.dynamic_gather %max3A[%gather3A] in [0] : vector<16xf32>, vector<16xi32> -> vector<16xf32>
      %broadcast_in_dim3A_310 = vector.shape_cast %and3A_12 : vector<16xi32> to vector<16x1xi32>
      %gather3A_311 = vector.shape_cast %broadcast_in_dim3A_310 : vector<16x1xi32> to vector<16xi32>
      %gather3A_312 = tpu.dynamic_gather %select_n3A[%gather3A_311] in [0] : vector<16xi32>, vector<16xi32> -> vector<16xi32>
      %ge3A_313 = arith.cmpf oge, %max3A, %gather3A_309 : vector<16xf32>
      %max3A_314 = arith.maximumf %max3A, %gather3A_309 : vector<16xf32>
      %select_n3A_315 = arith.select %ge3A_313, %select_n3A, %gather3A_312 : vector<16xi1>, vector<16xi32>
      %broadcast_in_dim3A_316 = vector.shape_cast %and3A_12 : vector<16xi32> to vector<16x1xi32>
      %gather3A_317 = vector.shape_cast %broadcast_in_dim3A_316 : vector<16x1xi32> to vector<16xi32>
      %gather3A_318 = tpu.dynamic_gather %max3A_306[%gather3A_317] in [0] : vector<16xf32>, vector<16xi32> -> vector<16xf32>
      %broadcast_in_dim3A_319 = vector.shape_cast %and3A_12 : vector<16xi32> to vector<16x1xi32>
      %gather3A_320 = vector.shape_cast %broadcast_in_dim3A_319 : vector<16x1xi32> to vector<16xi32>
      %gather3A_321 = tpu.dynamic_gather %select_n3A_307[%gather3A_320] in [0] : vector<16xi32>, vector<16xi32> -> vector<16xi32>
      %ge3A_322 = arith.cmpf oge, %max3A_306, %gather3A_318 : vector<16xf32>
      %max3A_323 = arith.maximumf %max3A_306, %gather3A_318 : vector<16xf32>
      %select_n3A_324 = arith.select %ge3A_322, %select_n3A_307, %gather3A_321 : vector<16xi1>, vector<16xi32>
      %select_n3A_325 = arith.select %lt3A_6, %max3A_314, %max3A_323 : vector<16xi1>, vector<16xf32>
      %select_n3A_326 = arith.select %lt3A_6, %select_n3A_315, %select_n3A_324 : vector<16xi1>, vector<16xi32>
      %masked_sort3A_327 = arith.constant dense<true> : vector<16xi1>
      %masked_sort3A_328, %masked_sort3A_329, %masked_sort3A_330 = tpu.sort %select_n3A_325, %select_n3A_326 masked %masked_sort3A_327 : (vector<16xf32>, vector<16xi32>, vector<16xi1>) -> (vector<16xi1>, vector<16xf32>, vector<16xi32>)
      %exp3A = math.exp %masked_sort3A_329 : vector<16xf32>
      %jit3A = arith.constant 0.000000e+00 : f32
      %broadcast_in_dim3A_331 = vector.broadcast %jit3A : f32 to vector<16xf32>
      %select_n3A_332 = arith.select %ge3A_4, %exp3A, %broadcast_in_dim3A_331 : vector<16xi1>, vector<16xf32>
      %broadcast_in_dim3A_333 = arith.constant true
      %broadcast_in_dim3A_334 = vector.broadcast %broadcast_in_dim3A_333 : i1 to vector<16xi1>
      %masked_cumsum3A = tpu.scan <sum>, %select_n3A_332 masked %broadcast_in_dim3A_334 : vector<16xf32>, vector<16xi1> -> vector<16xf32>
      %broadcast_in_dim3A_335 = vector.shape_cast %broadcast_in_dim3A_7 : vector<16xi32> to vector<16x1xi32>
      %gather3A_336 = vector.shape_cast %broadcast_in_dim3A_335 : vector<16x1xi32> to vector<16xi32>
      %gather3A_337 = tpu.dynamic_gather %masked_cumsum3A[%gather3A_336] in [0] : vector<16xf32>, vector<16xi32> -> vector<16xf32>
      %div3A = arith.constant 6.400000e+01 : f32
      %div3A_338 = vector.broadcast %div3A : f32 to vector<16xf32>
      %div3A_339 = arith.divf %div3A_338, %gather3A_337 : vector<16xf32>
      %mul3A_340 = arith.mulf %exp3A, %div3A_339 : vector<16xf32>
      %swap3A = arith.index_cast %add3A_277 : i32 to index
      %swap3A_341 = arith.constant 0 : index
      %swap3A_342 = tpu.vector_load %arg7[%swap3A, %swap3A_341] {strides = array<i32>} : memref<128x64xf32, #tpu.memory_space<vmem>>, vector<16xf32>,
      tpu.vector_store %arg7[%swap3A, %swap3A_341], %broadcast_in_dim3A_26 {strides = array<i32>} : memref<128x64xf32, #tpu.memory_space<vmem>>, vector<16xf32>,
      %swap3A_343 = arith.index_cast %add3A_277 : i32 to index
      %swap3A_344 = arith.constant 16 : index
      %swap3A_345 = tpu.vector_load %arg7[%swap3A_343, %swap3A_344] {strides = array<i32>} : memref<128x64xf32, #tpu.memory_space<vmem>>, vector<16xf32>,
      tpu.vector_store %arg7[%swap3A_343, %swap3A_344], %broadcast_in_dim3A_26 {strides = array<i32>} : memref<128x64xf32, #tpu.memory_space<vmem>>, vector<16xf32>,
      %swap3A_346 = arith.index_cast %add3A_277 : i32 to index
      %swap3A_347 = arith.constant 32 : index
      %swap3A_348 = tpu.vector_load %arg7[%swap3A_346, %swap3A_347] {strides = array<i32>} : memref<128x64xf32, #tpu.memory_space<vmem>>, vector<16xf32>,
      tpu.vector_store %arg7[%swap3A_346, %swap3A_347], %broadcast_in_dim3A_26 {strides = array<i32>} : memref<128x64xf32, #tpu.memory_space<vmem>>, vector<16xf32>,
      %swap3A_349 = arith.index_cast %add3A_277 : i32 to index
      %swap3A_350 = arith.constant 48 : index
      %swap3A_351 = tpu.vector_load %arg7[%swap3A_349, %swap3A_350] {strides = array<i32>} : memref<128x64xf32, #tpu.memory_space<vmem>>, vector<16xf32>,
      tpu.vector_store %arg7[%swap3A_349, %swap3A_350], %broadcast_in_dim3A_26 {strides = array<i32>} : memref<128x64xf32, #tpu.memory_space<vmem>>, vector<16xf32>,
      %broadcast_in_dim3A_352 = vector.broadcast %add3A_277 : i32 to vector<16xi32>
      tpu.vector_store_idx %arg7[%broadcast_in_dim3A_352, %masked_sort3A_330], %mul3A_340 masked %ge3A_4 : memref<128x64xf32, #tpu.memory_space<vmem>>[vector<16xi32>, vector<16xi32>], vector<16xf32>, vector<16xi1>
      %add3A_353 = arith.constant 1 : i32
      %add3A_354 = arith.addi %mul3A_275, %add3A_353 : i32
      %get3A_355 = arith.index_cast %add3A_354 : i32 to index
      %get3A_356 = arith.constant 0 : index
      %get3A_357 = tpu.vector_load %arg5[%get3A_355, %get3A_356] {strides = array<i32>} : memref<128x64xf32, #tpu.memory_space<vmem>>, vector<16xf32>,
      %get3A_358 = arith.index_cast %add3A_354 : i32 to index
      %get3A_359 = arith.constant 16 : index
      %get3A_360 = tpu.vector_load %arg5[%get3A_358, %get3A_359] {strides = array<i32>} : memref<128x64xf32, #tpu.memory_space<vmem>>, vector<16xf32>,
      %get3A_361 = arith.index_cast %add3A_354 : i32 to index
      %get3A_362 = arith.constant 32 : index
      %get3A_363 = tpu.vector_load %arg5[%get3A_361, %get3A_362] {strides = array<i32>} : memref<128x64xf32, #tpu.memory_space<vmem>>, vector<16xf32>,
      %get3A_364 = arith.index_cast %add3A_354 : i32 to index
      %get3A_365 = arith.constant 48 : index
      %get3A_366 = tpu.vector_load %arg5[%get3A_364, %get3A_365] {strides = array<i32>} : memref<128x64xf32, #tpu.memory_space<vmem>>, vector<16xf32>,
      %masked_sort3A_367 = arith.constant dense<true> : vector<16xi1>
      %masked_sort3A_368, %masked_sort3A_369, %masked_sort3A_370 = tpu.sort %get3A_357, %add3A_15 masked %masked_sort3A_367 : (vector<16xf32>, vector<16xi32>, vector<16xi1>) -> (vector<16xi1>, vector<16xf32>, vector<16xi32>)
      %masked_sort3A_371 = arith.constant dense<true> : vector<16xi1>
      %masked_sort3A_372, %masked_sort3A_373, %masked_sort3A_374 = tpu.sort %get3A_360, %add3A_18 masked %masked_sort3A_371 {descending = true} : (vector<16xf32>, vector<16xi32>, vector<16xi1>) -> (vector<16xi1>, vector<16xf32>, vector<16xi32>)
      %masked_sort3A_375 = arith.constant dense<true> : vector<16xi1>
      %masked_sort3A_376, %masked_sort3A_377, %masked_sort3A_378 = tpu.sort %get3A_363, %add3A_21 masked %masked_sort3A_375 : (vector<16xf32>, vector<16xi32>, vector<16xi1>) -> (vector<16xi1>, vector<16xf32>, vector<16xi32>)
      %masked_sort3A_379 = arith.constant dense<true> : vector<16xi1>
      %masked_sort3A_380, %masked_sort3A_381, %masked_sort3A_382 = tpu.sort %get3A_366, %add3A_24 masked %masked_sort3A_379 {descending = true} : (vector<16xf32>, vector<16xi32>, vector<16xi1>) -> (vector<16xi1>, vector<16xf32>, vector<16xi32>)
      %ge3A_383 = arith.cmpf oge, %masked_sort3A_369, %masked_sort3A_373 : vector<16xf32>
      %max3A_384 = arith.maximumf %masked_sort3A_369, %masked_sort3A_373 : vector<16xf32>
      %select_n3A_385 = arith.select %ge3A_383, %masked_sort3A_370, %masked_sort3A_374 : vector<16xi1>, vector<16xi32>
      %ge3A_386 = arith.cmpf oge, %masked_sort3A_377, %masked_sort3A_381 : vector<16xf32>
      %max3A_387 = arith.maximumf %masked_sort3A_377, %masked_sort3A_381 : vector<16xf32>
      %select_n3A_388 = arith.select %ge3A_386, %masked_sort3A_378, %masked_sort3A_382 : vector<16xi1>, vector<16xi32>
      %broadcast_in_dim3A_389 = vector.shape_cast %and3A_12 : vector<16xi32> to vector<16x1xi32>
      %gather3A_390 = vector.shape_cast %broadcast_in_dim3A_389 : vector<16x1xi32> to vector<16xi32>
      %gather3A_391 = tpu.dynamic_gather %max3A_384[%gather3A_390] in [0] : vector<16xf32>, vector<16xi32> -> vector<16xf32>
      %broadcast_in_dim3A_392 = vector.shape_cast %and3A_12 : vector<16xi32> to vector<16x1xi32>
      %gather3A_393 = vector.shape_cast %broadcast_in_dim3A_392 : vector<16x1xi32> to vector<16xi32>
      %gather3A_394 = tpu.dynamic_gather %select_n3A_385[%gather3A_393] in [0] : vector<16xi32>, vector<16xi32> -> vector<16xi32>
      %ge3A_395 = arith.cmpf oge, %max3A_384, %gather3A_391 : vector<16xf32>
      %max3A_396 = arith.maximumf %max3A_384, %gather3A_391 : vector<16xf32>
      %select_n3A_397 = arith.select %ge3A_395, %select_n3A_385, %gather3A_394 : vector<16xi1>, vector<16xi32>
      %broadcast_in_dim3A_398 = vector.shape_cast %and3A_12 : vector<16xi32> to vector<16x1xi32>
      %gather3A_399 = vector.shape_cast %broadcast_in_dim3A_398 : vector<16x1xi32> to vector<16xi32>
      %gather3A_400 = tpu.dynamic_gather %max3A_387[%gather3A_399] in [0] : vector<16xf32>, vector<16xi32> -> vector<16xf32>
      %broadcast_in_dim3A_401 = vector.shape_cast %and3A_12 : vector<16xi32> to vector<16x1xi32>
      %gather3A_402 = vector.shape_cast %broadcast_in_dim3A_401 : vector<16x1xi32> to vector<16xi32>
      %gather3A_403 = tpu.dynamic_gather %select_n3A_388[%gather3A_402] in [0] : vector<16xi32>, vector<16xi32> -> vector<16xi32>
      %ge3A_404 = arith.cmpf oge, %max3A_387, %gather3A_400 : vector<16xf32>
      %max3A_405 = arith.maximumf %max3A_387, %gather3A_400 : vector<16xf32>
      %select_n3A_406 = arith.select %ge3A_404, %select_n3A_388, %gather3A_403 : vector<16xi1>, vector<16xi32>
      %select_n3A_407 = arith.select %lt3A_6, %max3A_396, %max3A_405 : vector<16xi1>, vector<16xf32>
      %select_n3A_408 = arith.select %lt3A_6, %select_n3A_397, %select_n3A_406 : vector<16xi1>, vector<16xi32>
      %masked_sort3A_409 = arith.constant dense<true> : vector<16xi1>
      %masked_sort3A_410, %masked_sort3A_411, %masked_sort3A_412 = tpu.sort %select_n3A_407, %select_n3A_408 masked %masked_sort3A_409 : (vector<16xf32>, vector<16xi32>, vector<16xi1>) -> (vector<16xi1>, vector<16xf32>, vector<16xi32>)
      %exp3A_413 = math.exp %masked_sort3A_411 : vector<16xf32>
      %jit3A_414 = arith.constant 0.000000e+00 : f32
      %broadcast_in_dim3A_415 = vector.broadcast %jit3A_414 : f32 to vector<16xf32>
      %select_n3A_416 = arith.select %ge3A_4, %exp3A_413, %broadcast_in_dim3A_415 : vector<16xi1>, vector<16xf32>
      %broadcast_in_dim3A_417 = arith.constant true
      %broadcast_in_dim3A_418 = vector.broadcast %broadcast_in_dim3A_417 : i1 to vector<16xi1>
      %masked_cumsum3A_419 = tpu.scan <sum>, %select_n3A_416 masked %broadcast_in_dim3A_418 : vector<16xf32>, vector<16xi1> -> vector<16xf32>
      %broadcast_in_dim3A_420 = vector.shape_cast %broadcast_in_dim3A_7 : vector<16xi32> to vector<16x1xi32>
      %gather3A_421 = vector.shape_cast %broadcast_in_dim3A_420 : vector<16x1xi32> to vector<16xi32>
      %gather3A_422 = tpu.dynamic_gather %masked_cumsum3A_419[%gather3A_421] in [0] : vector<16xf32>, vector<16xi32> -> vector<16xf32>
      %div3A_423 = arith.constant 6.400000e+01 : f32
      %div3A_424 = vector.broadcast %div3A_423 : f32 to vector<16xf32>
      %div3A_425 = arith.divf %div3A_424, %gather3A_422 : vector<16xf32>
      %mul3A_426 = arith.mulf %exp3A_413, %div3A_425 : vector<16xf32>
      %swap3A_427 = arith.index_cast %add3A_354 : i32 to index
      %swap3A_428 = arith.constant 0 : index
      %swap3A_429 = tpu.vector_load %arg7[%swap3A_427, %swap3A_428] {strides = array<i32>} : memref<128x64xf32, #tpu.memory_space<vmem>>, vector<16xf32>,
      tpu.vector_store %arg7[%swap3A_427, %swap3A_428], %broadcast_in_dim3A_26 {strides = array<i32>} : memref<128x64xf32, #tpu.memory_space<vmem>>, vector<16xf32>,
      %swap3A_430 = arith.index_cast %add3A_354 : i32 to index
      %swap3A_431 = arith.constant 16 : index
      %swap3A_432 = tpu.vector_load %arg7[%swap3A_430, %swap3A_431] {strides = array<i32>} : memref<128x64xf32, #tpu.memory_space<vmem>>, vector<16xf32>,
      tpu.vector_store %arg7[%swap3A_430, %swap3A_431], %broadcast_in_dim3A_26 {strides = array<i32>} : memref<128x64xf32, #tpu.memory_space<vmem>>, vector<16xf32>,
      %swap3A_433 = arith.index_cast %add3A_354 : i32 to index
      %swap3A_434 = arith.constant 32 : index
      %swap3A_435 = tpu.vector_load %arg7[%swap3A_433, %swap3A_434] {strides = array<i32>} : memref<128x64xf32, #tpu.memory_space<vmem>>, vector<16xf32>,
      tpu.vector_store %arg7[%swap3A_433, %swap3A_434], %broadcast_in_dim3A_26 {strides = array<i32>} : memref<128x64xf32, #tpu.memory_space<vmem>>, vector<16xf32>,
      %swap3A_436 = arith.index_cast %add3A_354 : i32 to index
      %swap3A_437 = arith.constant 48 : index
      %swap3A_438 = tpu.vector_load %arg7[%swap3A_436, %swap3A_437] {strides = array<i32>} : memref<128x64xf32, #tpu.memory_space<vmem>>, vector<16xf32>,
      tpu.vector_store %arg7[%swap3A_436, %swap3A_437], %broadcast_in_dim3A_26 {strides = array<i32>} : memref<128x64xf32, #tpu.memory_space<vmem>>, vector<16xf32>,
      %broadcast_in_dim3A_439 = vector.broadcast %add3A_354 : i32 to vector<16xi32>
      tpu.vector_store_idx %arg7[%broadcast_in_dim3A_439, %masked_sort3A_412], %mul3A_426 masked %ge3A_4 : memref<128x64xf32, #tpu.memory_space<vmem>>[vector<16xi32>, vector<16xi32>], vector<16xf32>, vector<16xi1>
      %add3A_440 = arith.constant 2 : i32
      %add3A_441 = arith.addi %mul3A_275, %add3A_440 : i32
      %get3A_442 = arith.index_cast %add3A_441 : i32 to index
      %get3A_443 = arith.constant 0 : index
      %get3A_444 = tpu.vector_load %arg5[%get3A_442, %get3A_443] {strides = array<i32>} : memref<128x64xf32, #tpu.memory_space<vmem>>, vector<16xf32>,
      %get3A_445 = arith.index_cast %add3A_441 : i32 to index
      %get3A_446 = arith.constant 16 : index
      %get3A_447 = tpu.vector_load %arg5[%get3A_445, %get3A_446] {strides = array<i32>} : memref<128x64xf32, #tpu.memory_space<vmem>>, vector<16xf32>,
      %get3A_448 = arith.index_cast %add3A_441 : i32 to index
      %get3A_449 = arith.constant 32 : index
      %get3A_450 = tpu.vector_load %arg5[%get3A_448, %get3A_449] {strides = array<i32>} : memref<128x64xf32, #tpu.memory_space<vmem>>, vector<16xf32>,
      %get3A_451 = arith.index_cast %add3A_441 : i32 to index
      %get3A_452 = arith.constant 48 : index
      %get3A_453 = tpu.vector_load %arg5[%get3A_451, %get3A_452] {strides = array<i32>} : memref<128x64xf32, #tpu.memory_space<vmem>>, vector<16xf32>,
      %masked_sort3A_454 = arith.constant dense<true> : vector<16xi1>
      %masked_sort3A_455, %masked_sort3A_456, %masked_sort3A_457 = tpu.sort %get3A_444, %add3A_15 masked %masked_sort3A_454 : (vector<16xf32>, vector<16xi32>, vector<16xi1>) -> (vector<16xi1>, vector<16xf32>, vector<16xi32>)
      %masked_sort3A_458 = arith.constant dense<true> : vector<16xi1>
      %masked_sort3A_459, %masked_sort3A_460, %masked_sort3A_461 = tpu.sort %get3A_447, %add3A_18 masked %masked_sort3A_458 {descending = true} : (vector<16xf32>, vector<16xi32>, vector<16xi1>) -> (vector<16xi1>, vector<16xf32>, vector<16xi32>)
      %masked_sort3A_462 = arith.constant dense<true> : vector<16xi1>
      %masked_sort3A_463, %masked_sort3A_464, %masked_sort3A_465 = tpu.sort %get3A_450, %add3A_21 masked %masked_sort3A_462 : (vector<16xf32>, vector<16xi32>, vector<16xi1>) -> (vector<16xi1>, vector<16xf32>, vector<16xi32>)
      %masked_sort3A_466 = arith.constant dense<true> : vector<16xi1>
      %masked_sort3A_467, %masked_sort3A_468, %masked_sort3A_469 = tpu.sort %get3A_453, %add3A_24 masked %masked_sort3A_466 {descending = true} : (vector<16xf32>, vector<16xi32>, vector<16xi1>) -> (vector<16xi1>, vector<16xf32>, vector<16xi32>)
      %ge3A_470 = arith.cmpf oge, %masked_sort3A_456, %masked_sort3A_460 : vector<16xf32>
      %max3A_471 = arith.maximumf %masked_sort3A_456, %masked_sort3A_460 : vector<16xf32>
      %select_n3A_472 = arith.select %ge3A_470, %masked_sort3A_457, %masked_sort3A_461 : vector<16xi1>, vector<16xi32>
      %ge3A_473 = arith.cmpf oge, %masked_sort3A_464, %masked_sort3A_468 : vector<16xf32>
      %max3A_474 = arith.maximumf %masked_sort3A_464, %masked_sort3A_468 : vector<16xf32>
      %select_n3A_475 = arith.select %ge3A_473, %masked_sort3A_465, %masked_sort3A_469 : vector<16xi1>, vector<16xi32>
      %broadcast_in_dim3A_476 = vector.shape_cast %and3A_12 : vector<16xi32> to vector<16x1xi32>
      %gather3A_477 = vector.shape_cast %broadcast_in_dim3A_476 : vector<16x1xi32> to vector<16xi32>
      %gather3A_478 = tpu.dynamic_gather %max3A_471[%gather3A_477] in [0] : vector<16xf32>, vector<16xi32> -> vector<16xf32>
      %broadcast_in_dim3A_479 = vector.shape_cast %and3A_12 : vector<16xi32> to vector<16x1xi32>
      %gather3A_480 = vector.shape_cast %broadcast_in_dim3A_479 : vector<16x1xi32> to vector<16xi32>
      %gather3A_481 = tpu.dynamic_gather %select_n3A_472[%gather3A_480] in [0] : vector<16xi32>, vector<16xi32> -> vector<16xi32>
      %ge3A_482 = arith.cmpf oge, %max3A_471, %gather3A_478 : vector<16xf32>
      %max3A_483 = arith.maximumf %max3A_471, %gather3A_478 : vector<16xf32>
      %select_n3A_484 = arith.select %ge3A_482, %select_n3A_472, %gather3A_481 : vector<16xi1>, vector<16xi32>
      %broadcast_in_dim3A_485 = vector.shape_cast %and3A_12 : vector<16xi32> to vector<16x1xi32>
      %gather3A_486 = vector.shape_cast %broadcast_in_dim3A_485 : vector<16x1xi32> to vector<16xi32>
      %gather3A_487 = tpu.dynamic_gather %max3A_474[%gather3A_486] in [0] : vector<16xf32>, vector<16xi32> -> vector<16xf32>
      %broadcast_in_dim3A_488 = vector.shape_cast %and3A_12 : vector<16xi32> to vector<16x1xi32>
      %gather3A_489 = vector.shape_cast %broadcast_in_dim3A_488 : vector<16x1xi32> to vector<16xi32>
      %gather3A_490 = tpu.dynamic_gather %select_n3A_475[%gather3A_489] in [0] : vector<16xi32>, vector<16xi32> -> vector<16xi32>
      %ge3A_491 = arith.cmpf oge, %max3A_474, %gather3A_487 : vector<16xf32>
      %max3A_492 = arith.maximumf %max3A_474, %gather3A_487 : vector<16xf32>
      %select_n3A_493 = arith.select %ge3A_491, %select_n3A_475, %gather3A_490 : vector<16xi1>, vector<16xi32>
      %select_n3A_494 = arith.select %lt3A_6, %max3A_483, %max3A_492 : vector<16xi1>, vector<16xf32>
      %select_n3A_495 = arith.select %lt3A_6, %select_n3A_484, %select_n3A_493 : vector<16xi1>, vector<16xi32>
      %masked_sort3A_496 = arith.constant dense<true> : vector<16xi1>
      %masked_sort3A_497, %masked_sort3A_498, %masked_sort3A_499 = tpu.sort %select_n3A_494, %select_n3A_495 masked %masked_sort3A_496 : (vector<16xf32>, vector<16xi32>, vector<16xi1>) -> (vector<16xi1>, vector<16xf32>, vector<16xi32>)
      %exp3A_500 = math.exp %masked_sort3A_498 : vector<16xf32>
      %jit3A_501 = arith.constant 0.000000e+00 : f32
      %broadcast_in_dim3A_502 = vector.broadcast %jit3A_501 : f32 to vector<16xf32>
      %select_n3A_503 = arith.select %ge3A_4, %exp3A_500, %broadcast_in_dim3A_502 : vector<16xi1>, vector<16xf32>
      %broadcast_in_dim3A_504 = arith.constant true
      %broadcast_in_dim3A_505 = vector.broadcast %broadcast_in_dim3A_504 : i1 to vector<16xi1>
      %masked_cumsum3A_506 = tpu.scan <sum>, %select_n3A_503 masked %broadcast_in_dim3A_505 : vector<16xf32>, vector<16xi1> -> vector<16xf32>
      %broadcast_in_dim3A_507 = vector.shape_cast %broadcast_in_dim3A_7 : vector<16xi32> to vector<16x1xi32>
      %gather3A_508 = vector.shape_cast %broadcast_in_dim3A_507 : vector<16x1xi32> to vector<16xi32>
      %gather3A_509 = tpu.dynamic_gather %masked_cumsum3A_506[%gather3A_508] in [0] : vector<16xf32>, vector<16xi32> -> vector<16xf32>
      %div3A_510 = arith.constant 6.400000e+01 : f32
      %div3A_511 = vector.broadcast %div3A_510 : f32 to vector<16xf32>
      %div3A_512 = arith.divf %div3A_511, %gather3A_509 : vector<16xf32>
      %mul3A_513 = arith.mulf %exp3A_500, %div3A_512 : vector<16xf32>
      %swap3A_514 = arith.index_cast %add3A_441 : i32 to index
      %swap3A_515 = arith.constant 0 : index
      %swap3A_516 = tpu.vector_load %arg7[%swap3A_514, %swap3A_515] {strides = array<i32>} : memref<128x64xf32, #tpu.memory_space<vmem>>, vector<16xf32>,
      tpu.vector_store %arg7[%swap3A_514, %swap3A_515], %broadcast_in_dim3A_26 {strides = array<i32>} : memref<128x64xf32, #tpu.memory_space<vmem>>, vector<16xf32>,
      %swap3A_517 = arith.index_cast %add3A_441 : i32 to index
      %swap3A_518 = arith.constant 16 : index
      %swap3A_519 = tpu.vector_load %arg7[%swap3A_517, %swap3A_518] {strides = array<i32>} : memref<128x64xf32, #tpu.memory_space<vmem>>, vector<16xf32>,
      tpu.vector_store %arg7[%swap3A_517, %swap3A_518], %broadcast_in_dim3A_26 {strides = array<i32>} : memref<128x64xf32, #tpu.memory_space<vmem>>, vector<16xf32>,
      %swap3A_520 = arith.index_cast %add3A_441 : i32 to index
      %swap3A_521 = arith.constant 32 : index
      %swap3A_522 = tpu.vector_load %arg7[%swap3A_520, %swap3A_521] {strides = array<i32>} : memref<128x64xf32, #tpu.memory_space<vmem>>, vector<16xf32>,
      tpu.vector_store %arg7[%swap3A_520, %swap3A_521], %broadcast_in_dim3A_26 {strides = array<i32>} : memref<128x64xf32, #tpu.memory_space<vmem>>, vector<16xf32>,
      %swap3A_523 = arith.index_cast %add3A_441 : i32 to index
      %swap3A_524 = arith.constant 48 : index
      %swap3A_525 = tpu.vector_load %arg7[%swap3A_523, %swap3A_524] {strides = array<i32>} : memref<128x64xf32, #tpu.memory_space<vmem>>, vector<16xf32>,
      tpu.vector_store %arg7[%swap3A_523, %swap3A_524], %broadcast_in_dim3A_26 {strides = array<i32>} : memref<128x64xf32, #tpu.memory_space<vmem>>, vector<16xf32>,
      %broadcast_in_dim3A_526 = vector.broadcast %add3A_441 : i32 to vector<16xi32>
      tpu.vector_store_idx %arg7[%broadcast_in_dim3A_526, %masked_sort3A_499], %mul3A_513 masked %ge3A_4 : memref<128x64xf32, #tpu.memory_space<vmem>>[vector<16xi32>, vector<16xi32>], vector<16xf32>, vector<16xi1>
      %add3A_527 = arith.constant 3 : i32
      %add3A_528 = arith.addi %mul3A_275, %add3A_527 : i32
      %get3A_529 = arith.index_cast %add3A_528 : i32 to index
      %get3A_530 = arith.constant 0 : index
      %get3A_531 = tpu.vector_load %arg5[%get3A_529, %get3A_530] {strides = array<i32>} : memref<128x64xf32, #tpu.memory_space<vmem>>, vector<16xf32>,
      %get3A_532 = arith.index_cast %add3A_528 : i32 to index
      %get3A_533 = arith.constant 16 : index
      %get3A_534 = tpu.vector_load %arg5[%get3A_532, %get3A_533] {strides = array<i32>} : memref<128x64xf32, #tpu.memory_space<vmem>>, vector<16xf32>,
      %get3A_535 = arith.index_cast %add3A_528 : i32 to index
      %get3A_536 = arith.constant 32 : index
      %get3A_537 = tpu.vector_load %arg5[%get3A_535, %get3A_536] {strides = array<i32>} : memref<128x64xf32, #tpu.memory_space<vmem>>, vector<16xf32>,
      %get3A_538 = arith.index_cast %add3A_528 : i32 to index
      %get3A_539 = arith.constant 48 : index
      %get3A_540 = tpu.vector_load %arg5[%get3A_538, %get3A_539] {strides = array<i32>} : memref<128x64xf32, #tpu.memory_space<vmem>>, vector<16xf32>,
      %masked_sort3A_541 = arith.constant dense<true> : vector<16xi1>
      %masked_sort3A_542, %masked_sort3A_543, %masked_sort3A_544 = tpu.sort %get3A_531, %add3A_15 masked %masked_sort3A_541 : (vector<16xf32>, vector<16xi32>, vector<16xi1>) -> (vector<16xi1>, vector<16xf32>, vector<16xi32>)
      %masked_sort3A_545 = arith.constant dense<true> : vector<16xi1>
      %masked_sort3A_546, %masked_sort3A_547, %masked_sort3A_548 = tpu.sort %get3A_534, %add3A_18 masked %masked_sort3A_545 {descending = true} : (vector<16xf32>, vector<16xi32>, vector<16xi1>) -> (vector<16xi1>, vector<16xf32>, vector<16xi32>)
      %masked_sort3A_549 = arith.constant dense<true> : vector<16xi1>
      %masked_sort3A_550, %masked_sort3A_551, %masked_sort3A_552 = tpu.sort %get3A_537, %add3A_21 masked %masked_sort3A_549 : (vector<16xf32>, vector<16xi32>, vector<16xi1>) -> (vector<16xi1>, vector<16xf32>, vector<16xi32>)
      %masked_sort3A_553 = arith.constant dense<true> : vector<16xi1>
      %masked_sort3A_554, %masked_sort3A_555, %masked_sort3A_556 = tpu.sort %get3A_540, %add3A_24 masked %masked_sort3A_553 {descending = true} : (vector<16xf32>, vector<16xi32>, vector<16xi1>) -> (vector<16xi1>, vector<16xf32>, vector<16xi32>)
      %ge3A_557 = arith.cmpf oge, %masked_sort3A_543, %masked_sort3A_547 : vector<16xf32>
      %max3A_558 = arith.maximumf %masked_sort3A_543, %masked_sort3A_547 : vector<16xf32>
      %select_n3A_559 = arith.select %ge3A_557, %masked_sort3A_544, %masked_sort3A_548 : vector<16xi1>, vector<16xi32>
      %ge3A_560 = arith.cmpf oge, %masked_sort3A_551, %masked_sort3A_555 : vector<16xf32>
      %max3A_561 = arith.maximumf %masked_sort3A_551, %masked_sort3A_555 : vector<16xf32>
      %select_n3A_562 = arith.select %ge3A_560, %masked_sort3A_552, %masked_sort3A_556 : vector<16xi1>, vector<16xi32>
      %broadcast_in_dim3A_563 = vector.shape_cast %and3A_12 : vector<16xi32> to vector<16x1xi32>
      %gather3A_564 = vector.shape_cast %broadcast_in_dim3A_563 : vector<16x1xi32> to vector<16xi32>
      %gather3A_565 = tpu.dynamic_gather %max3A_558[%gather3A_564] in [0] : vector<16xf32>, vector<16xi32> -> vector<16xf32>
      %broadcast_in_dim3A_566 = vector.shape_cast %and3A_12 : vector<16xi32> to vector<16x1xi32>
      %gather3A_567 = vector.shape_cast %broadcast_in_dim3A_566 : vector<16x1xi32> to vector<16xi32>
      %gather3A_568 = tpu.dynamic_gather %select_n3A_559[%gather3A_567] in [0] : vector<16xi32>, vector<16xi32> -> vector<16xi32>
      %ge3A_569 = arith.cmpf oge, %max3A_558, %gather3A_565 : vector<16xf32>
      %max3A_570 = arith.maximumf %max3A_558, %gather3A_565 : vector<16xf32>
      %select_n3A_571 = arith.select %ge3A_569, %select_n3A_559, %gather3A_568 : vector<16xi1>, vector<16xi32>
      %broadcast_in_dim3A_572 = vector.shape_cast %and3A_12 : vector<16xi32> to vector<16x1xi32>
      %gather3A_573 = vector.shape_cast %broadcast_in_dim3A_572 : vector<16x1xi32> to vector<16xi32>
      %gather3A_574 = tpu.dynamic_gather %max3A_561[%gather3A_573] in [0] : vector<16xf32>, vector<16xi32> -> vector<16xf32>
      %broadcast_in_dim3A_575 = vector.shape_cast %and3A_12 : vector<16xi32> to vector<16x1xi32>
      %gather3A_576 = vector.shape_cast %broadcast_in_dim3A_575 : vector<16x1xi32> to vector<16xi32>
      %gather3A_577 = tpu.dynamic_gather %select_n3A_562[%gather3A_576] in [0] : vector<16xi32>, vector<16xi32> -> vector<16xi32>
      %ge3A_578 = arith.cmpf oge, %max3A_561, %gather3A_574 : vector<16xf32>
      %max3A_579 = arith.maximumf %max3A_561, %gather3A_574 : vector<16xf32>
      %select_n3A_580 = arith.select %ge3A_578, %select_n3A_562, %gather3A_577 : vector<16xi1>, vector<16xi32>
      %select_n3A_581 = arith.select %lt3A_6, %max3A_570, %max3A_579 : vector<16xi1>, vector<16xf32>
      %select_n3A_582 = arith.select %lt3A_6, %select_n3A_571, %select_n3A_580 : vector<16xi1>, vector<16xi32>
      %masked_sort3A_583 = arith.constant dense<true> : vector<16xi1>
      %masked_sort3A_584, %masked_sort3A_585, %masked_sort3A_586 = tpu.sort %select_n3A_581, %select_n3A_582 masked %masked_sort3A_583 : (vector<16xf32>, vector<16xi32>, vector<16xi1>) -> (vector<16xi1>, vector<16xf32>, vector<16xi32>)
      %exp3A_587 = math.exp %masked_sort3A_585 : vector<16xf32>
      %jit3A_588 = arith.constant 0.000000e+00 : f32
      %broadcast_in_dim3A_589 = vector.broadcast %jit3A_588 : f32 to vector<16xf32>
      %select_n3A_590 = arith.select %ge3A_4, %exp3A_587, %broadcast_in_dim3A_589 : vector<16xi1>, vector<16xf32>
      %broadcast_in_dim3A_591 = arith.constant true
      %broadcast_in_dim3A_592 = vector.broadcast %broadcast_in_dim3A_591 : i1 to vector<16xi1>
      %masked_cumsum3A_593 = tpu.scan <sum>, %select_n3A_590 masked %broadcast_in_dim3A_592 : vector<16xf32>, vector<16xi1> -> vector<16xf32>
      %broadcast_in_dim3A_594 = vector.shape_cast %broadcast_in_dim3A_7 : vector<16xi32> to vector<16x1xi32>
      %gather3A_595 = vector.shape_cast %broadcast_in_dim3A_594 : vector<16x1xi32> to vector<16xi32>
      %gather3A_596 = tpu.dynamic_gather %masked_cumsum3A_593[%gather3A_595] in [0] : vector<16xf32>, vector<16xi32> -> vector<16xf32>
      %div3A_597 = arith.constant 6.400000e+01 : f32
      %div3A_598 = vector.broadcast %div3A_597 : f32 to vector<16xf32>
      %div3A_599 = arith.divf %div3A_598, %gather3A_596 : vector<16xf32>
      %mul3A_600 = arith.mulf %exp3A_587, %div3A_599 : vector<16xf32>
      %swap3A_601 = arith.index_cast %add3A_528 : i32 to index
      %swap3A_602 = arith.constant 0 : index
      %swap3A_603 = tpu.vector_load %arg7[%swap3A_601, %swap3A_602] {strides = array<i32>} : memref<128x64xf32, #tpu.memory_space<vmem>>, vector<16xf32>,
      tpu.vector_store %arg7[%swap3A_601, %swap3A_602], %broadcast_in_dim3A_26 {strides = array<i32>} : memref<128x64xf32, #tpu.memory_space<vmem>>, vector<16xf32>,
      %swap3A_604 = arith.index_cast %add3A_528 : i32 to index
      %swap3A_605 = arith.constant 16 : index
      %swap3A_606 = tpu.vector_load %arg7[%swap3A_604, %swap3A_605] {strides = array<i32>} : memref<128x64xf32, #tpu.memory_space<vmem>>, vector<16xf32>,
      tpu.vector_store %arg7[%swap3A_604, %swap3A_605], %broadcast_in_dim3A_26 {strides = array<i32>} : memref<128x64xf32, #tpu.memory_space<vmem>>, vector<16xf32>,
      %swap3A_607 = arith.index_cast %add3A_528 : i32 to index
      %swap3A_608 = arith.constant 32 : index
      %swap3A_609 = tpu.vector_load %arg7[%swap3A_607, %swap3A_608] {strides = array<i32>} : memref<128x64xf32, #tpu.memory_space<vmem>>, vector<16xf32>,
      tpu.vector_store %arg7[%swap3A_607, %swap3A_608], %broadcast_in_dim3A_26 {strides = array<i32>} : memref<128x64xf32, #tpu.memory_space<vmem>>, vector<16xf32>,
      %swap3A_610 = arith.index_cast %add3A_528 : i32 to index
      %swap3A_611 = arith.constant 48 : index
      %swap3A_612 = tpu.vector_load %arg7[%swap3A_610, %swap3A_611] {strides = array<i32>} : memref<128x64xf32, #tpu.memory_space<vmem>>, vector<16xf32>,
      tpu.vector_store %arg7[%swap3A_610, %swap3A_611], %broadcast_in_dim3A_26 {strides = array<i32>} : memref<128x64xf32, #tpu.memory_space<vmem>>, vector<16xf32>,
      %broadcast_in_dim3A_613 = vector.broadcast %add3A_528 : i32 to vector<16xi32>
      tpu.vector_store_idx %arg7[%broadcast_in_dim3A_613, %masked_sort3A_586], %mul3A_600 masked %ge3A_4 : memref<128x64xf32, #tpu.memory_space<vmem>>[vector<16xi32>, vector<16xi32>], vector<16xf32>, vector<16xi1>
      %scan3A_614 = arith.constant 0 : i32
      scf.yield %scan3A_614 : i32
    }
    %scan3A_253 = arith.constant 32 : i32
    %add3A_254 = arith.constant 896 : i32
    %add3A_255 = arith.addi %mul3A_2, %add3A_254 : i32
    %dma_start3A_256 = arith.constant 0 : i32
    %dma_start3A_257 = tpu.memref_slice %arg3[%add3A_255, %dma_start3A_256] : memref<32768x64xf32, #tpu.memory_space<hbm>> -> memref<128x64xf32, #tpu.memory_space<hbm>>
    %dma_start3A_258 = arith.constant 0 : i32
    %dma_start3A_259 = tpu.memref_slice %arg3[%add3A_255, %dma_start3A_258] : memref<32768x64xf32, #tpu.memory_space<hbm>> -> memref<128x64xf32, #tpu.memory_space<hbm>>
    tpu.enqueue_dma source(%arg7 : memref<128x64xf32, #tpu.memory_space<vmem>>) target(%dma_start3A_259 : memref<128x64xf32, #tpu.memory_space<hbm>>) target_semaphore(%arg11 : memref<!tpu.dma_semaphore, #tpu.memory_space<semaphore_mem>>)
    %add3A_260 = arith.constant 768 : i32
    %add3A_261 = arith.addi %mul3A_2, %add3A_260 : i32
    %dma_wait3A_262 = arith.constant 0 : i32
    %dma_wait3A_263 = tpu.memref_slice %arg3[%add3A_261, %dma_wait3A_262] : memref<32768x64xf32, #tpu.memory_space<hbm>> -> memref<128x64xf32, #tpu.memory_space<hbm>>
    %dma_wait3A_264 = arith.constant 0 : i32
    %dma_wait3A_265 = tpu.memref_slice %arg3[%add3A_261, %dma_wait3A_264] : memref<32768x64xf32, #tpu.memory_space<hbm>> -> memref<128x64xf32, #tpu.memory_space<hbm>>
    tpu.wait_dma2 semaphore(%arg10 : memref<!tpu.dma_semaphore, #tpu.memory_space<semaphore_mem>>) src(%arg6 : memref<128x64xf32, #tpu.memory_space<vmem>>) dst(%dma_wait3A_265 : memref<128x64xf32, #tpu.memory_space<hbm>>)
    %add3A_266 = arith.constant 896 : i32
    %add3A_267 = arith.addi %mul3A_2, %add3A_266 : i32
    %dma_wait3A_268 = arith.constant 0 : i32
    %dma_wait3A_269 = tpu.memref_slice %arg3[%add3A_267, %dma_wait3A_268] : memref<32768x64xf32, #tpu.memory_space<hbm>> -> memref<128x64xf32, #tpu.memory_space<hbm>>
    %dma_wait3A_270 = arith.constant 0 : i32
    %dma_wait3A_271 = tpu.memref_slice %arg3[%add3A_267, %dma_wait3A_270] : memref<32768x64xf32, #tpu.memory_space<hbm>> -> memref<128x64xf32, #tpu.memory_space<hbm>>
    tpu.wait_dma2 semaphore(%arg11 : memref<!tpu.dma_semaphore, #tpu.memory_space<semaphore_mem>>) src(%arg7 : memref<128x64xf32, #tpu.memory_space<vmem>>) dst(%dma_wait3A_271 : memref<128x64xf32, #tpu.memory_space<hbm>>)
    return
  }
}

</mosaic_0001>

<sc_bundles>
// kernel: _router.3.cloned.1.call-start
scs
__scs_entry_jumppad:
0x0: {  	(pc) =	sbr.rel $0x88, $3  }
0x1: {  	(tag) =	ssettag $0x0;
	lr =	simm.s32 $0x1  }
0x2: {  	[smem:$0x3FA0] =	sst lr;
	_ =	strace $0xD0000000  }
0x3: {  	_ = 	snop  }
0x4: {  	_ = 	snop  }
0x5: {  	_ = 	snop  }
0x6: {  	_ = 	snop  }
0x7: {  	_ = 	snop  }
__scs_overlays_trampoline_lowered:
0x8: {  	[smem:$0x3FAF] =	sst s0  }
0x9: {  	[smem:$0x3FB0] =	sst s1  }
0xa: {  	[smem:$0x3FB1] =	sst s2  }
0xb: {  	[smem:$0x3FB2] =	sst s3  }
0xc: {  	[smem:$0x3FB3] =	sst s4  }
0xd: {  	[smem:$0x3FB4] =	sst s5  }
0xe: {  	[smem:$0x3FB5] =	sst s6  }
0xf: {  	[smem:$0x3FB6] =	sst s7  }
0x10: {  	[smem:$0x3FB7] =	sst s8  }
0x11: {  	[smem:$0x3FB8] =	sst s9;
	s0 =	simm.s32 @!p0 $0x0  }
0x12: {  	s1 =	sld [smem:$0x3F9E];
	s0 =	simm.s32 @p0 $0x1  }
0x13: {  	[smem:$0x3FB9] =	sst s0;
	s0 =	simm.s32 @!p1 $0x0  }
0x14: {  	s2 =	sld [smem:$0x3F9D];
	s0 =	simm.s32 @p1 $0x1  }
0x15: {  	[smem:$0x3FBA] =	sst s0;
	s0 =	simm.s32 @!p2 $0x0  }
0x16: {  	s3 =	sld [smem:$0x3FDB];
	s0 =	simm.s32 @p2 $0x1  }
0x17: {  	s4 =	simm.s32 $0x1BF5;
	[smem:$0x3FBC] =	sst s0  }
0x18: {  	s0 =	sld [smem:$0x3F9F];
	_ =	swait.ge [sflag:s4], $0x0  }
0x19: {  	s7 =	sld [smem:$0x3FA0]  }
0x1a: {  	s8 =	sadd.s32 $0xFFFFE003, lr  }
0x1b: {  	s9 =	sadd.s32 $0xFFFFFEF7, lr;
	s5 =	simm.s32 $0xFFFFFFFF;
	p2 =	slt.u32 s8, $0xFFFFF086  }
0x1c: {  	p1 =	slt.u32 s9, $0xF7A;
	s5 =	simm.s32 @!p2 $0x0  }
0x1d: {  	s5 =	simm.s32 @p1 $0x1;
	p0 =	seq.s32 s7, s2  }
0x1e: {  	s7 =	smul.u32 @!p0 $0xF7A, s2;
	p2 =	seq.s32 @!p0 s5, $0x0  }
0x1f: {  	s9 =	smul.u32 $0xF7A, s1;
	s8 =	simm.s32 @!p0 $0x1BF5;
	p2 =	por !p2, p0  }
0x20: {  	[sflag:s8] =	ssyncset.s32 @!p0 $0xFFFFF086;
	s6 =	sadd.s32 @!p0 s3, s7;
	s7 =	simm.s32 @!p0 $0x108  }
0x21: {  	s3 =	sadd.s32 s3, s9;
	s6 =	sadd.s32 @!p0 $0x88, s6;
	s7 =	simm.s32 @p2 $0x1082  }
0x22: {  	[simem:s7], [sflag:s8] =	dma.local @!p0 [hbm:s6], $0xF7A  }
0x23: {  	s9 =	sor.u32 $0xD0000000, s2;
	s6 =	simm.s32 $0x108;
	_ =	swait.ge @!p0 [sflag:s8], $0x0  }
0x24: {  	s3 =	sadd.s32 $0x88, s3;
	s6 =	simm.s32 @!p1 $0x1082;
	[sflag:s4] =	ssyncset.s32 $0xFFFFF086  }
0x25: {  	[simem:s6], [sflag:s4] =	dma.local [hbm:s3], $0xF7A  }
0x26: {  	[smem:$0x3FA0] =	sst s1;
	(tag) =	ssettag s2;
	_ =	strace s9  }
0x27: {  	s1 =	sld [smem:$0x3FB0]  }
0x28: {  	s2 =	sld [smem:$0x3FB1]  }
0x29: {  	s4 =	sld [smem:$0x3FB3]  }
0x2a: {  	p0 =	seq.s32 s5, $0x0;
	s5 =	sld [smem:$0x3FB4]  }
0x2b: {  	s6 =	sld [smem:$0x3FB5]  }
0x2c: {  	s7 =	sld [smem:$0x3FB6]  }
0x2d: {  	s3 =	simm.s32 $0x108;
	s8 =	sld [smem:$0x3FB7]  }
0x2e: {  	s3 =	simm.s32 @!p0 $0x1082;
	s9 =	sld [smem:$0x3FB8]  }
0x2f: {  	lr =	sadd.s32 s0, s3;
	s0 =	sld [smem:$0x3FAF]  }
0x30: {  	s3 =	sld [smem:$0x3FB2]  }
0x31: {  	[smem:$0x3FBB] =	sst s10  }
0x32: {  	s10 =	sld [smem:$0x3FB9];
	_ =	sdelay $0x3  }
0x33: {  	p0 =	seq.s32 s10, $0x1;
	s10 =	sld [smem:$0x3FBB];
	_ =	sdelay $0x3  }
0x34: {  	[smem:$0x3FBB] =	sst s10  }
0x35: {  	s10 =	sld [smem:$0x3FBA];
	_ =	sdelay $0x3  }
0x36: {  	p1 =	seq.s32 s10, $0x1;
	s10 =	sld [smem:$0x3FBB];
	_ =	sdelay $0x3  }
0x37: {  	[smem:$0x3FBB] =	sst s10  }
0x38: {  	s10 =	sld [smem:$0x3FBC]  }
0x39: {  	_ = 	snop;
	(pc) =	sbr.ind lr, $3  }
0x3a: {  	_ = 	snop  }
0x3b: {  	_ = 	snop  }
0x3c: {  	p2 =	seq.s32 s10, $0x1;
	s10 =	sld [smem:$0x3FBB]  }
0x3d: {  	_ =	shalt  }
0x3e: {  	_ =	shalt  }
0x3f: {  	_ =	shalt  }
0x40: {  	_ =	shalt  }
0x41: {  	_ =	shalt  }
0x42: {  	_ =	shalt  }
0x43: {  	_ =	shalt  }
0x44: {  	_ =	shalt  }
0x45: {  	_ =	shalt  }
0x46: {  	_ =	shalt  }
0x47: {  	_ =	shalt  }
0x48: {  	_ =	shalt  }
0x49: {  	_ =	shalt  }
0x4a: {  	_ =	shalt  }
0x4b: {  	_ =	shalt  }
0x4c: {  	_ =	shalt  }
0x4d: {  	_ =	shalt  }
0x4e: {  	_ =	shalt  }
0x4f: {  	_ =	shalt  }
0x50: {  	_ =	shalt  }
0x51: {  	_ =	shalt  }
0x52: {  	_ =	shalt  }
0x53: {  	_ =	shalt  }
0x54: {  	_ =	shalt  }
0x55: {  	_ =	shalt  }
0x56: {  	_ =	shalt  }
0x57: {  	_ =	shalt  }
0x58: {  	_ =	shalt  }
0x59: {  	_ =	shalt  }
0x5a: {  	_ =	shalt  }
0x5b: {  	_ =	shalt  }
0x5c: {  	_ =	shalt  }
0x5d: {  	_ =	shalt  }
0x5e: {  	_ =	shalt  }
0x5f: {  	_ =	shalt  }
0x60: {  	_ =	shalt  }
0x61: {  	_ =	shalt  }
0x62: {  	_ =	shalt  }
0x63: {  	_ =	shalt  }
0x64: {  	_ =	shalt  }
0x65: {  	_ =	shalt  }
0x66: {  	_ =	shalt  }
0x67: {  	_ =	shalt  }
0x68: {  	_ =	shalt  }
0x69: {  	_ =	shalt  }
0x6a: {  	_ =	shalt  }
0x6b: {  	_ =	shalt  }
0x6c: {  	_ =	shalt  }
0x6d: {  	_ =	shalt  }
0x6e: {  	_ =	shalt  }
0x6f: {  	_ =	shalt  }
0x70: {  	_ =	shalt  }
0x71: {  	_ =	shalt  }
0x72: {  	_ =	shalt  }
0x73: {  	_ =	shalt  }
0x74: {  	_ =	shalt  }
0x75: {  	_ =	shalt  }
0x76: {  	_ =	shalt  }
0x77: {  	_ =	shalt  }
0x78: {  	_ =	shalt  }
0x79: {  	_ =	shalt  }
0x7a: {  	_ =	shalt  }
0x7b: {  	_ =	shalt  }
0x7c: {  	_ =	shalt  }
0x7d: {  	_ =	shalt  }
0x7e: {  	_ =	shalt  }
0x7f: {  	_ =	shalt  }
0x80: {  	_ =	shalt  }
0x81: {  	_ =	shalt  }
0x82: {  	_ =	shalt  }
0x83: {  	_ =	shalt  }
0x84: {  	_ =	shalt  }
0x85: {  	_ =	shalt  }
0x86: {  	_ =	shalt  }
0x87: {  	_ =	shalt  }
.Lfunc_end0:
.L_simem_size_0:
called_computation_lowered:
.L_overlay_start_0:
0x88: {  	s2 =	sld [smem:$0x3FD9]  }
0x89: {  	s3 =	sld [smem:$0x3FFE];
	_ =	sdelay $0x1  }
0x8a: {  	s1 =	srdreg.scid  }
0x8b: {  	s0 =	sand.u32 $0x1, s1  }
0x8c: {  	s16 =	sshll.u32 s0, $0xA;
	s2 =	sadd.s32 s3, s2  }
0x8d: {  	s2 =	sadd.s32 s2, s16  }
0x8e: {  	[smem:$0x3FC7] =	sst s2  }
0x8f: {  	_ = 	snop  }
0x90: {  	(tm) =	ssettm $0x1  }
0x91: {  	s17 =	sld [smem:$0x3FFB];
	_ =	sdelay $0x3  }
0x92: {  	_ =	strace s17  }
0x93: {  	s2 =	sld [smem:$0x3FFC];
	_ =	sdelay $0x3  }
0x94: {  	_ =	strace s2  }
0x95: {  	s2 =	sld [smem:$0x3FFD];
	_ =	sdelay $0x3  }
0x96: {  	_ =	strace s2  }
0x97: {  	_ =	strace $0x8FFFFFFF  }
0x98: {  	s18 =	sld [smem:$0x3FDB];
	_ =	sdelay $0x1  }
0x99: {  	s19 =	simm.s32 $_scs_section_size  }
0x9a: {  	s4 =	simm.s32 $_size__tile_overlayer_lowered;
	s5 =	simm.s32 $_tile_overlayer_lowered  }
0x9b: {  	s22 =	simm.s32 $0x1BFF;
	s21 =	sshll.u32 s5, $0x1;
	s2 =	sadd.s32 s19, s18  }
0x9c: {  	s6 =	simm.s32 $0x0;
	s20 =	sshll.u32 s4, $0x1;
	s4 =	sadd.s32 s21, s2  }
0x9d: {  	[timem:s6], [sflag:s22] =	dma.local [hbm:s4], s20  }
0x9e: {  	_ =	swait.ge [sflag:s22], s20  }
0x9f: {  	s3 =	ssub.s32 $0x0, s20;
	[sflag:s22] =	ssyncset.done $0x0  }
0xa0: {  	[sflag:s22] =	ssyncadd.s32 s3;
	_ =	sdelay $0x1  }
0xa1: {  	s23 =	simm.s32 $0x1B8B  }
0xa2: {  	_ =	swait.ge [sflag:s23], $0x1  }
0xa3: {  	[sflag:s23] =	ssyncset.done $0x0  }
0xa4: {  	s25 =	simm.s32 $0x1B8E;
	s24 =	sld [smem:$0x3FFE];
	[sflag:s23] =	ssyncadd.s32 $0xFFFFFFFF  }
0xa5: {  	s26 =	simm.s32 $execute0_lowered;
	[smem:$0x3FD2] =	sst s25  }
0xa6: {  	s4 =	sshll.u32 s26, $0x1;
	_ =	strace $0x80000046;
	[dreg:$0x1] =	wrdreg $0xFFFFFFFF  }
0xa7: {  	s28 =	simm.s32 $_size_execute0_lowered;
	s2 =	sadd.s32 s2, s4;
	[dreg:$0x0] =	wrdreg $0x0  }
0xa8: {  	s4 =	sshll.u32 s28, $0x1;
	[dreg:$0x2] =	wrdreg s2  }
0xa9: {  	[dreg:$0x3] =	wrdreg s4  }
0xaa: {  	[dreg:$0x4] =	wrdreg $0xC0  }
0xab: {  	_ =	task [dreg:s6], $0x5FFFF  }
0xac: {  	[dreg:$0x1] =	wrdreg $0xFFFFFFFF  }
0xad: {  	[dreg:$0x0] =	wrdreg $0x60  }
0xae: {  	[dreg:$0x2] =	wrdreg s24  }
0xaf: {  	[dreg:$0x3] =	wrdreg $0x9  }
0xb0: {  	_ =	task.clear_ibuf [dreg:s6], $0x4FFFF;
	_ =	strace $0x90000046  }
0xb1: {  	s29 =	simm.s32 $0x9;
	_ =	strace $0x80000048  }
0xb2: {  	_ =	swait.ge [sflag:s29], $0x1  }
0xb3: {  	[sflag:s29] =	ssyncadd.s32 $0xFFFFFFFF  }
0xb4: {  	_ =	strace $0x90000048  }
0xb5: {  	_ =	sfence  }
0xb6: {  	s30 =	sld [smem:$0x0];
	_ =	sdelay $0x2  }
0xb7: {  	s31 =	sshll.u32 s1, $0xD;
	s1 =	sshrl.u32 s1, $0x2  }
0xb8: {  	s3 =	sand.u32 $0x4000, s31;
	s1 =	sadd.s32 s1, s30  }
0xb9: {  	s0 =	sor.u32 s3, s0;
	s1 =	sshll.u32 s1, $0x11  }
0xba: {  	s0 =	sor.u32 s1, s0  }
0xbb: {  	s0 =	sadd.s32 $0x8F2B, s0  }
0xbc: {  	[sflag:s0] =	ssyncadd.remote.s32 $0x1  }
0xbd: {  	_ =	sfence.sel $0xFFFF  }
0xbe: {  	[dreg:$0x0] =	wrdreg $0xFFFFFFFF;
	(pc) =	sbr.abs _section_cstart, $3  }
0xbf: {  	[dreg:$0x1] =	wrdreg $0xFFFFFFFF  }
0xc0: {  	_ =	task.clear_ibuf [dreg:s6], $0x2FFFF;
	_ =	strace $0x9FFFFFFF  }
0xc1: {  	(tm) =	ssettm $0x7FFFFFFF  }
tec
execute0_lowered:
.L_overlay_start_1:
0x0: {  	(tag) =	ssettag $0x1  }
0x1: {  	s0 =	rddreg [dreg:$0x0];
	s1 =	simm.s32 $0x0  }
0x2: {  	s3 =	srdreg.scid;
	s2 =	stileid.u32;
	s21 =	simm.s32 $0x1  }
0x3: {  	s22 =	simm.s32 $0x8000;
	s23 =	simm.s32 $0x2;
	s24 =	simm.s32 $0xC000  }
0x4: {  	s25 =	simm.s32 $0x3;
	s26 =	simm.s32 $0x4;
	s28 =	simm.s32 $0x0  }
0x5: {  	[smem:$0x7FF] =	sst s1;
	s16 =	sadd.s32 $0x400, s0;
	s3 =	sand.u32 $0x1, s3  }
0x6: {  	s5 =	sshll.u32 s2, $0xF;
	s4 =	ssub.s32 $0x2, s3;
	s3 =	sshll.u32 s3, $0xE  }
0x7: {  	s0 =	sadd.s32 $0x80400, s0;
	s6 =	sshrl.u32 s4, $0x1;
	s17 =	sor.u32 s3, s5  }
0x8: {  	_ =	strace $0x80000047;
	s19 =	ssub.s32 s4, s6;
	s3 =	sadd.s32 s16, s17  }
0x9: {  	s7 =	sor.u32 $0x800, s17;
	s5 =	sadd.s32 s0, s17;
	s9 =	sor.u32 $0x1000, s17  }
0xa: {  	v0 =	vimm.s32 $0xFEDCBA98;
	s11 =	sor.u32 $0x1800, s17;
	s13 =	sor.u32 $0x2000, s17;
	s15 =	sor.u32 $0x2800, s17  }
0xb: {  	v1 =	vimm.s32 $0x76543210;
	v0 =	vunpack.c.l.s4.s8 v0;
	s18 =	sor.u32 $0x3000, s17;
	s20 =	sor.u32 $0x3800, s17;
	s4 =	sadd.s32 s16, s7  }
0xc: {  	v1 =	vunpack.c.l.s4.s8 v1;
	s6 =	sadd.s32 s16, s9;
	s7 =	sadd.s32 s0, s7;
	s8 =	sadd.s32 s16, s11  }
0xd: {  	vm0 =	vmmov $0xff;
	v6 =	vimm.f32 $0.0e+00;
	v3 =	vunpack.c.0.s8.s32 v0;
	s9 =	sadd.s32 s0, s9;
	s10 =	sadd.s32 s16, s13;
	s11 =	sadd.s32 s0, s11  }
0xe: {  	vm1 =	vcmask $0x3F20;
	v0 =	vlaneseq.u32;
	v4 =	vunpack.c.0.s8.s32 v1;
	s12 =	sadd.s32 s16, s15;
	s13 =	sadd.s32 s0, s13;
	s14 =	sadd.s32 s16, s18  }
0xf: {  	v1 =	vor.u32 $0x10, v0;
	v2 =	vor.u32 $0x20, v0;
	s15 =	sadd.s32 s0, s15;
	s16 =	sadd.s32 s16, s20;
	s17 =	sadd.s32 s0, s18;
	v5 =	vand.u32 $0xF, v3  }
0x10: {  	s18 =	sadd.s32 s0, s20;
	s19 =	smax.u32 s19, $0x1;
	s20 =	simm.s32 $0x4000;
	v3 =	vor.u32 $0x30, v0;
	v4 =	vcombine.low v5, v4;
	v5 =	vimm.s32 $0xF  }
.LBB2_1:
0x11: {  	[tilespmem:s1], [sflag:$0x1] =	stream.linear.gather [hbm4b:s3+s1], $0x4000, $0x38;
	[tilespmem:$0x10000] =	vst v63  }
0x12: {  	_ = 	snop  }
0x13: {  	[tilespmem:s20], [sflag:$0x2] =	stream.linear.gather [hbm4b:s4+s1], $0x4000, $0x38;
	[tilespmem:$0x10000] =	vst v63  }
0x14: {  	_ =	swait.ge [sflag:s21], $0x4000  }
0x15: {  	s29 =	simm.s32 $0x100;
	[sflag:s21] =	ssyncset.done $0x0  }
0x16: {  	s30 =	simm.s32 $0x8100;
	s31 =	simm.s32 $0x0;
	[sflag:s21] =	ssyncadd.s32 $0xFFFFC000  }
.LBB2_2:
0x17: {  	v7 =	vld [tilespmem:s29+$0xFFFFFF00]  }
0x18: {  	v8 =	vld [tilespmem:s29+$0xFFFFFF10]  }
0x19: {  	v9 =	vld [tilespmem:s29+$0xFFFFFF20]  }
0x1a: {  	v10 =	vld [tilespmem:s29+$0xFFFFFF30];
	_ =	sdelay $0x1  }
0x1b: {  	(xrf1) =	vsort.ascd.msk.f32 $0xffff, v7, v0  }
0x1c: {  	(xrf1) =	vsort.dscd.msk.f32 $0xffff, v8, v1  }
0x1d: {  	(xrf1) =	vsort.ascd.msk.f32 $0xffff, v9, v2  }
0x1e: {  	(xrf1) =	vsort.dscd.msk.f32 $0xffff, v10, v3;
	_ =	sdelay $0xa  }
0x1f: {  	v7, v8, _ =	vpop (xrf1)  }
0x20: {  	v50, v51, _ =	vpop (xrf1)  }
0x21: {  	v11, v12, _ =	vpop (xrf1);
	vm2 =	vge.f32 v7, v50  }
0x22: {  	v7 =	vmax.f32 v7, v50;
	v13, v14, _ =	vpop (xrf1);
	v8 =	vsel vm2, v8, v51  }
0x23: {  	v53 =	vperm.xlane v7, v4;
	vm2 =	vge.f32 v11, v13;
	v52 =	vmax.f32 v11, v13  }
0x24: {  	v55 =	vperm.xlane v8, v4;
	v54 =	vsel vm2, v12, v14;
	v13 =	vperm.xlane v52, v4  }
0x25: {  	vm2 =	vge.f32 v7, v53;
	v14 =	vperm.xlane v54, v4  }
0x26: {  	v8 =	vsel vm2, v8, v55;
	vm2 =	vge.f32 v52, v13  }
0x27: {  	v7 =	vmax.f32 v7, v53;
	v9 =	vmax.f32 v52, v13;
	v56 =	vsel vm2, v54, v14  }
0x28: {  	v7 =	vsel vm0, v7, v9;
	v8 =	vsel vm0, v8, v56  }
0x29: {  	(xrf1) =	vsort.ascd.msk.f32 $0xffff, v7, v8;
	_ =	sdelay $0xd  }
0x2a: {  	v7, v8, _ =	vpop (xrf1)  }
0x2b: {  	v7 =	vmul.f32 $1.442695020e+00, v7;
	_ =	sdelay $0x1  }
0x2c: {  	(erf) = vpow2.f32 v7;
	_ =	sdelay $0x8  }
0x2d: {  	v7 =	vpop (erf)  }
0x2e: {  	v57 =	vsel vm0, $0x0, v7  }
0x2f: {  	(xrf2) =	vadd.scan.msk.f32 $0xffff, v57;
	_ =	sdelay $0x9  }
0x30: {  	v9, _, _ =	vpop (xrf2)  }
0x31: {  	v9 =	vperm.xlane v9, v5;
	_ =	sdelay $0x1  }
0x32: {  	(erf) = vrcp.f32 v9;
	_ =	sdelay $0x6  }
0x33: {  	s0 =	sshll.u32 s31, $0x7;
	v58 =	vand.u32 $0xFFFFFF80, v8  }
0x34: {  	v8 =	vand.u32 $0x7F, v8;
	v9 =	vadd.s32 s0, v58  }
0x35: {  	v8 =	vor.u32 v8, v9;
	v59 =	vpop (erf)  }
0x36: {  	[tilespmem:s30+$0xFFFFFF00] =	vst v6;
	v60 =	vmul.f32 $6.400000000e+01, v59  }
0x37: {  	[tilespmem:s30+$0xFFFFFF10] =	vst v6  }
0x38: {  	[tilespmem:s30+$0xFFFFFF20] =	vst v6;
	v7 =	vmul.f32 v7, v60  }
0x39: {  	[tilespmem:s30+$0xFFFFFF30] =	vst v6  }
0x3a: {  	[tilespmem:v8+s22+$0x0] =	vst.idx.msk vm1, v7  }
0x3b: {  	v7 =	vld [tilespmem:s29+$0xFFFFFF80]  }
0x3c: {  	v8 =	vld [tilespmem:s29+$0xFFFFFF90]  }
0x3d: {  	v61 =	vld [tilespmem:s29+$0xFFFFFFA0]  }
0x3e: {  	v62 =	vld [tilespmem:s29+$0xFFFFFFB0];
	_ =	sdelay $0x1  }
0x3f: {  	(xrf1) =	vsort.ascd.msk.f32 $0xffff, v7, v0  }
0x40: {  	(xrf1) =	vsort.dscd.msk.f32 $0xffff, v8, v1  }
0x41: {  	(xrf1) =	vsort.ascd.msk.f32 $0xffff, v61, v2  }
0x42: {  	(xrf1) =	vsort.dscd.msk.f32 $0xffff, v62, v3;
	_ =	sdelay $0xa  }
0x43: {  	v7, v8, _ =	vpop (xrf1)  }
0x44: {  	v63, v16, _ =	vpop (xrf1)  }
0x45: {  	v18, v17, _ =	vpop (xrf1);
	vm2 =	vge.f32 v7, v63  }
0x46: {  	v7 =	vmax.f32 v7, v63;
	v19, v20, _ =	vpop (xrf1);
	v8 =	vsel vm2, v8, v16  }
0x47: {  	v22 =	vperm.xlane v7, v4;
	vm2 =	vge.f32 v18, v19;
	v21 =	vmax.f32 v18, v19  }
0x48: {  	v24 =	vperm.xlane v8, v4;
	v23 =	vsel vm2, v17, v20;
	v13 =	vperm.xlane v21, v4  }
0x49: {  	vm2 =	vge.f32 v7, v22;
	v14 =	vperm.xlane v23, v4  }
0x4a: {  	v8 =	vsel vm2, v8, v24;
	vm2 =	vge.f32 v21, v13  }
0x4b: {  	v7 =	vmax.f32 v7, v22;
	v9 =	vmax.f32 v21, v13;
	v25 =	vsel vm2, v23, v14  }
0x4c: {  	v7 =	vsel vm0, v7, v9;
	v8 =	vsel vm0, v8, v25  }
0x4d: {  	(xrf1) =	vsort.ascd.msk.f32 $0xffff, v7, v8;
	_ =	sdelay $0xd  }
0x4e: {  	v7, v8, _ =	vpop (xrf1)  }
0x4f: {  	v7 =	vmul.f32 $1.442695020e+00, v7;
	_ =	sdelay $0x1  }
0x50: {  	(erf) = vpow2.f32 v7;
	_ =	sdelay $0x8  }
0x51: {  	v7 =	vpop (erf)  }
0x52: {  	v26 =	vsel vm0, $0x0, v7  }
0x53: {  	(xrf2) =	vadd.scan.msk.f32 $0xffff, v26;
	_ =	sdelay $0x9  }
0x54: {  	v9, _, _ =	vpop (xrf2)  }
0x55: {  	v9 =	vperm.xlane v9, v5;
	_ =	sdelay $0x1  }
0x56: {  	(erf) = vrcp.f32 v9;
	_ =	sdelay $0x6  }
0x57: {  	s2 =	sadd.s32 $0x80, s0;
	v27 =	vand.u32 $0xFFFFFF80, v8  }
0x58: {  	v8 =	vand.u32 $0x7F, v8;
	v9 =	vadd.s32 s2, v27  }
0x59: {  	v8 =	vor.u32 v8, v9;
	v28 =	vpop (erf)  }
0x5a: {  	[tilespmem:s30+$0xFFFFFF80] =	vst v6;
	v29 =	vmul.f32 $6.400000000e+01, v28  }
0x5b: {  	[tilespmem:s30+$0xFFFFFF90] =	vst v6  }
0x5c: {  	[tilespmem:s30+$0xFFFFFFA0] =	vst v6;
	v7 =	vmul.f32 v7, v29  }
0x5d: {  	[tilespmem:s30+$0xFFFFFFB0] =	vst v6  }
0x5e: {  	[tilespmem:v8+s22+$0x0] =	vst.idx.msk vm1, v7  }
0x5f: {  	v7 =	vld [tilespmem:s29+$0x0]  }
0x60: {  	v8 =	vld [tilespmem:s29+$0x10]  }
0x61: {  	v30 =	vld [tilespmem:s29+$0x20]  }
0x62: {  	v31 =	vld [tilespmem:s29+$0x30];
	_ =	sdelay $0x1  }
0x63: {  	(xrf1) =	vsort.ascd.msk.f32 $0xffff, v7, v0  }
0x64: {  	(xrf1) =	vsort.dscd.msk.f32 $0xffff, v8, v1  }
0x65: {  	(xrf1) =	vsort.ascd.msk.f32 $0xffff, v30, v2  }
0x66: {  	(xrf1) =	vsort.dscd.msk.f32 $0xffff, v31, v3;
	_ =	sdelay $0xa  }
0x67: {  	v7, v8, _ =	vpop (xrf1)  }
0x68: {  	v32, v33, _ =	vpop (xrf1)  }
0x69: {  	v35, v34, _ =	vpop (xrf1);
	vm2 =	vge.f32 v7, v32  }
0x6a: {  	v7 =	vmax.f32 v7, v32;
	v36, v37, _ =	vpop (xrf1);
	v8 =	vsel vm2, v8, v33  }
0x6b: {  	v39 =	vperm.xlane v7, v4;
	vm2 =	vge.f32 v35, v36;
	v38 =	vmax.f32 v35, v36  }
0x6c: {  	v41 =	vperm.xlane v8, v4;
	v40 =	vsel vm2, v34, v37;
	v13 =	vperm.xlane v38, v4  }
0x6d: {  	vm2 =	vge.f32 v7, v39;
	v14 =	vperm.xlane v40, v4  }
0x6e: {  	v8 =	vsel vm2, v8, v41;
	vm2 =	vge.f32 v38, v13  }
0x6f: {  	v7 =	vmax.f32 v7, v39;
	v9 =	vmax.f32 v38, v13;
	v42 =	vsel vm2, v40, v14  }
0x70: {  	v7 =	vsel vm0, v7, v9;
	v8 =	vsel vm0, v8, v42  }
0x71: {  	(xrf1) =	vsort.ascd.msk.f32 $0xffff, v7, v8;
	_ =	sdelay $0xd  }
0x72: {  	v7, v8, _ =	vpop (xrf1)  }
0x73: {  	v7 =	vmul.f32 $1.442695020e+00, v7;
	_ =	sdelay $0x1  }
0x74: {  	(erf) = vpow2.f32 v7;
	_ =	sdelay $0x8  }
0x75: {  	v7 =	vpop (erf)  }
0x76: {  	v43 =	vsel vm0, $0x0, v7  }
0x77: {  	(xrf2) =	vadd.scan.msk.f32 $0xffff, v43;
	_ =	sdelay $0x9  }
0x78: {  	v9, _, _ =	vpop (xrf2)  }
0x79: {  	v9 =	vperm.xlane v9, v5;
	_ =	sdelay $0x1  }
0x7a: {  	(erf) = vrcp.f32 v9;
	_ =	sdelay $0x6  }
0x7b: {  	s2 =	sadd.s32 $0x100, s0;
	v44 =	vand.u32 $0xFFFFFF80, v8  }
0x7c: {  	v8 =	vand.u32 $0x7F, v8;
	v9 =	vadd.s32 s2, v44  }
0x7d: {  	v8 =	vor.u32 v8, v9;
	v45 =	vpop (erf)  }
0x7e: {  	[tilespmem:s30+$0x0] =	vst v6;
	v46 =	vmul.f32 $6.400000000e+01, v45  }
0x7f: {  	[tilespmem:s30+$0x10] =	vst v6  }
0x80: {  	[tilespmem:s30+$0x20] =	vst v6;
	v7 =	vmul.f32 v7, v46  }
0x81: {  	[tilespmem:s30+$0x30] =	vst v6  }
0x82: {  	[tilespmem:v8+s22+$0x0] =	vst.idx.msk vm1, v7  }
0x83: {  	v7 =	vld [tilespmem:s29+$0x80]  }
0x84: {  	v8 =	vld [tilespmem:s29+$0x90]  }
0x85: {  	v47 =	vld [tilespmem:s29+$0xA0]  }
0x86: {  	v48 =	vld [tilespmem:s29+$0xB0];
	_ =	sdelay $0x1  }
0x87: {  	(xrf1) =	vsort.ascd.msk.f32 $0xffff, v7, v0  }
0x88: {  	(xrf1) =	vsort.dscd.msk.f32 $0xffff, v8, v1  }
0x89: {  	(xrf1) =	vsort.ascd.msk.f32 $0xffff, v47, v2  }
0x8a: {  	(xrf1) =	vsort.dscd.msk.f32 $0xffff, v48, v3;
	_ =	sdelay $0xa  }
0x8b: {  	v7, v8, _ =	vpop (xrf1)  }
0x8c: {  	v49, v50, _ =	vpop (xrf1)  }
0x8d: {  	v52, v51, _ =	vpop (xrf1);
	vm2 =	vge.f32 v7, v49  }
0x8e: {  	v7 =	vmax.f32 v7, v49;
	v53, v54, _ =	vpop (xrf1);
	v8 =	vsel vm2, v8, v50  }
0x8f: {  	v56 =	vperm.xlane v7, v4;
	vm2 =	vge.f32 v52, v53;
	v55 =	vmax.f32 v52, v53  }
0x90: {  	v58 =	vperm.xlane v8, v4;
	v57 =	vsel vm2, v51, v54;
	v13 =	vperm.xlane v55, v4  }
0x91: {  	vm2 =	vge.f32 v7, v56;
	v14 =	vperm.xlane v57, v4  }
0x92: {  	v8 =	vsel vm2, v8, v58;
	vm2 =	vge.f32 v55, v13  }
0x93: {  	v7 =	vmax.f32 v7, v56;
	v9 =	vmax.f32 v55, v13;
	v59 =	vsel vm2, v57, v14  }
0x94: {  	v7 =	vsel vm0, v7, v9;
	v8 =	vsel vm0, v8, v59  }
0x95: {  	(xrf1) =	vsort.ascd.msk.f32 $0xffff, v7, v8;
	_ =	sdelay $0xd  }
0x96: {  	v7, v8, _ =	vpop (xrf1)  }
0x97: {  	v7 =	vmul.f32 $1.442695020e+00, v7;
	_ =	sdelay $0x1  }
0x98: {  	(erf) = vpow2.f32 v7;
	_ =	sdelay $0x8  }
0x99: {  	v7 =	vpop (erf)  }
0x9a: {  	v60 =	vsel vm0, $0x0, v7  }
0x9b: {  	(xrf2) =	vadd.scan.msk.f32 $0xffff, v60;
	_ =	sdelay $0x9  }
0x9c: {  	v9, _, _ =	vpop (xrf2)  }
0x9d: {  	v9 =	vperm.xlane v9, v5;
	_ =	sdelay $0x1  }
0x9e: {  	(erf) = vrcp.f32 v9;
	_ =	sdelay $0x6  }
0x9f: {  	s0 =	sadd.s32 $0x180, s0;
	v61 =	vand.u32 $0xFFFFFF80, v8  }
0xa0: {  	v8 =	vand.u32 $0x7F, v8;
	v9 =	vadd.s32 s0, v61  }
0xa1: {  	p0 =	sne.s32 s31, $0x7C;
	v8 =	vor.u32 v8, v9;
	v62 =	vpop (erf)  }
.Ltmp0:
0xa2: {  	[tilespmem:s30+$0x80] =	vst v6;
	v63 =	vmul.f32 $6.400000000e+01, v62;
	(pc) =	sbr.rel @p0 .LBB2_2-.Ltmp0, $4  }
0xa3: {  	[tilespmem:s30+$0x90] =	vst v6  }
0xa4: {  	[tilespmem:s30+$0xA0] =	vst v6;
	v7 =	vmul.f32 v7, v63  }
0xa5: {  	[tilespmem:s30+$0xB0] =	vst v6  }
0xa6: {  	s31 =	sadd.s32 $0x4, s31;
	s29 =	sadd.s32 $0x200, s29;
	s30 =	sadd.s32 $0x200, s30;
	[tilespmem:v8+s22+$0x0] =	vst.idx.msk vm1, v7  }
0xa7: {  	s29 =	simm.s32 $0x0  }
0xa8: {  	[hbm4b:s5+s29] =	stream.linear.scatter [tilespmem:s22], [sflag:$0x3], $0x4000, $0x38;
	[tilespmem:$0x10000] =	vst v63  }
0xa9: {  	_ = 	snop  }
0xaa: {  	[tilespmem:s29], [sflag:$0x1] =	stream.linear.gather [hbm4b:s6+s29], $0x4000, $0x38;
	[tilespmem:$0x10000] =	vst v63  }
0xab: {  	_ =	swait.ge [sflag:s23], $0x4000  }
0xac: {  	[sflag:s23] =	ssyncset.done $0x0  }
0xad: {  	s30 =	simm.s32 $0x4100;
	s31 =	simm.s32 $0xC100;
	[sflag:s23] =	ssyncadd.s32 $0xFFFFC000  }
.LBB2_4:
0xae: {  	v7 =	vld [tilespmem:s30+$0xFFFFFF00]  }
0xaf: {  	v8 =	vld [tilespmem:s30+$0xFFFFFF10]  }
0xb0: {  	v9 =	vld [tilespmem:s30+$0xFFFFFF20]  }
0xb1: {  	v10 =	vld [tilespmem:s30+$0xFFFFFF30];
	_ =	sdelay $0x1  }
0xb2: {  	(xrf1) =	vsort.ascd.msk.f32 $0xffff, v7, v0  }
0xb3: {  	(xrf1) =	vsort.dscd.msk.f32 $0xffff, v8, v1  }
0xb4: {  	(xrf1) =	vsort.ascd.msk.f32 $0xffff, v9, v2  }
0xb5: {  	(xrf1) =	vsort.dscd.msk.f32 $0xffff, v10, v3;
	_ =	sdelay $0xa  }
0xb6: {  	v7, v8, _ =	vpop (xrf1)  }
0xb7: {  	v50, v51, _ =	vpop (xrf1)  }
0xb8: {  	v11, v12, _ =	vpop (xrf1);
	vm2 =	vge.f32 v7, v50  }
0xb9: {  	v7 =	vmax.f32 v7, v50;
	v13, v14, _ =	vpop (xrf1);
	v8 =	vsel vm2, v8, v51  }
0xba: {  	v53 =	vperm.xlane v7, v4;
	vm2 =	vge.f32 v11, v13;
	v52 =	vmax.f32 v11, v13  }
0xbb: {  	v55 =	vperm.xlane v8, v4;
	v54 =	vsel vm2, v12, v14;
	v13 =	vperm.xlane v52, v4  }
0xbc: {  	vm2 =	vge.f32 v7, v53;
	v14 =	vperm.xlane v54, v4  }
0xbd: {  	v8 =	vsel vm2, v8, v55;
	vm2 =	vge.f32 v52, v13  }
0xbe: {  	v7 =	vmax.f32 v7, v53;
	v9 =	vmax.f32 v52, v13;
	v56 =	vsel vm2, v54, v14  }
0xbf: {  	v7 =	vsel vm0, v7, v9;
	v8 =	vsel vm0, v8, v56  }
0xc0: {  	(xrf1) =	vsort.ascd.msk.f32 $0xffff, v7, v8;
	_ =	sdelay $0xd  }
0xc1: {  	v7, v8, _ =	vpop (xrf1)  }
0xc2: {  	v7 =	vmul.f32 $1.442695020e+00, v7;
	_ =	sdelay $0x1  }
0xc3: {  	(erf) = vpow2.f32 v7;
	_ =	sdelay $0x8  }
0xc4: {  	v7 =	vpop (erf)  }
0xc5: {  	v57 =	vsel vm0, $0x0, v7  }
0xc6: {  	(xrf2) =	vadd.scan.msk.f32 $0xffff, v57;
	_ =	sdelay $0x9  }
0xc7: {  	v9, _, _ =	vpop (xrf2)  }
0xc8: {  	v9 =	vperm.xlane v9, v5;
	_ =	sdelay $0x1  }
0xc9: {  	(erf) = vrcp.f32 v9;
	_ =	sdelay $0x6  }
0xca: {  	s0 =	sshll.u32 s29, $0x7;
	v58 =	vand.u32 $0xFFFFFF80, v8  }
0xcb: {  	v8 =	vand.u32 $0x7F, v8;
	v9 =	vadd.s32 s0, v58  }
0xcc: {  	v8 =	vor.u32 v8, v9;
	v59 =	vpop (erf)  }
0xcd: {  	[tilespmem:s31+$0xFFFFFF00] =	vst v6;
	v60 =	vmul.f32 $6.400000000e+01, v59  }
0xce: {  	[tilespmem:s31+$0xFFFFFF10] =	vst v6  }
0xcf: {  	[tilespmem:s31+$0xFFFFFF20] =	vst v6;
	v7 =	vmul.f32 v7, v60  }
0xd0: {  	[tilespmem:s31+$0xFFFFFF30] =	vst v6  }
0xd1: {  	[tilespmem:v8+s24+$0x0] =	vst.idx.msk vm1, v7  }
0xd2: {  	v7 =	vld [tilespmem:s30+$0xFFFFFF80]  }
0xd3: {  	v8 =	vld [tilespmem:s30+$0xFFFFFF90]  }
0xd4: {  	v61 =	vld [tilespmem:s30+$0xFFFFFFA0]  }
0xd5: {  	v62 =	vld [tilespmem:s30+$0xFFFFFFB0];
	_ =	sdelay $0x1  }
0xd6: {  	(xrf1) =	vsort.ascd.msk.f32 $0xffff, v7, v0  }
0xd7: {  	(xrf1) =	vsort.dscd.msk.f32 $0xffff, v8, v1  }
0xd8: {  	(xrf1) =	vsort.ascd.msk.f32 $0xffff, v61, v2  }
0xd9: {  	(xrf1) =	vsort.dscd.msk.f32 $0xffff, v62, v3;
	_ =	sdelay $0xa  }
0xda: {  	v7, v8, _ =	vpop (xrf1)  }
0xdb: {  	v63, v16, _ =	vpop (xrf1)  }
0xdc: {  	v18, v17, _ =	vpop (xrf1);
	vm2 =	vge.f32 v7, v63  }
0xdd: {  	v7 =	vmax.f32 v7, v63;
	v19, v20, _ =	vpop (xrf1);
	v8 =	vsel vm2, v8, v16  }
0xde: {  	v22 =	vperm.xlane v7, v4;
	vm2 =	vge.f32 v18, v19;
	v21 =	vmax.f32 v18, v19  }
0xdf: {  	v24 =	vperm.xlane v8, v4;
	v23 =	vsel vm2, v17, v20;
	v13 =	vperm.xlane v21, v4  }
0xe0: {  	vm2 =	vge.f32 v7, v22;
	v14 =	vperm.xlane v23, v4  }
0xe1: {  	v8 =	vsel vm2, v8, v24;
	vm2 =	vge.f32 v21, v13  }
0xe2: {  	v7 =	vmax.f32 v7, v22;
	v9 =	vmax.f32 v21, v13;
	v25 =	vsel vm2, v23, v14  }
0xe3: {  	v7 =	vsel vm0, v7, v9;
	v8 =	vsel vm0, v8, v25  }
0xe4: {  	(xrf1) =	vsort.ascd.msk.f32 $0xffff, v7, v8;
	_ =	sdelay $0xd  }
0xe5: {  	v7, v8, _ =	vpop (xrf1)  }
0xe6: {  	v7 =	vmul.f32 $1.442695020e+00, v7;
	_ =	sdelay $0x1  }
0xe7: {  	(erf) = vpow2.f32 v7;
	_ =	sdelay $0x8  }
0xe8: {  	v7 =	vpop (erf)  }
0xe9: {  	v26 =	vsel vm0, $0x0, v7  }
0xea: {  	(xrf2) =	vadd.scan.msk.f32 $0xffff, v26;
	_ =	sdelay $0x9  }
0xeb: {  	v9, _, _ =	vpop (xrf2)  }
0xec: {  	v9 =	vperm.xlane v9, v5;
	_ =	sdelay $0x1  }
0xed: {  	(erf) = vrcp.f32 v9;
	_ =	sdelay $0x6  }
0xee: {  	s2 =	sadd.s32 $0x80, s0;
	v27 =	vand.u32 $0xFFFFFF80, v8  }
0xef: {  	v8 =	vand.u32 $0x7F, v8;
	v9 =	vadd.s32 s2, v27  }
0xf0: {  	v8 =	vor.u32 v8, v9;
	v28 =	vpop (erf)  }
0xf1: {  	[tilespmem:s31+$0xFFFFFF80] =	vst v6;
	v29 =	vmul.f32 $6.400000000e+01, v28  }
0xf2: {  	[tilespmem:s31+$0xFFFFFF90] =	vst v6  }
0xf3: {  	[tilespmem:s31+$0xFFFFFFA0] =	vst v6;
	v7 =	vmul.f32 v7, v29  }
0xf4: {  	[tilespmem:s31+$0xFFFFFFB0] =	vst v6  }
0xf5: {  	[tilespmem:v8+s24+$0x0] =	vst.idx.msk vm1, v7  }
0xf6: {  	v7 =	vld [tilespmem:s30+$0x0]  }
0xf7: {  	v8 =	vld [tilespmem:s30+$0x10]  }
0xf8: {  	v30 =	vld [tilespmem:s30+$0x20]  }
0xf9: {  	v31 =	vld [tilespmem:s30+$0x30];
	_ =	sdelay $0x1  }
0xfa: {  	(xrf1) =	vsort.ascd.msk.f32 $0xffff, v7, v0  }
0xfb: {  	(xrf1) =	vsort.dscd.msk.f32 $0xffff, v8, v1  }
0xfc: {  	(xrf1) =	vsort.ascd.msk.f32 $0xffff, v30, v2  }
0xfd: {  	(xrf1) =	vsort.dscd.msk.f32 $0xffff, v31, v3;
	_ =	sdelay $0xa  }
0xfe: {  	v7, v8, _ =	vpop (xrf1)  }
0xff: {  	v32, v33, _ =	vpop (xrf1)  }
0x100: {  	v35, v34, _ =	vpop (xrf1);
	vm2 =	vge.f32 v7, v32  }
0x101: {  	v7 =	vmax.f32 v7, v32;
	v36, v37, _ =	vpop (xrf1);
	v8 =	vsel vm2, v8, v33  }
0x102: {  	v39 =	vperm.xlane v7, v4;
	vm2 =	vge.f32 v35, v36;
	v38 =	vmax.f32 v35, v36  }
0x103: {  	v41 =	vperm.xlane v8, v4;
	v40 =	vsel vm2, v34, v37;
	v13 =	vperm.xlane v38, v4  }
0x104: {  	vm2 =	vge.f32 v7, v39;
	v14 =	vperm.xlane v40, v4  }
0x105: {  	v8 =	vsel vm2, v8, v41;
	vm2 =	vge.f32 v38, v13  }
0x106: {  	v7 =	vmax.f32 v7, v39;
	v9 =	vmax.f32 v38, v13;
	v42 =	vsel vm2, v40, v14  }
0x107: {  	v7 =	vsel vm0, v7, v9;
	v8 =	vsel vm0, v8, v42  }
0x108: {  	(xrf1) =	vsort.ascd.msk.f32 $0xffff, v7, v8;
	_ =	sdelay $0xd  }
0x109: {  	v7, v8, _ =	vpop (xrf1)  }
0x10a: {  	v7 =	vmul.f32 $1.442695020e+00, v7;
	_ =	sdelay $0x1  }
0x10b: {  	(erf) = vpow2.f32 v7;
	_ =	sdelay $0x8  }
0x10c: {  	v7 =	vpop (erf)  }
0x10d: {  	v43 =	vsel vm0, $0x0, v7  }
0x10e: {  	(xrf2) =	vadd.scan.msk.f32 $0xffff, v43;
	_ =	sdelay $0x9  }
0x10f: {  	v9, _, _ =	vpop (xrf2)  }
0x110: {  	v9 =	vperm.xlane v9, v5;
	_ =	sdelay $0x1  }
0x111: {  	(erf) = vrcp.f32 v9;
	_ =	sdelay $0x6  }
0x112: {  	s2 =	sadd.s32 $0x100, s0;
	v44 =	vand.u32 $0xFFFFFF80, v8  }
0x113: {  	v8 =	vand.u32 $0x7F, v8;
	v9 =	vadd.s32 s2, v44  }
0x114: {  	v8 =	vor.u32 v8, v9;
	v45 =	vpop (erf)  }
0x115: {  	[tilespmem:s31+$0x0] =	vst v6;
	v46 =	vmul.f32 $6.400000000e+01, v45  }
0x116: {  	[tilespmem:s31+$0x10] =	vst v6  }
0x117: {  	[tilespmem:s31+$0x20] =	vst v6;
	v7 =	vmul.f32 v7, v46  }
0x118: {  	[tilespmem:s31+$0x30] =	vst v6  }
0x119: {  	[tilespmem:v8+s24+$0x0] =	vst.idx.msk vm1, v7  }
0x11a: {  	v7 =	vld [tilespmem:s30+$0x80]  }
0x11b: {  	v8 =	vld [tilespmem:s30+$0x90]  }
0x11c: {  	v47 =	vld [tilespmem:s30+$0xA0]  }
0x11d: {  	v48 =	vld [tilespmem:s30+$0xB0];
	_ =	sdelay $0x1  }
0x11e: {  	(xrf1) =	vsort.ascd.msk.f32 $0xffff, v7, v0  }
0x11f: {  	(xrf1) =	vsort.dscd.msk.f32 $0xffff, v8, v1  }
0x120: {  	(xrf1) =	vsort.ascd.msk.f32 $0xffff, v47, v2  }
0x121: {  	(xrf1) =	vsort.dscd.msk.f32 $0xffff, v48, v3;
	_ =	sdelay $0xa  }
0x122: {  	v7, v8, _ =	vpop (xrf1)  }
0x123: {  	v49, v50, _ =	vpop (xrf1)  }
0x124: {  	v52, v51, _ =	vpop (xrf1);
	vm2 =	vge.f32 v7, v49  }
0x125: {  	v7 =	vmax.f32 v7, v49;
	v53, v54, _ =	vpop (xrf1);
	v8 =	vsel vm2, v8, v50  }
0x126: {  	v56 =	vperm.xlane v7, v4;
	vm2 =	vge.f32 v52, v53;
	v55 =	vmax.f32 v52, v53  }
0x127: {  	v58 =	vperm.xlane v8, v4;
	v57 =	vsel vm2, v51, v54;
	v13 =	vperm.xlane v55, v4  }
0x128: {  	vm2 =	vge.f32 v7, v56;
	v14 =	vperm.xlane v57, v4  }
0x129: {  	v8 =	vsel vm2, v8, v58;
	vm2 =	vge.f32 v55, v13  }
0x12a: {  	v7 =	vmax.f32 v7, v56;
	v9 =	vmax.f32 v55, v13;
	v59 =	vsel vm2, v57, v14  }
0x12b: {  	v7 =	vsel vm0, v7, v9;
	v8 =	vsel vm0, v8, v59  }
0x12c: {  	(xrf1) =	vsort.ascd.msk.f32 $0xffff, v7, v8;
	_ =	sdelay $0xd  }
0x12d: {  	v7, v8, _ =	vpop (xrf1)  }
0x12e: {  	v7 =	vmul.f32 $1.442695020e+00, v7;
	_ =	sdelay $0x1  }
0x12f: {  	(erf) = vpow2.f32 v7;
	_ =	sdelay $0x8  }
0x130: {  	v7 =	vpop (erf)  }
0x131: {  	v60 =	vsel vm0, $0x0, v7  }
0x132: {  	(xrf2) =	vadd.scan.msk.f32 $0xffff, v60;
	_ =	sdelay $0x9  }
0x133: {  	v9, _, _ =	vpop (xrf2)  }
0x134: {  	v9 =	vperm.xlane v9, v5;
	_ =	sdelay $0x1  }
0x135: {  	(erf) = vrcp.f32 v9;
	_ =	sdelay $0x6  }
0x136: {  	s0 =	sadd.s32 $0x180, s0;
	v61 =	vand.u32 $0xFFFFFF80, v8  }
0x137: {  	v8 =	vand.u32 $0x7F, v8;
	v9 =	vadd.s32 s0, v61  }
0x138: {  	p0 =	sne.s32 s29, $0x7C;
	v8 =	vor.u32 v8, v9;
	v62 =	vpop (erf)  }
.Ltmp1:
0x139: {  	[tilespmem:s31+$0x80] =	vst v6;
	v63 =	vmul.f32 $6.400000000e+01, v62;
	(pc) =	sbr.rel @p0 .LBB2_4-.Ltmp1, $4  }
0x13a: {  	[tilespmem:s31+$0x90] =	vst v6  }
0x13b: {  	[tilespmem:s31+$0xA0] =	vst v6;
	v7 =	vmul.f32 v7, v63  }
0x13c: {  	[tilespmem:s31+$0xB0] =	vst v6  }
0x13d: {  	s29 =	sadd.s32 $0x4, s29;
	s30 =	sadd.s32 $0x200, s30;
	s31 =	sadd.s32 $0x200, s31;
	[tilespmem:v8+s24+$0x0] =	vst.idx.msk vm1, v7  }
0x13e: {  	s29 =	simm.s32 $0x0  }
0x13f: {  	[hbm4b:s7+s29] =	stream.linear.scatter [tilespmem:s24], [sflag:$0x4], $0x4000, $0x38;
	[tilespmem:$0x10000] =	vst v63  }
0x140: {  	_ = 	snop  }
0x141: {  	[tilespmem:s20], [sflag:$0x2] =	stream.linear.gather [hbm4b:s8+s29], $0x4000, $0x38;
	[tilespmem:$0x10000] =	vst v63  }
0x142: {  	_ =	swait.ge [sflag:s21], $0x4000  }
0x143: {  	[sflag:s21] =	ssyncset.done $0x0  }
0x144: {  	[sflag:s21] =	ssyncadd.s32 $0xFFFFC000  }
0x145: {  	_ =	swait.ge [sflag:s25], $0x4000  }
0x146: {  	[sflag:s25] =	ssyncset.done $0x0  }
0x147: {  	s30 =	simm.s32 $0x100;
	s31 =	simm.s32 $0x8100;
	[sflag:s25] =	ssyncadd.s32 $0xFFFFC000  }
.LBB2_6:
0x148: {  	v7 =	vld [tilespmem:s30+$0xFFFFFF00]  }
0x149: {  	v8 =	vld [tilespmem:s30+$0xFFFFFF10]  }
0x14a: {  	v9 =	vld [tilespmem:s30+$0xFFFFFF20]  }
0x14b: {  	v10 =	vld [tilespmem:s30+$0xFFFFFF30];
	_ =	sdelay $0x1  }
0x14c: {  	(xrf1) =	vsort.ascd.msk.f32 $0xffff, v7, v0  }
0x14d: {  	(xrf1) =	vsort.dscd.msk.f32 $0xffff, v8, v1  }
0x14e: {  	(xrf1) =	vsort.ascd.msk.f32 $0xffff, v9, v2  }
0x14f: {  	(xrf1) =	vsort.dscd.msk.f32 $0xffff, v10, v3;
	_ =	sdelay $0xa  }
0x150: {  	v7, v8, _ =	vpop (xrf1)  }
0x151: {  	v50, v51, _ =	vpop (xrf1)  }
0x152: {  	v11, v12, _ =	vpop (xrf1);
	vm2 =	vge.f32 v7, v50  }
0x153: {  	v7 =	vmax.f32 v7, v50;
	v13, v14, _ =	vpop (xrf1);
	v8 =	vsel vm2, v8, v51  }
0x154: {  	v53 =	vperm.xlane v7, v4;
	vm2 =	vge.f32 v11, v13;
	v52 =	vmax.f32 v11, v13  }
0x155: {  	v55 =	vperm.xlane v8, v4;
	v54 =	vsel vm2, v12, v14;
	v13 =	vperm.xlane v52, v4  }
0x156: {  	vm2 =	vge.f32 v7, v53;
	v14 =	vperm.xlane v54, v4  }
0x157: {  	v8 =	vsel vm2, v8, v55;
	vm2 =	vge.f32 v52, v13  }
0x158: {  	v7 =	vmax.f32 v7, v53;
	v9 =	vmax.f32 v52, v13;
	v56 =	vsel vm2, v54, v14  }
0x159: {  	v7 =	vsel vm0, v7, v9;
	v8 =	vsel vm0, v8, v56  }
0x15a: {  	(xrf1) =	vsort.ascd.msk.f32 $0xffff, v7, v8;
	_ =	sdelay $0xd  }
0x15b: {  	v7, v8, _ =	vpop (xrf1)  }
0x15c: {  	v7 =	vmul.f32 $1.442695020e+00, v7;
	_ =	sdelay $0x1  }
0x15d: {  	(erf) = vpow2.f32 v7;
	_ =	sdelay $0x8  }
0x15e: {  	v7 =	vpop (erf)  }
0x15f: {  	v57 =	vsel vm0, $0x0, v7  }
0x160: {  	(xrf2) =	vadd.scan.msk.f32 $0xffff, v57;
	_ =	sdelay $0x9  }
0x161: {  	v9, _, _ =	vpop (xrf2)  }
0x162: {  	v9 =	vperm.xlane v9, v5;
	_ =	sdelay $0x1  }
0x163: {  	(erf) = vrcp.f32 v9;
	_ =	sdelay $0x6  }
0x164: {  	s0 =	sshll.u32 s29, $0x7;
	v58 =	vand.u32 $0xFFFFFF80, v8  }
0x165: {  	v8 =	vand.u32 $0x7F, v8;
	v9 =	vadd.s32 s0, v58  }
0x166: {  	v8 =	vor.u32 v8, v9;
	v59 =	vpop (erf)  }
0x167: {  	[tilespmem:s31+$0xFFFFFF00] =	vst v6;
	v60 =	vmul.f32 $6.400000000e+01, v59  }
0x168: {  	[tilespmem:s31+$0xFFFFFF10] =	vst v6  }
0x169: {  	[tilespmem:s31+$0xFFFFFF20] =	vst v6;
	v7 =	vmul.f32 v7, v60  }
0x16a: {  	[tilespmem:s31+$0xFFFFFF30] =	vst v6  }
0x16b: {  	[tilespmem:v8+s22+$0x0] =	vst.idx.msk vm1, v7  }
0x16c: {  	v7 =	vld [tilespmem:s30+$0xFFFFFF80]  }
0x16d: {  	v8 =	vld [tilespmem:s30+$0xFFFFFF90]  }
0x16e: {  	v61 =	vld [tilespmem:s30+$0xFFFFFFA0]  }
0x16f: {  	v62 =	vld [tilespmem:s30+$0xFFFFFFB0];
	_ =	sdelay $0x1  }
0x170: {  	(xrf1) =	vsort.ascd.msk.f32 $0xffff, v7, v0  }
0x171: {  	(xrf1) =	vsort.dscd.msk.f32 $0xffff, v8, v1  }
0x172: {  	(xrf1) =	vsort.ascd.msk.f32 $0xffff, v61, v2  }
0x173: {  	(xrf1) =	vsort.dscd.msk.f32 $0xffff, v62, v3;
	_ =	sdelay $0xa  }
0x174: {  	v7, v8, _ =	vpop (xrf1)  }
0x175: {  	v63, v16, _ =	vpop (xrf1)  }
0x176: {  	v18, v17, _ =	vpop (xrf1);
	vm2 =	vge.f32 v7, v63  }
0x177: {  	v7 =	vmax.f32 v7, v63;
	v19, v20, _ =	vpop (xrf1);
	v8 =	vsel vm2, v8, v16  }
0x178: {  	v22 =	vperm.xlane v7, v4;
	vm2 =	vge.f32 v18, v19;
	v21 =	vmax.f32 v18, v19  }
0x179: {  	v24 =	vperm.xlane v8, v4;
	v23 =	vsel vm2, v17, v20;
	v13 =	vperm.xlane v21, v4  }
0x17a: {  	vm2 =	vge.f32 v7, v22;
	v14 =	vperm.xlane v23, v4  }
0x17b: {  	v8 =	vsel vm2, v8, v24;
	vm2 =	vge.f32 v21, v13  }
0x17c: {  	v7 =	vmax.f32 v7, v22;
	v9 =	vmax.f32 v21, v13;
	v25 =	vsel vm2, v23, v14  }
0x17d: {  	v7 =	vsel vm0, v7, v9;
	v8 =	vsel vm0, v8, v25  }
0x17e: {  	(xrf1) =	vsort.ascd.msk.f32 $0xffff, v7, v8;
	_ =	sdelay $0xd  }
0x17f: {  	v7, v8, _ =	vpop (xrf1)  }
0x180: {  	v7 =	vmul.f32 $1.442695020e+00, v7;
	_ =	sdelay $0x1  }
0x181: {  	(erf) = vpow2.f32 v7;
	_ =	sdelay $0x8  }
0x182: {  	v7 =	vpop (erf)  }
0x183: {  	v26 =	vsel vm0, $0x0, v7  }
0x184: {  	(xrf2) =	vadd.scan.msk.f32 $0xffff, v26;
	_ =	sdelay $0x9  }
0x185: {  	v9, _, _ =	vpop (xrf2)  }
0x186: {  	v9 =	vperm.xlane v9, v5;
	_ =	sdelay $0x1  }
0x187: {  	(erf) = vrcp.f32 v9;
	_ =	sdelay $0x6  }
0x188: {  	s2 =	sadd.s32 $0x80, s0;
	v27 =	vand.u32 $0xFFFFFF80, v8  }
0x189: {  	v8 =	vand.u32 $0x7F, v8;
	v9 =	vadd.s32 s2, v27  }
0x18a: {  	v8 =	vor.u32 v8, v9;
	v28 =	vpop (erf)  }
0x18b: {  	[tilespmem:s31+$0xFFFFFF80] =	vst v6;
	v29 =	vmul.f32 $6.400000000e+01, v28  }
0x18c: {  	[tilespmem:s31+$0xFFFFFF90] =	vst v6  }
0x18d: {  	[tilespmem:s31+$0xFFFFFFA0] =	vst v6;
	v7 =	vmul.f32 v7, v29  }
0x18e: {  	[tilespmem:s31+$0xFFFFFFB0] =	vst v6  }
0x18f: {  	[tilespmem:v8+s22+$0x0] =	vst.idx.msk vm1, v7  }
0x190: {  	v7 =	vld [tilespmem:s30+$0x0]  }
0x191: {  	v8 =	vld [tilespmem:s30+$0x10]  }
0x192: {  	v30 =	vld [tilespmem:s30+$0x20]  }
0x193: {  	v31 =	vld [tilespmem:s30+$0x30];
	_ =	sdelay $0x1  }
0x194: {  	(xrf1) =	vsort.ascd.msk.f32 $0xffff, v7, v0  }
0x195: {  	(xrf1) =	vsort.dscd.msk.f32 $0xffff, v8, v1  }
0x196: {  	(xrf1) =	vsort.ascd.msk.f32 $0xffff, v30, v2  }
0x197: {  	(xrf1) =	vsort.dscd.msk.f32 $0xffff, v31, v3;
	_ =	sdelay $0xa  }
0x198: {  	v7, v8, _ =	vpop (xrf1)  }
0x199: {  	v32, v33, _ =	vpop (xrf1)  }
0x19a: {  	v35, v34, _ =	vpop (xrf1);
	vm2 =	vge.f32 v7, v32  }
0x19b: {  	v7 =	vmax.f32 v7, v32;
	v36, v37, _ =	vpop (xrf1);
	v8 =	vsel vm2, v8, v33  }
0x19c: {  	v39 =	vperm.xlane v7, v4;
	vm2 =	vge.f32 v35, v36;
	v38 =	vmax.f32 v35, v36  }
0x19d: {  	v41 =	vperm.xlane v8, v4;
	v40 =	vsel vm2, v34, v37;
	v13 =	vperm.xlane v38, v4  }
0x19e: {  	vm2 =	vge.f32 v7, v39;
	v14 =	vperm.xlane v40, v4  }
0x19f: {  	v8 =	vsel vm2, v8, v41;
	vm2 =	vge.f32 v38, v13  }
0x1a0: {  	v7 =	vmax.f32 v7, v39;
	v9 =	vmax.f32 v38, v13;
	v42 =	vsel vm2, v40, v14  }
0x1a1: {  	v7 =	vsel vm0, v7, v9;
	v8 =	vsel vm0, v8, v42  }
0x1a2: {  	(xrf1) =	vsort.ascd.msk.f32 $0xffff, v7, v8;
	_ =	sdelay $0xd  }
0x1a3: {  	v7, v8, _ =	vpop (xrf1)  }
0x1a4: {  	v7 =	vmul.f32 $1.442695020e+00, v7;
	_ =	sdelay $0x1  }
0x1a5: {  	(erf) = vpow2.f32 v7;
	_ =	sdelay $0x8  }
0x1a6: {  	v7 =	vpop (erf)  }
0x1a7: {  	v43 =	vsel vm0, $0x0, v7  }
0x1a8: {  	(xrf2) =	vadd.scan.msk.f32 $0xffff, v43;
	_ =	sdelay $0x9  }
0x1a9: {  	v9, _, _ =	vpop (xrf2)  }
0x1aa: {  	v9 =	vperm.xlane v9, v5;
	_ =	sdelay $0x1  }
0x1ab: {  	(erf) = vrcp.f32 v9;
	_ =	sdelay $0x6  }
0x1ac: {  	s2 =	sadd.s32 $0x100, s0;
	v44 =	vand.u32 $0xFFFFFF80, v8  }
0x1ad: {  	v8 =	vand.u32 $0x7F, v8;
	v9 =	vadd.s32 s2, v44  }
0x1ae: {  	v8 =	vor.u32 v8, v9;
	v45 =	vpop (erf)  }
0x1af: {  	[tilespmem:s31+$0x0] =	vst v6;
	v46 =	vmul.f32 $6.400000000e+01, v45  }
0x1b0: {  	[tilespmem:s31+$0x10] =	vst v6  }
0x1b1: {  	[tilespmem:s31+$0x20] =	vst v6;
	v7 =	vmul.f32 v7, v46  }
0x1b2: {  	[tilespmem:s31+$0x30] =	vst v6  }
0x1b3: {  	[tilespmem:v8+s22+$0x0] =	vst.idx.msk vm1, v7  }
0x1b4: {  	v7 =	vld [tilespmem:s30+$0x80]  }
0x1b5: {  	v8 =	vld [tilespmem:s30+$0x90]  }
0x1b6: {  	v47 =	vld [tilespmem:s30+$0xA0]  }
0x1b7: {  	v48 =	vld [tilespmem:s30+$0xB0];
	_ =	sdelay $0x1  }
0x1b8: {  	(xrf1) =	vsort.ascd.msk.f32 $0xffff, v7, v0  }
0x1b9: {  	(xrf1) =	vsort.dscd.msk.f32 $0xffff, v8, v1  }
0x1ba: {  	(xrf1) =	vsort.ascd.msk.f32 $0xffff, v47, v2  }
0x1bb: {  	(xrf1) =	vsort.dscd.msk.f32 $0xffff, v48, v3;
	_ =	sdelay $0xa  }
0x1bc: {  	v7, v8, _ =	vpop (xrf1)  }
0x1bd: {  	v49, v50, _ =	vpop (xrf1)  }
0x1be: {  	v52, v51, _ =	vpop (xrf1);
	vm2 =	vge.f32 v7, v49  }
0x1bf: {  	v7 =	vmax.f32 v7, v49;
	v53, v54, _ =	vpop (xrf1);
	v8 =	vsel vm2, v8, v50  }
0x1c0: {  	v56 =	vperm.xlane v7, v4;
	vm2 =	vge.f32 v52, v53;
	v55 =	vmax.f32 v52, v53  }
0x1c1: {  	v58 =	vperm.xlane v8, v4;
	v57 =	vsel vm2, v51, v54;
	v13 =	vperm.xlane v55, v4  }
0x1c2: {  	vm2 =	vge.f32 v7, v56;
	v14 =	vperm.xlane v57, v4  }
0x1c3: {  	v8 =	vsel vm2, v8, v58;
	vm2 =	vge.f32 v55, v13  }
0x1c4: {  	v7 =	vmax.f32 v7, v56;
	v9 =	vmax.f32 v55, v13;
	v59 =	vsel vm2, v57, v14  }
0x1c5: {  	v7 =	vsel vm0, v7, v9;
	v8 =	vsel vm0, v8, v59  }
0x1c6: {  	(xrf1) =	vsort.ascd.msk.f32 $0xffff, v7, v8;
	_ =	sdelay $0xd  }
0x1c7: {  	v7, v8, _ =	vpop (xrf1)  }
0x1c8: {  	v7 =	vmul.f32 $1.442695020e+00, v7;
	_ =	sdelay $0x1  }
0x1c9: {  	(erf) = vpow2.f32 v7;
	_ =	sdelay $0x8  }
0x1ca: {  	v7 =	vpop (erf)  }
0x1cb: {  	v60 =	vsel vm0, $0x0, v7  }
0x1cc: {  	(xrf2) =	vadd.scan.msk.f32 $0xffff, v60;
	_ =	sdelay $0x9  }
0x1cd: {  	v9, _, _ =	vpop (xrf2)  }
0x1ce: {  	v9 =	vperm.xlane v9, v5;
	_ =	sdelay $0x1  }
0x1cf: {  	(erf) = vrcp.f32 v9;
	_ =	sdelay $0x6  }
0x1d0: {  	s0 =	sadd.s32 $0x180, s0;
	v61 =	vand.u32 $0xFFFFFF80, v8  }
0x1d1: {  	v8 =	vand.u32 $0x7F, v8;
	v9 =	vadd.s32 s0, v61  }
0x1d2: {  	p0 =	sne.s32 s29, $0x7C;
	v8 =	vor.u32 v8, v9;
	v62 =	vpop (erf)  }
.Ltmp2:
0x1d3: {  	[tilespmem:s31+$0x80] =	vst v6;
	v63 =	vmul.f32 $6.400000000e+01, v62;
	(pc) =	sbr.rel @p0 .LBB2_6-.Ltmp2, $4  }
0x1d4: {  	[tilespmem:s31+$0x90] =	vst v6  }
0x1d5: {  	[tilespmem:s31+$0xA0] =	vst v6;
	v7 =	vmul.f32 v7, v63  }
0x1d6: {  	[tilespmem:s31+$0xB0] =	vst v6  }
0x1d7: {  	s29 =	sadd.s32 $0x4, s29;
	s30 =	sadd.s32 $0x200, s30;
	s31 =	sadd.s32 $0x200, s31;
	[tilespmem:v8+s22+$0x0] =	vst.idx.msk vm1, v7  }
0x1d8: {  	s29 =	simm.s32 $0x0  }
0x1d9: {  	[hbm4b:s9+s29] =	stream.linear.scatter [tilespmem:s22], [sflag:$0x3], $0x4000, $0x38;
	[tilespmem:$0x10000] =	vst v63  }
0x1da: {  	_ = 	snop  }
0x1db: {  	[tilespmem:s29], [sflag:$0x1] =	stream.linear.gather [hbm4b:s10+s29], $0x4000, $0x38;
	[tilespmem:$0x10000] =	vst v63  }
0x1dc: {  	_ =	swait.ge [sflag:s23], $0x4000  }
0x1dd: {  	[sflag:s23] =	ssyncset.done $0x0  }
0x1de: {  	[sflag:s23] =	ssyncadd.s32 $0xFFFFC000  }
0x1df: {  	_ =	swait.ge [sflag:s26], $0x4000  }
0x1e0: {  	[sflag:s26] =	ssyncset.done $0x0  }
0x1e1: {  	s30 =	simm.s32 $0x4100;
	s31 =	simm.s32 $0xC100;
	[sflag:s26] =	ssyncadd.s32 $0xFFFFC000  }
.LBB2_8:
0x1e2: {  	v7 =	vld [tilespmem:s30+$0xFFFFFF00]  }
0x1e3: {  	v8 =	vld [tilespmem:s30+$0xFFFFFF10]  }
0x1e4: {  	v9 =	vld [tilespmem:s30+$0xFFFFFF20]  }
0x1e5: {  	v10 =	vld [tilespmem:s30+$0xFFFFFF30];
	_ =	sdelay $0x1  }
0x1e6: {  	(xrf1) =	vsort.ascd.msk.f32 $0xffff, v7, v0  }
0x1e7: {  	(xrf1) =	vsort.dscd.msk.f32 $0xffff, v8, v1  }
0x1e8: {  	(xrf1) =	vsort.ascd.msk.f32 $0xffff, v9, v2  }
0x1e9: {  	(xrf1) =	vsort.dscd.msk.f32 $0xffff, v10, v3;
	_ =	sdelay $0xa  }
0x1ea: {  	v7, v8, _ =	vpop (xrf1)  }
0x1eb: {  	v50, v51, _ =	vpop (xrf1)  }
0x1ec: {  	v11, v12, _ =	vpop (xrf1);
	vm2 =	vge.f32 v7, v50  }
0x1ed: {  	v7 =	vmax.f32 v7, v50;
	v13, v14, _ =	vpop (xrf1);
	v8 =	vsel vm2, v8, v51  }
0x1ee: {  	v53 =	vperm.xlane v7, v4;
	vm2 =	vge.f32 v11, v13;
	v52 =	vmax.f32 v11, v13  }
0x1ef: {  	v55 =	vperm.xlane v8, v4;
	v54 =	vsel vm2, v12, v14;
	v13 =	vperm.xlane v52, v4  }
0x1f0: {  	vm2 =	vge.f32 v7, v53;
	v14 =	vperm.xlane v54, v4  }
0x1f1: {  	v8 =	vsel vm2, v8, v55;
	vm2 =	vge.f32 v52, v13  }
0x1f2: {  	v7 =	vmax.f32 v7, v53;
	v9 =	vmax.f32 v52, v13;
	v56 =	vsel vm2, v54, v14  }
0x1f3: {  	v7 =	vsel vm0, v7, v9;
	v8 =	vsel vm0, v8, v56  }
0x1f4: {  	(xrf1) =	vsort.ascd.msk.f32 $0xffff, v7, v8;
	_ =	sdelay $0xd  }
0x1f5: {  	v7, v8, _ =	vpop (xrf1)  }
0x1f6: {  	v7 =	vmul.f32 $1.442695020e+00, v7;
	_ =	sdelay $0x1  }
0x1f7: {  	(erf) = vpow2.f32 v7;
	_ =	sdelay $0x8  }
0x1f8: {  	v7 =	vpop (erf)  }
0x1f9: {  	v57 =	vsel vm0, $0x0, v7  }
0x1fa: {  	(xrf2) =	vadd.scan.msk.f32 $0xffff, v57;
	_ =	sdelay $0x9  }
0x1fb: {  	v9, _, _ =	vpop (xrf2)  }
0x1fc: {  	v9 =	vperm.xlane v9, v5;
	_ =	sdelay $0x1  }
0x1fd: {  	(erf) = vrcp.f32 v9;
	_ =	sdelay $0x6  }
0x1fe: {  	s0 =	sshll.u32 s29, $0x7;
	v58 =	vand.u32 $0xFFFFFF80, v8  }
0x1ff: {  	v8 =	vand.u32 $0x7F, v8;
	v9 =	vadd.s32 s0, v58  }
0x200: {  	v8 =	vor.u32 v8, v9;
	v59 =	vpop (erf)  }
0x201: {  	[tilespmem:s31+$0xFFFFFF00] =	vst v6;
	v60 =	vmul.f32 $6.400000000e+01, v59  }
0x202: {  	[tilespmem:s31+$0xFFFFFF10] =	vst v6  }
0x203: {  	[tilespmem:s31+$0xFFFFFF20] =	vst v6;
	v7 =	vmul.f32 v7, v60  }
0x204: {  	[tilespmem:s31+$0xFFFFFF30] =	vst v6  }
0x205: {  	[tilespmem:v8+s24+$0x0] =	vst.idx.msk vm1, v7  }
0x206: {  	v7 =	vld [tilespmem:s30+$0xFFFFFF80]  }
0x207: {  	v8 =	vld [tilespmem:s30+$0xFFFFFF90]  }
0x208: {  	v61 =	vld [tilespmem:s30+$0xFFFFFFA0]  }
0x209: {  	v62 =	vld [tilespmem:s30+$0xFFFFFFB0];
	_ =	sdelay $0x1  }
0x20a: {  	(xrf1) =	vsort.ascd.msk.f32 $0xffff, v7, v0  }
0x20b: {  	(xrf1) =	vsort.dscd.msk.f32 $0xffff, v8, v1  }
0x20c: {  	(xrf1) =	vsort.ascd.msk.f32 $0xffff, v61, v2  }
0x20d: {  	(xrf1) =	vsort.dscd.msk.f32 $0xffff, v62, v3;
	_ =	sdelay $0xa  }
0x20e: {  	v7, v8, _ =	vpop (xrf1)  }
0x20f: {  	v63, v16, _ =	vpop (xrf1)  }
0x210: {  	v18, v17, _ =	vpop (xrf1);
	vm2 =	vge.f32 v7, v63  }
0x211: {  	v7 =	vmax.f32 v7, v63;
	v19, v20, _ =	vpop (xrf1);
	v8 =	vsel vm2, v8, v16  }
0x212: {  	v22 =	vperm.xlane v7, v4;
	vm2 =	vge.f32 v18, v19;
	v21 =	vmax.f32 v18, v19  }
0x213: {  	v24 =	vperm.xlane v8, v4;
	v23 =	vsel vm2, v17, v20;
	v13 =	vperm.xlane v21, v4  }
0x214: {  	vm2 =	vge.f32 v7, v22;
	v14 =	vperm.xlane v23, v4  }
0x215: {  	v8 =	vsel vm2, v8, v24;
	vm2 =	vge.f32 v21, v13  }
0x216: {  	v7 =	vmax.f32 v7, v22;
	v9 =	vmax.f32 v21, v13;
	v25 =	vsel vm2, v23, v14  }
0x217: {  	v7 =	vsel vm0, v7, v9;
	v8 =	vsel vm0, v8, v25  }
0x218: {  	(xrf1) =	vsort.ascd.msk.f32 $0xffff, v7, v8;
	_ =	sdelay $0xd  }
0x219: {  	v7, v8, _ =	vpop (xrf1)  }
0x21a: {  	v7 =	vmul.f32 $1.442695020e+00, v7;
	_ =	sdelay $0x1  }
0x21b: {  	(erf) = vpow2.f32 v7;
	_ =	sdelay $0x8  }
0x21c: {  	v7 =	vpop (erf)  }
0x21d: {  	v26 =	vsel vm0, $0x0, v7  }
0x21e: {  	(xrf2) =	vadd.scan.msk.f32 $0xffff, v26;
	_ =	sdelay $0x9  }
0x21f: {  	v9, _, _ =	vpop (xrf2)  }
0x220: {  	v9 =	vperm.xlane v9, v5;
	_ =	sdelay $0x1  }
0x221: {  	(erf) = vrcp.f32 v9;
	_ =	sdelay $0x6  }
0x222: {  	s2 =	sadd.s32 $0x80, s0;
	v27 =	vand.u32 $0xFFFFFF80, v8  }
0x223: {  	v8 =	vand.u32 $0x7F, v8;
	v9 =	vadd.s32 s2, v27  }
0x224: {  	v8 =	vor.u32 v8, v9;
	v28 =	vpop (erf)  }
0x225: {  	[tilespmem:s31+$0xFFFFFF80] =	vst v6;
	v29 =	vmul.f32 $6.400000000e+01, v28  }
0x226: {  	[tilespmem:s31+$0xFFFFFF90] =	vst v6  }
0x227: {  	[tilespmem:s31+$0xFFFFFFA0] =	vst v6;
	v7 =	vmul.f32 v7, v29  }
0x228: {  	[tilespmem:s31+$0xFFFFFFB0] =	vst v6  }
0x229: {  	[tilespmem:v8+s24+$0x0] =	vst.idx.msk vm1, v7  }
0x22a: {  	v7 =	vld [tilespmem:s30+$0x0]  }
0x22b: {  	v8 =	vld [tilespmem:s30+$0x10]  }
0x22c: {  	v30 =	vld [tilespmem:s30+$0x20]  }
0x22d: {  	v31 =	vld [tilespmem:s30+$0x30];
	_ =	sdelay $0x1  }
0x22e: {  	(xrf1) =	vsort.ascd.msk.f32 $0xffff, v7, v0  }
0x22f: {  	(xrf1) =	vsort.dscd.msk.f32 $0xffff, v8, v1  }
0x230: {  	(xrf1) =	vsort.ascd.msk.f32 $0xffff, v30, v2  }
0x231: {  	(xrf1) =	vsort.dscd.msk.f32 $0xffff, v31, v3;
	_ =	sdelay $0xa  }
0x232: {  	v7, v8, _ =	vpop (xrf1)  }
0x233: {  	v32, v33, _ =	vpop (xrf1)  }
0x234: {  	v35, v34, _ =	vpop (xrf1);
	vm2 =	vge.f32 v7, v32  }
0x235: {  	v7 =	vmax.f32 v7, v32;
	v36, v37, _ =	vpop (xrf1);
	v8 =	vsel vm2, v8, v33  }
0x236: {  	v39 =	vperm.xlane v7, v4;
	vm2 =	vge.f32 v35, v36;
	v38 =	vmax.f32 v35, v36  }
0x237: {  	v41 =	vperm.xlane v8, v4;
	v40 =	vsel vm2, v34, v37;
	v13 =	vperm.xlane v38, v4  }
0x238: {  	vm2 =	vge.f32 v7, v39;
	v14 =	vperm.xlane v40, v4  }
0x239: {  	v8 =	vsel vm2, v8, v41;
	vm2 =	vge.f32 v38, v13  }
0x23a: {  	v7 =	vmax.f32 v7, v39;
	v9 =	vmax.f32 v38, v13;
	v42 =	vsel vm2, v40, v14  }
0x23b: {  	v7 =	vsel vm0, v7, v9;
	v8 =	vsel vm0, v8, v42  }
0x23c: {  	(xrf1) =	vsort.ascd.msk.f32 $0xffff, v7, v8;
	_ =	sdelay $0xd  }
0x23d: {  	v7, v8, _ =	vpop (xrf1)  }
0x23e: {  	v7 =	vmul.f32 $1.442695020e+00, v7;
	_ =	sdelay $0x1  }
0x23f: {  	(erf) = vpow2.f32 v7;
	_ =	sdelay $0x8  }
0x240: {  	v7 =	vpop (erf)  }
0x241: {  	v43 =	vsel vm0, $0x0, v7  }
0x242: {  	(xrf2) =	vadd.scan.msk.f32 $0xffff, v43;
	_ =	sdelay $0x9  }
0x243: {  	v9, _, _ =	vpop (xrf2)  }
0x244: {  	v9 =	vperm.xlane v9, v5;
	_ =	sdelay $0x1  }
0x245: {  	(erf) = vrcp.f32 v9;
	_ =	sdelay $0x6  }
0x246: {  	s2 =	sadd.s32 $0x100, s0;
	v44 =	vand.u32 $0xFFFFFF80, v8  }
0x247: {  	v8 =	vand.u32 $0x7F, v8;
	v9 =	vadd.s32 s2, v44  }
0x248: {  	v8 =	vor.u32 v8, v9;
	v45 =	vpop (erf)  }
0x249: {  	[tilespmem:s31+$0x0] =	vst v6;
	v46 =	vmul.f32 $6.400000000e+01, v45  }
0x24a: {  	[tilespmem:s31+$0x10] =	vst v6  }
0x24b: {  	[tilespmem:s31+$0x20] =	vst v6;
	v7 =	vmul.f32 v7, v46  }
0x24c: {  	[tilespmem:s31+$0x30] =	vst v6  }
0x24d: {  	[tilespmem:v8+s24+$0x0] =	vst.idx.msk vm1, v7  }
0x24e: {  	v7 =	vld [tilespmem:s30+$0x80]  }
0x24f: {  	v8 =	vld [tilespmem:s30+$0x90]  }
0x250: {  	v47 =	vld [tilespmem:s30+$0xA0]  }
0x251: {  	v48 =	vld [tilespmem:s30+$0xB0];
	_ =	sdelay $0x1  }
0x252: {  	(xrf1) =	vsort.ascd.msk.f32 $0xffff, v7, v0  }
0x253: {  	(xrf1) =	vsort.dscd.msk.f32 $0xffff, v8, v1  }
0x254: {  	(xrf1) =	vsort.ascd.msk.f32 $0xffff, v47, v2  }
0x255: {  	(xrf1) =	vsort.dscd.msk.f32 $0xffff, v48, v3;
	_ =	sdelay $0xa  }
0x256: {  	v7, v8, _ =	vpop (xrf1)  }
0x257: {  	v49, v50, _ =	vpop (xrf1)  }
0x258: {  	v52, v51, _ =	vpop (xrf1);
	vm2 =	vge.f32 v7, v49  }
0x259: {  	v7 =	vmax.f32 v7, v49;
	v53, v54, _ =	vpop (xrf1);
	v8 =	vsel vm2, v8, v50  }
0x25a: {  	v56 =	vperm.xlane v7, v4;
	vm2 =	vge.f32 v52, v53;
	v55 =	vmax.f32 v52, v53  }
0x25b: {  	v58 =	vperm.xlane v8, v4;
	v57 =	vsel vm2, v51, v54;
	v13 =	vperm.xlane v55, v4  }
0x25c: {  	vm2 =	vge.f32 v7, v56;
	v14 =	vperm.xlane v57, v4  }
0x25d: {  	v8 =	vsel vm2, v8, v58;
	vm2 =	vge.f32 v55, v13  }
0x25e: {  	v7 =	vmax.f32 v7, v56;
	v9 =	vmax.f32 v55, v13;
	v59 =	vsel vm2, v57, v14  }
0x25f: {  	v7 =	vsel vm0, v7, v9;
	v8 =	vsel vm0, v8, v59  }
0x260: {  	(xrf1) =	vsort.ascd.msk.f32 $0xffff, v7, v8;
	_ =	sdelay $0xd  }
0x261: {  	v7, v8, _ =	vpop (xrf1)  }
0x262: {  	v7 =	vmul.f32 $1.442695020e+00, v7;
	_ =	sdelay $0x1  }
0x263: {  	(erf) = vpow2.f32 v7;
	_ =	sdelay $0x8  }
0x264: {  	v7 =	vpop (erf)  }
0x265: {  	v60 =	vsel vm0, $0x0, v7  }
0x266: {  	(xrf2) =	vadd.scan.msk.f32 $0xffff, v60;
	_ =	sdelay $0x9  }
0x267: {  	v9, _, _ =	vpop (xrf2)  }
0x268: {  	v9 =	vperm.xlane v9, v5;
	_ =	sdelay $0x1  }
0x269: {  	(erf) = vrcp.f32 v9;
	_ =	sdelay $0x6  }
0x26a: {  	s0 =	sadd.s32 $0x180, s0;
	v61 =	vand.u32 $0xFFFFFF80, v8  }
0x26b: {  	v8 =	vand.u32 $0x7F, v8;
	v9 =	vadd.s32 s0, v61  }
0x26c: {  	p0 =	sne.s32 s29, $0x7C;
	v8 =	vor.u32 v8, v9;
	v62 =	vpop (erf)  }
.Ltmp3:
0x26d: {  	[tilespmem:s31+$0x80] =	vst v6;
	v63 =	vmul.f32 $6.400000000e+01, v62;
	(pc) =	sbr.rel @p0 .LBB2_8-.Ltmp3, $4  }
0x26e: {  	[tilespmem:s31+$0x90] =	vst v6  }
0x26f: {  	[tilespmem:s31+$0xA0] =	vst v6;
	v7 =	vmul.f32 v7, v63  }
0x270: {  	[tilespmem:s31+$0xB0] =	vst v6  }
0x271: {  	s29 =	sadd.s32 $0x4, s29;
	s30 =	sadd.s32 $0x200, s30;
	s31 =	sadd.s32 $0x200, s31;
	[tilespmem:v8+s24+$0x0] =	vst.idx.msk vm1, v7  }
0x272: {  	s29 =	simm.s32 $0x0  }
0x273: {  	[hbm4b:s11+s29] =	stream.linear.scatter [tilespmem:s24], [sflag:$0x4], $0x4000, $0x38;
	[tilespmem:$0x10000] =	vst v63  }
0x274: {  	_ = 	snop  }
0x275: {  	[tilespmem:s20], [sflag:$0x2] =	stream.linear.gather [hbm4b:s12+s29], $0x4000, $0x38;
	[tilespmem:$0x10000] =	vst v63  }
0x276: {  	_ =	swait.ge [sflag:s21], $0x4000  }
0x277: {  	[sflag:s21] =	ssyncset.done $0x0  }
0x278: {  	[sflag:s21] =	ssyncadd.s32 $0xFFFFC000  }
0x279: {  	_ =	swait.ge [sflag:s25], $0x4000  }
0x27a: {  	[sflag:s25] =	ssyncset.done $0x0  }
0x27b: {  	s30 =	simm.s32 $0x100;
	s31 =	simm.s32 $0x8100;
	[sflag:s25] =	ssyncadd.s32 $0xFFFFC000  }
.LBB2_10:
0x27c: {  	v7 =	vld [tilespmem:s30+$0xFFFFFF00]  }
0x27d: {  	v8 =	vld [tilespmem:s30+$0xFFFFFF10]  }
0x27e: {  	v9 =	vld [tilespmem:s30+$0xFFFFFF20]  }
0x27f: {  	v10 =	vld [tilespmem:s30+$0xFFFFFF30];
	_ =	sdelay $0x1  }
0x280: {  	(xrf1) =	vsort.ascd.msk.f32 $0xffff, v7, v0  }
0x281: {  	(xrf1) =	vsort.dscd.msk.f32 $0xffff, v8, v1  }
0x282: {  	(xrf1) =	vsort.ascd.msk.f32 $0xffff, v9, v2  }
0x283: {  	(xrf1) =	vsort.dscd.msk.f32 $0xffff, v10, v3;
	_ =	sdelay $0xa  }
0x284: {  	v7, v8, _ =	vpop (xrf1)  }
0x285: {  	v50, v51, _ =	vpop (xrf1)  }
0x286: {  	v11, v12, _ =	vpop (xrf1);
	vm2 =	vge.f32 v7, v50  }
0x287: {  	v7 =	vmax.f32 v7, v50;
	v13, v14, _ =	vpop (xrf1);
	v8 =	vsel vm2, v8, v51  }
0x288: {  	v53 =	vperm.xlane v7, v4;
	vm2 =	vge.f32 v11, v13;
	v52 =	vmax.f32 v11, v13  }
0x289: {  	v55 =	vperm.xlane v8, v4;
	v54 =	vsel vm2, v12, v14;
	v13 =	vperm.xlane v52, v4  }
0x28a: {  	vm2 =	vge.f32 v7, v53;
	v14 =	vperm.xlane v54, v4  }
0x28b: {  	v8 =	vsel vm2, v8, v55;
	vm2 =	vge.f32 v52, v13  }
0x28c: {  	v7 =	vmax.f32 v7, v53;
	v9 =	vmax.f32 v52, v13;
	v56 =	vsel vm2, v54, v14  }
0x28d: {  	v7 =	vsel vm0, v7, v9;
	v8 =	vsel vm0, v8, v56  }
0x28e: {  	(xrf1) =	vsort.ascd.msk.f32 $0xffff, v7, v8;
	_ =	sdelay $0xd  }
0x28f: {  	v7, v8, _ =	vpop (xrf1)  }
0x290: {  	v7 =	vmul.f32 $1.442695020e+00, v7;
	_ =	sdelay $0x1  }
0x291: {  	(erf) = vpow2.f32 v7;
	_ =	sdelay $0x8  }
0x292: {  	v7 =	vpop (erf)  }
0x293: {  	v57 =	vsel vm0, $0x0, v7  }
0x294: {  	(xrf2) =	vadd.scan.msk.f32 $0xffff, v57;
	_ =	sdelay $0x9  }
0x295: {  	v9, _, _ =	vpop (xrf2)  }
0x296: {  	v9 =	vperm.xlane v9, v5;
	_ =	sdelay $0x1  }
0x297: {  	(erf) = vrcp.f32 v9;
	_ =	sdelay $0x6  }
0x298: {  	s0 =	sshll.u32 s29, $0x7;
	v58 =	vand.u32 $0xFFFFFF80, v8  }
0x299: {  	v8 =	vand.u32 $0x7F, v8;
	v9 =	vadd.s32 s0, v58  }
0x29a: {  	v8 =	vor.u32 v8, v9;
	v59 =	vpop (erf)  }
0x29b: {  	[tilespmem:s31+$0xFFFFFF00] =	vst v6;
	v60 =	vmul.f32 $6.400000000e+01, v59  }
0x29c: {  	[tilespmem:s31+$0xFFFFFF10] =	vst v6  }
0x29d: {  	[tilespmem:s31+$0xFFFFFF20] =	vst v6;
	v7 =	vmul.f32 v7, v60  }
0x29e: {  	[tilespmem:s31+$0xFFFFFF30] =	vst v6  }
0x29f: {  	[tilespmem:v8+s22+$0x0] =	vst.idx.msk vm1, v7  }
0x2a0: {  	v7 =	vld [tilespmem:s30+$0xFFFFFF80]  }
0x2a1: {  	v8 =	vld [tilespmem:s30+$0xFFFFFF90]  }
0x2a2: {  	v61 =	vld [tilespmem:s30+$0xFFFFFFA0]  }
0x2a3: {  	v62 =	vld [tilespmem:s30+$0xFFFFFFB0];
	_ =	sdelay $0x1  }
0x2a4: {  	(xrf1) =	vsort.ascd.msk.f32 $0xffff, v7, v0  }
0x2a5: {  	(xrf1) =	vsort.dscd.msk.f32 $0xffff, v8, v1  }
0x2a6: {  	(xrf1) =	vsort.ascd.msk.f32 $0xffff, v61, v2  }
0x2a7: {  	(xrf1) =	vsort.dscd.msk.f32 $0xffff, v62, v3;
	_ =	sdelay $0xa  }
0x2a8: {  	v7, v8, _ =	vpop (xrf1)  }
0x2a9: {  	v63, v16, _ =	vpop (xrf1)  }
0x2aa: {  	v18, v17, _ =	vpop (xrf1);
	vm2 =	vge.f32 v7, v63  }
0x2ab: {  	v7 =	vmax.f32 v7, v63;
	v19, v20, _ =	vpop (xrf1);
	v8 =	vsel vm2, v8, v16  }
0x2ac: {  	v22 =	vperm.xlane v7, v4;
	vm2 =	vge.f32 v18, v19;
	v21 =	vmax.f32 v18, v19  }
0x2ad: {  	v24 =	vperm.xlane v8, v4;
	v23 =	vsel vm2, v17, v20;
	v13 =	vperm.xlane v21, v4  }
0x2ae: {  	vm2 =	vge.f32 v7, v22;
	v14 =	vperm.xlane v23, v4  }
0x2af: {  	v8 =	vsel vm2, v8, v24;
	vm2 =	vge.f32 v21, v13  }
0x2b0: {  	v7 =	vmax.f32 v7, v22;
	v9 =	vmax.f32 v21, v13;
	v25 =	vsel vm2, v23, v14  }
0x2b1: {  	v7 =	vsel vm0, v7, v9;
	v8 =	vsel vm0, v8, v25  }
0x2b2: {  	(xrf1) =	vsort.ascd.msk.f32 $0xffff, v7, v8;
	_ =	sdelay $0xd  }
0x2b3: {  	v7, v8, _ =	vpop (xrf1)  }
0x2b4: {  	v7 =	vmul.f32 $1.442695020e+00, v7;
	_ =	sdelay $0x1  }
0x2b5: {  	(erf) = vpow2.f32 v7;
	_ =	sdelay $0x8  }
0x2b6: {  	v7 =	vpop (erf)  }
0x2b7: {  	v26 =	vsel vm0, $0x0, v7  }
0x2b8: {  	(xrf2) =	vadd.scan.msk.f32 $0xffff, v26;
	_ =	sdelay $0x9  }
0x2b9: {  	v9, _, _ =	vpop (xrf2)  }
0x2ba: {  	v9 =	vperm.xlane v9, v5;
	_ =	sdelay $0x1  }
0x2bb: {  	(erf) = vrcp.f32 v9;
	_ =	sdelay $0x6  }
0x2bc: {  	s2 =	sadd.s32 $0x80, s0;
	v27 =	vand.u32 $0xFFFFFF80, v8  }
0x2bd: {  	v8 =	vand.u32 $0x7F, v8;
	v9 =	vadd.s32 s2, v27  }
0x2be: {  	v8 =	vor.u32 v8, v9;
	v28 =	vpop (erf)  }
0x2bf: {  	[tilespmem:s31+$0xFFFFFF80] =	vst v6;
	v29 =	vmul.f32 $6.400000000e+01, v28  }
0x2c0: {  	[tilespmem:s31+$0xFFFFFF90] =	vst v6  }
0x2c1: {  	[tilespmem:s31+$0xFFFFFFA0] =	vst v6;
	v7 =	vmul.f32 v7, v29  }
0x2c2: {  	[tilespmem:s31+$0xFFFFFFB0] =	vst v6  }
0x2c3: {  	[tilespmem:v8+s22+$0x0] =	vst.idx.msk vm1, v7  }
0x2c4: {  	v7 =	vld [tilespmem:s30+$0x0]  }
0x2c5: {  	v8 =	vld [tilespmem:s30+$0x10]  }
0x2c6: {  	v30 =	vld [tilespmem:s30+$0x20]  }
0x2c7: {  	v31 =	vld [tilespmem:s30+$0x30];
	_ =	sdelay $0x1  }
0x2c8: {  	(xrf1) =	vsort.ascd.msk.f32 $0xffff, v7, v0  }
0x2c9: {  	(xrf1) =	vsort.dscd.msk.f32 $0xffff, v8, v1  }
0x2ca: {  	(xrf1) =	vsort.ascd.msk.f32 $0xffff, v30, v2  }
0x2cb: {  	(xrf1) =	vsort.dscd.msk.f32 $0xffff, v31, v3;
	_ =	sdelay $0xa  }
0x2cc: {  	v7, v8, _ =	vpop (xrf1)  }
0x2cd: {  	v32, v33, _ =	vpop (xrf1)  }
0x2ce: {  	v35, v34, _ =	vpop (xrf1);
	vm2 =	vge.f32 v7, v32  }
0x2cf: {  	v7 =	vmax.f32 v7, v32;
	v36, v37, _ =	vpop (xrf1);
	v8 =	vsel vm2, v8, v33  }
0x2d0: {  	v39 =	vperm.xlane v7, v4;
	vm2 =	vge.f32 v35, v36;
	v38 =	vmax.f32 v35, v36  }
0x2d1: {  	v41 =	vperm.xlane v8, v4;
	v40 =	vsel vm2, v34, v37;
	v13 =	vperm.xlane v38, v4  }
0x2d2: {  	vm2 =	vge.f32 v7, v39;
	v14 =	vperm.xlane v40, v4  }
0x2d3: {  	v8 =	vsel vm2, v8, v41;
	vm2 =	vge.f32 v38, v13  }
0x2d4: {  	v7 =	vmax.f32 v7, v39;
	v9 =	vmax.f32 v38, v13;
	v42 =	vsel vm2, v40, v14  }
0x2d5: {  	v7 =	vsel vm0, v7, v9;
	v8 =	vsel vm0, v8, v42  }
0x2d6: {  	(xrf1) =	vsort.ascd.msk.f32 $0xffff, v7, v8;
	_ =	sdelay $0xd  }
0x2d7: {  	v7, v8, _ =	vpop (xrf1)  }
0x2d8: {  	v7 =	vmul.f32 $1.442695020e+00, v7;
	_ =	sdelay $0x1  }
0x2d9: {  	(erf) = vpow2.f32 v7;
	_ =	sdelay $0x8  }
0x2da: {  	v7 =	vpop (erf)  }
0x2db: {  	v43 =	vsel vm0, $0x0, v7  }
0x2dc: {  	(xrf2) =	vadd.scan.msk.f32 $0xffff, v43;
	_ =	sdelay $0x9  }
0x2dd: {  	v9, _, _ =	vpop (xrf2)  }
0x2de: {  	v9 =	vperm.xlane v9, v5;
	_ =	sdelay $0x1  }
0x2df: {  	(erf) = vrcp.f32 v9;
	_ =	sdelay $0x6  }
0x2e0: {  	s2 =	sadd.s32 $0x100, s0;
	v44 =	vand.u32 $0xFFFFFF80, v8  }
0x2e1: {  	v8 =	vand.u32 $0x7F, v8;
	v9 =	vadd.s32 s2, v44  }
0x2e2: {  	v8 =	vor.u32 v8, v9;
	v45 =	vpop (erf)  }
0x2e3: {  	[tilespmem:s31+$0x0] =	vst v6;
	v46 =	vmul.f32 $6.400000000e+01, v45  }
0x2e4: {  	[tilespmem:s31+$0x10] =	vst v6  }
0x2e5: {  	[tilespmem:s31+$0x20] =	vst v6;
	v7 =	vmul.f32 v7, v46  }
0x2e6: {  	[tilespmem:s31+$0x30] =	vst v6  }
0x2e7: {  	[tilespmem:v8+s22+$0x0] =	vst.idx.msk vm1, v7  }
0x2e8: {  	v7 =	vld [tilespmem:s30+$0x80]  }
0x2e9: {  	v8 =	vld [tilespmem:s30+$0x90]  }
0x2ea: {  	v47 =	vld [tilespmem:s30+$0xA0]  }
0x2eb: {  	v48 =	vld [tilespmem:s30+$0xB0];
	_ =	sdelay $0x1  }
0x2ec: {  	(xrf1) =	vsort.ascd.msk.f32 $0xffff, v7, v0  }
0x2ed: {  	(xrf1) =	vsort.dscd.msk.f32 $0xffff, v8, v1  }
0x2ee: {  	(xrf1) =	vsort.ascd.msk.f32 $0xffff, v47, v2  }
0x2ef: {  	(xrf1) =	vsort.dscd.msk.f32 $0xffff, v48, v3;
	_ =	sdelay $0xa  }
0x2f0: {  	v7, v8, _ =	vpop (xrf1)  }
0x2f1: {  	v49, v50, _ =	vpop (xrf1)  }
0x2f2: {  	v52, v51, _ =	vpop (xrf1);
	vm2 =	vge.f32 v7, v49  }
0x2f3: {  	v7 =	vmax.f32 v7, v49;
	v53, v54, _ =	vpop (xrf1);
	v8 =	vsel vm2, v8, v50  }
0x2f4: {  	v56 =	vperm.xlane v7, v4;
	vm2 =	vge.f32 v52, v53;
	v55 =	vmax.f32 v52, v53  }
0x2f5: {  	v58 =	vperm.xlane v8, v4;
	v57 =	vsel vm2, v51, v54;
	v13 =	vperm.xlane v55, v4  }
0x2f6: {  	vm2 =	vge.f32 v7, v56;
	v14 =	vperm.xlane v57, v4  }
0x2f7: {  	v8 =	vsel vm2, v8, v58;
	vm2 =	vge.f32 v55, v13  }
0x2f8: {  	v7 =	vmax.f32 v7, v56;
	v9 =	vmax.f32 v55, v13;
	v59 =	vsel vm2, v57, v14  }
0x2f9: {  	v7 =	vsel vm0, v7, v9;
	v8 =	vsel vm0, v8, v59  }
0x2fa: {  	(xrf1) =	vsort.ascd.msk.f32 $0xffff, v7, v8;
	_ =	sdelay $0xd  }
0x2fb: {  	v7, v8, _ =	vpop (xrf1)  }
0x2fc: {  	v7 =	vmul.f32 $1.442695020e+00, v7;
	_ =	sdelay $0x1  }
0x2fd: {  	(erf) = vpow2.f32 v7;
	_ =	sdelay $0x8  }
0x2fe: {  	v7 =	vpop (erf)  }
0x2ff: {  	v60 =	vsel vm0, $0x0, v7  }
0x300: {  	(xrf2) =	vadd.scan.msk.f32 $0xffff, v60;
	_ =	sdelay $0x9  }
0x301: {  	v9, _, _ =	vpop (xrf2)  }
0x302: {  	v9 =	vperm.xlane v9, v5;
	_ =	sdelay $0x1  }
0x303: {  	(erf) = vrcp.f32 v9;
	_ =	sdelay $0x6  }
0x304: {  	s0 =	sadd.s32 $0x180, s0;
	v61 =	vand.u32 $0xFFFFFF80, v8  }
0x305: {  	v8 =	vand.u32 $0x7F, v8;
	v9 =	vadd.s32 s0, v61  }
0x306: {  	p0 =	sne.s32 s29, $0x7C;
	v8 =	vor.u32 v8, v9;
	v62 =	vpop (erf)  }
.Ltmp4:
0x307: {  	[tilespmem:s31+$0x80] =	vst v6;
	v63 =	vmul.f32 $6.400000000e+01, v62;
	(pc) =	sbr.rel @p0 .LBB2_10-.Ltmp4, $4  }
0x308: {  	[tilespmem:s31+$0x90] =	vst v6  }
0x309: {  	[tilespmem:s31+$0xA0] =	vst v6;
	v7 =	vmul.f32 v7, v63  }
0x30a: {  	[tilespmem:s31+$0xB0] =	vst v6  }
0x30b: {  	s29 =	sadd.s32 $0x4, s29;
	s30 =	sadd.s32 $0x200, s30;
	s31 =	sadd.s32 $0x200, s31;
	[tilespmem:v8+s22+$0x0] =	vst.idx.msk vm1, v7  }
0x30c: {  	s29 =	simm.s32 $0x0  }
0x30d: {  	[hbm4b:s13+s29] =	stream.linear.scatter [tilespmem:s22], [sflag:$0x3], $0x4000, $0x38;
	[tilespmem:$0x10000] =	vst v63  }
0x30e: {  	_ = 	snop  }
0x30f: {  	[tilespmem:s29], [sflag:$0x1] =	stream.linear.gather [hbm4b:s14+s29], $0x4000, $0x38;
	[tilespmem:$0x10000] =	vst v63  }
0x310: {  	_ =	swait.ge [sflag:s23], $0x4000  }
0x311: {  	[sflag:s23] =	ssyncset.done $0x0  }
0x312: {  	[sflag:s23] =	ssyncadd.s32 $0xFFFFC000  }
0x313: {  	_ =	swait.ge [sflag:s26], $0x4000  }
0x314: {  	[sflag:s26] =	ssyncset.done $0x0  }
0x315: {  	s30 =	simm.s32 $0x4100;
	s31 =	simm.s32 $0xC100;
	[sflag:s26] =	ssyncadd.s32 $0xFFFFC000  }
.LBB2_12:
0x316: {  	v7 =	vld [tilespmem:s30+$0xFFFFFF00]  }
0x317: {  	v8 =	vld [tilespmem:s30+$0xFFFFFF10]  }
0x318: {  	v9 =	vld [tilespmem:s30+$0xFFFFFF20]  }
0x319: {  	v10 =	vld [tilespmem:s30+$0xFFFFFF30];
	_ =	sdelay $0x1  }
0x31a: {  	(xrf1) =	vsort.ascd.msk.f32 $0xffff, v7, v0  }
0x31b: {  	(xrf1) =	vsort.dscd.msk.f32 $0xffff, v8, v1  }
0x31c: {  	(xrf1) =	vsort.ascd.msk.f32 $0xffff, v9, v2  }
0x31d: {  	(xrf1) =	vsort.dscd.msk.f32 $0xffff, v10, v3;
	_ =	sdelay $0xa  }
0x31e: {  	v7, v8, _ =	vpop (xrf1)  }
0x31f: {  	v50, v51, _ =	vpop (xrf1)  }
0x320: {  	v11, v12, _ =	vpop (xrf1);
	vm2 =	vge.f32 v7, v50  }
0x321: {  	v7 =	vmax.f32 v7, v50;
	v13, v14, _ =	vpop (xrf1);
	v8 =	vsel vm2, v8, v51  }
0x322: {  	v53 =	vperm.xlane v7, v4;
	vm2 =	vge.f32 v11, v13;
	v52 =	vmax.f32 v11, v13  }
0x323: {  	v55 =	vperm.xlane v8, v4;
	v54 =	vsel vm2, v12, v14;
	v13 =	vperm.xlane v52, v4  }
0x324: {  	vm2 =	vge.f32 v7, v53;
	v14 =	vperm.xlane v54, v4  }
0x325: {  	v8 =	vsel vm2, v8, v55;
	vm2 =	vge.f32 v52, v13  }
0x326: {  	v7 =	vmax.f32 v7, v53;
	v9 =	vmax.f32 v52, v13;
	v56 =	vsel vm2, v54, v14  }
0x327: {  	v7 =	vsel vm0, v7, v9;
	v8 =	vsel vm0, v8, v56  }
0x328: {  	(xrf1) =	vsort.ascd.msk.f32 $0xffff, v7, v8;
	_ =	sdelay $0xd  }
0x329: {  	v7, v8, _ =	vpop (xrf1)  }
0x32a: {  	v7 =	vmul.f32 $1.442695020e+00, v7;
	_ =	sdelay $0x1  }
0x32b: {  	(erf) = vpow2.f32 v7;
	_ =	sdelay $0x8  }
0x32c: {  	v7 =	vpop (erf)  }
0x32d: {  	v57 =	vsel vm0, $0x0, v7  }
0x32e: {  	(xrf2) =	vadd.scan.msk.f32 $0xffff, v57;
	_ =	sdelay $0x9  }
0x32f: {  	v9, _, _ =	vpop (xrf2)  }
0x330: {  	v9 =	vperm.xlane v9, v5;
	_ =	sdelay $0x1  }
0x331: {  	(erf) = vrcp.f32 v9;
	_ =	sdelay $0x6  }
0x332: {  	s0 =	sshll.u32 s29, $0x7;
	v58 =	vand.u32 $0xFFFFFF80, v8  }
0x333: {  	v8 =	vand.u32 $0x7F, v8;
	v9 =	vadd.s32 s0, v58  }
0x334: {  	v8 =	vor.u32 v8, v9;
	v59 =	vpop (erf)  }
0x335: {  	[tilespmem:s31+$0xFFFFFF00] =	vst v6;
	v60 =	vmul.f32 $6.400000000e+01, v59  }
0x336: {  	[tilespmem:s31+$0xFFFFFF10] =	vst v6  }
0x337: {  	[tilespmem:s31+$0xFFFFFF20] =	vst v6;
	v7 =	vmul.f32 v7, v60  }
0x338: {  	[tilespmem:s31+$0xFFFFFF30] =	vst v6  }
0x339: {  	[tilespmem:v8+s24+$0x0] =	vst.idx.msk vm1, v7  }
0x33a: {  	v7 =	vld [tilespmem:s30+$0xFFFFFF80]  }
0x33b: {  	v8 =	vld [tilespmem:s30+$0xFFFFFF90]  }
0x33c: {  	v61 =	vld [tilespmem:s30+$0xFFFFFFA0]  }
0x33d: {  	v62 =	vld [tilespmem:s30+$0xFFFFFFB0];
	_ =	sdelay $0x1  }
0x33e: {  	(xrf1) =	vsort.ascd.msk.f32 $0xffff, v7, v0  }
0x33f: {  	(xrf1) =	vsort.dscd.msk.f32 $0xffff, v8, v1  }
0x340: {  	(xrf1) =	vsort.ascd.msk.f32 $0xffff, v61, v2  }
0x341: {  	(xrf1) =	vsort.dscd.msk.f32 $0xffff, v62, v3;
	_ =	sdelay $0xa  }
0x342: {  	v7, v8, _ =	vpop (xrf1)  }
0x343: {  	v63, v16, _ =	vpop (xrf1)  }
0x344: {  	v18, v17, _ =	vpop (xrf1);
	vm2 =	vge.f32 v7, v63  }
0x345: {  	v7 =	vmax.f32 v7, v63;
	v19, v20, _ =	vpop (xrf1);
	v8 =	vsel vm2, v8, v16  }
0x346: {  	v22 =	vperm.xlane v7, v4;
	vm2 =	vge.f32 v18, v19;
	v21 =	vmax.f32 v18, v19  }
0x347: {  	v24 =	vperm.xlane v8, v4;
	v23 =	vsel vm2, v17, v20;
	v13 =	vperm.xlane v21, v4  }
0x348: {  	vm2 =	vge.f32 v7, v22;
	v14 =	vperm.xlane v23, v4  }
0x349: {  	v8 =	vsel vm2, v8, v24;
	vm2 =	vge.f32 v21, v13  }
0x34a: {  	v7 =	vmax.f32 v7, v22;
	v9 =	vmax.f32 v21, v13;
	v25 =	vsel vm2, v23, v14  }
0x34b: {  	v7 =	vsel vm0, v7, v9;
	v8 =	vsel vm0, v8, v25  }
0x34c: {  	(xrf1) =	vsort.ascd.msk.f32 $0xffff, v7, v8;
	_ =	sdelay $0xd  }
0x34d: {  	v7, v8, _ =	vpop (xrf1)  }
0x34e: {  	v7 =	vmul.f32 $1.442695020e+00, v7;
	_ =	sdelay $0x1  }
0x34f: {  	(erf) = vpow2.f32 v7;
	_ =	sdelay $0x8  }
0x350: {  	v7 =	vpop (erf)  }
0x351: {  	v26 =	vsel vm0, $0x0, v7  }
0x352: {  	(xrf2) =	vadd.scan.msk.f32 $0xffff, v26;
	_ =	sdelay $0x9  }
0x353: {  	v9, _, _ =	vpop (xrf2)  }
0x354: {  	v9 =	vperm.xlane v9, v5;
	_ =	sdelay $0x1  }
0x355: {  	(erf) = vrcp.f32 v9;
	_ =	sdelay $0x6  }
0x356: {  	s2 =	sadd.s32 $0x80, s0;
	v27 =	vand.u32 $0xFFFFFF80, v8  }
0x357: {  	v8 =	vand.u32 $0x7F, v8;
	v9 =	vadd.s32 s2, v27  }
0x358: {  	v8 =	vor.u32 v8, v9;
	v28 =	vpop (erf)  }
0x359: {  	[tilespmem:s31+$0xFFFFFF80] =	vst v6;
	v29 =	vmul.f32 $6.400000000e+01, v28  }
0x35a: {  	[tilespmem:s31+$0xFFFFFF90] =	vst v6  }
0x35b: {  	[tilespmem:s31+$0xFFFFFFA0] =	vst v6;
	v7 =	vmul.f32 v7, v29  }
0x35c: {  	[tilespmem:s31+$0xFFFFFFB0] =	vst v6  }
0x35d: {  	[tilespmem:v8+s24+$0x0] =	vst.idx.msk vm1, v7  }
0x35e: {  	v7 =	vld [tilespmem:s30+$0x0]  }
0x35f: {  	v8 =	vld [tilespmem:s30+$0x10]  }
0x360: {  	v30 =	vld [tilespmem:s30+$0x20]  }
0x361: {  	v31 =	vld [tilespmem:s30+$0x30];
	_ =	sdelay $0x1  }
0x362: {  	(xrf1) =	vsort.ascd.msk.f32 $0xffff, v7, v0  }
0x363: {  	(xrf1) =	vsort.dscd.msk.f32 $0xffff, v8, v1  }
0x364: {  	(xrf1) =	vsort.ascd.msk.f32 $0xffff, v30, v2  }
0x365: {  	(xrf1) =	vsort.dscd.msk.f32 $0xffff, v31, v3;
	_ =	sdelay $0xa  }
0x366: {  	v7, v8, _ =	vpop (xrf1)  }
0x367: {  	v32, v33, _ =	vpop (xrf1)  }
0x368: {  	v35, v34, _ =	vpop (xrf1);
	vm2 =	vge.f32 v7, v32  }
0x369: {  	v7 =	vmax.f32 v7, v32;
	v36, v37, _ =	vpop (xrf1);
	v8 =	vsel vm2, v8, v33  }
0x36a: {  	v39 =	vperm.xlane v7, v4;
	vm2 =	vge.f32 v35, v36;
	v38 =	vmax.f32 v35, v36  }
0x36b: {  	v41 =	vperm.xlane v8, v4;
	v40 =	vsel vm2, v34, v37;
	v13 =	vperm.xlane v38, v4  }
0x36c: {  	vm2 =	vge.f32 v7, v39;
	v14 =	vperm.xlane v40, v4  }
0x36d: {  	v8 =	vsel vm2, v8, v41;
	vm2 =	vge.f32 v38, v13  }
0x36e: {  	v7 =	vmax.f32 v7, v39;
	v9 =	vmax.f32 v38, v13;
	v42 =	vsel vm2, v40, v14  }
0x36f: {  	v7 =	vsel vm0, v7, v9;
	v8 =	vsel vm0, v8, v42  }
0x370: {  	(xrf1) =	vsort.ascd.msk.f32 $0xffff, v7, v8;
	_ =	sdelay $0xd  }
0x371: {  	v7, v8, _ =	vpop (xrf1)  }
0x372: {  	v7 =	vmul.f32 $1.442695020e+00, v7;
	_ =	sdelay $0x1  }
0x373: {  	(erf) = vpow2.f32 v7;
	_ =	sdelay $0x8  }
0x374: {  	v7 =	vpop (erf)  }
0x375: {  	v43 =	vsel vm0, $0x0, v7  }
0x376: {  	(xrf2) =	vadd.scan.msk.f32 $0xffff, v43;
	_ =	sdelay $0x9  }
0x377: {  	v9, _, _ =	vpop (xrf2)  }
0x378: {  	v9 =	vperm.xlane v9, v5;
	_ =	sdelay $0x1  }
0x379: {  	(erf) = vrcp.f32 v9;
	_ =	sdelay $0x6  }
0x37a: {  	s2 =	sadd.s32 $0x100, s0;
	v44 =	vand.u32 $0xFFFFFF80, v8  }
0x37b: {  	v8 =	vand.u32 $0x7F, v8;
	v9 =	vadd.s32 s2, v44  }
0x37c: {  	v8 =	vor.u32 v8, v9;
	v45 =	vpop (erf)  }
0x37d: {  	[tilespmem:s31+$0x0] =	vst v6;
	v46 =	vmul.f32 $6.400000000e+01, v45  }
0x37e: {  	[tilespmem:s31+$0x10] =	vst v6  }
0x37f: {  	[tilespmem:s31+$0x20] =	vst v6;
	v7 =	vmul.f32 v7, v46  }
0x380: {  	[tilespmem:s31+$0x30] =	vst v6  }
0x381: {  	[tilespmem:v8+s24+$0x0] =	vst.idx.msk vm1, v7  }
0x382: {  	v7 =	vld [tilespmem:s30+$0x80]  }
0x383: {  	v8 =	vld [tilespmem:s30+$0x90]  }
0x384: {  	v47 =	vld [tilespmem:s30+$0xA0]  }
0x385: {  	v48 =	vld [tilespmem:s30+$0xB0];
	_ =	sdelay $0x1  }
0x386: {  	(xrf1) =	vsort.ascd.msk.f32 $0xffff, v7, v0  }
0x387: {  	(xrf1) =	vsort.dscd.msk.f32 $0xffff, v8, v1  }
0x388: {  	(xrf1) =	vsort.ascd.msk.f32 $0xffff, v47, v2  }
0x389: {  	(xrf1) =	vsort.dscd.msk.f32 $0xffff, v48, v3;
	_ =	sdelay $0xa  }
0x38a: {  	v7, v8, _ =	vpop (xrf1)  }
0x38b: {  	v49, v50, _ =	vpop (xrf1)  }
0x38c: {  	v52, v51, _ =	vpop (xrf1);
	vm2 =	vge.f32 v7, v49  }
0x38d: {  	v7 =	vmax.f32 v7, v49;
	v53, v54, _ =	vpop (xrf1);
	v8 =	vsel vm2, v8, v50  }
0x38e: {  	v56 =	vperm.xlane v7, v4;
	vm2 =	vge.f32 v52, v53;
	v55 =	vmax.f32 v52, v53  }
0x38f: {  	v58 =	vperm.xlane v8, v4;
	v57 =	vsel vm2, v51, v54;
	v13 =	vperm.xlane v55, v4  }
0x390: {  	vm2 =	vge.f32 v7, v56;
	v14 =	vperm.xlane v57, v4  }
0x391: {  	v8 =	vsel vm2, v8, v58;
	vm2 =	vge.f32 v55, v13  }
0x392: {  	v7 =	vmax.f32 v7, v56;
	v9 =	vmax.f32 v55, v13;
	v59 =	vsel vm2, v57, v14  }
0x393: {  	v7 =	vsel vm0, v7, v9;
	v8 =	vsel vm0, v8, v59  }
0x394: {  	(xrf1) =	vsort.ascd.msk.f32 $0xffff, v7, v8;
	_ =	sdelay $0xd  }
0x395: {  	v7, v8, _ =	vpop (xrf1)  }
0x396: {  	v7 =	vmul.f32 $1.442695020e+00, v7;
	_ =	sdelay $0x1  }
0x397: {  	(erf) = vpow2.f32 v7;
	_ =	sdelay $0x8  }
0x398: {  	v7 =	vpop (erf)  }
0x399: {  	v60 =	vsel vm0, $0x0, v7  }
0x39a: {  	(xrf2) =	vadd.scan.msk.f32 $0xffff, v60;
	_ =	sdelay $0x9  }
0x39b: {  	v9, _, _ =	vpop (xrf2)  }
0x39c: {  	v9 =	vperm.xlane v9, v5;
	_ =	sdelay $0x1  }
0x39d: {  	(erf) = vrcp.f32 v9;
	_ =	sdelay $0x6  }
0x39e: {  	s0 =	sadd.s32 $0x180, s0;
	v61 =	vand.u32 $0xFFFFFF80, v8  }
0x39f: {  	v8 =	vand.u32 $0x7F, v8;
	v9 =	vadd.s32 s0, v61  }
0x3a0: {  	p0 =	sne.s32 s29, $0x7C;
	v8 =	vor.u32 v8, v9;
	v62 =	vpop (erf)  }
.Ltmp5:
0x3a1: {  	[tilespmem:s31+$0x80] =	vst v6;
	v63 =	vmul.f32 $6.400000000e+01, v62;
	(pc) =	sbr.rel @p0 .LBB2_12-.Ltmp5, $4  }
0x3a2: {  	[tilespmem:s31+$0x90] =	vst v6  }
0x3a3: {  	[tilespmem:s31+$0xA0] =	vst v6;
	v7 =	vmul.f32 v7, v63  }
0x3a4: {  	[tilespmem:s31+$0xB0] =	vst v6  }
0x3a5: {  	s29 =	sadd.s32 $0x4, s29;
	s30 =	sadd.s32 $0x200, s30;
	s31 =	sadd.s32 $0x200, s31;
	[tilespmem:v8+s24+$0x0] =	vst.idx.msk vm1, v7  }
0x3a6: {  	s29 =	simm.s32 $0x0  }
0x3a7: {  	[hbm4b:s15+s29] =	stream.linear.scatter [tilespmem:s24], [sflag:$0x4], $0x4000, $0x38;
	[tilespmem:$0x10000] =	vst v63  }
0x3a8: {  	_ = 	snop  }
0x3a9: {  	[tilespmem:s20], [sflag:$0x2] =	stream.linear.gather [hbm4b:s16+s29], $0x4000, $0x38;
	[tilespmem:$0x10000] =	vst v63  }
0x3aa: {  	_ =	swait.ge [sflag:s21], $0x4000  }
0x3ab: {  	[sflag:s21] =	ssyncset.done $0x0  }
0x3ac: {  	[sflag:s21] =	ssyncadd.s32 $0xFFFFC000  }
0x3ad: {  	_ =	swait.ge [sflag:s25], $0x4000  }
0x3ae: {  	[sflag:s25] =	ssyncset.done $0x0  }
0x3af: {  	s30 =	simm.s32 $0x100;
	s31 =	simm.s32 $0x8100;
	[sflag:s25] =	ssyncadd.s32 $0xFFFFC000  }
.LBB2_14:
0x3b0: {  	v7 =	vld [tilespmem:s30+$0xFFFFFF00]  }
0x3b1: {  	v8 =	vld [tilespmem:s30+$0xFFFFFF10]  }
0x3b2: {  	v9 =	vld [tilespmem:s30+$0xFFFFFF20]  }
0x3b3: {  	v10 =	vld [tilespmem:s30+$0xFFFFFF30];
	_ =	sdelay $0x1  }
0x3b4: {  	(xrf1) =	vsort.ascd.msk.f32 $0xffff, v7, v0  }
0x3b5: {  	(xrf1) =	vsort.dscd.msk.f32 $0xffff, v8, v1  }
0x3b6: {  	(xrf1) =	vsort.ascd.msk.f32 $0xffff, v9, v2  }
0x3b7: {  	(xrf1) =	vsort.dscd.msk.f32 $0xffff, v10, v3;
	_ =	sdelay $0xa  }
0x3b8: {  	v7, v8, _ =	vpop (xrf1)  }
0x3b9: {  	v50, v51, _ =	vpop (xrf1)  }
0x3ba: {  	v11, v12, _ =	vpop (xrf1);
	vm2 =	vge.f32 v7, v50  }
0x3bb: {  	v7 =	vmax.f32 v7, v50;
	v13, v14, _ =	vpop (xrf1);
	v8 =	vsel vm2, v8, v51  }
0x3bc: {  	v53 =	vperm.xlane v7, v4;
	vm2 =	vge.f32 v11, v13;
	v52 =	vmax.f32 v11, v13  }
0x3bd: {  	v55 =	vperm.xlane v8, v4;
	v54 =	vsel vm2, v12, v14;
	v13 =	vperm.xlane v52, v4  }
0x3be: {  	vm2 =	vge.f32 v7, v53;
	v14 =	vperm.xlane v54, v4  }
0x3bf: {  	v8 =	vsel vm2, v8, v55;
	vm2 =	vge.f32 v52, v13  }
0x3c0: {  	v7 =	vmax.f32 v7, v53;
	v9 =	vmax.f32 v52, v13;
	v56 =	vsel vm2, v54, v14  }
0x3c1: {  	v7 =	vsel vm0, v7, v9;
	v8 =	vsel vm0, v8, v56  }
0x3c2: {  	(xrf1) =	vsort.ascd.msk.f32 $0xffff, v7, v8;
	_ =	sdelay $0xd  }
0x3c3: {  	v7, v8, _ =	vpop (xrf1)  }
0x3c4: {  	v7 =	vmul.f32 $1.442695020e+00, v7;
	_ =	sdelay $0x1  }
0x3c5: {  	(erf) = vpow2.f32 v7;
	_ =	sdelay $0x8  }
0x3c6: {  	v7 =	vpop (erf)  }
0x3c7: {  	v57 =	vsel vm0, $0x0, v7  }
0x3c8: {  	(xrf2) =	vadd.scan.msk.f32 $0xffff, v57;
	_ =	sdelay $0x9  }
0x3c9: {  	v9, _, _ =	vpop (xrf2)  }
0x3ca: {  	v9 =	vperm.xlane v9, v5;
	_ =	sdelay $0x1  }
0x3cb: {  	(erf) = vrcp.f32 v9;
	_ =	sdelay $0x6  }
0x3cc: {  	s0 =	sshll.u32 s29, $0x7;
	v58 =	vand.u32 $0xFFFFFF80, v8  }
0x3cd: {  	v8 =	vand.u32 $0x7F, v8;
	v9 =	vadd.s32 s0, v58  }
0x3ce: {  	v8 =	vor.u32 v8, v9;
	v59 =	vpop (erf)  }
0x3cf: {  	[tilespmem:s31+$0xFFFFFF00] =	vst v6;
	v60 =	vmul.f32 $6.400000000e+01, v59  }
0x3d0: {  	[tilespmem:s31+$0xFFFFFF10] =	vst v6  }
0x3d1: {  	[tilespmem:s31+$0xFFFFFF20] =	vst v6;
	v7 =	vmul.f32 v7, v60  }
0x3d2: {  	[tilespmem:s31+$0xFFFFFF30] =	vst v6  }
0x3d3: {  	[tilespmem:v8+s22+$0x0] =	vst.idx.msk vm1, v7  }
0x3d4: {  	v7 =	vld [tilespmem:s30+$0xFFFFFF80]  }
0x3d5: {  	v8 =	vld [tilespmem:s30+$0xFFFFFF90]  }
0x3d6: {  	v61 =	vld [tilespmem:s30+$0xFFFFFFA0]  }
0x3d7: {  	v62 =	vld [tilespmem:s30+$0xFFFFFFB0];
	_ =	sdelay $0x1  }
0x3d8: {  	(xrf1) =	vsort.ascd.msk.f32 $0xffff, v7, v0  }
0x3d9: {  	(xrf1) =	vsort.dscd.msk.f32 $0xffff, v8, v1  }
0x3da: {  	(xrf1) =	vsort.ascd.msk.f32 $0xffff, v61, v2  }
0x3db: {  	(xrf1) =	vsort.dscd.msk.f32 $0xffff, v62, v3;
	_ =	sdelay $0xa  }
0x3dc: {  	v7, v8, _ =	vpop (xrf1)  }
0x3dd: {  	v63, v16, _ =	vpop (xrf1)  }
0x3de: {  	v18, v17, _ =	vpop (xrf1);
	vm2 =	vge.f32 v7, v63  }
0x3df: {  	v7 =	vmax.f32 v7, v63;
	v19, v20, _ =	vpop (xrf1);
	v8 =	vsel vm2, v8, v16  }
0x3e0: {  	v22 =	vperm.xlane v7, v4;
	vm2 =	vge.f32 v18, v19;
	v21 =	vmax.f32 v18, v19  }
0x3e1: {  	v24 =	vperm.xlane v8, v4;
	v23 =	vsel vm2, v17, v20;
	v13 =	vperm.xlane v21, v4  }
0x3e2: {  	vm2 =	vge.f32 v7, v22;
	v14 =	vperm.xlane v23, v4  }
0x3e3: {  	v8 =	vsel vm2, v8, v24;
	vm2 =	vge.f32 v21, v13  }
0x3e4: {  	v7 =	vmax.f32 v7, v22;
	v9 =	vmax.f32 v21, v13;
	v25 =	vsel vm2, v23, v14  }
0x3e5: {  	v7 =	vsel vm0, v7, v9;
	v8 =	vsel vm0, v8, v25  }
0x3e6: {  	(xrf1) =	vsort.ascd.msk.f32 $0xffff, v7, v8;
	_ =	sdelay $0xd  }
0x3e7: {  	v7, v8, _ =	vpop (xrf1)  }
0x3e8: {  	v7 =	vmul.f32 $1.442695020e+00, v7;
	_ =	sdelay $0x1  }
0x3e9: {  	(erf) = vpow2.f32 v7;
	_ =	sdelay $0x8  }
0x3ea: {  	v7 =	vpop (erf)  }
0x3eb: {  	v26 =	vsel vm0, $0x0, v7  }
0x3ec: {  	(xrf2) =	vadd.scan.msk.f32 $0xffff, v26;
	_ =	sdelay $0x9  }
0x3ed: {  	v9, _, _ =	vpop (xrf2)  }
0x3ee: {  	v9 =	vperm.xlane v9, v5;
	_ =	sdelay $0x1  }
0x3ef: {  	(erf) = vrcp.f32 v9;
	_ =	sdelay $0x6  }
0x3f0: {  	s2 =	sadd.s32 $0x80, s0;
	v27 =	vand.u32 $0xFFFFFF80, v8  }
0x3f1: {  	v8 =	vand.u32 $0x7F, v8;
	v9 =	vadd.s32 s2, v27  }
0x3f2: {  	v8 =	vor.u32 v8, v9;
	v28 =	vpop (erf)  }
0x3f3: {  	[tilespmem:s31+$0xFFFFFF80] =	vst v6;
	v29 =	vmul.f32 $6.400000000e+01, v28  }
0x3f4: {  	[tilespmem:s31+$0xFFFFFF90] =	vst v6  }
0x3f5: {  	[tilespmem:s31+$0xFFFFFFA0] =	vst v6;
	v7 =	vmul.f32 v7, v29  }
0x3f6: {  	[tilespmem:s31+$0xFFFFFFB0] =	vst v6  }
0x3f7: {  	[tilespmem:v8+s22+$0x0] =	vst.idx.msk vm1, v7  }
0x3f8: {  	v7 =	vld [tilespmem:s30+$0x0]  }
0x3f9: {  	v8 =	vld [tilespmem:s30+$0x10]  }
0x3fa: {  	v30 =	vld [tilespmem:s30+$0x20]  }
0x3fb: {  	v31 =	vld [tilespmem:s30+$0x30];
	_ =	sdelay $0x1  }
0x3fc: {  	(xrf1) =	vsort.ascd.msk.f32 $0xffff, v7, v0  }
0x3fd: {  	(xrf1) =	vsort.dscd.msk.f32 $0xffff, v8, v1  }
0x3fe: {  	(xrf1) =	vsort.ascd.msk.f32 $0xffff, v30, v2  }
0x3ff: {  	(xrf1) =	vsort.dscd.msk.f32 $0xffff, v31, v3;
	_ =	sdelay $0xa  }
0x400: {  	v7, v8, _ =	vpop (xrf1)  }
0x401: {  	v32, v33, _ =	vpop (xrf1)  }
0x402: {  	v35, v34, _ =	vpop (xrf1);
	vm2 =	vge.f32 v7, v32  }
0x403: {  	v7 =	vmax.f32 v7, v32;
	v36, v37, _ =	vpop (xrf1);
	v8 =	vsel vm2, v8, v33  }
0x404: {  	v39 =	vperm.xlane v7, v4;
	vm2 =	vge.f32 v35, v36;
	v38 =	vmax.f32 v35, v36  }
0x405: {  	v41 =	vperm.xlane v8, v4;
	v40 =	vsel vm2, v34, v37;
	v13 =	vperm.xlane v38, v4  }
0x406: {  	vm2 =	vge.f32 v7, v39;
	v14 =	vperm.xlane v40, v4  }
0x407: {  	v8 =	vsel vm2, v8, v41;
	vm2 =	vge.f32 v38, v13  }
0x408: {  	v7 =	vmax.f32 v7, v39;
	v9 =	vmax.f32 v38, v13;
	v42 =	vsel vm2, v40, v14  }
0x409: {  	v7 =	vsel vm0, v7, v9;
	v8 =	vsel vm0, v8, v42  }
0x40a: {  	(xrf1) =	vsort.ascd.msk.f32 $0xffff, v7, v8;
	_ =	sdelay $0xd  }
0x40b: {  	v7, v8, _ =	vpop (xrf1)  }
0x40c: {  	v7 =	vmul.f32 $1.442695020e+00, v7;
	_ =	sdelay $0x1  }
0x40d: {  	(erf) = vpow2.f32 v7;
	_ =	sdelay $0x8  }
0x40e: {  	v7 =	vpop (erf)  }
0x40f: {  	v43 =	vsel vm0, $0x0, v7  }
0x410: {  	(xrf2) =	vadd.scan.msk.f32 $0xffff, v43;
	_ =	sdelay $0x9  }
0x411: {  	v9, _, _ =	vpop (xrf2)  }
0x412: {  	v9 =	vperm.xlane v9, v5;
	_ =	sdelay $0x1  }
0x413: {  	(erf) = vrcp.f32 v9;
	_ =	sdelay $0x6  }
0x414: {  	s2 =	sadd.s32 $0x100, s0;
	v44 =	vand.u32 $0xFFFFFF80, v8  }
0x415: {  	v8 =	vand.u32 $0x7F, v8;
	v9 =	vadd.s32 s2, v44  }
0x416: {  	v8 =	vor.u32 v8, v9;
	v45 =	vpop (erf)  }
0x417: {  	[tilespmem:s31+$0x0] =	vst v6;
	v46 =	vmul.f32 $6.400000000e+01, v45  }
0x418: {  	[tilespmem:s31+$0x10] =	vst v6  }
0x419: {  	[tilespmem:s31+$0x20] =	vst v6;
	v7 =	vmul.f32 v7, v46  }
0x41a: {  	[tilespmem:s31+$0x30] =	vst v6  }
0x41b: {  	[tilespmem:v8+s22+$0x0] =	vst.idx.msk vm1, v7  }
0x41c: {  	v7 =	vld [tilespmem:s30+$0x80]  }
0x41d: {  	v8 =	vld [tilespmem:s30+$0x90]  }
0x41e: {  	v47 =	vld [tilespmem:s30+$0xA0]  }
0x41f: {  	v48 =	vld [tilespmem:s30+$0xB0];
	_ =	sdelay $0x1  }
0x420: {  	(xrf1) =	vsort.ascd.msk.f32 $0xffff, v7, v0  }
0x421: {  	(xrf1) =	vsort.dscd.msk.f32 $0xffff, v8, v1  }
0x422: {  	(xrf1) =	vsort.ascd.msk.f32 $0xffff, v47, v2  }
0x423: {  	(xrf1) =	vsort.dscd.msk.f32 $0xffff, v48, v3;
	_ =	sdelay $0xa  }
0x424: {  	v7, v8, _ =	vpop (xrf1)  }
0x425: {  	v49, v50, _ =	vpop (xrf1)  }
0x426: {  	v52, v51, _ =	vpop (xrf1);
	vm2 =	vge.f32 v7, v49  }
0x427: {  	v7 =	vmax.f32 v7, v49;
	v53, v54, _ =	vpop (xrf1);
	v8 =	vsel vm2, v8, v50  }
0x428: {  	v56 =	vperm.xlane v7, v4;
	vm2 =	vge.f32 v52, v53;
	v55 =	vmax.f32 v52, v53  }
0x429: {  	v58 =	vperm.xlane v8, v4;
	v57 =	vsel vm2, v51, v54;
	v13 =	vperm.xlane v55, v4  }
0x42a: {  	vm2 =	vge.f32 v7, v56;
	v14 =	vperm.xlane v57, v4  }
0x42b: {  	v8 =	vsel vm2, v8, v58;
	vm2 =	vge.f32 v55, v13  }
0x42c: {  	v7 =	vmax.f32 v7, v56;
	v9 =	vmax.f32 v55, v13;
	v59 =	vsel vm2, v57, v14  }
0x42d: {  	v7 =	vsel vm0, v7, v9;
	v8 =	vsel vm0, v8, v59  }
0x42e: {  	(xrf1) =	vsort.ascd.msk.f32 $0xffff, v7, v8;
	_ =	sdelay $0xd  }
0x42f: {  	v7, v8, _ =	vpop (xrf1)  }
0x430: {  	v7 =	vmul.f32 $1.442695020e+00, v7;
	_ =	sdelay $0x1  }
0x431: {  	(erf) = vpow2.f32 v7;
	_ =	sdelay $0x8  }
0x432: {  	v7 =	vpop (erf)  }
0x433: {  	v60 =	vsel vm0, $0x0, v7  }
0x434: {  	(xrf2) =	vadd.scan.msk.f32 $0xffff, v60;
	_ =	sdelay $0x9  }
0x435: {  	v9, _, _ =	vpop (xrf2)  }
0x436: {  	v9 =	vperm.xlane v9, v5;
	_ =	sdelay $0x1  }
0x437: {  	(erf) = vrcp.f32 v9;
	_ =	sdelay $0x6  }
0x438: {  	s0 =	sadd.s32 $0x180, s0;
	v61 =	vand.u32 $0xFFFFFF80, v8  }
0x439: {  	v8 =	vand.u32 $0x7F, v8;
	v9 =	vadd.s32 s0, v61  }
0x43a: {  	p0 =	sne.s32 s29, $0x7C;
	v8 =	vor.u32 v8, v9;
	v62 =	vpop (erf)  }
.Ltmp6:
0x43b: {  	[tilespmem:s31+$0x80] =	vst v6;
	v63 =	vmul.f32 $6.400000000e+01, v62;
	(pc) =	sbr.rel @p0 .LBB2_14-.Ltmp6, $4  }
0x43c: {  	[tilespmem:s31+$0x90] =	vst v6  }
0x43d: {  	[tilespmem:s31+$0xA0] =	vst v6;
	v7 =	vmul.f32 v7, v63  }
0x43e: {  	[tilespmem:s31+$0xB0] =	vst v6  }
0x43f: {  	s29 =	sadd.s32 $0x4, s29;
	s30 =	sadd.s32 $0x200, s30;
	s31 =	sadd.s32 $0x200, s31;
	[tilespmem:v8+s22+$0x0] =	vst.idx.msk vm1, v7  }
0x440: {  	s29 =	simm.s32 $0x0  }
0x441: {  	[hbm4b:s17+s29] =	stream.linear.scatter [tilespmem:s22], [sflag:$0x3], $0x4000, $0x38;
	[tilespmem:$0x10000] =	vst v63  }
0x442: {  	_ =	swait.ge [sflag:s23], $0x4000  }
0x443: {  	[sflag:s23] =	ssyncset.done $0x0  }
0x444: {  	[sflag:s23] =	ssyncadd.s32 $0xFFFFC000  }
0x445: {  	_ =	swait.ge [sflag:s26], $0x4000  }
0x446: {  	[sflag:s26] =	ssyncset.done $0x0  }
0x447: {  	s30 =	simm.s32 $0x4100;
	s31 =	simm.s32 $0xC100;
	[sflag:s26] =	ssyncadd.s32 $0xFFFFC000  }
.LBB2_16:
0x448: {  	v7 =	vld [tilespmem:s30+$0xFFFFFF00]  }
0x449: {  	v8 =	vld [tilespmem:s30+$0xFFFFFF10]  }
0x44a: {  	v9 =	vld [tilespmem:s30+$0xFFFFFF20]  }
0x44b: {  	v10 =	vld [tilespmem:s30+$0xFFFFFF30];
	_ =	sdelay $0x1  }
0x44c: {  	(xrf1) =	vsort.ascd.msk.f32 $0xffff, v7, v0  }
0x44d: {  	(xrf1) =	vsort.dscd.msk.f32 $0xffff, v8, v1  }
0x44e: {  	(xrf1) =	vsort.ascd.msk.f32 $0xffff, v9, v2  }
0x44f: {  	(xrf1) =	vsort.dscd.msk.f32 $0xffff, v10, v3;
	_ =	sdelay $0xa  }
0x450: {  	v7, v8, _ =	vpop (xrf1)  }
0x451: {  	v50, v51, _ =	vpop (xrf1)  }
0x452: {  	v11, v12, _ =	vpop (xrf1);
	vm2 =	vge.f32 v7, v50  }
0x453: {  	v7 =	vmax.f32 v7, v50;
	v13, v14, _ =	vpop (xrf1);
	v8 =	vsel vm2, v8, v51  }
0x454: {  	v53 =	vperm.xlane v7, v4;
	vm2 =	vge.f32 v11, v13;
	v52 =	vmax.f32 v11, v13  }
0x455: {  	v55 =	vperm.xlane v8, v4;
	v54 =	vsel vm2, v12, v14;
	v13 =	vperm.xlane v52, v4  }
0x456: {  	vm2 =	vge.f32 v7, v53;
	v14 =	vperm.xlane v54, v4  }
0x457: {  	v8 =	vsel vm2, v8, v55;
	vm2 =	vge.f32 v52, v13  }
0x458: {  	v7 =	vmax.f32 v7, v53;
	v9 =	vmax.f32 v52, v13;
	v56 =	vsel vm2, v54, v14  }
0x459: {  	v7 =	vsel vm0, v7, v9;
	v8 =	vsel vm0, v8, v56  }
0x45a: {  	(xrf1) =	vsort.ascd.msk.f32 $0xffff, v7, v8;
	_ =	sdelay $0xd  }
0x45b: {  	v7, v8, _ =	vpop (xrf1)  }
0x45c: {  	v7 =	vmul.f32 $1.442695020e+00, v7;
	_ =	sdelay $0x1  }
0x45d: {  	(erf) = vpow2.f32 v7;
	_ =	sdelay $0x8  }
0x45e: {  	v7 =	vpop (erf)  }
0x45f: {  	v57 =	vsel vm0, $0x0, v7  }
0x460: {  	(xrf2) =	vadd.scan.msk.f32 $0xffff, v57;
	_ =	sdelay $0x9  }
0x461: {  	v9, _, _ =	vpop (xrf2)  }
0x462: {  	v9 =	vperm.xlane v9, v5;
	_ =	sdelay $0x1  }
0x463: {  	(erf) = vrcp.f32 v9;
	_ =	sdelay $0x6  }
0x464: {  	s0 =	sshll.u32 s29, $0x7;
	v58 =	vand.u32 $0xFFFFFF80, v8  }
0x465: {  	v8 =	vand.u32 $0x7F, v8;
	v9 =	vadd.s32 s0, v58  }
0x466: {  	v8 =	vor.u32 v8, v9;
	v59 =	vpop (erf)  }
0x467: {  	[tilespmem:s31+$0xFFFFFF00] =	vst v6;
	v60 =	vmul.f32 $6.400000000e+01, v59  }
0x468: {  	[tilespmem:s31+$0xFFFFFF10] =	vst v6  }
0x469: {  	[tilespmem:s31+$0xFFFFFF20] =	vst v6;
	v7 =	vmul.f32 v7, v60  }
0x46a: {  	[tilespmem:s31+$0xFFFFFF30] =	vst v6  }
0x46b: {  	[tilespmem:v8+s24+$0x0] =	vst.idx.msk vm1, v7  }
0x46c: {  	v7 =	vld [tilespmem:s30+$0xFFFFFF80]  }
0x46d: {  	v8 =	vld [tilespmem:s30+$0xFFFFFF90]  }
0x46e: {  	v61 =	vld [tilespmem:s30+$0xFFFFFFA0]  }
0x46f: {  	v62 =	vld [tilespmem:s30+$0xFFFFFFB0];
	_ =	sdelay $0x1  }
0x470: {  	(xrf1) =	vsort.ascd.msk.f32 $0xffff, v7, v0  }
0x471: {  	(xrf1) =	vsort.dscd.msk.f32 $0xffff, v8, v1  }
0x472: {  	(xrf1) =	vsort.ascd.msk.f32 $0xffff, v61, v2  }
0x473: {  	(xrf1) =	vsort.dscd.msk.f32 $0xffff, v62, v3;
	_ =	sdelay $0xa  }
0x474: {  	v7, v8, _ =	vpop (xrf1)  }
0x475: {  	v63, v16, _ =	vpop (xrf1)  }
0x476: {  	v18, v17, _ =	vpop (xrf1);
	vm2 =	vge.f32 v7, v63  }
0x477: {  	v7 =	vmax.f32 v7, v63;
	v19, v20, _ =	vpop (xrf1);
	v8 =	vsel vm2, v8, v16  }
0x478: {  	v22 =	vperm.xlane v7, v4;
	vm2 =	vge.f32 v18, v19;
	v21 =	vmax.f32 v18, v19  }
0x479: {  	v24 =	vperm.xlane v8, v4;
	v23 =	vsel vm2, v17, v20;
	v13 =	vperm.xlane v21, v4  }
0x47a: {  	vm2 =	vge.f32 v7, v22;
	v14 =	vperm.xlane v23, v4  }
0x47b: {  	v8 =	vsel vm2, v8, v24;
	vm2 =	vge.f32 v21, v13  }
0x47c: {  	v7 =	vmax.f32 v7, v22;
	v9 =	vmax.f32 v21, v13;
	v25 =	vsel vm2, v23, v14  }
0x47d: {  	v7 =	vsel vm0, v7, v9;
	v8 =	vsel vm0, v8, v25  }
0x47e: {  	(xrf1) =	vsort.ascd.msk.f32 $0xffff, v7, v8;
	_ =	sdelay $0xd  }
0x47f: {  	v7, v8, _ =	vpop (xrf1)  }
0x480: {  	v7 =	vmul.f32 $1.442695020e+00, v7;
	_ =	sdelay $0x1  }
0x481: {  	(erf) = vpow2.f32 v7;
	_ =	sdelay $0x8  }
0x482: {  	v7 =	vpop (erf)  }
0x483: {  	v26 =	vsel vm0, $0x0, v7  }
0x484: {  	(xrf2) =	vadd.scan.msk.f32 $0xffff, v26;
	_ =	sdelay $0x9  }
0x485: {  	v9, _, _ =	vpop (xrf2)  }
0x486: {  	v9 =	vperm.xlane v9, v5;
	_ =	sdelay $0x1  }
0x487: {  	(erf) = vrcp.f32 v9;
	_ =	sdelay $0x6  }
0x488: {  	s2 =	sadd.s32 $0x80, s0;
	v27 =	vand.u32 $0xFFFFFF80, v8  }
0x489: {  	v8 =	vand.u32 $0x7F, v8;
	v9 =	vadd.s32 s2, v27  }
0x48a: {  	v8 =	vor.u32 v8, v9;
	v28 =	vpop (erf)  }
0x48b: {  	[tilespmem:s31+$0xFFFFFF80] =	vst v6;
	v29 =	vmul.f32 $6.400000000e+01, v28  }
0x48c: {  	[tilespmem:s31+$0xFFFFFF90] =	vst v6  }
0x48d: {  	[tilespmem:s31+$0xFFFFFFA0] =	vst v6;
	v7 =	vmul.f32 v7, v29  }
0x48e: {  	[tilespmem:s31+$0xFFFFFFB0] =	vst v6  }
0x48f: {  	[tilespmem:v8+s24+$0x0] =	vst.idx.msk vm1, v7  }
0x490: {  	v7 =	vld [tilespmem:s30+$0x0]  }
0x491: {  	v8 =	vld [tilespmem:s30+$0x10]  }
0x492: {  	v30 =	vld [tilespmem:s30+$0x20]  }
0x493: {  	v31 =	vld [tilespmem:s30+$0x30];
	_ =	sdelay $0x1  }
0x494: {  	(xrf1) =	vsort.ascd.msk.f32 $0xffff, v7, v0  }
0x495: {  	(xrf1) =	vsort.dscd.msk.f32 $0xffff, v8, v1  }
0x496: {  	(xrf1) =	vsort.ascd.msk.f32 $0xffff, v30, v2  }
0x497: {  	(xrf1) =	vsort.dscd.msk.f32 $0xffff, v31, v3;
	_ =	sdelay $0xa  }
0x498: {  	v7, v8, _ =	vpop (xrf1)  }
0x499: {  	v32, v33, _ =	vpop (xrf1)  }
0x49a: {  	v35, v34, _ =	vpop (xrf1);
	vm2 =	vge.f32 v7, v32  }
0x49b: {  	v7 =	vmax.f32 v7, v32;
	v36, v37, _ =	vpop (xrf1);
	v8 =	vsel vm2, v8, v33  }
0x49c: {  	v39 =	vperm.xlane v7, v4;
	vm2 =	vge.f32 v35, v36;
	v38 =	vmax.f32 v35, v36  }
0x49d: {  	v41 =	vperm.xlane v8, v4;
	v40 =	vsel vm2, v34, v37;
	v13 =	vperm.xlane v38, v4  }
0x49e: {  	vm2 =	vge.f32 v7, v39;
	v14 =	vperm.xlane v40, v4  }
0x49f: {  	v8 =	vsel vm2, v8, v41;
	vm2 =	vge.f32 v38, v13  }
0x4a0: {  	v7 =	vmax.f32 v7, v39;
	v9 =	vmax.f32 v38, v13;
	v42 =	vsel vm2, v40, v14  }
0x4a1: {  	v7 =	vsel vm0, v7, v9;
	v8 =	vsel vm0, v8, v42  }
0x4a2: {  	(xrf1) =	vsort.ascd.msk.f32 $0xffff, v7, v8;
	_ =	sdelay $0xd  }
0x4a3: {  	v7, v8, _ =	vpop (xrf1)  }
0x4a4: {  	v7 =	vmul.f32 $1.442695020e+00, v7;
	_ =	sdelay $0x1  }
0x4a5: {  	(erf) = vpow2.f32 v7;
	_ =	sdelay $0x8  }
0x4a6: {  	v7 =	vpop (erf)  }
0x4a7: {  	v43 =	vsel vm0, $0x0, v7  }
0x4a8: {  	(xrf2) =	vadd.scan.msk.f32 $0xffff, v43;
	_ =	sdelay $0x9  }
0x4a9: {  	v9, _, _ =	vpop (xrf2)  }
0x4aa: {  	v9 =	vperm.xlane v9, v5;
	_ =	sdelay $0x1  }
0x4ab: {  	(erf) = vrcp.f32 v9;
	_ =	sdelay $0x6  }
0x4ac: {  	s2 =	sadd.s32 $0x100, s0;
	v44 =	vand.u32 $0xFFFFFF80, v8  }
0x4ad: {  	v8 =	vand.u32 $0x7F, v8;
	v9 =	vadd.s32 s2, v44  }
0x4ae: {  	v8 =	vor.u32 v8, v9;
	v45 =	vpop (erf)  }
0x4af: {  	[tilespmem:s31+$0x0] =	vst v6;
	v46 =	vmul.f32 $6.400000000e+01, v45  }
0x4b0: {  	[tilespmem:s31+$0x10] =	vst v6  }
0x4b1: {  	[tilespmem:s31+$0x20] =	vst v6;
	v7 =	vmul.f32 v7, v46  }
0x4b2: {  	[tilespmem:s31+$0x30] =	vst v6  }
0x4b3: {  	[tilespmem:v8+s24+$0x0] =	vst.idx.msk vm1, v7  }
0x4b4: {  	v7 =	vld [tilespmem:s30+$0x80]  }
0x4b5: {  	v8 =	vld [tilespmem:s30+$0x90]  }
0x4b6: {  	v47 =	vld [tilespmem:s30+$0xA0]  }
0x4b7: {  	v48 =	vld [tilespmem:s30+$0xB0];
	_ =	sdelay $0x1  }
0x4b8: {  	(xrf1) =	vsort.ascd.msk.f32 $0xffff, v7, v0  }
0x4b9: {  	(xrf1) =	vsort.dscd.msk.f32 $0xffff, v8, v1  }
0x4ba: {  	(xrf1) =	vsort.ascd.msk.f32 $0xffff, v47, v2  }
0x4bb: {  	(xrf1) =	vsort.dscd.msk.f32 $0xffff, v48, v3;
	_ =	sdelay $0xa  }
0x4bc: {  	v7, v8, _ =	vpop (xrf1)  }
0x4bd: {  	v49, v50, _ =	vpop (xrf1)  }
0x4be: {  	v52, v51, _ =	vpop (xrf1);
	vm2 =	vge.f32 v7, v49  }
0x4bf: {  	v7 =	vmax.f32 v7, v49;
	v53, v54, _ =	vpop (xrf1);
	v8 =	vsel vm2, v8, v50  }
0x4c0: {  	v56 =	vperm.xlane v7, v4;
	vm2 =	vge.f32 v52, v53;
	v55 =	vmax.f32 v52, v53  }
0x4c1: {  	v58 =	vperm.xlane v8, v4;
	v57 =	vsel vm2, v51, v54;
	v13 =	vperm.xlane v55, v4  }
0x4c2: {  	vm2 =	vge.f32 v7, v56;
	v14 =	vperm.xlane v57, v4  }
0x4c3: {  	v8 =	vsel vm2, v8, v58;
	vm2 =	vge.f32 v55, v13  }
0x4c4: {  	v7 =	vmax.f32 v7, v56;
	v9 =	vmax.f32 v55, v13;
	v59 =	vsel vm2, v57, v14  }
0x4c5: {  	v7 =	vsel vm0, v7, v9;
	v8 =	vsel vm0, v8, v59  }
0x4c6: {  	(xrf1) =	vsort.ascd.msk.f32 $0xffff, v7, v8;
	_ =	sdelay $0xd  }
0x4c7: {  	v7, v8, _ =	vpop (xrf1)  }
0x4c8: {  	v7 =	vmul.f32 $1.442695020e+00, v7;
	_ =	sdelay $0x1  }
0x4c9: {  	(erf) = vpow2.f32 v7;
	_ =	sdelay $0x8  }
0x4ca: {  	v7 =	vpop (erf)  }
0x4cb: {  	v60 =	vsel vm0, $0x0, v7  }
0x4cc: {  	(xrf2) =	vadd.scan.msk.f32 $0xffff, v60;
	_ =	sdelay $0x9  }
0x4cd: {  	v9, _, _ =	vpop (xrf2)  }
0x4ce: {  	v9 =	vperm.xlane v9, v5;
	_ =	sdelay $0x1  }
0x4cf: {  	(erf) = vrcp.f32 v9;
	_ =	sdelay $0x6  }
0x4d0: {  	s0 =	sadd.s32 $0x180, s0;
	v61 =	vand.u32 $0xFFFFFF80, v8  }
0x4d1: {  	v8 =	vand.u32 $0x7F, v8;
	v9 =	vadd.s32 s0, v61  }
0x4d2: {  	p0 =	sne.s32 s29, $0x7C;
	v8 =	vor.u32 v8, v9;
	v62 =	vpop (erf)  }
.Ltmp7:
0x4d3: {  	[tilespmem:s31+$0x80] =	vst v6;
	v63 =	vmul.f32 $6.400000000e+01, v62;
	(pc) =	sbr.rel @p0 .LBB2_16-.Ltmp7, $4  }
0x4d4: {  	[tilespmem:s31+$0x90] =	vst v6  }
0x4d5: {  	[tilespmem:s31+$0xA0] =	vst v6;
	v7 =	vmul.f32 v7, v63  }
0x4d6: {  	[tilespmem:s31+$0xB0] =	vst v6  }
0x4d7: {  	s29 =	sadd.s32 $0x4, s29;
	s30 =	sadd.s32 $0x200, s30;
	s31 =	sadd.s32 $0x200, s31;
	[tilespmem:v8+s24+$0x0] =	vst.idx.msk vm1, v7  }
0x4d8: {  	[hbm4b:s18+s1] =	stream.linear.scatter [tilespmem:s24], [sflag:$0x4], $0x4000, $0x38;
	[tilespmem:$0x10000] =	vst v63  }
0x4d9: {  	s28 =	sadd.s32 $0x1, s28  }
0x4da: {  	_ =	swait.ge [sflag:s25], $0x4000;
	p0 =	sne.s32 s28, s19  }
.Ltmp8:
0x4db: {  	[sflag:s25] =	ssyncset.done $0x0;
	(pc) =	sbr.rel @p0 .LBB2_1-.Ltmp8, $4  }
0x4dc: {  	[sflag:s25] =	ssyncadd.s32 $0xFFFFC000  }
0x4dd: {  	_ =	swait.ge [sflag:s26], $0x4000  }
0x4de: {  	[sflag:s26] =	ssyncset.done $0x0  }
0x4df: {  	[sflag:s26] =	ssyncadd.s32 $0xFFFFC000  }
0x4e0: {  	_ =	sfence.sel $0x180000  }
0x4e1: {  	[bflag:$0x0] =	sbarrier.arrive $0xFFFF  }
0x4e2: {  	_ =	strace $0x90000047  }
0x4e3: {  	s0 =	stileid.u32;
	[bflag:$0x2] =	sbarrier.arrive $0xFFFF  }
0x4e4: {  	p0 =	sne.s32 s0, $0x0;
	s0 =	rddreg [dreg:$0x1]  }
0x4e5: {  	s0 =	sadd.s32 @!p0 $0x100000, s0  }
0x4e6: {  	[sflag:s0] =	ssyncadd.tile.s32 @!p0 $0x1;
	_ =	shalt  }
.Lfunc_end2:
_tile_overlayer_lowered:
.L_overlay_start_2:
0x4e7: {  	(tag) =	ssettag $0x2  }
0x4e8: {  	s0 =	rddreg [dreg:$0x0];
	s2 =	stileid.u32  }
0x4e9: {  	s1 =	rddreg [dreg:$0x1];
	p0 =	sne.s32 s2, $0x0  }
0x4ea: {  	s3 =	rddreg [dreg:$0x2];
	[bflag:$0x3] =	sbarrier.arrive $0xFFFF;
	s2 =	simm.s32 @!p0 $0x1C05  }
0x4eb: {  	[timem:s3], [sflag:s2] =	dma.local @!p0 [hbm:s0], s1  }
0x4ec: {  	s0 =	simm.s32 @!p0 $0x5  }
0x4ed: {  	_ =	swait.ge @!p0 [sflag:s0], s1  }
0x4ee: {  	s1 =	ssub.s32 @!p0 $0x0, s1;
	[sflag:s0] =	ssyncset.done @!p0 $0x0  }
0x4ef: {  	[sflag:s0] =	ssyncadd.s32 @!p0 s1  }
0x4f0: {  	[bflag:$0x3] =	sbarrier.arrive $0xFFFF  }
0x4f1: {  	_ =	shalt  }

</sc_bundles>
